<compile_context>
chip_gen: v7x
topology: tpu7x:2x2x1
jax: 0.10.2.dev20260603
libtpu: 0.0.44.dev20260713+nightly
codegen_flags: <defaults>
</compile_context>

<pallas_src>
import functools

import jax
import jax.numpy as jnp
from jax import lax
from jax.experimental import pallas as pl
from jax.experimental.pallas import tpu as pltpu
from jax.experimental.pallas import tpu_sc as plsc

BATCH = 16384
EMBED = 64
LANES = 16
SUBL = 8
NUM_CORES = 2
NUM_SUBCORES = 16
NUM_WORKERS = NUM_CORES * NUM_SUBCORES
BPW = BATCH // NUM_WORKERS
CH = 16
NCH = BPW // CH
NSEG = EMBED // LANES


@functools.partial(
    pl.kernel,
    out_type=jax.ShapeDtypeStruct((BATCH,), jnp.float32),
    mesh=plsc.VectorSubcoreMesh(
        core_axis_name="c", subcore_axis_name="s",
        num_cores=NUM_CORES, num_subcores=NUM_SUBCORES),
    scratch_types=[
        pltpu.VMEM((BPW,), jnp.int32),
        pltpu.VMEM((BPW,), jnp.int32),
        pltpu.VMEM((CH, SUBL, EMBED), jnp.float32),
        pltpu.VMEM((CH, SUBL, EMBED), jnp.float32),
        pltpu.VMEM((CH, SUBL, EMBED), jnp.float32),
        pltpu.VMEM((CH, SUBL, EMBED), jnp.float32),
        pltpu.VMEM((CH, LANES + 1), jnp.float32),
        pltpu.VMEM((BPW,), jnp.float32),
        pltpu.SemaphoreType.DMA,
        pltpu.SemaphoreType.DMA,
        pltpu.SemaphoreType.DMA,
        pltpu.SemaphoreType.DMA,
    ],
    compiler_params=pltpu.CompilerParams(
        needs_layout_passes=False, use_tc_tiling_on_sc=True),
)
def _sc_kernel(uidx_hbm, midx_hbm, ut_hbm, mt_hbm, dummy_hbm, out_hbm,
               uidx_v, midx_v, u0, u1, m0, m1, part_v, out_v,
               usem0, usem1, msem0, msem1):
    wid = lax.axis_index("s") * NUM_CORES + lax.axis_index("c")
    base = wid * BPW

    pltpu.sync_copy(uidx_hbm.at[pl.ds(base, BPW)], uidx_v)
    pltpu.sync_copy(midx_hbm.at[pl.ds(base, BPW)], midx_v)

    def fire(c, ubuf, mbuf, usem, msem):
        ublk = jnp.bitwise_and(uidx_v[pl.ds(c * CH, LANES)], ~7)
        mblk = jnp.bitwise_and(midx_v[pl.ds(c * CH, LANES)], ~7)
        for j in range(CH):
            us = pl.multiple_of(ublk[j], SUBL)
            ms = pl.multiple_of(mblk[j], SUBL)
            pltpu.async_copy(
                ut_hbm.at[pl.ds(us, SUBL)], ubuf.at[j], usem)
            pltpu.async_copy(
                mt_hbm.at[pl.ds(ms, SUBL)], mbuf.at[j], msem)

    def wait(ubuf, mbuf, usem, msem):
        pltpu.make_async_copy(dummy_hbm, ubuf, usem).wait()
        pltpu.make_async_copy(dummy_hbm, mbuf, msem).wait()

    def compute(c, ubuf, mbuf):
        ur8 = jnp.bitwise_and(uidx_v[pl.ds(c * CH, LANES)], 7)
        mr8 = jnp.bitwise_and(midx_v[pl.ds(c * CH, LANES)], 7)
        for j in range(CH):
            ru = ur8[j]
            rm = mr8[j]
            acc = (ubuf[j, ru, pl.ds(0, LANES)]
                   * mbuf[j, rm, pl.ds(0, LANES)])
            for k in range(1, NSEG):
                acc = acc + (ubuf[j, ru, pl.ds(k * LANES, LANES)]
                             * mbuf[j, rm, pl.ds(k * LANES, LANES)])
            part_v[j, pl.ds(0, LANES)] = acc
        rows = lax.iota(jnp.int32, LANES)
        acc = plsc.load_gather(part_v, [rows, jnp.zeros((LANES,), jnp.int32)])
        for l in range(1, LANES):
            acc = acc + plsc.load_gather(
                part_v, [rows, jnp.full((LANES,), l, jnp.int32)])
        out_v[pl.ds(c * CH, CH)] = acc

    fire(0, u0, m0, usem0, msem0)

    def pair(t, _):
        ca = 2 * t
        fire(ca + 1, u1, m1, usem1, msem1)
        wait(u0, m0, usem0, msem0)
        compute(ca, u0, m0)

        @pl.when(t < NCH // 2 - 1)
        def _():
            fire(ca + 2, u0, m0, usem0, msem0)

        wait(u1, m1, usem1, msem1)
        compute(ca + 1, u1, m1)
        return 0

    lax.fori_loop(0, NCH // 2, pair, 0)

    pltpu.sync_copy(out_v, out_hbm.at[pl.ds(base, BPW)])


def kernel(userIndices, movieIndices, user_table, movie_table):
    dummy = jnp.zeros((CH, SUBL, EMBED), jnp.float32)
    return _sc_kernel(userIndices.astype(jnp.int32),
                      movieIndices.astype(jnp.int32),
                      user_table, movie_table, dummy)

# --- scband reference (transcript-rebuilt; emitter-appended) ---
"""Pipeline reference for scband-movie-rec-model-57827439674186 (READ-ONLY COPY).

The authoritative reference and input builder live on the scoring server;
editing this copy changes nothing except your own understanding.
"""

import jax, jax.numpy as jnp
import numpy as np

NUM_USERS = 1000000
NUM_MOVIES = 100000
EMBED = 64
BATCH = 16384

def setup_inputs(seed: int = 0) -> dict:
    key = jax.random.key(seed)
    k1, k2, k3, k4 = jax.random.split(key, 4)
    userIndices = jax.random.randint(k1, (BATCH,), 0, NUM_USERS, dtype=jnp.int64) if jax.config.jax_enable_x64 else jax.random.randint(k1, (BATCH,), 0, NUM_USERS, dtype=jnp.int32)
    movieIndices = jax.random.randint(k2, (BATCH,), 0, NUM_MOVIES, dtype=jnp.int32)
    user_table = jax.random.normal(k3, (NUM_USERS, EMBED), dtype=jnp.float32)
    movie_table = jax.random.normal(k4, (NUM_MOVIES, EMBED), dtype=jnp.float32)
    return {"userIndices": userIndices, "movieIndices": movieIndices, "user_table": user_table, "movie_table": movie_table}

def reference(userIndices, movieIndices, user_table, movie_table):
    userEmbeds = jnp.take(user_table, userIndices, axis=0)
    movieEmbeds = jnp.take(movie_table, movieIndices, axis=0)
    return (userEmbeds * movieEmbeds).sum(axis=1)

if __name__ == "__main__":
    import jax
    _d = setup_inputs()
    print(jax.jit(kernel)(*tuple(_d.values())))

</pallas_src>

<mosaic_0001>
#map = affine_map<(d0, d1) -> (0)>
#map1 = affine_map<(d0, d1) -> (0, 0)>
#map2 = affine_map<(d0, d1) -> (0, 0, 0)>
module attributes {stable_mosaic.version = 14 : i64} {
  func.func @_sc_kernel(%arg0: i32, %arg1: i32, %arg2: memref<16384xi32, #tpu.memory_space<hbm>>, %arg3: memref<16384xi32, #tpu.memory_space<hbm>>, %arg4: memref<1000000x64xf32, #tpu.memory_space<hbm>>, %arg5: memref<100000x64xf32, #tpu.memory_space<hbm>>, %arg6: memref<16x8x64xf32, #tpu.memory_space<hbm>>, %arg7: memref<16384xf32, #tpu.memory_space<hbm>>, %arg8: memref<512xi32, #tpu.memory_space<vmem>>, %arg9: memref<512xi32, #tpu.memory_space<vmem>>, %arg10: memref<16x8x64xf32, #tpu.memory_space<vmem>>, %arg11: memref<16x8x64xf32, #tpu.memory_space<vmem>>, %arg12: memref<16x8x64xf32, #tpu.memory_space<vmem>>, %arg13: memref<16x8x64xf32, #tpu.memory_space<vmem>>, %arg14: memref<16x17xf32, #tpu.memory_space<vmem>>, %arg15: memref<512xf32, #tpu.memory_space<vmem>>, %arg16: memref<!tpu.dma_semaphore, #tpu.memory_space<semaphore_mem>>, %arg17: memref<!tpu.dma_semaphore, #tpu.memory_space<semaphore_mem>>, %arg18: memref<!tpu.dma_semaphore, #tpu.memory_space<semaphore_mem>>, %arg19: memref<!tpu.dma_semaphore, #tpu.memory_space<semaphore_mem>>) attributes {dimension_semantics = [#tpu.dimension_semantics<core_parallel>, #tpu.dimension_semantics<subcore_parallel>], iteration_bounds = array<i64: 2, 16>, scalar_prefetch = 0 : i64, scratch_operands = 12 : i64, tpu.core_type = #tpu.core_type<sc_vector_subcore>, window_params = [{transform_indices = #map}, {transform_indices = #map}, {transform_indices = #map1}, {transform_indices = #map1}, {transform_indices = #map2}, {transform_indices = #map}]} {
    %mul3A = arith.constant 2 : i32
    %mul3A_0 = arith.muli %arg1, %mul3A : i32
    %add3A = arith.addi %mul3A_0, %arg0 : i32
    %mul3A_1 = arith.constant 512 : i32
    %mul3A_2 = arith.muli %add3A, %mul3A_1 : i32
    "tpu.region"() ({
      %run_scoped3A = tpu.sem_alloc : memref<!tpu.dma_semaphore, #tpu.memory_space<semaphore_mem>>
      %dma_start3A_525 = tpu.memref_slice %arg2[%mul3A_2] : memref<16384xi32, #tpu.memory_space<hbm>> -> memref<512xi32, #tpu.memory_space<hbm>>
      %dma_start3A_526 = tpu.memref_slice %arg2[%mul3A_2] : memref<16384xi32, #tpu.memory_space<hbm>> -> memref<512xi32, #tpu.memory_space<hbm>>
      tpu.enqueue_dma source(%dma_start3A_526 : memref<512xi32, #tpu.memory_space<hbm>>) target(%arg8 : memref<512xi32, #tpu.memory_space<vmem>>) target_semaphore(%run_scoped3A : memref<!tpu.dma_semaphore, #tpu.memory_space<semaphore_mem>>)
      %dma_wait3A = tpu.memref_slice %arg2[%mul3A_2] : memref<16384xi32, #tpu.memory_space<hbm>> -> memref<512xi32, #tpu.memory_space<hbm>>
      %dma_wait3A_527 = tpu.memref_slice %arg2[%mul3A_2] : memref<16384xi32, #tpu.memory_space<hbm>> -> memref<512xi32, #tpu.memory_space<hbm>>
      tpu.wait_dma2 semaphore(%run_scoped3A : memref<!tpu.dma_semaphore, #tpu.memory_space<semaphore_mem>>) src(%dma_wait3A_527 : memref<512xi32, #tpu.memory_space<hbm>>) dst(%arg8 : memref<512xi32, #tpu.memory_space<vmem>>)
      tpu.yield
    }) : () -> ()
    "tpu.region"() ({
      %run_scoped3A = tpu.sem_alloc : memref<!tpu.dma_semaphore, #tpu.memory_space<semaphore_mem>>
      %dma_start3A_525 = tpu.memref_slice %arg3[%mul3A_2] : memref<16384xi32, #tpu.memory_space<hbm>> -> memref<512xi32, #tpu.memory_space<hbm>>
      %dma_start3A_526 = tpu.memref_slice %arg3[%mul3A_2] : memref<16384xi32, #tpu.memory_space<hbm>> -> memref<512xi32, #tpu.memory_space<hbm>>
      tpu.enqueue_dma source(%dma_start3A_526 : memref<512xi32, #tpu.memory_space<hbm>>) target(%arg9 : memref<512xi32, #tpu.memory_space<vmem>>) target_semaphore(%run_scoped3A : memref<!tpu.dma_semaphore, #tpu.memory_space<semaphore_mem>>)
      %dma_wait3A = tpu.memref_slice %arg3[%mul3A_2] : memref<16384xi32, #tpu.memory_space<hbm>> -> memref<512xi32, #tpu.memory_space<hbm>>
      %dma_wait3A_527 = tpu.memref_slice %arg3[%mul3A_2] : memref<16384xi32, #tpu.memory_space<hbm>> -> memref<512xi32, #tpu.memory_space<hbm>>
      tpu.wait_dma2 semaphore(%run_scoped3A : memref<!tpu.dma_semaphore, #tpu.memory_space<semaphore_mem>>) src(%dma_wait3A_527 : memref<512xi32, #tpu.memory_space<hbm>>) dst(%arg9 : memref<512xi32, #tpu.memory_space<vmem>>)
      tpu.yield
    }) : () -> ()
    %get3A = arith.constant 0 : index
    %get3A_3 = tpu.vector_load %arg8[%get3A] {strides = array<i32>} : memref<512xi32, #tpu.memory_space<vmem>>, vector<16xi32>,
    %and3A = arith.constant -8 : i32
    %and3A_4 = vector.broadcast %and3A : i32 to vector<16xi32>
    %and3A_5 = arith.andi %get3A_3, %and3A_4 : vector<16xi32>
    %get3A_6 = arith.constant 0 : index
    %get3A_7 = tpu.vector_load %arg9[%get3A_6] {strides = array<i32>} : memref<512xi32, #tpu.memory_space<vmem>>, vector<16xi32>,
    %and3A_8 = arith.constant -8 : i32
    %and3A_9 = vector.broadcast %and3A_8 : i32 to vector<16xi32>
    %and3A_10 = arith.andi %get3A_7, %and3A_9 : vector<16xi32>
    %slice3A = vector.extract_strided_slice %and3A_5 {offsets = [0], sizes = [1], strides = [1]} : vector<16xi32> to vector<1xi32>
    %squeeze3A = vector.extract %slice3A[0] : i32 from vector<1xi32>
    %multiple_of3A = tpu.assume_multiple %squeeze3A, 8 : i32
    %slice3A_11 = vector.extract_strided_slice %and3A_10 {offsets = [0], sizes = [1], strides = [1]} : vector<16xi32> to vector<1xi32>
    %squeeze3A_12 = vector.extract %slice3A_11[0] : i32 from vector<1xi32>
    %multiple_of3A_13 = tpu.assume_multiple %squeeze3A_12, 8 : i32
    %dma_start3A = arith.constant 0 : i32
    %dma_start3A_14 = arith.constant 0 : i32
    %dma_start3A_15 = arith.constant 0 : i32
    %dma_start3A_16 = tpu.memref_slice %arg10[%dma_start3A, %dma_start3A_14, %dma_start3A_15] : memref<16x8x64xf32, #tpu.memory_space<vmem>> -> memref<1x8x64xf32, #tpu.memory_space<vmem>>
    %dma_start3A_17 = tpu.memref_squeeze %dma_start3A_16 : memref<1x8x64xf32, #tpu.memory_space<vmem>> -> memref<8x64xf32, #tpu.memory_space<vmem>>
    %dma_start3A_18 = arith.constant 0 : i32
    %dma_start3A_19 = tpu.memref_slice %arg4[%multiple_of3A, %dma_start3A_18] : memref<1000000x64xf32, #tpu.memory_space<hbm>> -> memref<8x64xf32, #tpu.memory_space<hbm>>
    %dma_start3A_20 = arith.constant 0 : i32
    %dma_start3A_21 = arith.constant 0 : i32
    %dma_start3A_22 = tpu.memref_slice %arg10[%dma_start3A, %dma_start3A_20, %dma_start3A_21] : memref<16x8x64xf32, #tpu.memory_space<vmem>> -> memref<1x8x64xf32, #tpu.memory_space<vmem>>
    %dma_start3A_23 = tpu.memref_squeeze %dma_start3A_22 : memref<1x8x64xf32, #tpu.memory_space<vmem>> -> memref<8x64xf32, #tpu.memory_space<vmem>>
    %dma_start3A_24 = arith.constant 0 : i32
    %dma_start3A_25 = tpu.memref_slice %arg4[%multiple_of3A, %dma_start3A_24] : memref<1000000x64xf32, #tpu.memory_space<hbm>> -> memref<8x64xf32, #tpu.memory_space<hbm>>
    tpu.enqueue_dma source(%dma_start3A_25 : memref<8x64xf32, #tpu.memory_space<hbm>>) target(%dma_start3A_23 : memref<8x64xf32, #tpu.memory_space<vmem>>) target_semaphore(%arg16 : memref<!tpu.dma_semaphore, #tpu.memory_space<semaphore_mem>>)
    %dma_start3A_26 = arith.constant 0 : i32
    %dma_start3A_27 = arith.constant 0 : i32
    %dma_start3A_28 = arith.constant 0 : i32
    %dma_start3A_29 = tpu.memref_slice %arg12[%dma_start3A_26, %dma_start3A_27, %dma_start3A_28] : memref<16x8x64xf32, #tpu.memory_space<vmem>> -> memref<1x8x64xf32, #tpu.memory_space<vmem>>
    %dma_start3A_30 = tpu.memref_squeeze %dma_start3A_29 : memref<1x8x64xf32, #tpu.memory_space<vmem>> -> memref<8x64xf32, #tpu.memory_space<vmem>>
    %dma_start3A_31 = arith.constant 0 : i32
    %dma_start3A_32 = tpu.memref_slice %arg5[%multiple_of3A_13, %dma_start3A_31] : memref<100000x64xf32, #tpu.memory_space<hbm>> -> memref<8x64xf32, #tpu.memory_space<hbm>>
    %dma_start3A_33 = arith.constant 0 : i32
    %dma_start3A_34 = arith.constant 0 : i32
    %dma_start3A_35 = tpu.memref_slice %arg12[%dma_start3A_26, %dma_start3A_33, %dma_start3A_34] : memref<16x8x64xf32, #tpu.memory_space<vmem>> -> memref<1x8x64xf32, #tpu.memory_space<vmem>>
    %dma_start3A_36 = tpu.memref_squeeze %dma_start3A_35 : memref<1x8x64xf32, #tpu.memory_space<vmem>> -> memref<8x64xf32, #tpu.memory_space<vmem>>
    %dma_start3A_37 = arith.constant 0 : i32
    %dma_start3A_38 = tpu.memref_slice %arg5[%multiple_of3A_13, %dma_start3A_37] : memref<100000x64xf32, #tpu.memory_space<hbm>> -> memref<8x64xf32, #tpu.memory_space<hbm>>
    tpu.enqueue_dma source(%dma_start3A_38 : memref<8x64xf32, #tpu.memory_space<hbm>>) target(%dma_start3A_36 : memref<8x64xf32, #tpu.memory_space<vmem>>) target_semaphore(%arg18 : memref<!tpu.dma_semaphore, #tpu.memory_space<semaphore_mem>>)
    %slice3A_39 = vector.extract_strided_slice %and3A_5 {offsets = [1], sizes = [1], strides = [1]} : vector<16xi32> to vector<1xi32>
    %squeeze3A_40 = vector.extract %slice3A_39[0] : i32 from vector<1xi32>
    %multiple_of3A_41 = tpu.assume_multiple %squeeze3A_40, 8 : i32
    %slice3A_42 = vector.extract_strided_slice %and3A_10 {offsets = [1], sizes = [1], strides = [1]} : vector<16xi32> to vector<1xi32>
    %squeeze3A_43 = vector.extract %slice3A_42[0] : i32 from vector<1xi32>
    %multiple_of3A_44 = tpu.assume_multiple %squeeze3A_43, 8 : i32
    %dma_start3A_45 = arith.constant 1 : i32
    %dma_start3A_46 = arith.constant 0 : i32
    %dma_start3A_47 = arith.constant 0 : i32
    %dma_start3A_48 = tpu.memref_slice %arg10[%dma_start3A_45, %dma_start3A_46, %dma_start3A_47] : memref<16x8x64xf32, #tpu.memory_space<vmem>> -> memref<1x8x64xf32, #tpu.memory_space<vmem>>
    %dma_start3A_49 = tpu.memref_squeeze %dma_start3A_48 : memref<1x8x64xf32, #tpu.memory_space<vmem>> -> memref<8x64xf32, #tpu.memory_space<vmem>>
    %dma_start3A_50 = arith.constant 0 : i32
    %dma_start3A_51 = tpu.memref_slice %arg4[%multiple_of3A_41, %dma_start3A_50] : memref<1000000x64xf32, #tpu.memory_space<hbm>> -> memref<8x64xf32, #tpu.memory_space<hbm>>
    %dma_start3A_52 = arith.constant 0 : i32
    %dma_start3A_53 = arith.constant 0 : i32
    %dma_start3A_54 = tpu.memref_slice %arg10[%dma_start3A_45, %dma_start3A_52, %dma_start3A_53] : memref<16x8x64xf32, #tpu.memory_space<vmem>> -> memref<1x8x64xf32, #tpu.memory_space<vmem>>
    %dma_start3A_55 = tpu.memref_squeeze %dma_start3A_54 : memref<1x8x64xf32, #tpu.memory_space<vmem>> -> memref<8x64xf32, #tpu.memory_space<vmem>>
    %dma_start3A_56 = arith.constant 0 : i32
    %dma_start3A_57 = tpu.memref_slice %arg4[%multiple_of3A_41, %dma_start3A_56] : memref<1000000x64xf32, #tpu.memory_space<hbm>> -> memref<8x64xf32, #tpu.memory_space<hbm>>
    tpu.enqueue_dma source(%dma_start3A_57 : memref<8x64xf32, #tpu.memory_space<hbm>>) target(%dma_start3A_55 : memref<8x64xf32, #tpu.memory_space<vmem>>) target_semaphore(%arg16 : memref<!tpu.dma_semaphore, #tpu.memory_space<semaphore_mem>>)
    %dma_start3A_58 = arith.constant 1 : i32
    %dma_start3A_59 = arith.constant 0 : i32
    %dma_start3A_60 = arith.constant 0 : i32
    %dma_start3A_61 = tpu.memref_slice %arg12[%dma_start3A_58, %dma_start3A_59, %dma_start3A_60] : memref<16x8x64xf32, #tpu.memory_space<vmem>> -> memref<1x8x64xf32, #tpu.memory_space<vmem>>
    %dma_start3A_62 = tpu.memref_squeeze %dma_start3A_61 : memref<1x8x64xf32, #tpu.memory_space<vmem>> -> memref<8x64xf32, #tpu.memory_space<vmem>>
    %dma_start3A_63 = arith.constant 0 : i32
    %dma_start3A_64 = tpu.memref_slice %arg5[%multiple_of3A_44, %dma_start3A_63] : memref<100000x64xf32, #tpu.memory_space<hbm>> -> memref<8x64xf32, #tpu.memory_space<hbm>>
    %dma_start3A_65 = arith.constant 0 : i32
    %dma_start3A_66 = arith.constant 0 : i32
    %dma_start3A_67 = tpu.memref_slice %arg12[%dma_start3A_58, %dma_start3A_65, %dma_start3A_66] : memref<16x8x64xf32, #tpu.memory_space<vmem>> -> memref<1x8x64xf32, #tpu.memory_space<vmem>>
    %dma_start3A_68 = tpu.memref_squeeze %dma_start3A_67 : memref<1x8x64xf32, #tpu.memory_space<vmem>> -> memref<8x64xf32, #tpu.memory_space<vmem>>
    %dma_start3A_69 = arith.constant 0 : i32
    %dma_start3A_70 = tpu.memref_slice %arg5[%multiple_of3A_44, %dma_start3A_69] : memref<100000x64xf32, #tpu.memory_space<hbm>> -> memref<8x64xf32, #tpu.memory_space<hbm>>
    tpu.enqueue_dma source(%dma_start3A_70 : memref<8x64xf32, #tpu.memory_space<hbm>>) target(%dma_start3A_68 : memref<8x64xf32, #tpu.memory_space<vmem>>) target_semaphore(%arg18 : memref<!tpu.dma_semaphore, #tpu.memory_space<semaphore_mem>>)
    %slice3A_71 = vector.extract_strided_slice %and3A_5 {offsets = [2], sizes = [1], strides = [1]} : vector<16xi32> to vector<1xi32>
    %squeeze3A_72 = vector.extract %slice3A_71[0] : i32 from vector<1xi32>
    %multiple_of3A_73 = tpu.assume_multiple %squeeze3A_72, 8 : i32
    %slice3A_74 = vector.extract_strided_slice %and3A_10 {offsets = [2], sizes = [1], strides = [1]} : vector<16xi32> to vector<1xi32>
    %squeeze3A_75 = vector.extract %slice3A_74[0] : i32 from vector<1xi32>
    %multiple_of3A_76 = tpu.assume_multiple %squeeze3A_75, 8 : i32
    %dma_start3A_77 = arith.constant 2 : i32
    %dma_start3A_78 = arith.constant 0 : i32
    %dma_start3A_79 = arith.constant 0 : i32
    %dma_start3A_80 = tpu.memref_slice %arg10[%dma_start3A_77, %dma_start3A_78, %dma_start3A_79] : memref<16x8x64xf32, #tpu.memory_space<vmem>> -> memref<1x8x64xf32, #tpu.memory_space<vmem>>
    %dma_start3A_81 = tpu.memref_squeeze %dma_start3A_80 : memref<1x8x64xf32, #tpu.memory_space<vmem>> -> memref<8x64xf32, #tpu.memory_space<vmem>>
    %dma_start3A_82 = arith.constant 0 : i32
    %dma_start3A_83 = tpu.memref_slice %arg4[%multiple_of3A_73, %dma_start3A_82] : memref<1000000x64xf32, #tpu.memory_space<hbm>> -> memref<8x64xf32, #tpu.memory_space<hbm>>
    %dma_start3A_84 = arith.constant 0 : i32
    %dma_start3A_85 = arith.constant 0 : i32
    %dma_start3A_86 = tpu.memref_slice %arg10[%dma_start3A_77, %dma_start3A_84, %dma_start3A_85] : memref<16x8x64xf32, #tpu.memory_space<vmem>> -> memref<1x8x64xf32, #tpu.memory_space<vmem>>
    %dma_start3A_87 = tpu.memref_squeeze %dma_start3A_86 : memref<1x8x64xf32, #tpu.memory_space<vmem>> -> memref<8x64xf32, #tpu.memory_space<vmem>>
    %dma_start3A_88 = arith.constant 0 : i32
    %dma_start3A_89 = tpu.memref_slice %arg4[%multiple_of3A_73, %dma_start3A_88] : memref<1000000x64xf32, #tpu.memory_space<hbm>> -> memref<8x64xf32, #tpu.memory_space<hbm>>
    tpu.enqueue_dma source(%dma_start3A_89 : memref<8x64xf32, #tpu.memory_space<hbm>>) target(%dma_start3A_87 : memref<8x64xf32, #tpu.memory_space<vmem>>) target_semaphore(%arg16 : memref<!tpu.dma_semaphore, #tpu.memory_space<semaphore_mem>>)
    %dma_start3A_90 = arith.constant 2 : i32
    %dma_start3A_91 = arith.constant 0 : i32
    %dma_start3A_92 = arith.constant 0 : i32
    %dma_start3A_93 = tpu.memref_slice %arg12[%dma_start3A_90, %dma_start3A_91, %dma_start3A_92] : memref<16x8x64xf32, #tpu.memory_space<vmem>> -> memref<1x8x64xf32, #tpu.memory_space<vmem>>
    %dma_start3A_94 = tpu.memref_squeeze %dma_start3A_93 : memref<1x8x64xf32, #tpu.memory_space<vmem>> -> memref<8x64xf32, #tpu.memory_space<vmem>>
    %dma_start3A_95 = arith.constant 0 : i32
    %dma_start3A_96 = tpu.memref_slice %arg5[%multiple_of3A_76, %dma_start3A_95] : memref<100000x64xf32, #tpu.memory_space<hbm>> -> memref<8x64xf32, #tpu.memory_space<hbm>>
    %dma_start3A_97 = arith.constant 0 : i32
    %dma_start3A_98 = arith.constant 0 : i32
    %dma_start3A_99 = tpu.memref_slice %arg12[%dma_start3A_90, %dma_start3A_97, %dma_start3A_98] : memref<16x8x64xf32, #tpu.memory_space<vmem>> -> memref<1x8x64xf32, #tpu.memory_space<vmem>>
    %dma_start3A_100 = tpu.memref_squeeze %dma_start3A_99 : memref<1x8x64xf32, #tpu.memory_space<vmem>> -> memref<8x64xf32, #tpu.memory_space<vmem>>
    %dma_start3A_101 = arith.constant 0 : i32
    %dma_start3A_102 = tpu.memref_slice %arg5[%multiple_of3A_76, %dma_start3A_101] : memref<100000x64xf32, #tpu.memory_space<hbm>> -> memref<8x64xf32, #tpu.memory_space<hbm>>
    tpu.enqueue_dma source(%dma_start3A_102 : memref<8x64xf32, #tpu.memory_space<hbm>>) target(%dma_start3A_100 : memref<8x64xf32, #tpu.memory_space<vmem>>) target_semaphore(%arg18 : memref<!tpu.dma_semaphore, #tpu.memory_space<semaphore_mem>>)
    %slice3A_103 = vector.extract_strided_slice %and3A_5 {offsets = [3], sizes = [1], strides = [1]} : vector<16xi32> to vector<1xi32>
    %squeeze3A_104 = vector.extract %slice3A_103[0] : i32 from vector<1xi32>
    %multiple_of3A_105 = tpu.assume_multiple %squeeze3A_104, 8 : i32
    %slice3A_106 = vector.extract_strided_slice %and3A_10 {offsets = [3], sizes = [1], strides = [1]} : vector<16xi32> to vector<1xi32>
    %squeeze3A_107 = vector.extract %slice3A_106[0] : i32 from vector<1xi32>
    %multiple_of3A_108 = tpu.assume_multiple %squeeze3A_107, 8 : i32
    %dma_start3A_109 = arith.constant 3 : i32
    %dma_start3A_110 = arith.constant 0 : i32
    %dma_start3A_111 = arith.constant 0 : i32
    %dma_start3A_112 = tpu.memref_slice %arg10[%dma_start3A_109, %dma_start3A_110, %dma_start3A_111] : memref<16x8x64xf32, #tpu.memory_space<vmem>> -> memref<1x8x64xf32, #tpu.memory_space<vmem>>
    %dma_start3A_113 = tpu.memref_squeeze %dma_start3A_112 : memref<1x8x64xf32, #tpu.memory_space<vmem>> -> memref<8x64xf32, #tpu.memory_space<vmem>>
    %dma_start3A_114 = arith.constant 0 : i32
    %dma_start3A_115 = tpu.memref_slice %arg4[%multiple_of3A_105, %dma_start3A_114] : memref<1000000x64xf32, #tpu.memory_space<hbm>> -> memref<8x64xf32, #tpu.memory_space<hbm>>
    %dma_start3A_116 = arith.constant 0 : i32
    %dma_start3A_117 = arith.constant 0 : i32
    %dma_start3A_118 = tpu.memref_slice %arg10[%dma_start3A_109, %dma_start3A_116, %dma_start3A_117] : memref<16x8x64xf32, #tpu.memory_space<vmem>> -> memref<1x8x64xf32, #tpu.memory_space<vmem>>
    %dma_start3A_119 = tpu.memref_squeeze %dma_start3A_118 : memref<1x8x64xf32, #tpu.memory_space<vmem>> -> memref<8x64xf32, #tpu.memory_space<vmem>>
    %dma_start3A_120 = arith.constant 0 : i32
    %dma_start3A_121 = tpu.memref_slice %arg4[%multiple_of3A_105, %dma_start3A_120] : memref<1000000x64xf32, #tpu.memory_space<hbm>> -> memref<8x64xf32, #tpu.memory_space<hbm>>
    tpu.enqueue_dma source(%dma_start3A_121 : memref<8x64xf32, #tpu.memory_space<hbm>>) target(%dma_start3A_119 : memref<8x64xf32, #tpu.memory_space<vmem>>) target_semaphore(%arg16 : memref<!tpu.dma_semaphore, #tpu.memory_space<semaphore_mem>>)
    %dma_start3A_122 = arith.constant 3 : i32
    %dma_start3A_123 = arith.constant 0 : i32
    %dma_start3A_124 = arith.constant 0 : i32
    %dma_start3A_125 = tpu.memref_slice %arg12[%dma_start3A_122, %dma_start3A_123, %dma_start3A_124] : memref<16x8x64xf32, #tpu.memory_space<vmem>> -> memref<1x8x64xf32, #tpu.memory_space<vmem>>
    %dma_start3A_126 = tpu.memref_squeeze %dma_start3A_125 : memref<1x8x64xf32, #tpu.memory_space<vmem>> -> memref<8x64xf32, #tpu.memory_space<vmem>>
    %dma_start3A_127 = arith.constant 0 : i32
    %dma_start3A_128 = tpu.memref_slice %arg5[%multiple_of3A_108, %dma_start3A_127] : memref<100000x64xf32, #tpu.memory_space<hbm>> -> memref<8x64xf32, #tpu.memory_space<hbm>>
    %dma_start3A_129 = arith.constant 0 : i32
    %dma_start3A_130 = arith.constant 0 : i32
    %dma_start3A_131 = tpu.memref_slice %arg12[%dma_start3A_122, %dma_start3A_129, %dma_start3A_130] : memref<16x8x64xf32, #tpu.memory_space<vmem>> -> memref<1x8x64xf32, #tpu.memory_space<vmem>>
    %dma_start3A_132 = tpu.memref_squeeze %dma_start3A_131 : memref<1x8x64xf32, #tpu.memory_space<vmem>> -> memref<8x64xf32, #tpu.memory_space<vmem>>
    %dma_start3A_133 = arith.constant 0 : i32
    %dma_start3A_134 = tpu.memref_slice %arg5[%multiple_of3A_108, %dma_start3A_133] : memref<100000x64xf32, #tpu.memory_space<hbm>> -> memref<8x64xf32, #tpu.memory_space<hbm>>
    tpu.enqueue_dma source(%dma_start3A_134 : memref<8x64xf32, #tpu.memory_space<hbm>>) target(%dma_start3A_132 : memref<8x64xf32, #tpu.memory_space<vmem>>) target_semaphore(%arg18 : memref<!tpu.dma_semaphore, #tpu.memory_space<semaphore_mem>>)
    %slice3A_135 = vector.extract_strided_slice %and3A_5 {offsets = [4], sizes = [1], strides = [1]} : vector<16xi32> to vector<1xi32>
    %squeeze3A_136 = vector.extract %slice3A_135[0] : i32 from vector<1xi32>
    %multiple_of3A_137 = tpu.assume_multiple %squeeze3A_136, 8 : i32
    %slice3A_138 = vector.extract_strided_slice %and3A_10 {offsets = [4], sizes = [1], strides = [1]} : vector<16xi32> to vector<1xi32>
    %squeeze3A_139 = vector.extract %slice3A_138[0] : i32 from vector<1xi32>
    %multiple_of3A_140 = tpu.assume_multiple %squeeze3A_139, 8 : i32
    %dma_start3A_141 = arith.constant 4 : i32
    %dma_start3A_142 = arith.constant 0 : i32
    %dma_start3A_143 = arith.constant 0 : i32
    %dma_start3A_144 = tpu.memref_slice %arg10[%dma_start3A_141, %dma_start3A_142, %dma_start3A_143] : memref<16x8x64xf32, #tpu.memory_space<vmem>> -> memref<1x8x64xf32, #tpu.memory_space<vmem>>
    %dma_start3A_145 = tpu.memref_squeeze %dma_start3A_144 : memref<1x8x64xf32, #tpu.memory_space<vmem>> -> memref<8x64xf32, #tpu.memory_space<vmem>>
    %dma_start3A_146 = arith.constant 0 : i32
    %dma_start3A_147 = tpu.memref_slice %arg4[%multiple_of3A_137, %dma_start3A_146] : memref<1000000x64xf32, #tpu.memory_space<hbm>> -> memref<8x64xf32, #tpu.memory_space<hbm>>
    %dma_start3A_148 = arith.constant 0 : i32
    %dma_start3A_149 = arith.constant 0 : i32
    %dma_start3A_150 = tpu.memref_slice %arg10[%dma_start3A_141, %dma_start3A_148, %dma_start3A_149] : memref<16x8x64xf32, #tpu.memory_space<vmem>> -> memref<1x8x64xf32, #tpu.memory_space<vmem>>
    %dma_start3A_151 = tpu.memref_squeeze %dma_start3A_150 : memref<1x8x64xf32, #tpu.memory_space<vmem>> -> memref<8x64xf32, #tpu.memory_space<vmem>>
    %dma_start3A_152 = arith.constant 0 : i32
    %dma_start3A_153 = tpu.memref_slice %arg4[%multiple_of3A_137, %dma_start3A_152] : memref<1000000x64xf32, #tpu.memory_space<hbm>> -> memref<8x64xf32, #tpu.memory_space<hbm>>
    tpu.enqueue_dma source(%dma_start3A_153 : memref<8x64xf32, #tpu.memory_space<hbm>>) target(%dma_start3A_151 : memref<8x64xf32, #tpu.memory_space<vmem>>) target_semaphore(%arg16 : memref<!tpu.dma_semaphore, #tpu.memory_space<semaphore_mem>>)
    %dma_start3A_154 = arith.constant 4 : i32
    %dma_start3A_155 = arith.constant 0 : i32
    %dma_start3A_156 = arith.constant 0 : i32
    %dma_start3A_157 = tpu.memref_slice %arg12[%dma_start3A_154, %dma_start3A_155, %dma_start3A_156] : memref<16x8x64xf32, #tpu.memory_space<vmem>> -> memref<1x8x64xf32, #tpu.memory_space<vmem>>
    %dma_start3A_158 = tpu.memref_squeeze %dma_start3A_157 : memref<1x8x64xf32, #tpu.memory_space<vmem>> -> memref<8x64xf32, #tpu.memory_space<vmem>>
    %dma_start3A_159 = arith.constant 0 : i32
    %dma_start3A_160 = tpu.memref_slice %arg5[%multiple_of3A_140, %dma_start3A_159] : memref<100000x64xf32, #tpu.memory_space<hbm>> -> memref<8x64xf32, #tpu.memory_space<hbm>>
    %dma_start3A_161 = arith.constant 0 : i32
    %dma_start3A_162 = arith.constant 0 : i32
    %dma_start3A_163 = tpu.memref_slice %arg12[%dma_start3A_154, %dma_start3A_161, %dma_start3A_162] : memref<16x8x64xf32, #tpu.memory_space<vmem>> -> memref<1x8x64xf32, #tpu.memory_space<vmem>>
    %dma_start3A_164 = tpu.memref_squeeze %dma_start3A_163 : memref<1x8x64xf32, #tpu.memory_space<vmem>> -> memref<8x64xf32, #tpu.memory_space<vmem>>
    %dma_start3A_165 = arith.constant 0 : i32
    %dma_start3A_166 = tpu.memref_slice %arg5[%multiple_of3A_140, %dma_start3A_165] : memref<100000x64xf32, #tpu.memory_space<hbm>> -> memref<8x64xf32, #tpu.memory_space<hbm>>
    tpu.enqueue_dma source(%dma_start3A_166 : memref<8x64xf32, #tpu.memory_space<hbm>>) target(%dma_start3A_164 : memref<8x64xf32, #tpu.memory_space<vmem>>) target_semaphore(%arg18 : memref<!tpu.dma_semaphore, #tpu.memory_space<semaphore_mem>>)
    %slice3A_167 = vector.extract_strided_slice %and3A_5 {offsets = [5], sizes = [1], strides = [1]} : vector<16xi32> to vector<1xi32>
    %squeeze3A_168 = vector.extract %slice3A_167[0] : i32 from vector<1xi32>
    %multiple_of3A_169 = tpu.assume_multiple %squeeze3A_168, 8 : i32
    %slice3A_170 = vector.extract_strided_slice %and3A_10 {offsets = [5], sizes = [1], strides = [1]} : vector<16xi32> to vector<1xi32>
    %squeeze3A_171 = vector.extract %slice3A_170[0] : i32 from vector<1xi32>
    %multiple_of3A_172 = tpu.assume_multiple %squeeze3A_171, 8 : i32
    %dma_start3A_173 = arith.constant 5 : i32
    %dma_start3A_174 = arith.constant 0 : i32
    %dma_start3A_175 = arith.constant 0 : i32
    %dma_start3A_176 = tpu.memref_slice %arg10[%dma_start3A_173, %dma_start3A_174, %dma_start3A_175] : memref<16x8x64xf32, #tpu.memory_space<vmem>> -> memref<1x8x64xf32, #tpu.memory_space<vmem>>
    %dma_start3A_177 = tpu.memref_squeeze %dma_start3A_176 : memref<1x8x64xf32, #tpu.memory_space<vmem>> -> memref<8x64xf32, #tpu.memory_space<vmem>>
    %dma_start3A_178 = arith.constant 0 : i32
    %dma_start3A_179 = tpu.memref_slice %arg4[%multiple_of3A_169, %dma_start3A_178] : memref<1000000x64xf32, #tpu.memory_space<hbm>> -> memref<8x64xf32, #tpu.memory_space<hbm>>
    %dma_start3A_180 = arith.constant 0 : i32
    %dma_start3A_181 = arith.constant 0 : i32
    %dma_start3A_182 = tpu.memref_slice %arg10[%dma_start3A_173, %dma_start3A_180, %dma_start3A_181] : memref<16x8x64xf32, #tpu.memory_space<vmem>> -> memref<1x8x64xf32, #tpu.memory_space<vmem>>
    %dma_start3A_183 = tpu.memref_squeeze %dma_start3A_182 : memref<1x8x64xf32, #tpu.memory_space<vmem>> -> memref<8x64xf32, #tpu.memory_space<vmem>>
    %dma_start3A_184 = arith.constant 0 : i32
    %dma_start3A_185 = tpu.memref_slice %arg4[%multiple_of3A_169, %dma_start3A_184] : memref<1000000x64xf32, #tpu.memory_space<hbm>> -> memref<8x64xf32, #tpu.memory_space<hbm>>
    tpu.enqueue_dma source(%dma_start3A_185 : memref<8x64xf32, #tpu.memory_space<hbm>>) target(%dma_start3A_183 : memref<8x64xf32, #tpu.memory_space<vmem>>) target_semaphore(%arg16 : memref<!tpu.dma_semaphore, #tpu.memory_space<semaphore_mem>>)
    %dma_start3A_186 = arith.constant 5 : i32
    %dma_start3A_187 = arith.constant 0 : i32
    %dma_start3A_188 = arith.constant 0 : i32
    %dma_start3A_189 = tpu.memref_slice %arg12[%dma_start3A_186, %dma_start3A_187, %dma_start3A_188] : memref<16x8x64xf32, #tpu.memory_space<vmem>> -> memref<1x8x64xf32, #tpu.memory_space<vmem>>
    %dma_start3A_190 = tpu.memref_squeeze %dma_start3A_189 : memref<1x8x64xf32, #tpu.memory_space<vmem>> -> memref<8x64xf32, #tpu.memory_space<vmem>>
    %dma_start3A_191 = arith.constant 0 : i32
    %dma_start3A_192 = tpu.memref_slice %arg5[%multiple_of3A_172, %dma_start3A_191] : memref<100000x64xf32, #tpu.memory_space<hbm>> -> memref<8x64xf32, #tpu.memory_space<hbm>>
    %dma_start3A_193 = arith.constant 0 : i32
    %dma_start3A_194 = arith.constant 0 : i32
    %dma_start3A_195 = tpu.memref_slice %arg12[%dma_start3A_186, %dma_start3A_193, %dma_start3A_194] : memref<16x8x64xf32, #tpu.memory_space<vmem>> -> memref<1x8x64xf32, #tpu.memory_space<vmem>>
    %dma_start3A_196 = tpu.memref_squeeze %dma_start3A_195 : memref<1x8x64xf32, #tpu.memory_space<vmem>> -> memref<8x64xf32, #tpu.memory_space<vmem>>
    %dma_start3A_197 = arith.constant 0 : i32
    %dma_start3A_198 = tpu.memref_slice %arg5[%multiple_of3A_172, %dma_start3A_197] : memref<100000x64xf32, #tpu.memory_space<hbm>> -> memref<8x64xf32, #tpu.memory_space<hbm>>
    tpu.enqueue_dma source(%dma_start3A_198 : memref<8x64xf32, #tpu.memory_space<hbm>>) target(%dma_start3A_196 : memref<8x64xf32, #tpu.memory_space<vmem>>) target_semaphore(%arg18 : memref<!tpu.dma_semaphore, #tpu.memory_space<semaphore_mem>>)
    %slice3A_199 = vector.extract_strided_slice %and3A_5 {offsets = [6], sizes = [1], strides = [1]} : vector<16xi32> to vector<1xi32>
    %squeeze3A_200 = vector.extract %slice3A_199[0] : i32 from vector<1xi32>
    %multiple_of3A_201 = tpu.assume_multiple %squeeze3A_200, 8 : i32
    %slice3A_202 = vector.extract_strided_slice %and3A_10 {offsets = [6], sizes = [1], strides = [1]} : vector<16xi32> to vector<1xi32>
    %squeeze3A_203 = vector.extract %slice3A_202[0] : i32 from vector<1xi32>
    %multiple_of3A_204 = tpu.assume_multiple %squeeze3A_203, 8 : i32
    %dma_start3A_205 = arith.constant 6 : i32
    %dma_start3A_206 = arith.constant 0 : i32
    %dma_start3A_207 = arith.constant 0 : i32
    %dma_start3A_208 = tpu.memref_slice %arg10[%dma_start3A_205, %dma_start3A_206, %dma_start3A_207] : memref<16x8x64xf32, #tpu.memory_space<vmem>> -> memref<1x8x64xf32, #tpu.memory_space<vmem>>
    %dma_start3A_209 = tpu.memref_squeeze %dma_start3A_208 : memref<1x8x64xf32, #tpu.memory_space<vmem>> -> memref<8x64xf32, #tpu.memory_space<vmem>>
    %dma_start3A_210 = arith.constant 0 : i32
    %dma_start3A_211 = tpu.memref_slice %arg4[%multiple_of3A_201, %dma_start3A_210] : memref<1000000x64xf32, #tpu.memory_space<hbm>> -> memref<8x64xf32, #tpu.memory_space<hbm>>
    %dma_start3A_212 = arith.constant 0 : i32
    %dma_start3A_213 = arith.constant 0 : i32
    %dma_start3A_214 = tpu.memref_slice %arg10[%dma_start3A_205, %dma_start3A_212, %dma_start3A_213] : memref<16x8x64xf32, #tpu.memory_space<vmem>> -> memref<1x8x64xf32, #tpu.memory_space<vmem>>
    %dma_start3A_215 = tpu.memref_squeeze %dma_start3A_214 : memref<1x8x64xf32, #tpu.memory_space<vmem>> -> memref<8x64xf32, #tpu.memory_space<vmem>>
    %dma_start3A_216 = arith.constant 0 : i32
    %dma_start3A_217 = tpu.memref_slice %arg4[%multiple_of3A_201, %dma_start3A_216] : memref<1000000x64xf32, #tpu.memory_space<hbm>> -> memref<8x64xf32, #tpu.memory_space<hbm>>
    tpu.enqueue_dma source(%dma_start3A_217 : memref<8x64xf32, #tpu.memory_space<hbm>>) target(%dma_start3A_215 : memref<8x64xf32, #tpu.memory_space<vmem>>) target_semaphore(%arg16 : memref<!tpu.dma_semaphore, #tpu.memory_space<semaphore_mem>>)
    %dma_start3A_218 = arith.constant 6 : i32
    %dma_start3A_219 = arith.constant 0 : i32
    %dma_start3A_220 = arith.constant 0 : i32
    %dma_start3A_221 = tpu.memref_slice %arg12[%dma_start3A_218, %dma_start3A_219, %dma_start3A_220] : memref<16x8x64xf32, #tpu.memory_space<vmem>> -> memref<1x8x64xf32, #tpu.memory_space<vmem>>
    %dma_start3A_222 = tpu.memref_squeeze %dma_start3A_221 : memref<1x8x64xf32, #tpu.memory_space<vmem>> -> memref<8x64xf32, #tpu.memory_space<vmem>>
    %dma_start3A_223 = arith.constant 0 : i32
    %dma_start3A_224 = tpu.memref_slice %arg5[%multiple_of3A_204, %dma_start3A_223] : memref<100000x64xf32, #tpu.memory_space<hbm>> -> memref<8x64xf32, #tpu.memory_space<hbm>>
    %dma_start3A_225 = arith.constant 0 : i32
    %dma_start3A_226 = arith.constant 0 : i32
    %dma_start3A_227 = tpu.memref_slice %arg12[%dma_start3A_218, %dma_start3A_225, %dma_start3A_226] : memref<16x8x64xf32, #tpu.memory_space<vmem>> -> memref<1x8x64xf32, #tpu.memory_space<vmem>>
    %dma_start3A_228 = tpu.memref_squeeze %dma_start3A_227 : memref<1x8x64xf32, #tpu.memory_space<vmem>> -> memref<8x64xf32, #tpu.memory_space<vmem>>
    %dma_start3A_229 = arith.constant 0 : i32
    %dma_start3A_230 = tpu.memref_slice %arg5[%multiple_of3A_204, %dma_start3A_229] : memref<100000x64xf32, #tpu.memory_space<hbm>> -> memref<8x64xf32, #tpu.memory_space<hbm>>
    tpu.enqueue_dma source(%dma_start3A_230 : memref<8x64xf32, #tpu.memory_space<hbm>>) target(%dma_start3A_228 : memref<8x64xf32, #tpu.memory_space<vmem>>) target_semaphore(%arg18 : memref<!tpu.dma_semaphore, #tpu.memory_space<semaphore_mem>>)
    %slice3A_231 = vector.extract_strided_slice %and3A_5 {offsets = [7], sizes = [1], strides = [1]} : vector<16xi32> to vector<1xi32>
    %squeeze3A_232 = vector.extract %slice3A_231[0] : i32 from vector<1xi32>
    %multiple_of3A_233 = tpu.assume_multiple %squeeze3A_232, 8 : i32
    %slice3A_234 = vector.extract_strided_slice %and3A_10 {offsets = [7], sizes = [1], strides = [1]} : vector<16xi32> to vector<1xi32>
    %squeeze3A_235 = vector.extract %slice3A_234[0] : i32 from vector<1xi32>
    %multiple_of3A_236 = tpu.assume_multiple %squeeze3A_235, 8 : i32
    %dma_start3A_237 = arith.constant 7 : i32
    %dma_start3A_238 = arith.constant 0 : i32
    %dma_start3A_239 = arith.constant 0 : i32
    %dma_start3A_240 = tpu.memref_slice %arg10[%dma_start3A_237, %dma_start3A_238, %dma_start3A_239] : memref<16x8x64xf32, #tpu.memory_space<vmem>> -> memref<1x8x64xf32, #tpu.memory_space<vmem>>
    %dma_start3A_241 = tpu.memref_squeeze %dma_start3A_240 : memref<1x8x64xf32, #tpu.memory_space<vmem>> -> memref<8x64xf32, #tpu.memory_space<vmem>>
    %dma_start3A_242 = arith.constant 0 : i32
    %dma_start3A_243 = tpu.memref_slice %arg4[%multiple_of3A_233, %dma_start3A_242] : memref<1000000x64xf32, #tpu.memory_space<hbm>> -> memref<8x64xf32, #tpu.memory_space<hbm>>
    %dma_start3A_244 = arith.constant 0 : i32
    %dma_start3A_245 = arith.constant 0 : i32
    %dma_start3A_246 = tpu.memref_slice %arg10[%dma_start3A_237, %dma_start3A_244, %dma_start3A_245] : memref<16x8x64xf32, #tpu.memory_space<vmem>> -> memref<1x8x64xf32, #tpu.memory_space<vmem>>
    %dma_start3A_247 = tpu.memref_squeeze %dma_start3A_246 : memref<1x8x64xf32, #tpu.memory_space<vmem>> -> memref<8x64xf32, #tpu.memory_space<vmem>>
    %dma_start3A_248 = arith.constant 0 : i32
    %dma_start3A_249 = tpu.memref_slice %arg4[%multiple_of3A_233, %dma_start3A_248] : memref<1000000x64xf32, #tpu.memory_space<hbm>> -> memref<8x64xf32, #tpu.memory_space<hbm>>
    tpu.enqueue_dma source(%dma_start3A_249 : memref<8x64xf32, #tpu.memory_space<hbm>>) target(%dma_start3A_247 : memref<8x64xf32, #tpu.memory_space<vmem>>) target_semaphore(%arg16 : memref<!tpu.dma_semaphore, #tpu.memory_space<semaphore_mem>>)
    %dma_start3A_250 = arith.constant 7 : i32
    %dma_start3A_251 = arith.constant 0 : i32
    %dma_start3A_252 = arith.constant 0 : i32
    %dma_start3A_253 = tpu.memref_slice %arg12[%dma_start3A_250, %dma_start3A_251, %dma_start3A_252] : memref<16x8x64xf32, #tpu.memory_space<vmem>> -> memref<1x8x64xf32, #tpu.memory_space<vmem>>
    %dma_start3A_254 = tpu.memref_squeeze %dma_start3A_253 : memref<1x8x64xf32, #tpu.memory_space<vmem>> -> memref<8x64xf32, #tpu.memory_space<vmem>>
    %dma_start3A_255 = arith.constant 0 : i32
    %dma_start3A_256 = tpu.memref_slice %arg5[%multiple_of3A_236, %dma_start3A_255] : memref<100000x64xf32, #tpu.memory_space<hbm>> -> memref<8x64xf32, #tpu.memory_space<hbm>>
    %dma_start3A_257 = arith.constant 0 : i32
    %dma_start3A_258 = arith.constant 0 : i32
    %dma_start3A_259 = tpu.memref_slice %arg12[%dma_start3A_250, %dma_start3A_257, %dma_start3A_258] : memref<16x8x64xf32, #tpu.memory_space<vmem>> -> memref<1x8x64xf32, #tpu.memory_space<vmem>>
    %dma_start3A_260 = tpu.memref_squeeze %dma_start3A_259 : memref<1x8x64xf32, #tpu.memory_space<vmem>> -> memref<8x64xf32, #tpu.memory_space<vmem>>
    %dma_start3A_261 = arith.constant 0 : i32
    %dma_start3A_262 = tpu.memref_slice %arg5[%multiple_of3A_236, %dma_start3A_261] : memref<100000x64xf32, #tpu.memory_space<hbm>> -> memref<8x64xf32, #tpu.memory_space<hbm>>
    tpu.enqueue_dma source(%dma_start3A_262 : memref<8x64xf32, #tpu.memory_space<hbm>>) target(%dma_start3A_260 : memref<8x64xf32, #tpu.memory_space<vmem>>) target_semaphore(%arg18 : memref<!tpu.dma_semaphore, #tpu.memory_space<semaphore_mem>>)
    %slice3A_263 = vector.extract_strided_slice %and3A_5 {offsets = [8], sizes = [1], strides = [1]} : vector<16xi32> to vector<1xi32>
    %squeeze3A_264 = vector.extract %slice3A_263[0] : i32 from vector<1xi32>
    %multiple_of3A_265 = tpu.assume_multiple %squeeze3A_264, 8 : i32
    %slice3A_266 = vector.extract_strided_slice %and3A_10 {offsets = [8], sizes = [1], strides = [1]} : vector<16xi32> to vector<1xi32>
    %squeeze3A_267 = vector.extract %slice3A_266[0] : i32 from vector<1xi32>
    %multiple_of3A_268 = tpu.assume_multiple %squeeze3A_267, 8 : i32
    %dma_start3A_269 = arith.constant 8 : i32
    %dma_start3A_270 = arith.constant 0 : i32
    %dma_start3A_271 = arith.constant 0 : i32
    %dma_start3A_272 = tpu.memref_slice %arg10[%dma_start3A_269, %dma_start3A_270, %dma_start3A_271] : memref<16x8x64xf32, #tpu.memory_space<vmem>> -> memref<1x8x64xf32, #tpu.memory_space<vmem>>
    %dma_start3A_273 = tpu.memref_squeeze %dma_start3A_272 : memref<1x8x64xf32, #tpu.memory_space<vmem>> -> memref<8x64xf32, #tpu.memory_space<vmem>>
    %dma_start3A_274 = arith.constant 0 : i32
    %dma_start3A_275 = tpu.memref_slice %arg4[%multiple_of3A_265, %dma_start3A_274] : memref<1000000x64xf32, #tpu.memory_space<hbm>> -> memref<8x64xf32, #tpu.memory_space<hbm>>
    %dma_start3A_276 = arith.constant 0 : i32
    %dma_start3A_277 = arith.constant 0 : i32
    %dma_start3A_278 = tpu.memref_slice %arg10[%dma_start3A_269, %dma_start3A_276, %dma_start3A_277] : memref<16x8x64xf32, #tpu.memory_space<vmem>> -> memref<1x8x64xf32, #tpu.memory_space<vmem>>
    %dma_start3A_279 = tpu.memref_squeeze %dma_start3A_278 : memref<1x8x64xf32, #tpu.memory_space<vmem>> -> memref<8x64xf32, #tpu.memory_space<vmem>>
    %dma_start3A_280 = arith.constant 0 : i32
    %dma_start3A_281 = tpu.memref_slice %arg4[%multiple_of3A_265, %dma_start3A_280] : memref<1000000x64xf32, #tpu.memory_space<hbm>> -> memref<8x64xf32, #tpu.memory_space<hbm>>
    tpu.enqueue_dma source(%dma_start3A_281 : memref<8x64xf32, #tpu.memory_space<hbm>>) target(%dma_start3A_279 : memref<8x64xf32, #tpu.memory_space<vmem>>) target_semaphore(%arg16 : memref<!tpu.dma_semaphore, #tpu.memory_space<semaphore_mem>>)
    %dma_start3A_282 = arith.constant 8 : i32
    %dma_start3A_283 = arith.constant 0 : i32
    %dma_start3A_284 = arith.constant 0 : i32
    %dma_start3A_285 = tpu.memref_slice %arg12[%dma_start3A_282, %dma_start3A_283, %dma_start3A_284] : memref<16x8x64xf32, #tpu.memory_space<vmem>> -> memref<1x8x64xf32, #tpu.memory_space<vmem>>
    %dma_start3A_286 = tpu.memref_squeeze %dma_start3A_285 : memref<1x8x64xf32, #tpu.memory_space<vmem>> -> memref<8x64xf32, #tpu.memory_space<vmem>>
    %dma_start3A_287 = arith.constant 0 : i32
    %dma_start3A_288 = tpu.memref_slice %arg5[%multiple_of3A_268, %dma_start3A_287] : memref<100000x64xf32, #tpu.memory_space<hbm>> -> memref<8x64xf32, #tpu.memory_space<hbm>>
    %dma_start3A_289 = arith.constant 0 : i32
    %dma_start3A_290 = arith.constant 0 : i32
    %dma_start3A_291 = tpu.memref_slice %arg12[%dma_start3A_282, %dma_start3A_289, %dma_start3A_290] : memref<16x8x64xf32, #tpu.memory_space<vmem>> -> memref<1x8x64xf32, #tpu.memory_space<vmem>>
    %dma_start3A_292 = tpu.memref_squeeze %dma_start3A_291 : memref<1x8x64xf32, #tpu.memory_space<vmem>> -> memref<8x64xf32, #tpu.memory_space<vmem>>
    %dma_start3A_293 = arith.constant 0 : i32
    %dma_start3A_294 = tpu.memref_slice %arg5[%multiple_of3A_268, %dma_start3A_293] : memref<100000x64xf32, #tpu.memory_space<hbm>> -> memref<8x64xf32, #tpu.memory_space<hbm>>
    tpu.enqueue_dma source(%dma_start3A_294 : memref<8x64xf32, #tpu.memory_space<hbm>>) target(%dma_start3A_292 : memref<8x64xf32, #tpu.memory_space<vmem>>) target_semaphore(%arg18 : memref<!tpu.dma_semaphore, #tpu.memory_space<semaphore_mem>>)
    %slice3A_295 = vector.extract_strided_slice %and3A_5 {offsets = [9], sizes = [1], strides = [1]} : vector<16xi32> to vector<1xi32>
    %squeeze3A_296 = vector.extract %slice3A_295[0] : i32 from vector<1xi32>
    %multiple_of3A_297 = tpu.assume_multiple %squeeze3A_296, 8 : i32
    %slice3A_298 = vector.extract_strided_slice %and3A_10 {offsets = [9], sizes = [1], strides = [1]} : vector<16xi32> to vector<1xi32>
    %squeeze3A_299 = vector.extract %slice3A_298[0] : i32 from vector<1xi32>
    %multiple_of3A_300 = tpu.assume_multiple %squeeze3A_299, 8 : i32
    %dma_start3A_301 = arith.constant 9 : i32
    %dma_start3A_302 = arith.constant 0 : i32
    %dma_start3A_303 = arith.constant 0 : i32
    %dma_start3A_304 = tpu.memref_slice %arg10[%dma_start3A_301, %dma_start3A_302, %dma_start3A_303] : memref<16x8x64xf32, #tpu.memory_space<vmem>> -> memref<1x8x64xf32, #tpu.memory_space<vmem>>
    %dma_start3A_305 = tpu.memref_squeeze %dma_start3A_304 : memref<1x8x64xf32, #tpu.memory_space<vmem>> -> memref<8x64xf32, #tpu.memory_space<vmem>>
    %dma_start3A_306 = arith.constant 0 : i32
    %dma_start3A_307 = tpu.memref_slice %arg4[%multiple_of3A_297, %dma_start3A_306] : memref<1000000x64xf32, #tpu.memory_space<hbm>> -> memref<8x64xf32, #tpu.memory_space<hbm>>
    %dma_start3A_308 = arith.constant 0 : i32
    %dma_start3A_309 = arith.constant 0 : i32
    %dma_start3A_310 = tpu.memref_slice %arg10[%dma_start3A_301, %dma_start3A_308, %dma_start3A_309] : memref<16x8x64xf32, #tpu.memory_space<vmem>> -> memref<1x8x64xf32, #tpu.memory_space<vmem>>
    %dma_start3A_311 = tpu.memref_squeeze %dma_start3A_310 : memref<1x8x64xf32, #tpu.memory_space<vmem>> -> memref<8x64xf32, #tpu.memory_space<vmem>>
    %dma_start3A_312 = arith.constant 0 : i32
    %dma_start3A_313 = tpu.memref_slice %arg4[%multiple_of3A_297, %dma_start3A_312] : memref<1000000x64xf32, #tpu.memory_space<hbm>> -> memref<8x64xf32, #tpu.memory_space<hbm>>
    tpu.enqueue_dma source(%dma_start3A_313 : memref<8x64xf32, #tpu.memory_space<hbm>>) target(%dma_start3A_311 : memref<8x64xf32, #tpu.memory_space<vmem>>) target_semaphore(%arg16 : memref<!tpu.dma_semaphore, #tpu.memory_space<semaphore_mem>>)
    %dma_start3A_314 = arith.constant 9 : i32
    %dma_start3A_315 = arith.constant 0 : i32
    %dma_start3A_316 = arith.constant 0 : i32
    %dma_start3A_317 = tpu.memref_slice %arg12[%dma_start3A_314, %dma_start3A_315, %dma_start3A_316] : memref<16x8x64xf32, #tpu.memory_space<vmem>> -> memref<1x8x64xf32, #tpu.memory_space<vmem>>
    %dma_start3A_318 = tpu.memref_squeeze %dma_start3A_317 : memref<1x8x64xf32, #tpu.memory_space<vmem>> -> memref<8x64xf32, #tpu.memory_space<vmem>>
    %dma_start3A_319 = arith.constant 0 : i32
    %dma_start3A_320 = tpu.memref_slice %arg5[%multiple_of3A_300, %dma_start3A_319] : memref<100000x64xf32, #tpu.memory_space<hbm>> -> memref<8x64xf32, #tpu.memory_space<hbm>>
    %dma_start3A_321 = arith.constant 0 : i32
    %dma_start3A_322 = arith.constant 0 : i32
    %dma_start3A_323 = tpu.memref_slice %arg12[%dma_start3A_314, %dma_start3A_321, %dma_start3A_322] : memref<16x8x64xf32, #tpu.memory_space<vmem>> -> memref<1x8x64xf32, #tpu.memory_space<vmem>>
    %dma_start3A_324 = tpu.memref_squeeze %dma_start3A_323 : memref<1x8x64xf32, #tpu.memory_space<vmem>> -> memref<8x64xf32, #tpu.memory_space<vmem>>
    %dma_start3A_325 = arith.constant 0 : i32
    %dma_start3A_326 = tpu.memref_slice %arg5[%multiple_of3A_300, %dma_start3A_325] : memref<100000x64xf32, #tpu.memory_space<hbm>> -> memref<8x64xf32, #tpu.memory_space<hbm>>
    tpu.enqueue_dma source(%dma_start3A_326 : memref<8x64xf32, #tpu.memory_space<hbm>>) target(%dma_start3A_324 : memref<8x64xf32, #tpu.memory_space<vmem>>) target_semaphore(%arg18 : memref<!tpu.dma_semaphore, #tpu.memory_space<semaphore_mem>>)
    %slice3A_327 = vector.extract_strided_slice %and3A_5 {offsets = [10], sizes = [1], strides = [1]} : vector<16xi32> to vector<1xi32>
    %squeeze3A_328 = vector.extract %slice3A_327[0] : i32 from vector<1xi32>
    %multiple_of3A_329 = tpu.assume_multiple %squeeze3A_328, 8 : i32
    %slice3A_330 = vector.extract_strided_slice %and3A_10 {offsets = [10], sizes = [1], strides = [1]} : vector<16xi32> to vector<1xi32>
    %squeeze3A_331 = vector.extract %slice3A_330[0] : i32 from vector<1xi32>
    %multiple_of3A_332 = tpu.assume_multiple %squeeze3A_331, 8 : i32
    %dma_start3A_333 = arith.constant 10 : i32
    %dma_start3A_334 = arith.constant 0 : i32
    %dma_start3A_335 = arith.constant 0 : i32
    %dma_start3A_336 = tpu.memref_slice %arg10[%dma_start3A_333, %dma_start3A_334, %dma_start3A_335] : memref<16x8x64xf32, #tpu.memory_space<vmem>> -> memref<1x8x64xf32, #tpu.memory_space<vmem>>
    %dma_start3A_337 = tpu.memref_squeeze %dma_start3A_336 : memref<1x8x64xf32, #tpu.memory_space<vmem>> -> memref<8x64xf32, #tpu.memory_space<vmem>>
    %dma_start3A_338 = arith.constant 0 : i32
    %dma_start3A_339 = tpu.memref_slice %arg4[%multiple_of3A_329, %dma_start3A_338] : memref<1000000x64xf32, #tpu.memory_space<hbm>> -> memref<8x64xf32, #tpu.memory_space<hbm>>
    %dma_start3A_340 = arith.constant 0 : i32
    %dma_start3A_341 = arith.constant 0 : i32
    %dma_start3A_342 = tpu.memref_slice %arg10[%dma_start3A_333, %dma_start3A_340, %dma_start3A_341] : memref<16x8x64xf32, #tpu.memory_space<vmem>> -> memref<1x8x64xf32, #tpu.memory_space<vmem>>
    %dma_start3A_343 = tpu.memref_squeeze %dma_start3A_342 : memref<1x8x64xf32, #tpu.memory_space<vmem>> -> memref<8x64xf32, #tpu.memory_space<vmem>>
    %dma_start3A_344 = arith.constant 0 : i32
    %dma_start3A_345 = tpu.memref_slice %arg4[%multiple_of3A_329, %dma_start3A_344] : memref<1000000x64xf32, #tpu.memory_space<hbm>> -> memref<8x64xf32, #tpu.memory_space<hbm>>
    tpu.enqueue_dma source(%dma_start3A_345 : memref<8x64xf32, #tpu.memory_space<hbm>>) target(%dma_start3A_343 : memref<8x64xf32, #tpu.memory_space<vmem>>) target_semaphore(%arg16 : memref<!tpu.dma_semaphore, #tpu.memory_space<semaphore_mem>>)
    %dma_start3A_346 = arith.constant 10 : i32
    %dma_start3A_347 = arith.constant 0 : i32
    %dma_start3A_348 = arith.constant 0 : i32
    %dma_start3A_349 = tpu.memref_slice %arg12[%dma_start3A_346, %dma_start3A_347, %dma_start3A_348] : memref<16x8x64xf32, #tpu.memory_space<vmem>> -> memref<1x8x64xf32, #tpu.memory_space<vmem>>
    %dma_start3A_350 = tpu.memref_squeeze %dma_start3A_349 : memref<1x8x64xf32, #tpu.memory_space<vmem>> -> memref<8x64xf32, #tpu.memory_space<vmem>>
    %dma_start3A_351 = arith.constant 0 : i32
    %dma_start3A_352 = tpu.memref_slice %arg5[%multiple_of3A_332, %dma_start3A_351] : memref<100000x64xf32, #tpu.memory_space<hbm>> -> memref<8x64xf32, #tpu.memory_space<hbm>>
    %dma_start3A_353 = arith.constant 0 : i32
    %dma_start3A_354 = arith.constant 0 : i32
    %dma_start3A_355 = tpu.memref_slice %arg12[%dma_start3A_346, %dma_start3A_353, %dma_start3A_354] : memref<16x8x64xf32, #tpu.memory_space<vmem>> -> memref<1x8x64xf32, #tpu.memory_space<vmem>>
    %dma_start3A_356 = tpu.memref_squeeze %dma_start3A_355 : memref<1x8x64xf32, #tpu.memory_space<vmem>> -> memref<8x64xf32, #tpu.memory_space<vmem>>
    %dma_start3A_357 = arith.constant 0 : i32
    %dma_start3A_358 = tpu.memref_slice %arg5[%multiple_of3A_332, %dma_start3A_357] : memref<100000x64xf32, #tpu.memory_space<hbm>> -> memref<8x64xf32, #tpu.memory_space<hbm>>
    tpu.enqueue_dma source(%dma_start3A_358 : memref<8x64xf32, #tpu.memory_space<hbm>>) target(%dma_start3A_356 : memref<8x64xf32, #tpu.memory_space<vmem>>) target_semaphore(%arg18 : memref<!tpu.dma_semaphore, #tpu.memory_space<semaphore_mem>>)
    %slice3A_359 = vector.extract_strided_slice %and3A_5 {offsets = [11], sizes = [1], strides = [1]} : vector<16xi32> to vector<1xi32>
    %squeeze3A_360 = vector.extract %slice3A_359[0] : i32 from vector<1xi32>
    %multiple_of3A_361 = tpu.assume_multiple %squeeze3A_360, 8 : i32
    %slice3A_362 = vector.extract_strided_slice %and3A_10 {offsets = [11], sizes = [1], strides = [1]} : vector<16xi32> to vector<1xi32>
    %squeeze3A_363 = vector.extract %slice3A_362[0] : i32 from vector<1xi32>
    %multiple_of3A_364 = tpu.assume_multiple %squeeze3A_363, 8 : i32
    %dma_start3A_365 = arith.constant 11 : i32
    %dma_start3A_366 = arith.constant 0 : i32
    %dma_start3A_367 = arith.constant 0 : i32
    %dma_start3A_368 = tpu.memref_slice %arg10[%dma_start3A_365, %dma_start3A_366, %dma_start3A_367] : memref<16x8x64xf32, #tpu.memory_space<vmem>> -> memref<1x8x64xf32, #tpu.memory_space<vmem>>
    %dma_start3A_369 = tpu.memref_squeeze %dma_start3A_368 : memref<1x8x64xf32, #tpu.memory_space<vmem>> -> memref<8x64xf32, #tpu.memory_space<vmem>>
    %dma_start3A_370 = arith.constant 0 : i32
    %dma_start3A_371 = tpu.memref_slice %arg4[%multiple_of3A_361, %dma_start3A_370] : memref<1000000x64xf32, #tpu.memory_space<hbm>> -> memref<8x64xf32, #tpu.memory_space<hbm>>
    %dma_start3A_372 = arith.constant 0 : i32
    %dma_start3A_373 = arith.constant 0 : i32
    %dma_start3A_374 = tpu.memref_slice %arg10[%dma_start3A_365, %dma_start3A_372, %dma_start3A_373] : memref<16x8x64xf32, #tpu.memory_space<vmem>> -> memref<1x8x64xf32, #tpu.memory_space<vmem>>
    %dma_start3A_375 = tpu.memref_squeeze %dma_start3A_374 : memref<1x8x64xf32, #tpu.memory_space<vmem>> -> memref<8x64xf32, #tpu.memory_space<vmem>>
    %dma_start3A_376 = arith.constant 0 : i32
    %dma_start3A_377 = tpu.memref_slice %arg4[%multiple_of3A_361, %dma_start3A_376] : memref<1000000x64xf32, #tpu.memory_space<hbm>> -> memref<8x64xf32, #tpu.memory_space<hbm>>
    tpu.enqueue_dma source(%dma_start3A_377 : memref<8x64xf32, #tpu.memory_space<hbm>>) target(%dma_start3A_375 : memref<8x64xf32, #tpu.memory_space<vmem>>) target_semaphore(%arg16 : memref<!tpu.dma_semaphore, #tpu.memory_space<semaphore_mem>>)
    %dma_start3A_378 = arith.constant 11 : i32
    %dma_start3A_379 = arith.constant 0 : i32
    %dma_start3A_380 = arith.constant 0 : i32
    %dma_start3A_381 = tpu.memref_slice %arg12[%dma_start3A_378, %dma_start3A_379, %dma_start3A_380] : memref<16x8x64xf32, #tpu.memory_space<vmem>> -> memref<1x8x64xf32, #tpu.memory_space<vmem>>
    %dma_start3A_382 = tpu.memref_squeeze %dma_start3A_381 : memref<1x8x64xf32, #tpu.memory_space<vmem>> -> memref<8x64xf32, #tpu.memory_space<vmem>>
    %dma_start3A_383 = arith.constant 0 : i32
    %dma_start3A_384 = tpu.memref_slice %arg5[%multiple_of3A_364, %dma_start3A_383] : memref<100000x64xf32, #tpu.memory_space<hbm>> -> memref<8x64xf32, #tpu.memory_space<hbm>>
    %dma_start3A_385 = arith.constant 0 : i32
    %dma_start3A_386 = arith.constant 0 : i32
    %dma_start3A_387 = tpu.memref_slice %arg12[%dma_start3A_378, %dma_start3A_385, %dma_start3A_386] : memref<16x8x64xf32, #tpu.memory_space<vmem>> -> memref<1x8x64xf32, #tpu.memory_space<vmem>>
    %dma_start3A_388 = tpu.memref_squeeze %dma_start3A_387 : memref<1x8x64xf32, #tpu.memory_space<vmem>> -> memref<8x64xf32, #tpu.memory_space<vmem>>
    %dma_start3A_389 = arith.constant 0 : i32
    %dma_start3A_390 = tpu.memref_slice %arg5[%multiple_of3A_364, %dma_start3A_389] : memref<100000x64xf32, #tpu.memory_space<hbm>> -> memref<8x64xf32, #tpu.memory_space<hbm>>
    tpu.enqueue_dma source(%dma_start3A_390 : memref<8x64xf32, #tpu.memory_space<hbm>>) target(%dma_start3A_388 : memref<8x64xf32, #tpu.memory_space<vmem>>) target_semaphore(%arg18 : memref<!tpu.dma_semaphore, #tpu.memory_space<semaphore_mem>>)
    %slice3A_391 = vector.extract_strided_slice %and3A_5 {offsets = [12], sizes = [1], strides = [1]} : vector<16xi32> to vector<1xi32>
    %squeeze3A_392 = vector.extract %slice3A_391[0] : i32 from vector<1xi32>
    %multiple_of3A_393 = tpu.assume_multiple %squeeze3A_392, 8 : i32
    %slice3A_394 = vector.extract_strided_slice %and3A_10 {offsets = [12], sizes = [1], strides = [1]} : vector<16xi32> to vector<1xi32>
    %squeeze3A_395 = vector.extract %slice3A_394[0] : i32 from vector<1xi32>
    %multiple_of3A_396 = tpu.assume_multiple %squeeze3A_395, 8 : i32
    %dma_start3A_397 = arith.constant 12 : i32
    %dma_start3A_398 = arith.constant 0 : i32
    %dma_start3A_399 = arith.constant 0 : i32
    %dma_start3A_400 = tpu.memref_slice %arg10[%dma_start3A_397, %dma_start3A_398, %dma_start3A_399] : memref<16x8x64xf32, #tpu.memory_space<vmem>> -> memref<1x8x64xf32, #tpu.memory_space<vmem>>
    %dma_start3A_401 = tpu.memref_squeeze %dma_start3A_400 : memref<1x8x64xf32, #tpu.memory_space<vmem>> -> memref<8x64xf32, #tpu.memory_space<vmem>>
    %dma_start3A_402 = arith.constant 0 : i32
    %dma_start3A_403 = tpu.memref_slice %arg4[%multiple_of3A_393, %dma_start3A_402] : memref<1000000x64xf32, #tpu.memory_space<hbm>> -> memref<8x64xf32, #tpu.memory_space<hbm>>
    %dma_start3A_404 = arith.constant 0 : i32
    %dma_start3A_405 = arith.constant 0 : i32
    %dma_start3A_406 = tpu.memref_slice %arg10[%dma_start3A_397, %dma_start3A_404, %dma_start3A_405] : memref<16x8x64xf32, #tpu.memory_space<vmem>> -> memref<1x8x64xf32, #tpu.memory_space<vmem>>
    %dma_start3A_407 = tpu.memref_squeeze %dma_start3A_406 : memref<1x8x64xf32, #tpu.memory_space<vmem>> -> memref<8x64xf32, #tpu.memory_space<vmem>>
    %dma_start3A_408 = arith.constant 0 : i32
    %dma_start3A_409 = tpu.memref_slice %arg4[%multiple_of3A_393, %dma_start3A_408] : memref<1000000x64xf32, #tpu.memory_space<hbm>> -> memref<8x64xf32, #tpu.memory_space<hbm>>
    tpu.enqueue_dma source(%dma_start3A_409 : memref<8x64xf32, #tpu.memory_space<hbm>>) target(%dma_start3A_407 : memref<8x64xf32, #tpu.memory_space<vmem>>) target_semaphore(%arg16 : memref<!tpu.dma_semaphore, #tpu.memory_space<semaphore_mem>>)
    %dma_start3A_410 = arith.constant 12 : i32
    %dma_start3A_411 = arith.constant 0 : i32
    %dma_start3A_412 = arith.constant 0 : i32
    %dma_start3A_413 = tpu.memref_slice %arg12[%dma_start3A_410, %dma_start3A_411, %dma_start3A_412] : memref<16x8x64xf32, #tpu.memory_space<vmem>> -> memref<1x8x64xf32, #tpu.memory_space<vmem>>
    %dma_start3A_414 = tpu.memref_squeeze %dma_start3A_413 : memref<1x8x64xf32, #tpu.memory_space<vmem>> -> memref<8x64xf32, #tpu.memory_space<vmem>>
    %dma_start3A_415 = arith.constant 0 : i32
    %dma_start3A_416 = tpu.memref_slice %arg5[%multiple_of3A_396, %dma_start3A_415] : memref<100000x64xf32, #tpu.memory_space<hbm>> -> memref<8x64xf32, #tpu.memory_space<hbm>>
    %dma_start3A_417 = arith.constant 0 : i32
    %dma_start3A_418 = arith.constant 0 : i32
    %dma_start3A_419 = tpu.memref_slice %arg12[%dma_start3A_410, %dma_start3A_417, %dma_start3A_418] : memref<16x8x64xf32, #tpu.memory_space<vmem>> -> memref<1x8x64xf32, #tpu.memory_space<vmem>>
    %dma_start3A_420 = tpu.memref_squeeze %dma_start3A_419 : memref<1x8x64xf32, #tpu.memory_space<vmem>> -> memref<8x64xf32, #tpu.memory_space<vmem>>
    %dma_start3A_421 = arith.constant 0 : i32
    %dma_start3A_422 = tpu.memref_slice %arg5[%multiple_of3A_396, %dma_start3A_421] : memref<100000x64xf32, #tpu.memory_space<hbm>> -> memref<8x64xf32, #tpu.memory_space<hbm>>
    tpu.enqueue_dma source(%dma_start3A_422 : memref<8x64xf32, #tpu.memory_space<hbm>>) target(%dma_start3A_420 : memref<8x64xf32, #tpu.memory_space<vmem>>) target_semaphore(%arg18 : memref<!tpu.dma_semaphore, #tpu.memory_space<semaphore_mem>>)
    %slice3A_423 = vector.extract_strided_slice %and3A_5 {offsets = [13], sizes = [1], strides = [1]} : vector<16xi32> to vector<1xi32>
    %squeeze3A_424 = vector.extract %slice3A_423[0] : i32 from vector<1xi32>
    %multiple_of3A_425 = tpu.assume_multiple %squeeze3A_424, 8 : i32
    %slice3A_426 = vector.extract_strided_slice %and3A_10 {offsets = [13], sizes = [1], strides = [1]} : vector<16xi32> to vector<1xi32>
    %squeeze3A_427 = vector.extract %slice3A_426[0] : i32 from vector<1xi32>
    %multiple_of3A_428 = tpu.assume_multiple %squeeze3A_427, 8 : i32
    %dma_start3A_429 = arith.constant 13 : i32
    %dma_start3A_430 = arith.constant 0 : i32
    %dma_start3A_431 = arith.constant 0 : i32
    %dma_start3A_432 = tpu.memref_slice %arg10[%dma_start3A_429, %dma_start3A_430, %dma_start3A_431] : memref<16x8x64xf32, #tpu.memory_space<vmem>> -> memref<1x8x64xf32, #tpu.memory_space<vmem>>
    %dma_start3A_433 = tpu.memref_squeeze %dma_start3A_432 : memref<1x8x64xf32, #tpu.memory_space<vmem>> -> memref<8x64xf32, #tpu.memory_space<vmem>>
    %dma_start3A_434 = arith.constant 0 : i32
    %dma_start3A_435 = tpu.memref_slice %arg4[%multiple_of3A_425, %dma_start3A_434] : memref<1000000x64xf32, #tpu.memory_space<hbm>> -> memref<8x64xf32, #tpu.memory_space<hbm>>
    %dma_start3A_436 = arith.constant 0 : i32
    %dma_start3A_437 = arith.constant 0 : i32
    %dma_start3A_438 = tpu.memref_slice %arg10[%dma_start3A_429, %dma_start3A_436, %dma_start3A_437] : memref<16x8x64xf32, #tpu.memory_space<vmem>> -> memref<1x8x64xf32, #tpu.memory_space<vmem>>
    %dma_start3A_439 = tpu.memref_squeeze %dma_start3A_438 : memref<1x8x64xf32, #tpu.memory_space<vmem>> -> memref<8x64xf32, #tpu.memory_space<vmem>>
    %dma_start3A_440 = arith.constant 0 : i32
    %dma_start3A_441 = tpu.memref_slice %arg4[%multiple_of3A_425, %dma_start3A_440] : memref<1000000x64xf32, #tpu.memory_space<hbm>> -> memref<8x64xf32, #tpu.memory_space<hbm>>
    tpu.enqueue_dma source(%dma_start3A_441 : memref<8x64xf32, #tpu.memory_space<hbm>>) target(%dma_start3A_439 : memref<8x64xf32, #tpu.memory_space<vmem>>) target_semaphore(%arg16 : memref<!tpu.dma_semaphore, #tpu.memory_space<semaphore_mem>>)
    %dma_start3A_442 = arith.constant 13 : i32
    %dma_start3A_443 = arith.constant 0 : i32
    %dma_start3A_444 = arith.constant 0 : i32
    %dma_start3A_445 = tpu.memref_slice %arg12[%dma_start3A_442, %dma_start3A_443, %dma_start3A_444] : memref<16x8x64xf32, #tpu.memory_space<vmem>> -> memref<1x8x64xf32, #tpu.memory_space<vmem>>
    %dma_start3A_446 = tpu.memref_squeeze %dma_start3A_445 : memref<1x8x64xf32, #tpu.memory_space<vmem>> -> memref<8x64xf32, #tpu.memory_space<vmem>>
    %dma_start3A_447 = arith.constant 0 : i32
    %dma_start3A_448 = tpu.memref_slice %arg5[%multiple_of3A_428, %dma_start3A_447] : memref<100000x64xf32, #tpu.memory_space<hbm>> -> memref<8x64xf32, #tpu.memory_space<hbm>>
    %dma_start3A_449 = arith.constant 0 : i32
    %dma_start3A_450 = arith.constant 0 : i32
    %dma_start3A_451 = tpu.memref_slice %arg12[%dma_start3A_442, %dma_start3A_449, %dma_start3A_450] : memref<16x8x64xf32, #tpu.memory_space<vmem>> -> memref<1x8x64xf32, #tpu.memory_space<vmem>>
    %dma_start3A_452 = tpu.memref_squeeze %dma_start3A_451 : memref<1x8x64xf32, #tpu.memory_space<vmem>> -> memref<8x64xf32, #tpu.memory_space<vmem>>
    %dma_start3A_453 = arith.constant 0 : i32
    %dma_start3A_454 = tpu.memref_slice %arg5[%multiple_of3A_428, %dma_start3A_453] : memref<100000x64xf32, #tpu.memory_space<hbm>> -> memref<8x64xf32, #tpu.memory_space<hbm>>
    tpu.enqueue_dma source(%dma_start3A_454 : memref<8x64xf32, #tpu.memory_space<hbm>>) target(%dma_start3A_452 : memref<8x64xf32, #tpu.memory_space<vmem>>) target_semaphore(%arg18 : memref<!tpu.dma_semaphore, #tpu.memory_space<semaphore_mem>>)
    %slice3A_455 = vector.extract_strided_slice %and3A_5 {offsets = [14], sizes = [1], strides = [1]} : vector<16xi32> to vector<1xi32>
    %squeeze3A_456 = vector.extract %slice3A_455[0] : i32 from vector<1xi32>
    %multiple_of3A_457 = tpu.assume_multiple %squeeze3A_456, 8 : i32
    %slice3A_458 = vector.extract_strided_slice %and3A_10 {offsets = [14], sizes = [1], strides = [1]} : vector<16xi32> to vector<1xi32>
    %squeeze3A_459 = vector.extract %slice3A_458[0] : i32 from vector<1xi32>
    %multiple_of3A_460 = tpu.assume_multiple %squeeze3A_459, 8 : i32
    %dma_start3A_461 = arith.constant 14 : i32
    %dma_start3A_462 = arith.constant 0 : i32
    %dma_start3A_463 = arith.constant 0 : i32
    %dma_start3A_464 = tpu.memref_slice %arg10[%dma_start3A_461, %dma_start3A_462, %dma_start3A_463] : memref<16x8x64xf32, #tpu.memory_space<vmem>> -> memref<1x8x64xf32, #tpu.memory_space<vmem>>
    %dma_start3A_465 = tpu.memref_squeeze %dma_start3A_464 : memref<1x8x64xf32, #tpu.memory_space<vmem>> -> memref<8x64xf32, #tpu.memory_space<vmem>>
    %dma_start3A_466 = arith.constant 0 : i32
    %dma_start3A_467 = tpu.memref_slice %arg4[%multiple_of3A_457, %dma_start3A_466] : memref<1000000x64xf32, #tpu.memory_space<hbm>> -> memref<8x64xf32, #tpu.memory_space<hbm>>
    %dma_start3A_468 = arith.constant 0 : i32
    %dma_start3A_469 = arith.constant 0 : i32
    %dma_start3A_470 = tpu.memref_slice %arg10[%dma_start3A_461, %dma_start3A_468, %dma_start3A_469] : memref<16x8x64xf32, #tpu.memory_space<vmem>> -> memref<1x8x64xf32, #tpu.memory_space<vmem>>
    %dma_start3A_471 = tpu.memref_squeeze %dma_start3A_470 : memref<1x8x64xf32, #tpu.memory_space<vmem>> -> memref<8x64xf32, #tpu.memory_space<vmem>>
    %dma_start3A_472 = arith.constant 0 : i32
    %dma_start3A_473 = tpu.memref_slice %arg4[%multiple_of3A_457, %dma_start3A_472] : memref<1000000x64xf32, #tpu.memory_space<hbm>> -> memref<8x64xf32, #tpu.memory_space<hbm>>
    tpu.enqueue_dma source(%dma_start3A_473 : memref<8x64xf32, #tpu.memory_space<hbm>>) target(%dma_start3A_471 : memref<8x64xf32, #tpu.memory_space<vmem>>) target_semaphore(%arg16 : memref<!tpu.dma_semaphore, #tpu.memory_space<semaphore_mem>>)
    %dma_start3A_474 = arith.constant 14 : i32
    %dma_start3A_475 = arith.constant 0 : i32
    %dma_start3A_476 = arith.constant 0 : i32
    %dma_start3A_477 = tpu.memref_slice %arg12[%dma_start3A_474, %dma_start3A_475, %dma_start3A_476] : memref<16x8x64xf32, #tpu.memory_space<vmem>> -> memref<1x8x64xf32, #tpu.memory_space<vmem>>
    %dma_start3A_478 = tpu.memref_squeeze %dma_start3A_477 : memref<1x8x64xf32, #tpu.memory_space<vmem>> -> memref<8x64xf32, #tpu.memory_space<vmem>>
    %dma_start3A_479 = arith.constant 0 : i32
    %dma_start3A_480 = tpu.memref_slice %arg5[%multiple_of3A_460, %dma_start3A_479] : memref<100000x64xf32, #tpu.memory_space<hbm>> -> memref<8x64xf32, #tpu.memory_space<hbm>>
    %dma_start3A_481 = arith.constant 0 : i32
    %dma_start3A_482 = arith.constant 0 : i32
    %dma_start3A_483 = tpu.memref_slice %arg12[%dma_start3A_474, %dma_start3A_481, %dma_start3A_482] : memref<16x8x64xf32, #tpu.memory_space<vmem>> -> memref<1x8x64xf32, #tpu.memory_space<vmem>>
    %dma_start3A_484 = tpu.memref_squeeze %dma_start3A_483 : memref<1x8x64xf32, #tpu.memory_space<vmem>> -> memref<8x64xf32, #tpu.memory_space<vmem>>
    %dma_start3A_485 = arith.constant 0 : i32
    %dma_start3A_486 = tpu.memref_slice %arg5[%multiple_of3A_460, %dma_start3A_485] : memref<100000x64xf32, #tpu.memory_space<hbm>> -> memref<8x64xf32, #tpu.memory_space<hbm>>
    tpu.enqueue_dma source(%dma_start3A_486 : memref<8x64xf32, #tpu.memory_space<hbm>>) target(%dma_start3A_484 : memref<8x64xf32, #tpu.memory_space<vmem>>) target_semaphore(%arg18 : memref<!tpu.dma_semaphore, #tpu.memory_space<semaphore_mem>>)
    %slice3A_487 = vector.extract_strided_slice %and3A_5 {offsets = [15], sizes = [1], strides = [1]} : vector<16xi32> to vector<1xi32>
    %squeeze3A_488 = vector.extract %slice3A_487[0] : i32 from vector<1xi32>
    %multiple_of3A_489 = tpu.assume_multiple %squeeze3A_488, 8 : i32
    %slice3A_490 = vector.extract_strided_slice %and3A_10 {offsets = [15], sizes = [1], strides = [1]} : vector<16xi32> to vector<1xi32>
    %squeeze3A_491 = vector.extract %slice3A_490[0] : i32 from vector<1xi32>
    %multiple_of3A_492 = tpu.assume_multiple %squeeze3A_491, 8 : i32
    %dma_start3A_493 = arith.constant 15 : i32
    %dma_start3A_494 = arith.constant 0 : i32
    %dma_start3A_495 = arith.constant 0 : i32
    %dma_start3A_496 = tpu.memref_slice %arg10[%dma_start3A_493, %dma_start3A_494, %dma_start3A_495] : memref<16x8x64xf32, #tpu.memory_space<vmem>> -> memref<1x8x64xf32, #tpu.memory_space<vmem>>
    %dma_start3A_497 = tpu.memref_squeeze %dma_start3A_496 : memref<1x8x64xf32, #tpu.memory_space<vmem>> -> memref<8x64xf32, #tpu.memory_space<vmem>>
    %dma_start3A_498 = arith.constant 0 : i32
    %dma_start3A_499 = tpu.memref_slice %arg4[%multiple_of3A_489, %dma_start3A_498] : memref<1000000x64xf32, #tpu.memory_space<hbm>> -> memref<8x64xf32, #tpu.memory_space<hbm>>
    %dma_start3A_500 = arith.constant 0 : i32
    %dma_start3A_501 = arith.constant 0 : i32
    %dma_start3A_502 = tpu.memref_slice %arg10[%dma_start3A_493, %dma_start3A_500, %dma_start3A_501] : memref<16x8x64xf32, #tpu.memory_space<vmem>> -> memref<1x8x64xf32, #tpu.memory_space<vmem>>
    %dma_start3A_503 = tpu.memref_squeeze %dma_start3A_502 : memref<1x8x64xf32, #tpu.memory_space<vmem>> -> memref<8x64xf32, #tpu.memory_space<vmem>>
    %dma_start3A_504 = arith.constant 0 : i32
    %dma_start3A_505 = tpu.memref_slice %arg4[%multiple_of3A_489, %dma_start3A_504] : memref<1000000x64xf32, #tpu.memory_space<hbm>> -> memref<8x64xf32, #tpu.memory_space<hbm>>
    tpu.enqueue_dma source(%dma_start3A_505 : memref<8x64xf32, #tpu.memory_space<hbm>>) target(%dma_start3A_503 : memref<8x64xf32, #tpu.memory_space<vmem>>) target_semaphore(%arg16 : memref<!tpu.dma_semaphore, #tpu.memory_space<semaphore_mem>>)
    %dma_start3A_506 = arith.constant 15 : i32
    %dma_start3A_507 = arith.constant 0 : i32
    %dma_start3A_508 = arith.constant 0 : i32
    %dma_start3A_509 = tpu.memref_slice %arg12[%dma_start3A_506, %dma_start3A_507, %dma_start3A_508] : memref<16x8x64xf32, #tpu.memory_space<vmem>> -> memref<1x8x64xf32, #tpu.memory_space<vmem>>
    %dma_start3A_510 = tpu.memref_squeeze %dma_start3A_509 : memref<1x8x64xf32, #tpu.memory_space<vmem>> -> memref<8x64xf32, #tpu.memory_space<vmem>>
    %dma_start3A_511 = arith.constant 0 : i32
    %dma_start3A_512 = tpu.memref_slice %arg5[%multiple_of3A_492, %dma_start3A_511] : memref<100000x64xf32, #tpu.memory_space<hbm>> -> memref<8x64xf32, #tpu.memory_space<hbm>>
    %dma_start3A_513 = arith.constant 0 : i32
    %dma_start3A_514 = arith.constant 0 : i32
    %dma_start3A_515 = tpu.memref_slice %arg12[%dma_start3A_506, %dma_start3A_513, %dma_start3A_514] : memref<16x8x64xf32, #tpu.memory_space<vmem>> -> memref<1x8x64xf32, #tpu.memory_space<vmem>>
    %dma_start3A_516 = tpu.memref_squeeze %dma_start3A_515 : memref<1x8x64xf32, #tpu.memory_space<vmem>> -> memref<8x64xf32, #tpu.memory_space<vmem>>
    %dma_start3A_517 = arith.constant 0 : i32
    %dma_start3A_518 = tpu.memref_slice %arg5[%multiple_of3A_492, %dma_start3A_517] : memref<100000x64xf32, #tpu.memory_space<hbm>> -> memref<8x64xf32, #tpu.memory_space<hbm>>
    tpu.enqueue_dma source(%dma_start3A_518 : memref<8x64xf32, #tpu.memory_space<hbm>>) target(%dma_start3A_516 : memref<8x64xf32, #tpu.memory_space<vmem>>) target_semaphore(%arg18 : memref<!tpu.dma_semaphore, #tpu.memory_space<semaphore_mem>>)
    %scan3A = arith.constant 0 : i32
    %scan3A_519 = arith.constant 0 : i32
    %scan3A_520 = arith.constant 16 : i32
    %scan3A_521 = arith.addi %scan3A_519, %scan3A_520 : i32
    %scan3A_522 = arith.constant 1 : i32
    %scan3A_523 = scf.for %scan3A_525 = %scan3A_519 to %scan3A_521 step %scan3A_522 iter_args(%scan3A_526 = %scan3A) -> (i32)  : i32 {
      %mul3A_527 = arith.constant 2 : i32
      %mul3A_528 = arith.muli %mul3A_527, %scan3A_525 : i32
      %add3A_529 = arith.constant 1 : i32
      %add3A_530 = arith.addi %mul3A_528, %add3A_529 : i32
      %mul3A_531 = arith.constant 16 : i32
      %mul3A_532 = arith.muli %add3A_530, %mul3A_531 : i32
      %get3A_533 = arith.index_cast %mul3A_532 : i32 to index
      %get3A_534 = tpu.vector_load %arg8[%get3A_533] {strides = array<i32>} : memref<512xi32, #tpu.memory_space<vmem>>, vector<16xi32>,
      %and3A_535 = arith.constant -8 : i32
      %and3A_536 = vector.broadcast %and3A_535 : i32 to vector<16xi32>
      %and3A_537 = arith.andi %get3A_534, %and3A_536 : vector<16xi32>
      %mul3A_538 = arith.constant 16 : i32
      %mul3A_539 = arith.muli %add3A_530, %mul3A_538 : i32
      %get3A_540 = arith.index_cast %mul3A_539 : i32 to index
      %get3A_541 = tpu.vector_load %arg9[%get3A_540] {strides = array<i32>} : memref<512xi32, #tpu.memory_space<vmem>>, vector<16xi32>,
      %and3A_542 = arith.constant -8 : i32
      %and3A_543 = vector.broadcast %and3A_542 : i32 to vector<16xi32>
      %and3A_544 = arith.andi %get3A_541, %and3A_543 : vector<16xi32>
      %slice3A_545 = vector.extract_strided_slice %and3A_537 {offsets = [0], sizes = [1], strides = [1]} : vector<16xi32> to vector<1xi32>
      %squeeze3A_546 = vector.extract %slice3A_545[0] : i32 from vector<1xi32>
      %multiple_of3A_547 = tpu.assume_multiple %squeeze3A_546, 8 : i32
      %slice3A_548 = vector.extract_strided_slice %and3A_544 {offsets = [0], sizes = [1], strides = [1]} : vector<16xi32> to vector<1xi32>
      %squeeze3A_549 = vector.extract %slice3A_548[0] : i32 from vector<1xi32>
      %multiple_of3A_550 = tpu.assume_multiple %squeeze3A_549, 8 : i32
      %dma_start3A_551 = arith.constant 0 : i32
      %dma_start3A_552 = arith.constant 0 : i32
      %dma_start3A_553 = arith.constant 0 : i32
      %dma_start3A_554 = tpu.memref_slice %arg11[%dma_start3A_551, %dma_start3A_552, %dma_start3A_553] : memref<16x8x64xf32, #tpu.memory_space<vmem>> -> memref<1x8x64xf32, #tpu.memory_space<vmem>>
      %dma_start3A_555 = tpu.memref_squeeze %dma_start3A_554 : memref<1x8x64xf32, #tpu.memory_space<vmem>> -> memref<8x64xf32, #tpu.memory_space<vmem>>
      %dma_start3A_556 = arith.constant 0 : i32
      %dma_start3A_557 = tpu.memref_slice %arg4[%multiple_of3A_547, %dma_start3A_556] : memref<1000000x64xf32, #tpu.memory_space<hbm>> -> memref<8x64xf32, #tpu.memory_space<hbm>>
      %dma_start3A_558 = arith.constant 0 : i32
      %dma_start3A_559 = arith.constant 0 : i32
      %dma_start3A_560 = tpu.memref_slice %arg11[%dma_start3A_551, %dma_start3A_558, %dma_start3A_559] : memref<16x8x64xf32, #tpu.memory_space<vmem>> -> memref<1x8x64xf32, #tpu.memory_space<vmem>>
      %dma_start3A_561 = tpu.memref_squeeze %dma_start3A_560 : memref<1x8x64xf32, #tpu.memory_space<vmem>> -> memref<8x64xf32, #tpu.memory_space<vmem>>
      %dma_start3A_562 = arith.constant 0 : i32
      %dma_start3A_563 = tpu.memref_slice %arg4[%multiple_of3A_547, %dma_start3A_562] : memref<1000000x64xf32, #tpu.memory_space<hbm>> -> memref<8x64xf32, #tpu.memory_space<hbm>>
      tpu.enqueue_dma source(%dma_start3A_563 : memref<8x64xf32, #tpu.memory_space<hbm>>) target(%dma_start3A_561 : memref<8x64xf32, #tpu.memory_space<vmem>>) target_semaphore(%arg17 : memref<!tpu.dma_semaphore, #tpu.memory_space<semaphore_mem>>)
      %dma_start3A_564 = arith.constant 0 : i32
      %dma_start3A_565 = arith.constant 0 : i32
      %dma_start3A_566 = arith.constant 0 : i32
      %dma_start3A_567 = tpu.memref_slice %arg13[%dma_start3A_564, %dma_start3A_565, %dma_start3A_566] : memref<16x8x64xf32, #tpu.memory_space<vmem>> -> memref<1x8x64xf32, #tpu.memory_space<vmem>>
      %dma_start3A_568 = tpu.memref_squeeze %dma_start3A_567 : memref<1x8x64xf32, #tpu.memory_space<vmem>> -> memref<8x64xf32, #tpu.memory_space<vmem>>
      %dma_start3A_569 = arith.constant 0 : i32
      %dma_start3A_570 = tpu.memref_slice %arg5[%multiple_of3A_550, %dma_start3A_569] : memref<100000x64xf32, #tpu.memory_space<hbm>> -> memref<8x64xf32, #tpu.memory_space<hbm>>
      %dma_start3A_571 = arith.constant 0 : i32
      %dma_start3A_572 = arith.constant 0 : i32
      %dma_start3A_573 = tpu.memref_slice %arg13[%dma_start3A_564, %dma_start3A_571, %dma_start3A_572] : memref<16x8x64xf32, #tpu.memory_space<vmem>> -> memref<1x8x64xf32, #tpu.memory_space<vmem>>
      %dma_start3A_574 = tpu.memref_squeeze %dma_start3A_573 : memref<1x8x64xf32, #tpu.memory_space<vmem>> -> memref<8x64xf32, #tpu.memory_space<vmem>>
      %dma_start3A_575 = arith.constant 0 : i32
      %dma_start3A_576 = tpu.memref_slice %arg5[%multiple_of3A_550, %dma_start3A_575] : memref<100000x64xf32, #tpu.memory_space<hbm>> -> memref<8x64xf32, #tpu.memory_space<hbm>>
      tpu.enqueue_dma source(%dma_start3A_576 : memref<8x64xf32, #tpu.memory_space<hbm>>) target(%dma_start3A_574 : memref<8x64xf32, #tpu.memory_space<vmem>>) target_semaphore(%arg19 : memref<!tpu.dma_semaphore, #tpu.memory_space<semaphore_mem>>)
      %slice3A_577 = vector.extract_strided_slice %and3A_537 {offsets = [1], sizes = [1], strides = [1]} : vector<16xi32> to vector<1xi32>
      %squeeze3A_578 = vector.extract %slice3A_577[0] : i32 from vector<1xi32>
      %multiple_of3A_579 = tpu.assume_multiple %squeeze3A_578, 8 : i32
      %slice3A_580 = vector.extract_strided_slice %and3A_544 {offsets = [1], sizes = [1], strides = [1]} : vector<16xi32> to vector<1xi32>
      %squeeze3A_581 = vector.extract %slice3A_580[0] : i32 from vector<1xi32>
      %multiple_of3A_582 = tpu.assume_multiple %squeeze3A_581, 8 : i32
      %dma_start3A_583 = arith.constant 1 : i32
      %dma_start3A_584 = arith.constant 0 : i32
      %dma_start3A_585 = arith.constant 0 : i32
      %dma_start3A_586 = tpu.memref_slice %arg11[%dma_start3A_583, %dma_start3A_584, %dma_start3A_585] : memref<16x8x64xf32, #tpu.memory_space<vmem>> -> memref<1x8x64xf32, #tpu.memory_space<vmem>>
      %dma_start3A_587 = tpu.memref_squeeze %dma_start3A_586 : memref<1x8x64xf32, #tpu.memory_space<vmem>> -> memref<8x64xf32, #tpu.memory_space<vmem>>
      %dma_start3A_588 = arith.constant 0 : i32
      %dma_start3A_589 = tpu.memref_slice %arg4[%multiple_of3A_579, %dma_start3A_588] : memref<1000000x64xf32, #tpu.memory_space<hbm>> -> memref<8x64xf32, #tpu.memory_space<hbm>>
      %dma_start3A_590 = arith.constant 0 : i32
      %dma_start3A_591 = arith.constant 0 : i32
      %dma_start3A_592 = tpu.memref_slice %arg11[%dma_start3A_583, %dma_start3A_590, %dma_start3A_591] : memref<16x8x64xf32, #tpu.memory_space<vmem>> -> memref<1x8x64xf32, #tpu.memory_space<vmem>>
      %dma_start3A_593 = tpu.memref_squeeze %dma_start3A_592 : memref<1x8x64xf32, #tpu.memory_space<vmem>> -> memref<8x64xf32, #tpu.memory_space<vmem>>
      %dma_start3A_594 = arith.constant 0 : i32
      %dma_start3A_595 = tpu.memref_slice %arg4[%multiple_of3A_579, %dma_start3A_594] : memref<1000000x64xf32, #tpu.memory_space<hbm>> -> memref<8x64xf32, #tpu.memory_space<hbm>>
      tpu.enqueue_dma source(%dma_start3A_595 : memref<8x64xf32, #tpu.memory_space<hbm>>) target(%dma_start3A_593 : memref<8x64xf32, #tpu.memory_space<vmem>>) target_semaphore(%arg17 : memref<!tpu.dma_semaphore, #tpu.memory_space<semaphore_mem>>)
      %dma_start3A_596 = arith.constant 1 : i32
      %dma_start3A_597 = arith.constant 0 : i32
      %dma_start3A_598 = arith.constant 0 : i32
      %dma_start3A_599 = tpu.memref_slice %arg13[%dma_start3A_596, %dma_start3A_597, %dma_start3A_598] : memref<16x8x64xf32, #tpu.memory_space<vmem>> -> memref<1x8x64xf32, #tpu.memory_space<vmem>>
      %dma_start3A_600 = tpu.memref_squeeze %dma_start3A_599 : memref<1x8x64xf32, #tpu.memory_space<vmem>> -> memref<8x64xf32, #tpu.memory_space<vmem>>
      %dma_start3A_601 = arith.constant 0 : i32
      %dma_start3A_602 = tpu.memref_slice %arg5[%multiple_of3A_582, %dma_start3A_601] : memref<100000x64xf32, #tpu.memory_space<hbm>> -> memref<8x64xf32, #tpu.memory_space<hbm>>
      %dma_start3A_603 = arith.constant 0 : i32
      %dma_start3A_604 = arith.constant 0 : i32
      %dma_start3A_605 = tpu.memref_slice %arg13[%dma_start3A_596, %dma_start3A_603, %dma_start3A_604] : memref<16x8x64xf32, #tpu.memory_space<vmem>> -> memref<1x8x64xf32, #tpu.memory_space<vmem>>
      %dma_start3A_606 = tpu.memref_squeeze %dma_start3A_605 : memref<1x8x64xf32, #tpu.memory_space<vmem>> -> memref<8x64xf32, #tpu.memory_space<vmem>>
      %dma_start3A_607 = arith.constant 0 : i32
      %dma_start3A_608 = tpu.memref_slice %arg5[%multiple_of3A_582, %dma_start3A_607] : memref<100000x64xf32, #tpu.memory_space<hbm>> -> memref<8x64xf32, #tpu.memory_space<hbm>>
      tpu.enqueue_dma source(%dma_start3A_608 : memref<8x64xf32, #tpu.memory_space<hbm>>) target(%dma_start3A_606 : memref<8x64xf32, #tpu.memory_space<vmem>>) target_semaphore(%arg19 : memref<!tpu.dma_semaphore, #tpu.memory_space<semaphore_mem>>)
      %slice3A_609 = vector.extract_strided_slice %and3A_537 {offsets = [2], sizes = [1], strides = [1]} : vector<16xi32> to vector<1xi32>
      %squeeze3A_610 = vector.extract %slice3A_609[0] : i32 from vector<1xi32>
      %multiple_of3A_611 = tpu.assume_multiple %squeeze3A_610, 8 : i32
      %slice3A_612 = vector.extract_strided_slice %and3A_544 {offsets = [2], sizes = [1], strides = [1]} : vector<16xi32> to vector<1xi32>
      %squeeze3A_613 = vector.extract %slice3A_612[0] : i32 from vector<1xi32>
      %multiple_of3A_614 = tpu.assume_multiple %squeeze3A_613, 8 : i32
      %dma_start3A_615 = arith.constant 2 : i32
      %dma_start3A_616 = arith.constant 0 : i32
      %dma_start3A_617 = arith.constant 0 : i32
      %dma_start3A_618 = tpu.memref_slice %arg11[%dma_start3A_615, %dma_start3A_616, %dma_start3A_617] : memref<16x8x64xf32, #tpu.memory_space<vmem>> -> memref<1x8x64xf32, #tpu.memory_space<vmem>>
      %dma_start3A_619 = tpu.memref_squeeze %dma_start3A_618 : memref<1x8x64xf32, #tpu.memory_space<vmem>> -> memref<8x64xf32, #tpu.memory_space<vmem>>
      %dma_start3A_620 = arith.constant 0 : i32
      %dma_start3A_621 = tpu.memref_slice %arg4[%multiple_of3A_611, %dma_start3A_620] : memref<1000000x64xf32, #tpu.memory_space<hbm>> -> memref<8x64xf32, #tpu.memory_space<hbm>>
      %dma_start3A_622 = arith.constant 0 : i32
      %dma_start3A_623 = arith.constant 0 : i32
      %dma_start3A_624 = tpu.memref_slice %arg11[%dma_start3A_615, %dma_start3A_622, %dma_start3A_623] : memref<16x8x64xf32, #tpu.memory_space<vmem>> -> memref<1x8x64xf32, #tpu.memory_space<vmem>>
      %dma_start3A_625 = tpu.memref_squeeze %dma_start3A_624 : memref<1x8x64xf32, #tpu.memory_space<vmem>> -> memref<8x64xf32, #tpu.memory_space<vmem>>
      %dma_start3A_626 = arith.constant 0 : i32
      %dma_start3A_627 = tpu.memref_slice %arg4[%multiple_of3A_611, %dma_start3A_626] : memref<1000000x64xf32, #tpu.memory_space<hbm>> -> memref<8x64xf32, #tpu.memory_space<hbm>>
      tpu.enqueue_dma source(%dma_start3A_627 : memref<8x64xf32, #tpu.memory_space<hbm>>) target(%dma_start3A_625 : memref<8x64xf32, #tpu.memory_space<vmem>>) target_semaphore(%arg17 : memref<!tpu.dma_semaphore, #tpu.memory_space<semaphore_mem>>)
      %dma_start3A_628 = arith.constant 2 : i32
      %dma_start3A_629 = arith.constant 0 : i32
      %dma_start3A_630 = arith.constant 0 : i32
      %dma_start3A_631 = tpu.memref_slice %arg13[%dma_start3A_628, %dma_start3A_629, %dma_start3A_630] : memref<16x8x64xf32, #tpu.memory_space<vmem>> -> memref<1x8x64xf32, #tpu.memory_space<vmem>>
      %dma_start3A_632 = tpu.memref_squeeze %dma_start3A_631 : memref<1x8x64xf32, #tpu.memory_space<vmem>> -> memref<8x64xf32, #tpu.memory_space<vmem>>
      %dma_start3A_633 = arith.constant 0 : i32
      %dma_start3A_634 = tpu.memref_slice %arg5[%multiple_of3A_614, %dma_start3A_633] : memref<100000x64xf32, #tpu.memory_space<hbm>> -> memref<8x64xf32, #tpu.memory_space<hbm>>
      %dma_start3A_635 = arith.constant 0 : i32
      %dma_start3A_636 = arith.constant 0 : i32
      %dma_start3A_637 = tpu.memref_slice %arg13[%dma_start3A_628, %dma_start3A_635, %dma_start3A_636] : memref<16x8x64xf32, #tpu.memory_space<vmem>> -> memref<1x8x64xf32, #tpu.memory_space<vmem>>
      %dma_start3A_638 = tpu.memref_squeeze %dma_start3A_637 : memref<1x8x64xf32, #tpu.memory_space<vmem>> -> memref<8x64xf32, #tpu.memory_space<vmem>>
      %dma_start3A_639 = arith.constant 0 : i32
      %dma_start3A_640 = tpu.memref_slice %arg5[%multiple_of3A_614, %dma_start3A_639] : memref<100000x64xf32, #tpu.memory_space<hbm>> -> memref<8x64xf32, #tpu.memory_space<hbm>>
      tpu.enqueue_dma source(%dma_start3A_640 : memref<8x64xf32, #tpu.memory_space<hbm>>) target(%dma_start3A_638 : memref<8x64xf32, #tpu.memory_space<vmem>>) target_semaphore(%arg19 : memref<!tpu.dma_semaphore, #tpu.memory_space<semaphore_mem>>)
      %slice3A_641 = vector.extract_strided_slice %and3A_537 {offsets = [3], sizes = [1], strides = [1]} : vector<16xi32> to vector<1xi32>
      %squeeze3A_642 = vector.extract %slice3A_641[0] : i32 from vector<1xi32>
      %multiple_of3A_643 = tpu.assume_multiple %squeeze3A_642, 8 : i32
      %slice3A_644 = vector.extract_strided_slice %and3A_544 {offsets = [3], sizes = [1], strides = [1]} : vector<16xi32> to vector<1xi32>
      %squeeze3A_645 = vector.extract %slice3A_644[0] : i32 from vector<1xi32>
      %multiple_of3A_646 = tpu.assume_multiple %squeeze3A_645, 8 : i32
      %dma_start3A_647 = arith.constant 3 : i32
      %dma_start3A_648 = arith.constant 0 : i32
      %dma_start3A_649 = arith.constant 0 : i32
      %dma_start3A_650 = tpu.memref_slice %arg11[%dma_start3A_647, %dma_start3A_648, %dma_start3A_649] : memref<16x8x64xf32, #tpu.memory_space<vmem>> -> memref<1x8x64xf32, #tpu.memory_space<vmem>>
      %dma_start3A_651 = tpu.memref_squeeze %dma_start3A_650 : memref<1x8x64xf32, #tpu.memory_space<vmem>> -> memref<8x64xf32, #tpu.memory_space<vmem>>
      %dma_start3A_652 = arith.constant 0 : i32
      %dma_start3A_653 = tpu.memref_slice %arg4[%multiple_of3A_643, %dma_start3A_652] : memref<1000000x64xf32, #tpu.memory_space<hbm>> -> memref<8x64xf32, #tpu.memory_space<hbm>>
      %dma_start3A_654 = arith.constant 0 : i32
      %dma_start3A_655 = arith.constant 0 : i32
      %dma_start3A_656 = tpu.memref_slice %arg11[%dma_start3A_647, %dma_start3A_654, %dma_start3A_655] : memref<16x8x64xf32, #tpu.memory_space<vmem>> -> memref<1x8x64xf32, #tpu.memory_space<vmem>>
      %dma_start3A_657 = tpu.memref_squeeze %dma_start3A_656 : memref<1x8x64xf32, #tpu.memory_space<vmem>> -> memref<8x64xf32, #tpu.memory_space<vmem>>
      %dma_start3A_658 = arith.constant 0 : i32
      %dma_start3A_659 = tpu.memref_slice %arg4[%multiple_of3A_643, %dma_start3A_658] : memref<1000000x64xf32, #tpu.memory_space<hbm>> -> memref<8x64xf32, #tpu.memory_space<hbm>>
      tpu.enqueue_dma source(%dma_start3A_659 : memref<8x64xf32, #tpu.memory_space<hbm>>) target(%dma_start3A_657 : memref<8x64xf32, #tpu.memory_space<vmem>>) target_semaphore(%arg17 : memref<!tpu.dma_semaphore, #tpu.memory_space<semaphore_mem>>)
      %dma_start3A_660 = arith.constant 3 : i32
      %dma_start3A_661 = arith.constant 0 : i32
      %dma_start3A_662 = arith.constant 0 : i32
      %dma_start3A_663 = tpu.memref_slice %arg13[%dma_start3A_660, %dma_start3A_661, %dma_start3A_662] : memref<16x8x64xf32, #tpu.memory_space<vmem>> -> memref<1x8x64xf32, #tpu.memory_space<vmem>>
      %dma_start3A_664 = tpu.memref_squeeze %dma_start3A_663 : memref<1x8x64xf32, #tpu.memory_space<vmem>> -> memref<8x64xf32, #tpu.memory_space<vmem>>
      %dma_start3A_665 = arith.constant 0 : i32
      %dma_start3A_666 = tpu.memref_slice %arg5[%multiple_of3A_646, %dma_start3A_665] : memref<100000x64xf32, #tpu.memory_space<hbm>> -> memref<8x64xf32, #tpu.memory_space<hbm>>
      %dma_start3A_667 = arith.constant 0 : i32
      %dma_start3A_668 = arith.constant 0 : i32
      %dma_start3A_669 = tpu.memref_slice %arg13[%dma_start3A_660, %dma_start3A_667, %dma_start3A_668] : memref<16x8x64xf32, #tpu.memory_space<vmem>> -> memref<1x8x64xf32, #tpu.memory_space<vmem>>
      %dma_start3A_670 = tpu.memref_squeeze %dma_start3A_669 : memref<1x8x64xf32, #tpu.memory_space<vmem>> -> memref<8x64xf32, #tpu.memory_space<vmem>>
      %dma_start3A_671 = arith.constant 0 : i32
      %dma_start3A_672 = tpu.memref_slice %arg5[%multiple_of3A_646, %dma_start3A_671] : memref<100000x64xf32, #tpu.memory_space<hbm>> -> memref<8x64xf32, #tpu.memory_space<hbm>>
      tpu.enqueue_dma source(%dma_start3A_672 : memref<8x64xf32, #tpu.memory_space<hbm>>) target(%dma_start3A_670 : memref<8x64xf32, #tpu.memory_space<vmem>>) target_semaphore(%arg19 : memref<!tpu.dma_semaphore, #tpu.memory_space<semaphore_mem>>)
      %slice3A_673 = vector.extract_strided_slice %and3A_537 {offsets = [4], sizes = [1], strides = [1]} : vector<16xi32> to vector<1xi32>
      %squeeze3A_674 = vector.extract %slice3A_673[0] : i32 from vector<1xi32>
      %multiple_of3A_675 = tpu.assume_multiple %squeeze3A_674, 8 : i32
      %slice3A_676 = vector.extract_strided_slice %and3A_544 {offsets = [4], sizes = [1], strides = [1]} : vector<16xi32> to vector<1xi32>
      %squeeze3A_677 = vector.extract %slice3A_676[0] : i32 from vector<1xi32>
      %multiple_of3A_678 = tpu.assume_multiple %squeeze3A_677, 8 : i32
      %dma_start3A_679 = arith.constant 4 : i32
      %dma_start3A_680 = arith.constant 0 : i32
      %dma_start3A_681 = arith.constant 0 : i32
      %dma_start3A_682 = tpu.memref_slice %arg11[%dma_start3A_679, %dma_start3A_680, %dma_start3A_681] : memref<16x8x64xf32, #tpu.memory_space<vmem>> -> memref<1x8x64xf32, #tpu.memory_space<vmem>>
      %dma_start3A_683 = tpu.memref_squeeze %dma_start3A_682 : memref<1x8x64xf32, #tpu.memory_space<vmem>> -> memref<8x64xf32, #tpu.memory_space<vmem>>
      %dma_start3A_684 = arith.constant 0 : i32
      %dma_start3A_685 = tpu.memref_slice %arg4[%multiple_of3A_675, %dma_start3A_684] : memref<1000000x64xf32, #tpu.memory_space<hbm>> -> memref<8x64xf32, #tpu.memory_space<hbm>>
      %dma_start3A_686 = arith.constant 0 : i32
      %dma_start3A_687 = arith.constant 0 : i32
      %dma_start3A_688 = tpu.memref_slice %arg11[%dma_start3A_679, %dma_start3A_686, %dma_start3A_687] : memref<16x8x64xf32, #tpu.memory_space<vmem>> -> memref<1x8x64xf32, #tpu.memory_space<vmem>>
      %dma_start3A_689 = tpu.memref_squeeze %dma_start3A_688 : memref<1x8x64xf32, #tpu.memory_space<vmem>> -> memref<8x64xf32, #tpu.memory_space<vmem>>
      %dma_start3A_690 = arith.constant 0 : i32
      %dma_start3A_691 = tpu.memref_slice %arg4[%multiple_of3A_675, %dma_start3A_690] : memref<1000000x64xf32, #tpu.memory_space<hbm>> -> memref<8x64xf32, #tpu.memory_space<hbm>>
      tpu.enqueue_dma source(%dma_start3A_691 : memref<8x64xf32, #tpu.memory_space<hbm>>) target(%dma_start3A_689 : memref<8x64xf32, #tpu.memory_space<vmem>>) target_semaphore(%arg17 : memref<!tpu.dma_semaphore, #tpu.memory_space<semaphore_mem>>)
      %dma_start3A_692 = arith.constant 4 : i32
      %dma_start3A_693 = arith.constant 0 : i32
      %dma_start3A_694 = arith.constant 0 : i32
      %dma_start3A_695 = tpu.memref_slice %arg13[%dma_start3A_692, %dma_start3A_693, %dma_start3A_694] : memref<16x8x64xf32, #tpu.memory_space<vmem>> -> memref<1x8x64xf32, #tpu.memory_space<vmem>>
      %dma_start3A_696 = tpu.memref_squeeze %dma_start3A_695 : memref<1x8x64xf32, #tpu.memory_space<vmem>> -> memref<8x64xf32, #tpu.memory_space<vmem>>
      %dma_start3A_697 = arith.constant 0 : i32
      %dma_start3A_698 = tpu.memref_slice %arg5[%multiple_of3A_678, %dma_start3A_697] : memref<100000x64xf32, #tpu.memory_space<hbm>> -> memref<8x64xf32, #tpu.memory_space<hbm>>
      %dma_start3A_699 = arith.constant 0 : i32
      %dma_start3A_700 = arith.constant 0 : i32
      %dma_start3A_701 = tpu.memref_slice %arg13[%dma_start3A_692, %dma_start3A_699, %dma_start3A_700] : memref<16x8x64xf32, #tpu.memory_space<vmem>> -> memref<1x8x64xf32, #tpu.memory_space<vmem>>
      %dma_start3A_702 = tpu.memref_squeeze %dma_start3A_701 : memref<1x8x64xf32, #tpu.memory_space<vmem>> -> memref<8x64xf32, #tpu.memory_space<vmem>>
      %dma_start3A_703 = arith.constant 0 : i32
      %dma_start3A_704 = tpu.memref_slice %arg5[%multiple_of3A_678, %dma_start3A_703] : memref<100000x64xf32, #tpu.memory_space<hbm>> -> memref<8x64xf32, #tpu.memory_space<hbm>>
      tpu.enqueue_dma source(%dma_start3A_704 : memref<8x64xf32, #tpu.memory_space<hbm>>) target(%dma_start3A_702 : memref<8x64xf32, #tpu.memory_space<vmem>>) target_semaphore(%arg19 : memref<!tpu.dma_semaphore, #tpu.memory_space<semaphore_mem>>)
      %slice3A_705 = vector.extract_strided_slice %and3A_537 {offsets = [5], sizes = [1], strides = [1]} : vector<16xi32> to vector<1xi32>
      %squeeze3A_706 = vector.extract %slice3A_705[0] : i32 from vector<1xi32>
      %multiple_of3A_707 = tpu.assume_multiple %squeeze3A_706, 8 : i32
      %slice3A_708 = vector.extract_strided_slice %and3A_544 {offsets = [5], sizes = [1], strides = [1]} : vector<16xi32> to vector<1xi32>
      %squeeze3A_709 = vector.extract %slice3A_708[0] : i32 from vector<1xi32>
      %multiple_of3A_710 = tpu.assume_multiple %squeeze3A_709, 8 : i32
      %dma_start3A_711 = arith.constant 5 : i32
      %dma_start3A_712 = arith.constant 0 : i32
      %dma_start3A_713 = arith.constant 0 : i32
      %dma_start3A_714 = tpu.memref_slice %arg11[%dma_start3A_711, %dma_start3A_712, %dma_start3A_713] : memref<16x8x64xf32, #tpu.memory_space<vmem>> -> memref<1x8x64xf32, #tpu.memory_space<vmem>>
      %dma_start3A_715 = tpu.memref_squeeze %dma_start3A_714 : memref<1x8x64xf32, #tpu.memory_space<vmem>> -> memref<8x64xf32, #tpu.memory_space<vmem>>
      %dma_start3A_716 = arith.constant 0 : i32
      %dma_start3A_717 = tpu.memref_slice %arg4[%multiple_of3A_707, %dma_start3A_716] : memref<1000000x64xf32, #tpu.memory_space<hbm>> -> memref<8x64xf32, #tpu.memory_space<hbm>>
      %dma_start3A_718 = arith.constant 0 : i32
      %dma_start3A_719 = arith.constant 0 : i32
      %dma_start3A_720 = tpu.memref_slice %arg11[%dma_start3A_711, %dma_start3A_718, %dma_start3A_719] : memref<16x8x64xf32, #tpu.memory_space<vmem>> -> memref<1x8x64xf32, #tpu.memory_space<vmem>>
      %dma_start3A_721 = tpu.memref_squeeze %dma_start3A_720 : memref<1x8x64xf32, #tpu.memory_space<vmem>> -> memref<8x64xf32, #tpu.memory_space<vmem>>
      %dma_start3A_722 = arith.constant 0 : i32
      %dma_start3A_723 = tpu.memref_slice %arg4[%multiple_of3A_707, %dma_start3A_722] : memref<1000000x64xf32, #tpu.memory_space<hbm>> -> memref<8x64xf32, #tpu.memory_space<hbm>>
      tpu.enqueue_dma source(%dma_start3A_723 : memref<8x64xf32, #tpu.memory_space<hbm>>) target(%dma_start3A_721 : memref<8x64xf32, #tpu.memory_space<vmem>>) target_semaphore(%arg17 : memref<!tpu.dma_semaphore, #tpu.memory_space<semaphore_mem>>)
      %dma_start3A_724 = arith.constant 5 : i32
      %dma_start3A_725 = arith.constant 0 : i32
      %dma_start3A_726 = arith.constant 0 : i32
      %dma_start3A_727 = tpu.memref_slice %arg13[%dma_start3A_724, %dma_start3A_725, %dma_start3A_726] : memref<16x8x64xf32, #tpu.memory_space<vmem>> -> memref<1x8x64xf32, #tpu.memory_space<vmem>>
      %dma_start3A_728 = tpu.memref_squeeze %dma_start3A_727 : memref<1x8x64xf32, #tpu.memory_space<vmem>> -> memref<8x64xf32, #tpu.memory_space<vmem>>
      %dma_start3A_729 = arith.constant 0 : i32
      %dma_start3A_730 = tpu.memref_slice %arg5[%multiple_of3A_710, %dma_start3A_729] : memref<100000x64xf32, #tpu.memory_space<hbm>> -> memref<8x64xf32, #tpu.memory_space<hbm>>
      %dma_start3A_731 = arith.constant 0 : i32
      %dma_start3A_732 = arith.constant 0 : i32
      %dma_start3A_733 = tpu.memref_slice %arg13[%dma_start3A_724, %dma_start3A_731, %dma_start3A_732] : memref<16x8x64xf32, #tpu.memory_space<vmem>> -> memref<1x8x64xf32, #tpu.memory_space<vmem>>
      %dma_start3A_734 = tpu.memref_squeeze %dma_start3A_733 : memref<1x8x64xf32, #tpu.memory_space<vmem>> -> memref<8x64xf32, #tpu.memory_space<vmem>>
      %dma_start3A_735 = arith.constant 0 : i32
      %dma_start3A_736 = tpu.memref_slice %arg5[%multiple_of3A_710, %dma_start3A_735] : memref<100000x64xf32, #tpu.memory_space<hbm>> -> memref<8x64xf32, #tpu.memory_space<hbm>>
      tpu.enqueue_dma source(%dma_start3A_736 : memref<8x64xf32, #tpu.memory_space<hbm>>) target(%dma_start3A_734 : memref<8x64xf32, #tpu.memory_space<vmem>>) target_semaphore(%arg19 : memref<!tpu.dma_semaphore, #tpu.memory_space<semaphore_mem>>)
      %slice3A_737 = vector.extract_strided_slice %and3A_537 {offsets = [6], sizes = [1], strides = [1]} : vector<16xi32> to vector<1xi32>
      %squeeze3A_738 = vector.extract %slice3A_737[0] : i32 from vector<1xi32>
      %multiple_of3A_739 = tpu.assume_multiple %squeeze3A_738, 8 : i32
      %slice3A_740 = vector.extract_strided_slice %and3A_544 {offsets = [6], sizes = [1], strides = [1]} : vector<16xi32> to vector<1xi32>
      %squeeze3A_741 = vector.extract %slice3A_740[0] : i32 from vector<1xi32>
      %multiple_of3A_742 = tpu.assume_multiple %squeeze3A_741, 8 : i32
      %dma_start3A_743 = arith.constant 6 : i32
      %dma_start3A_744 = arith.constant 0 : i32
      %dma_start3A_745 = arith.constant 0 : i32
      %dma_start3A_746 = tpu.memref_slice %arg11[%dma_start3A_743, %dma_start3A_744, %dma_start3A_745] : memref<16x8x64xf32, #tpu.memory_space<vmem>> -> memref<1x8x64xf32, #tpu.memory_space<vmem>>
      %dma_start3A_747 = tpu.memref_squeeze %dma_start3A_746 : memref<1x8x64xf32, #tpu.memory_space<vmem>> -> memref<8x64xf32, #tpu.memory_space<vmem>>
      %dma_start3A_748 = arith.constant 0 : i32
      %dma_start3A_749 = tpu.memref_slice %arg4[%multiple_of3A_739, %dma_start3A_748] : memref<1000000x64xf32, #tpu.memory_space<hbm>> -> memref<8x64xf32, #tpu.memory_space<hbm>>
      %dma_start3A_750 = arith.constant 0 : i32
      %dma_start3A_751 = arith.constant 0 : i32
      %dma_start3A_752 = tpu.memref_slice %arg11[%dma_start3A_743, %dma_start3A_750, %dma_start3A_751] : memref<16x8x64xf32, #tpu.memory_space<vmem>> -> memref<1x8x64xf32, #tpu.memory_space<vmem>>
      %dma_start3A_753 = tpu.memref_squeeze %dma_start3A_752 : memref<1x8x64xf32, #tpu.memory_space<vmem>> -> memref<8x64xf32, #tpu.memory_space<vmem>>
      %dma_start3A_754 = arith.constant 0 : i32
      %dma_start3A_755 = tpu.memref_slice %arg4[%multiple_of3A_739, %dma_start3A_754] : memref<1000000x64xf32, #tpu.memory_space<hbm>> -> memref<8x64xf32, #tpu.memory_space<hbm>>
      tpu.enqueue_dma source(%dma_start3A_755 : memref<8x64xf32, #tpu.memory_space<hbm>>) target(%dma_start3A_753 : memref<8x64xf32, #tpu.memory_space<vmem>>) target_semaphore(%arg17 : memref<!tpu.dma_semaphore, #tpu.memory_space<semaphore_mem>>)
      %dma_start3A_756 = arith.constant 6 : i32
      %dma_start3A_757 = arith.constant 0 : i32
      %dma_start3A_758 = arith.constant 0 : i32
      %dma_start3A_759 = tpu.memref_slice %arg13[%dma_start3A_756, %dma_start3A_757, %dma_start3A_758] : memref<16x8x64xf32, #tpu.memory_space<vmem>> -> memref<1x8x64xf32, #tpu.memory_space<vmem>>
      %dma_start3A_760 = tpu.memref_squeeze %dma_start3A_759 : memref<1x8x64xf32, #tpu.memory_space<vmem>> -> memref<8x64xf32, #tpu.memory_space<vmem>>
      %dma_start3A_761 = arith.constant 0 : i32
      %dma_start3A_762 = tpu.memref_slice %arg5[%multiple_of3A_742, %dma_start3A_761] : memref<100000x64xf32, #tpu.memory_space<hbm>> -> memref<8x64xf32, #tpu.memory_space<hbm>>
      %dma_start3A_763 = arith.constant 0 : i32
      %dma_start3A_764 = arith.constant 0 : i32
      %dma_start3A_765 = tpu.memref_slice %arg13[%dma_start3A_756, %dma_start3A_763, %dma_start3A_764] : memref<16x8x64xf32, #tpu.memory_space<vmem>> -> memref<1x8x64xf32, #tpu.memory_space<vmem>>
      %dma_start3A_766 = tpu.memref_squeeze %dma_start3A_765 : memref<1x8x64xf32, #tpu.memory_space<vmem>> -> memref<8x64xf32, #tpu.memory_space<vmem>>
      %dma_start3A_767 = arith.constant 0 : i32
      %dma_start3A_768 = tpu.memref_slice %arg5[%multiple_of3A_742, %dma_start3A_767] : memref<100000x64xf32, #tpu.memory_space<hbm>> -> memref<8x64xf32, #tpu.memory_space<hbm>>
      tpu.enqueue_dma source(%dma_start3A_768 : memref<8x64xf32, #tpu.memory_space<hbm>>) target(%dma_start3A_766 : memref<8x64xf32, #tpu.memory_space<vmem>>) target_semaphore(%arg19 : memref<!tpu.dma_semaphore, #tpu.memory_space<semaphore_mem>>)
      %slice3A_769 = vector.extract_strided_slice %and3A_537 {offsets = [7], sizes = [1], strides = [1]} : vector<16xi32> to vector<1xi32>
      %squeeze3A_770 = vector.extract %slice3A_769[0] : i32 from vector<1xi32>
      %multiple_of3A_771 = tpu.assume_multiple %squeeze3A_770, 8 : i32
      %slice3A_772 = vector.extract_strided_slice %and3A_544 {offsets = [7], sizes = [1], strides = [1]} : vector<16xi32> to vector<1xi32>
      %squeeze3A_773 = vector.extract %slice3A_772[0] : i32 from vector<1xi32>
      %multiple_of3A_774 = tpu.assume_multiple %squeeze3A_773, 8 : i32
      %dma_start3A_775 = arith.constant 7 : i32
      %dma_start3A_776 = arith.constant 0 : i32
      %dma_start3A_777 = arith.constant 0 : i32
      %dma_start3A_778 = tpu.memref_slice %arg11[%dma_start3A_775, %dma_start3A_776, %dma_start3A_777] : memref<16x8x64xf32, #tpu.memory_space<vmem>> -> memref<1x8x64xf32, #tpu.memory_space<vmem>>
      %dma_start3A_779 = tpu.memref_squeeze %dma_start3A_778 : memref<1x8x64xf32, #tpu.memory_space<vmem>> -> memref<8x64xf32, #tpu.memory_space<vmem>>
      %dma_start3A_780 = arith.constant 0 : i32
      %dma_start3A_781 = tpu.memref_slice %arg4[%multiple_of3A_771, %dma_start3A_780] : memref<1000000x64xf32, #tpu.memory_space<hbm>> -> memref<8x64xf32, #tpu.memory_space<hbm>>
      %dma_start3A_782 = arith.constant 0 : i32
      %dma_start3A_783 = arith.constant 0 : i32
      %dma_start3A_784 = tpu.memref_slice %arg11[%dma_start3A_775, %dma_start3A_782, %dma_start3A_783] : memref<16x8x64xf32, #tpu.memory_space<vmem>> -> memref<1x8x64xf32, #tpu.memory_space<vmem>>
      %dma_start3A_785 = tpu.memref_squeeze %dma_start3A_784 : memref<1x8x64xf32, #tpu.memory_space<vmem>> -> memref<8x64xf32, #tpu.memory_space<vmem>>
      %dma_start3A_786 = arith.constant 0 : i32
      %dma_start3A_787 = tpu.memref_slice %arg4[%multiple_of3A_771, %dma_start3A_786] : memref<1000000x64xf32, #tpu.memory_space<hbm>> -> memref<8x64xf32, #tpu.memory_space<hbm>>
      tpu.enqueue_dma source(%dma_start3A_787 : memref<8x64xf32, #tpu.memory_space<hbm>>) target(%dma_start3A_785 : memref<8x64xf32, #tpu.memory_space<vmem>>) target_semaphore(%arg17 : memref<!tpu.dma_semaphore, #tpu.memory_space<semaphore_mem>>)
      %dma_start3A_788 = arith.constant 7 : i32
      %dma_start3A_789 = arith.constant 0 : i32
      %dma_start3A_790 = arith.constant 0 : i32
      %dma_start3A_791 = tpu.memref_slice %arg13[%dma_start3A_788, %dma_start3A_789, %dma_start3A_790] : memref<16x8x64xf32, #tpu.memory_space<vmem>> -> memref<1x8x64xf32, #tpu.memory_space<vmem>>
      %dma_start3A_792 = tpu.memref_squeeze %dma_start3A_791 : memref<1x8x64xf32, #tpu.memory_space<vmem>> -> memref<8x64xf32, #tpu.memory_space<vmem>>
      %dma_start3A_793 = arith.constant 0 : i32
      %dma_start3A_794 = tpu.memref_slice %arg5[%multiple_of3A_774, %dma_start3A_793] : memref<100000x64xf32, #tpu.memory_space<hbm>> -> memref<8x64xf32, #tpu.memory_space<hbm>>
      %dma_start3A_795 = arith.constant 0 : i32
      %dma_start3A_796 = arith.constant 0 : i32
      %dma_start3A_797 = tpu.memref_slice %arg13[%dma_start3A_788, %dma_start3A_795, %dma_start3A_796] : memref<16x8x64xf32, #tpu.memory_space<vmem>> -> memref<1x8x64xf32, #tpu.memory_space<vmem>>
      %dma_start3A_798 = tpu.memref_squeeze %dma_start3A_797 : memref<1x8x64xf32, #tpu.memory_space<vmem>> -> memref<8x64xf32, #tpu.memory_space<vmem>>
      %dma_start3A_799 = arith.constant 0 : i32
      %dma_start3A_800 = tpu.memref_slice %arg5[%multiple_of3A_774, %dma_start3A_799] : memref<100000x64xf32, #tpu.memory_space<hbm>> -> memref<8x64xf32, #tpu.memory_space<hbm>>
      tpu.enqueue_dma source(%dma_start3A_800 : memref<8x64xf32, #tpu.memory_space<hbm>>) target(%dma_start3A_798 : memref<8x64xf32, #tpu.memory_space<vmem>>) target_semaphore(%arg19 : memref<!tpu.dma_semaphore, #tpu.memory_space<semaphore_mem>>)
      %slice3A_801 = vector.extract_strided_slice %and3A_537 {offsets = [8], sizes = [1], strides = [1]} : vector<16xi32> to vector<1xi32>
      %squeeze3A_802 = vector.extract %slice3A_801[0] : i32 from vector<1xi32>
      %multiple_of3A_803 = tpu.assume_multiple %squeeze3A_802, 8 : i32
      %slice3A_804 = vector.extract_strided_slice %and3A_544 {offsets = [8], sizes = [1], strides = [1]} : vector<16xi32> to vector<1xi32>
      %squeeze3A_805 = vector.extract %slice3A_804[0] : i32 from vector<1xi32>
      %multiple_of3A_806 = tpu.assume_multiple %squeeze3A_805, 8 : i32
      %dma_start3A_807 = arith.constant 8 : i32
      %dma_start3A_808 = arith.constant 0 : i32
      %dma_start3A_809 = arith.constant 0 : i32
      %dma_start3A_810 = tpu.memref_slice %arg11[%dma_start3A_807, %dma_start3A_808, %dma_start3A_809] : memref<16x8x64xf32, #tpu.memory_space<vmem>> -> memref<1x8x64xf32, #tpu.memory_space<vmem>>
      %dma_start3A_811 = tpu.memref_squeeze %dma_start3A_810 : memref<1x8x64xf32, #tpu.memory_space<vmem>> -> memref<8x64xf32, #tpu.memory_space<vmem>>
      %dma_start3A_812 = arith.constant 0 : i32
      %dma_start3A_813 = tpu.memref_slice %arg4[%multiple_of3A_803, %dma_start3A_812] : memref<1000000x64xf32, #tpu.memory_space<hbm>> -> memref<8x64xf32, #tpu.memory_space<hbm>>
      %dma_start3A_814 = arith.constant 0 : i32
      %dma_start3A_815 = arith.constant 0 : i32
      %dma_start3A_816 = tpu.memref_slice %arg11[%dma_start3A_807, %dma_start3A_814, %dma_start3A_815] : memref<16x8x64xf32, #tpu.memory_space<vmem>> -> memref<1x8x64xf32, #tpu.memory_space<vmem>>
      %dma_start3A_817 = tpu.memref_squeeze %dma_start3A_816 : memref<1x8x64xf32, #tpu.memory_space<vmem>> -> memref<8x64xf32, #tpu.memory_space<vmem>>
      %dma_start3A_818 = arith.constant 0 : i32
      %dma_start3A_819 = tpu.memref_slice %arg4[%multiple_of3A_803, %dma_start3A_818] : memref<1000000x64xf32, #tpu.memory_space<hbm>> -> memref<8x64xf32, #tpu.memory_space<hbm>>
      tpu.enqueue_dma source(%dma_start3A_819 : memref<8x64xf32, #tpu.memory_space<hbm>>) target(%dma_start3A_817 : memref<8x64xf32, #tpu.memory_space<vmem>>) target_semaphore(%arg17 : memref<!tpu.dma_semaphore, #tpu.memory_space<semaphore_mem>>)
      %dma_start3A_820 = arith.constant 8 : i32
      %dma_start3A_821 = arith.constant 0 : i32
      %dma_start3A_822 = arith.constant 0 : i32
      %dma_start3A_823 = tpu.memref_slice %arg13[%dma_start3A_820, %dma_start3A_821, %dma_start3A_822] : memref<16x8x64xf32, #tpu.memory_space<vmem>> -> memref<1x8x64xf32, #tpu.memory_space<vmem>>
      %dma_start3A_824 = tpu.memref_squeeze %dma_start3A_823 : memref<1x8x64xf32, #tpu.memory_space<vmem>> -> memref<8x64xf32, #tpu.memory_space<vmem>>
      %dma_start3A_825 = arith.constant 0 : i32
      %dma_start3A_826 = tpu.memref_slice %arg5[%multiple_of3A_806, %dma_start3A_825] : memref<100000x64xf32, #tpu.memory_space<hbm>> -> memref<8x64xf32, #tpu.memory_space<hbm>>
      %dma_start3A_827 = arith.constant 0 : i32
      %dma_start3A_828 = arith.constant 0 : i32
      %dma_start3A_829 = tpu.memref_slice %arg13[%dma_start3A_820, %dma_start3A_827, %dma_start3A_828] : memref<16x8x64xf32, #tpu.memory_space<vmem>> -> memref<1x8x64xf32, #tpu.memory_space<vmem>>
      %dma_start3A_830 = tpu.memref_squeeze %dma_start3A_829 : memref<1x8x64xf32, #tpu.memory_space<vmem>> -> memref<8x64xf32, #tpu.memory_space<vmem>>
      %dma_start3A_831 = arith.constant 0 : i32
      %dma_start3A_832 = tpu.memref_slice %arg5[%multiple_of3A_806, %dma_start3A_831] : memref<100000x64xf32, #tpu.memory_space<hbm>> -> memref<8x64xf32, #tpu.memory_space<hbm>>
      tpu.enqueue_dma source(%dma_start3A_832 : memref<8x64xf32, #tpu.memory_space<hbm>>) target(%dma_start3A_830 : memref<8x64xf32, #tpu.memory_space<vmem>>) target_semaphore(%arg19 : memref<!tpu.dma_semaphore, #tpu.memory_space<semaphore_mem>>)
      %slice3A_833 = vector.extract_strided_slice %and3A_537 {offsets = [9], sizes = [1], strides = [1]} : vector<16xi32> to vector<1xi32>
      %squeeze3A_834 = vector.extract %slice3A_833[0] : i32 from vector<1xi32>
      %multiple_of3A_835 = tpu.assume_multiple %squeeze3A_834, 8 : i32
      %slice3A_836 = vector.extract_strided_slice %and3A_544 {offsets = [9], sizes = [1], strides = [1]} : vector<16xi32> to vector<1xi32>
      %squeeze3A_837 = vector.extract %slice3A_836[0] : i32 from vector<1xi32>
      %multiple_of3A_838 = tpu.assume_multiple %squeeze3A_837, 8 : i32
      %dma_start3A_839 = arith.constant 9 : i32
      %dma_start3A_840 = arith.constant 0 : i32
      %dma_start3A_841 = arith.constant 0 : i32
      %dma_start3A_842 = tpu.memref_slice %arg11[%dma_start3A_839, %dma_start3A_840, %dma_start3A_841] : memref<16x8x64xf32, #tpu.memory_space<vmem>> -> memref<1x8x64xf32, #tpu.memory_space<vmem>>
      %dma_start3A_843 = tpu.memref_squeeze %dma_start3A_842 : memref<1x8x64xf32, #tpu.memory_space<vmem>> -> memref<8x64xf32, #tpu.memory_space<vmem>>
      %dma_start3A_844 = arith.constant 0 : i32
      %dma_start3A_845 = tpu.memref_slice %arg4[%multiple_of3A_835, %dma_start3A_844] : memref<1000000x64xf32, #tpu.memory_space<hbm>> -> memref<8x64xf32, #tpu.memory_space<hbm>>
      %dma_start3A_846 = arith.constant 0 : i32
      %dma_start3A_847 = arith.constant 0 : i32
      %dma_start3A_848 = tpu.memref_slice %arg11[%dma_start3A_839, %dma_start3A_846, %dma_start3A_847] : memref<16x8x64xf32, #tpu.memory_space<vmem>> -> memref<1x8x64xf32, #tpu.memory_space<vmem>>
      %dma_start3A_849 = tpu.memref_squeeze %dma_start3A_848 : memref<1x8x64xf32, #tpu.memory_space<vmem>> -> memref<8x64xf32, #tpu.memory_space<vmem>>
      %dma_start3A_850 = arith.constant 0 : i32
      %dma_start3A_851 = tpu.memref_slice %arg4[%multiple_of3A_835, %dma_start3A_850] : memref<1000000x64xf32, #tpu.memory_space<hbm>> -> memref<8x64xf32, #tpu.memory_space<hbm>>
      tpu.enqueue_dma source(%dma_start3A_851 : memref<8x64xf32, #tpu.memory_space<hbm>>) target(%dma_start3A_849 : memref<8x64xf32, #tpu.memory_space<vmem>>) target_semaphore(%arg17 : memref<!tpu.dma_semaphore, #tpu.memory_space<semaphore_mem>>)
      %dma_start3A_852 = arith.constant 9 : i32
      %dma_start3A_853 = arith.constant 0 : i32
      %dma_start3A_854 = arith.constant 0 : i32
      %dma_start3A_855 = tpu.memref_slice %arg13[%dma_start3A_852, %dma_start3A_853, %dma_start3A_854] : memref<16x8x64xf32, #tpu.memory_space<vmem>> -> memref<1x8x64xf32, #tpu.memory_space<vmem>>
      %dma_start3A_856 = tpu.memref_squeeze %dma_start3A_855 : memref<1x8x64xf32, #tpu.memory_space<vmem>> -> memref<8x64xf32, #tpu.memory_space<vmem>>
      %dma_start3A_857 = arith.constant 0 : i32
      %dma_start3A_858 = tpu.memref_slice %arg5[%multiple_of3A_838, %dma_start3A_857] : memref<100000x64xf32, #tpu.memory_space<hbm>> -> memref<8x64xf32, #tpu.memory_space<hbm>>
      %dma_start3A_859 = arith.constant 0 : i32
      %dma_start3A_860 = arith.constant 0 : i32
      %dma_start3A_861 = tpu.memref_slice %arg13[%dma_start3A_852, %dma_start3A_859, %dma_start3A_860] : memref<16x8x64xf32, #tpu.memory_space<vmem>> -> memref<1x8x64xf32, #tpu.memory_space<vmem>>
      %dma_start3A_862 = tpu.memref_squeeze %dma_start3A_861 : memref<1x8x64xf32, #tpu.memory_space<vmem>> -> memref<8x64xf32, #tpu.memory_space<vmem>>
      %dma_start3A_863 = arith.constant 0 : i32
      %dma_start3A_864 = tpu.memref_slice %arg5[%multiple_of3A_838, %dma_start3A_863] : memref<100000x64xf32, #tpu.memory_space<hbm>> -> memref<8x64xf32, #tpu.memory_space<hbm>>
      tpu.enqueue_dma source(%dma_start3A_864 : memref<8x64xf32, #tpu.memory_space<hbm>>) target(%dma_start3A_862 : memref<8x64xf32, #tpu.memory_space<vmem>>) target_semaphore(%arg19 : memref<!tpu.dma_semaphore, #tpu.memory_space<semaphore_mem>>)
      %slice3A_865 = vector.extract_strided_slice %and3A_537 {offsets = [10], sizes = [1], strides = [1]} : vector<16xi32> to vector<1xi32>
      %squeeze3A_866 = vector.extract %slice3A_865[0] : i32 from vector<1xi32>
      %multiple_of3A_867 = tpu.assume_multiple %squeeze3A_866, 8 : i32
      %slice3A_868 = vector.extract_strided_slice %and3A_544 {offsets = [10], sizes = [1], strides = [1]} : vector<16xi32> to vector<1xi32>
      %squeeze3A_869 = vector.extract %slice3A_868[0] : i32 from vector<1xi32>
      %multiple_of3A_870 = tpu.assume_multiple %squeeze3A_869, 8 : i32
      %dma_start3A_871 = arith.constant 10 : i32
      %dma_start3A_872 = arith.constant 0 : i32
      %dma_start3A_873 = arith.constant 0 : i32
      %dma_start3A_874 = tpu.memref_slice %arg11[%dma_start3A_871, %dma_start3A_872, %dma_start3A_873] : memref<16x8x64xf32, #tpu.memory_space<vmem>> -> memref<1x8x64xf32, #tpu.memory_space<vmem>>
      %dma_start3A_875 = tpu.memref_squeeze %dma_start3A_874 : memref<1x8x64xf32, #tpu.memory_space<vmem>> -> memref<8x64xf32, #tpu.memory_space<vmem>>
      %dma_start3A_876 = arith.constant 0 : i32
      %dma_start3A_877 = tpu.memref_slice %arg4[%multiple_of3A_867, %dma_start3A_876] : memref<1000000x64xf32, #tpu.memory_space<hbm>> -> memref<8x64xf32, #tpu.memory_space<hbm>>
      %dma_start3A_878 = arith.constant 0 : i32
      %dma_start3A_879 = arith.constant 0 : i32
      %dma_start3A_880 = tpu.memref_slice %arg11[%dma_start3A_871, %dma_start3A_878, %dma_start3A_879] : memref<16x8x64xf32, #tpu.memory_space<vmem>> -> memref<1x8x64xf32, #tpu.memory_space<vmem>>
      %dma_start3A_881 = tpu.memref_squeeze %dma_start3A_880 : memref<1x8x64xf32, #tpu.memory_space<vmem>> -> memref<8x64xf32, #tpu.memory_space<vmem>>
      %dma_start3A_882 = arith.constant 0 : i32
      %dma_start3A_883 = tpu.memref_slice %arg4[%multiple_of3A_867, %dma_start3A_882] : memref<1000000x64xf32, #tpu.memory_space<hbm>> -> memref<8x64xf32, #tpu.memory_space<hbm>>
      tpu.enqueue_dma source(%dma_start3A_883 : memref<8x64xf32, #tpu.memory_space<hbm>>) target(%dma_start3A_881 : memref<8x64xf32, #tpu.memory_space<vmem>>) target_semaphore(%arg17 : memref<!tpu.dma_semaphore, #tpu.memory_space<semaphore_mem>>)
      %dma_start3A_884 = arith.constant 10 : i32
      %dma_start3A_885 = arith.constant 0 : i32
      %dma_start3A_886 = arith.constant 0 : i32
      %dma_start3A_887 = tpu.memref_slice %arg13[%dma_start3A_884, %dma_start3A_885, %dma_start3A_886] : memref<16x8x64xf32, #tpu.memory_space<vmem>> -> memref<1x8x64xf32, #tpu.memory_space<vmem>>
      %dma_start3A_888 = tpu.memref_squeeze %dma_start3A_887 : memref<1x8x64xf32, #tpu.memory_space<vmem>> -> memref<8x64xf32, #tpu.memory_space<vmem>>
      %dma_start3A_889 = arith.constant 0 : i32
      %dma_start3A_890 = tpu.memref_slice %arg5[%multiple_of3A_870, %dma_start3A_889] : memref<100000x64xf32, #tpu.memory_space<hbm>> -> memref<8x64xf32, #tpu.memory_space<hbm>>
      %dma_start3A_891 = arith.constant 0 : i32
      %dma_start3A_892 = arith.constant 0 : i32
      %dma_start3A_893 = tpu.memref_slice %arg13[%dma_start3A_884, %dma_start3A_891, %dma_start3A_892] : memref<16x8x64xf32, #tpu.memory_space<vmem>> -> memref<1x8x64xf32, #tpu.memory_space<vmem>>
      %dma_start3A_894 = tpu.memref_squeeze %dma_start3A_893 : memref<1x8x64xf32, #tpu.memory_space<vmem>> -> memref<8x64xf32, #tpu.memory_space<vmem>>
      %dma_start3A_895 = arith.constant 0 : i32
      %dma_start3A_896 = tpu.memref_slice %arg5[%multiple_of3A_870, %dma_start3A_895] : memref<100000x64xf32, #tpu.memory_space<hbm>> -> memref<8x64xf32, #tpu.memory_space<hbm>>
      tpu.enqueue_dma source(%dma_start3A_896 : memref<8x64xf32, #tpu.memory_space<hbm>>) target(%dma_start3A_894 : memref<8x64xf32, #tpu.memory_space<vmem>>) target_semaphore(%arg19 : memref<!tpu.dma_semaphore, #tpu.memory_space<semaphore_mem>>)
      %slice3A_897 = vector.extract_strided_slice %and3A_537 {offsets = [11], sizes = [1], strides = [1]} : vector<16xi32> to vector<1xi32>
      %squeeze3A_898 = vector.extract %slice3A_897[0] : i32 from vector<1xi32>
      %multiple_of3A_899 = tpu.assume_multiple %squeeze3A_898, 8 : i32
      %slice3A_900 = vector.extract_strided_slice %and3A_544 {offsets = [11], sizes = [1], strides = [1]} : vector<16xi32> to vector<1xi32>
      %squeeze3A_901 = vector.extract %slice3A_900[0] : i32 from vector<1xi32>
      %multiple_of3A_902 = tpu.assume_multiple %squeeze3A_901, 8 : i32
      %dma_start3A_903 = arith.constant 11 : i32
      %dma_start3A_904 = arith.constant 0 : i32
      %dma_start3A_905 = arith.constant 0 : i32
      %dma_start3A_906 = tpu.memref_slice %arg11[%dma_start3A_903, %dma_start3A_904, %dma_start3A_905] : memref<16x8x64xf32, #tpu.memory_space<vmem>> -> memref<1x8x64xf32, #tpu.memory_space<vmem>>
      %dma_start3A_907 = tpu.memref_squeeze %dma_start3A_906 : memref<1x8x64xf32, #tpu.memory_space<vmem>> -> memref<8x64xf32, #tpu.memory_space<vmem>>
      %dma_start3A_908 = arith.constant 0 : i32
      %dma_start3A_909 = tpu.memref_slice %arg4[%multiple_of3A_899, %dma_start3A_908] : memref<1000000x64xf32, #tpu.memory_space<hbm>> -> memref<8x64xf32, #tpu.memory_space<hbm>>
      %dma_start3A_910 = arith.constant 0 : i32
      %dma_start3A_911 = arith.constant 0 : i32
      %dma_start3A_912 = tpu.memref_slice %arg11[%dma_start3A_903, %dma_start3A_910, %dma_start3A_911] : memref<16x8x64xf32, #tpu.memory_space<vmem>> -> memref<1x8x64xf32, #tpu.memory_space<vmem>>
      %dma_start3A_913 = tpu.memref_squeeze %dma_start3A_912 : memref<1x8x64xf32, #tpu.memory_space<vmem>> -> memref<8x64xf32, #tpu.memory_space<vmem>>
      %dma_start3A_914 = arith.constant 0 : i32
      %dma_start3A_915 = tpu.memref_slice %arg4[%multiple_of3A_899, %dma_start3A_914] : memref<1000000x64xf32, #tpu.memory_space<hbm>> -> memref<8x64xf32, #tpu.memory_space<hbm>>
      tpu.enqueue_dma source(%dma_start3A_915 : memref<8x64xf32, #tpu.memory_space<hbm>>) target(%dma_start3A_913 : memref<8x64xf32, #tpu.memory_space<vmem>>) target_semaphore(%arg17 : memref<!tpu.dma_semaphore, #tpu.memory_space<semaphore_mem>>)
      %dma_start3A_916 = arith.constant 11 : i32
      %dma_start3A_917 = arith.constant 0 : i32
      %dma_start3A_918 = arith.constant 0 : i32
      %dma_start3A_919 = tpu.memref_slice %arg13[%dma_start3A_916, %dma_start3A_917, %dma_start3A_918] : memref<16x8x64xf32, #tpu.memory_space<vmem>> -> memref<1x8x64xf32, #tpu.memory_space<vmem>>
      %dma_start3A_920 = tpu.memref_squeeze %dma_start3A_919 : memref<1x8x64xf32, #tpu.memory_space<vmem>> -> memref<8x64xf32, #tpu.memory_space<vmem>>
      %dma_start3A_921 = arith.constant 0 : i32
      %dma_start3A_922 = tpu.memref_slice %arg5[%multiple_of3A_902, %dma_start3A_921] : memref<100000x64xf32, #tpu.memory_space<hbm>> -> memref<8x64xf32, #tpu.memory_space<hbm>>
      %dma_start3A_923 = arith.constant 0 : i32
      %dma_start3A_924 = arith.constant 0 : i32
      %dma_start3A_925 = tpu.memref_slice %arg13[%dma_start3A_916, %dma_start3A_923, %dma_start3A_924] : memref<16x8x64xf32, #tpu.memory_space<vmem>> -> memref<1x8x64xf32, #tpu.memory_space<vmem>>
      %dma_start3A_926 = tpu.memref_squeeze %dma_start3A_925 : memref<1x8x64xf32, #tpu.memory_space<vmem>> -> memref<8x64xf32, #tpu.memory_space<vmem>>
      %dma_start3A_927 = arith.constant 0 : i32
      %dma_start3A_928 = tpu.memref_slice %arg5[%multiple_of3A_902, %dma_start3A_927] : memref<100000x64xf32, #tpu.memory_space<hbm>> -> memref<8x64xf32, #tpu.memory_space<hbm>>
      tpu.enqueue_dma source(%dma_start3A_928 : memref<8x64xf32, #tpu.memory_space<hbm>>) target(%dma_start3A_926 : memref<8x64xf32, #tpu.memory_space<vmem>>) target_semaphore(%arg19 : memref<!tpu.dma_semaphore, #tpu.memory_space<semaphore_mem>>)
      %slice3A_929 = vector.extract_strided_slice %and3A_537 {offsets = [12], sizes = [1], strides = [1]} : vector<16xi32> to vector<1xi32>
      %squeeze3A_930 = vector.extract %slice3A_929[0] : i32 from vector<1xi32>
      %multiple_of3A_931 = tpu.assume_multiple %squeeze3A_930, 8 : i32
      %slice3A_932 = vector.extract_strided_slice %and3A_544 {offsets = [12], sizes = [1], strides = [1]} : vector<16xi32> to vector<1xi32>
      %squeeze3A_933 = vector.extract %slice3A_932[0] : i32 from vector<1xi32>
      %multiple_of3A_934 = tpu.assume_multiple %squeeze3A_933, 8 : i32
      %dma_start3A_935 = arith.constant 12 : i32
      %dma_start3A_936 = arith.constant 0 : i32
      %dma_start3A_937 = arith.constant 0 : i32
      %dma_start3A_938 = tpu.memref_slice %arg11[%dma_start3A_935, %dma_start3A_936, %dma_start3A_937] : memref<16x8x64xf32, #tpu.memory_space<vmem>> -> memref<1x8x64xf32, #tpu.memory_space<vmem>>
      %dma_start3A_939 = tpu.memref_squeeze %dma_start3A_938 : memref<1x8x64xf32, #tpu.memory_space<vmem>> -> memref<8x64xf32, #tpu.memory_space<vmem>>
      %dma_start3A_940 = arith.constant 0 : i32
      %dma_start3A_941 = tpu.memref_slice %arg4[%multiple_of3A_931, %dma_start3A_940] : memref<1000000x64xf32, #tpu.memory_space<hbm>> -> memref<8x64xf32, #tpu.memory_space<hbm>>
      %dma_start3A_942 = arith.constant 0 : i32
      %dma_start3A_943 = arith.constant 0 : i32
      %dma_start3A_944 = tpu.memref_slice %arg11[%dma_start3A_935, %dma_start3A_942, %dma_start3A_943] : memref<16x8x64xf32, #tpu.memory_space<vmem>> -> memref<1x8x64xf32, #tpu.memory_space<vmem>>
      %dma_start3A_945 = tpu.memref_squeeze %dma_start3A_944 : memref<1x8x64xf32, #tpu.memory_space<vmem>> -> memref<8x64xf32, #tpu.memory_space<vmem>>
      %dma_start3A_946 = arith.constant 0 : i32
      %dma_start3A_947 = tpu.memref_slice %arg4[%multiple_of3A_931, %dma_start3A_946] : memref<1000000x64xf32, #tpu.memory_space<hbm>> -> memref<8x64xf32, #tpu.memory_space<hbm>>
      tpu.enqueue_dma source(%dma_start3A_947 : memref<8x64xf32, #tpu.memory_space<hbm>>) target(%dma_start3A_945 : memref<8x64xf32, #tpu.memory_space<vmem>>) target_semaphore(%arg17 : memref<!tpu.dma_semaphore, #tpu.memory_space<semaphore_mem>>)
      %dma_start3A_948 = arith.constant 12 : i32
      %dma_start3A_949 = arith.constant 0 : i32
      %dma_start3A_950 = arith.constant 0 : i32
      %dma_start3A_951 = tpu.memref_slice %arg13[%dma_start3A_948, %dma_start3A_949, %dma_start3A_950] : memref<16x8x64xf32, #tpu.memory_space<vmem>> -> memref<1x8x64xf32, #tpu.memory_space<vmem>>
      %dma_start3A_952 = tpu.memref_squeeze %dma_start3A_951 : memref<1x8x64xf32, #tpu.memory_space<vmem>> -> memref<8x64xf32, #tpu.memory_space<vmem>>
      %dma_start3A_953 = arith.constant 0 : i32
      %dma_start3A_954 = tpu.memref_slice %arg5[%multiple_of3A_934, %dma_start3A_953] : memref<100000x64xf32, #tpu.memory_space<hbm>> -> memref<8x64xf32, #tpu.memory_space<hbm>>
      %dma_start3A_955 = arith.constant 0 : i32
      %dma_start3A_956 = arith.constant 0 : i32
      %dma_start3A_957 = tpu.memref_slice %arg13[%dma_start3A_948, %dma_start3A_955, %dma_start3A_956] : memref<16x8x64xf32, #tpu.memory_space<vmem>> -> memref<1x8x64xf32, #tpu.memory_space<vmem>>
      %dma_start3A_958 = tpu.memref_squeeze %dma_start3A_957 : memref<1x8x64xf32, #tpu.memory_space<vmem>> -> memref<8x64xf32, #tpu.memory_space<vmem>>
      %dma_start3A_959 = arith.constant 0 : i32
      %dma_start3A_960 = tpu.memref_slice %arg5[%multiple_of3A_934, %dma_start3A_959] : memref<100000x64xf32, #tpu.memory_space<hbm>> -> memref<8x64xf32, #tpu.memory_space<hbm>>
      tpu.enqueue_dma source(%dma_start3A_960 : memref<8x64xf32, #tpu.memory_space<hbm>>) target(%dma_start3A_958 : memref<8x64xf32, #tpu.memory_space<vmem>>) target_semaphore(%arg19 : memref<!tpu.dma_semaphore, #tpu.memory_space<semaphore_mem>>)
      %slice3A_961 = vector.extract_strided_slice %and3A_537 {offsets = [13], sizes = [1], strides = [1]} : vector<16xi32> to vector<1xi32>
      %squeeze3A_962 = vector.extract %slice3A_961[0] : i32 from vector<1xi32>
      %multiple_of3A_963 = tpu.assume_multiple %squeeze3A_962, 8 : i32
      %slice3A_964 = vector.extract_strided_slice %and3A_544 {offsets = [13], sizes = [1], strides = [1]} : vector<16xi32> to vector<1xi32>
      %squeeze3A_965 = vector.extract %slice3A_964[0] : i32 from vector<1xi32>
      %multiple_of3A_966 = tpu.assume_multiple %squeeze3A_965, 8 : i32
      %dma_start3A_967 = arith.constant 13 : i32
      %dma_start3A_968 = arith.constant 0 : i32
      %dma_start3A_969 = arith.constant 0 : i32
      %dma_start3A_970 = tpu.memref_slice %arg11[%dma_start3A_967, %dma_start3A_968, %dma_start3A_969] : memref<16x8x64xf32, #tpu.memory_space<vmem>> -> memref<1x8x64xf32, #tpu.memory_space<vmem>>
      %dma_start3A_971 = tpu.memref_squeeze %dma_start3A_970 : memref<1x8x64xf32, #tpu.memory_space<vmem>> -> memref<8x64xf32, #tpu.memory_space<vmem>>
      %dma_start3A_972 = arith.constant 0 : i32
      %dma_start3A_973 = tpu.memref_slice %arg4[%multiple_of3A_963, %dma_start3A_972] : memref<1000000x64xf32, #tpu.memory_space<hbm>> -> memref<8x64xf32, #tpu.memory_space<hbm>>
      %dma_start3A_974 = arith.constant 0 : i32
      %dma_start3A_975 = arith.constant 0 : i32
      %dma_start3A_976 = tpu.memref_slice %arg11[%dma_start3A_967, %dma_start3A_974, %dma_start3A_975] : memref<16x8x64xf32, #tpu.memory_space<vmem>> -> memref<1x8x64xf32, #tpu.memory_space<vmem>>
      %dma_start3A_977 = tpu.memref_squeeze %dma_start3A_976 : memref<1x8x64xf32, #tpu.memory_space<vmem>> -> memref<8x64xf32, #tpu.memory_space<vmem>>
      %dma_start3A_978 = arith.constant 0 : i32
      %dma_start3A_979 = tpu.memref_slice %arg4[%multiple_of3A_963, %dma_start3A_978] : memref<1000000x64xf32, #tpu.memory_space<hbm>> -> memref<8x64xf32, #tpu.memory_space<hbm>>
      tpu.enqueue_dma source(%dma_start3A_979 : memref<8x64xf32, #tpu.memory_space<hbm>>) target(%dma_start3A_977 : memref<8x64xf32, #tpu.memory_space<vmem>>) target_semaphore(%arg17 : memref<!tpu.dma_semaphore, #tpu.memory_space<semaphore_mem>>)
      %dma_start3A_980 = arith.constant 13 : i32
      %dma_start3A_981 = arith.constant 0 : i32
      %dma_start3A_982 = arith.constant 0 : i32
      %dma_start3A_983 = tpu.memref_slice %arg13[%dma_start3A_980, %dma_start3A_981, %dma_start3A_982] : memref<16x8x64xf32, #tpu.memory_space<vmem>> -> memref<1x8x64xf32, #tpu.memory_space<vmem>>
      %dma_start3A_984 = tpu.memref_squeeze %dma_start3A_983 : memref<1x8x64xf32, #tpu.memory_space<vmem>> -> memref<8x64xf32, #tpu.memory_space<vmem>>
      %dma_start3A_985 = arith.constant 0 : i32
      %dma_start3A_986 = tpu.memref_slice %arg5[%multiple_of3A_966, %dma_start3A_985] : memref<100000x64xf32, #tpu.memory_space<hbm>> -> memref<8x64xf32, #tpu.memory_space<hbm>>
      %dma_start3A_987 = arith.constant 0 : i32
      %dma_start3A_988 = arith.constant 0 : i32
      %dma_start3A_989 = tpu.memref_slice %arg13[%dma_start3A_980, %dma_start3A_987, %dma_start3A_988] : memref<16x8x64xf32, #tpu.memory_space<vmem>> -> memref<1x8x64xf32, #tpu.memory_space<vmem>>
      %dma_start3A_990 = tpu.memref_squeeze %dma_start3A_989 : memref<1x8x64xf32, #tpu.memory_space<vmem>> -> memref<8x64xf32, #tpu.memory_space<vmem>>
      %dma_start3A_991 = arith.constant 0 : i32
      %dma_start3A_992 = tpu.memref_slice %arg5[%multiple_of3A_966, %dma_start3A_991] : memref<100000x64xf32, #tpu.memory_space<hbm>> -> memref<8x64xf32, #tpu.memory_space<hbm>>
      tpu.enqueue_dma source(%dma_start3A_992 : memref<8x64xf32, #tpu.memory_space<hbm>>) target(%dma_start3A_990 : memref<8x64xf32, #tpu.memory_space<vmem>>) target_semaphore(%arg19 : memref<!tpu.dma_semaphore, #tpu.memory_space<semaphore_mem>>)
      %slice3A_993 = vector.extract_strided_slice %and3A_537 {offsets = [14], sizes = [1], strides = [1]} : vector<16xi32> to vector<1xi32>
      %squeeze3A_994 = vector.extract %slice3A_993[0] : i32 from vector<1xi32>
      %multiple_of3A_995 = tpu.assume_multiple %squeeze3A_994, 8 : i32
      %slice3A_996 = vector.extract_strided_slice %and3A_544 {offsets = [14], sizes = [1], strides = [1]} : vector<16xi32> to vector<1xi32>
      %squeeze3A_997 = vector.extract %slice3A_996[0] : i32 from vector<1xi32>
      %multiple_of3A_998 = tpu.assume_multiple %squeeze3A_997, 8 : i32
      %dma_start3A_999 = arith.constant 14 : i32
      %dma_start3A_1000 = arith.constant 0 : i32
      %dma_start3A_1001 = arith.constant 0 : i32
      %dma_start3A_1002 = tpu.memref_slice %arg11[%dma_start3A_999, %dma_start3A_1000, %dma_start3A_1001] : memref<16x8x64xf32, #tpu.memory_space<vmem>> -> memref<1x8x64xf32, #tpu.memory_space<vmem>>
      %dma_start3A_1003 = tpu.memref_squeeze %dma_start3A_1002 : memref<1x8x64xf32, #tpu.memory_space<vmem>> -> memref<8x64xf32, #tpu.memory_space<vmem>>
      %dma_start3A_1004 = arith.constant 0 : i32
      %dma_start3A_1005 = tpu.memref_slice %arg4[%multiple_of3A_995, %dma_start3A_1004] : memref<1000000x64xf32, #tpu.memory_space<hbm>> -> memref<8x64xf32, #tpu.memory_space<hbm>>
      %dma_start3A_1006 = arith.constant 0 : i32
      %dma_start3A_1007 = arith.constant 0 : i32
      %dma_start3A_1008 = tpu.memref_slice %arg11[%dma_start3A_999, %dma_start3A_1006, %dma_start3A_1007] : memref<16x8x64xf32, #tpu.memory_space<vmem>> -> memref<1x8x64xf32, #tpu.memory_space<vmem>>
      %dma_start3A_1009 = tpu.memref_squeeze %dma_start3A_1008 : memref<1x8x64xf32, #tpu.memory_space<vmem>> -> memref<8x64xf32, #tpu.memory_space<vmem>>
      %dma_start3A_1010 = arith.constant 0 : i32
      %dma_start3A_1011 = tpu.memref_slice %arg4[%multiple_of3A_995, %dma_start3A_1010] : memref<1000000x64xf32, #tpu.memory_space<hbm>> -> memref<8x64xf32, #tpu.memory_space<hbm>>
      tpu.enqueue_dma source(%dma_start3A_1011 : memref<8x64xf32, #tpu.memory_space<hbm>>) target(%dma_start3A_1009 : memref<8x64xf32, #tpu.memory_space<vmem>>) target_semaphore(%arg17 : memref<!tpu.dma_semaphore, #tpu.memory_space<semaphore_mem>>)
      %dma_start3A_1012 = arith.constant 14 : i32
      %dma_start3A_1013 = arith.constant 0 : i32
      %dma_start3A_1014 = arith.constant 0 : i32
      %dma_start3A_1015 = tpu.memref_slice %arg13[%dma_start3A_1012, %dma_start3A_1013, %dma_start3A_1014] : memref<16x8x64xf32, #tpu.memory_space<vmem>> -> memref<1x8x64xf32, #tpu.memory_space<vmem>>
      %dma_start3A_1016 = tpu.memref_squeeze %dma_start3A_1015 : memref<1x8x64xf32, #tpu.memory_space<vmem>> -> memref<8x64xf32, #tpu.memory_space<vmem>>
      %dma_start3A_1017 = arith.constant 0 : i32
      %dma_start3A_1018 = tpu.memref_slice %arg5[%multiple_of3A_998, %dma_start3A_1017] : memref<100000x64xf32, #tpu.memory_space<hbm>> -> memref<8x64xf32, #tpu.memory_space<hbm>>
      %dma_start3A_1019 = arith.constant 0 : i32
      %dma_start3A_1020 = arith.constant 0 : i32
      %dma_start3A_1021 = tpu.memref_slice %arg13[%dma_start3A_1012, %dma_start3A_1019, %dma_start3A_1020] : memref<16x8x64xf32, #tpu.memory_space<vmem>> -> memref<1x8x64xf32, #tpu.memory_space<vmem>>
      %dma_start3A_1022 = tpu.memref_squeeze %dma_start3A_1021 : memref<1x8x64xf32, #tpu.memory_space<vmem>> -> memref<8x64xf32, #tpu.memory_space<vmem>>
      %dma_start3A_1023 = arith.constant 0 : i32
      %dma_start3A_1024 = tpu.memref_slice %arg5[%multiple_of3A_998, %dma_start3A_1023] : memref<100000x64xf32, #tpu.memory_space<hbm>> -> memref<8x64xf32, #tpu.memory_space<hbm>>
      tpu.enqueue_dma source(%dma_start3A_1024 : memref<8x64xf32, #tpu.memory_space<hbm>>) target(%dma_start3A_1022 : memref<8x64xf32, #tpu.memory_space<vmem>>) target_semaphore(%arg19 : memref<!tpu.dma_semaphore, #tpu.memory_space<semaphore_mem>>)
      %slice3A_1025 = vector.extract_strided_slice %and3A_537 {offsets = [15], sizes = [1], strides = [1]} : vector<16xi32> to vector<1xi32>
      %squeeze3A_1026 = vector.extract %slice3A_1025[0] : i32 from vector<1xi32>
      %multiple_of3A_1027 = tpu.assume_multiple %squeeze3A_1026, 8 : i32
      %slice3A_1028 = vector.extract_strided_slice %and3A_544 {offsets = [15], sizes = [1], strides = [1]} : vector<16xi32> to vector<1xi32>
      %squeeze3A_1029 = vector.extract %slice3A_1028[0] : i32 from vector<1xi32>
      %multiple_of3A_1030 = tpu.assume_multiple %squeeze3A_1029, 8 : i32
      %dma_start3A_1031 = arith.constant 15 : i32
      %dma_start3A_1032 = arith.constant 0 : i32
      %dma_start3A_1033 = arith.constant 0 : i32
      %dma_start3A_1034 = tpu.memref_slice %arg11[%dma_start3A_1031, %dma_start3A_1032, %dma_start3A_1033] : memref<16x8x64xf32, #tpu.memory_space<vmem>> -> memref<1x8x64xf32, #tpu.memory_space<vmem>>
      %dma_start3A_1035 = tpu.memref_squeeze %dma_start3A_1034 : memref<1x8x64xf32, #tpu.memory_space<vmem>> -> memref<8x64xf32, #tpu.memory_space<vmem>>
      %dma_start3A_1036 = arith.constant 0 : i32
      %dma_start3A_1037 = tpu.memref_slice %arg4[%multiple_of3A_1027, %dma_start3A_1036] : memref<1000000x64xf32, #tpu.memory_space<hbm>> -> memref<8x64xf32, #tpu.memory_space<hbm>>
      %dma_start3A_1038 = arith.constant 0 : i32
      %dma_start3A_1039 = arith.constant 0 : i32
      %dma_start3A_1040 = tpu.memref_slice %arg11[%dma_start3A_1031, %dma_start3A_1038, %dma_start3A_1039] : memref<16x8x64xf32, #tpu.memory_space<vmem>> -> memref<1x8x64xf32, #tpu.memory_space<vmem>>
      %dma_start3A_1041 = tpu.memref_squeeze %dma_start3A_1040 : memref<1x8x64xf32, #tpu.memory_space<vmem>> -> memref<8x64xf32, #tpu.memory_space<vmem>>
      %dma_start3A_1042 = arith.constant 0 : i32
      %dma_start3A_1043 = tpu.memref_slice %arg4[%multiple_of3A_1027, %dma_start3A_1042] : memref<1000000x64xf32, #tpu.memory_space<hbm>> -> memref<8x64xf32, #tpu.memory_space<hbm>>
      tpu.enqueue_dma source(%dma_start3A_1043 : memref<8x64xf32, #tpu.memory_space<hbm>>) target(%dma_start3A_1041 : memref<8x64xf32, #tpu.memory_space<vmem>>) target_semaphore(%arg17 : memref<!tpu.dma_semaphore, #tpu.memory_space<semaphore_mem>>)
      %dma_start3A_1044 = arith.constant 15 : i32
      %dma_start3A_1045 = arith.constant 0 : i32
      %dma_start3A_1046 = arith.constant 0 : i32
      %dma_start3A_1047 = tpu.memref_slice %arg13[%dma_start3A_1044, %dma_start3A_1045, %dma_start3A_1046] : memref<16x8x64xf32, #tpu.memory_space<vmem>> -> memref<1x8x64xf32, #tpu.memory_space<vmem>>
      %dma_start3A_1048 = tpu.memref_squeeze %dma_start3A_1047 : memref<1x8x64xf32, #tpu.memory_space<vmem>> -> memref<8x64xf32, #tpu.memory_space<vmem>>
      %dma_start3A_1049 = arith.constant 0 : i32
      %dma_start3A_1050 = tpu.memref_slice %arg5[%multiple_of3A_1030, %dma_start3A_1049] : memref<100000x64xf32, #tpu.memory_space<hbm>> -> memref<8x64xf32, #tpu.memory_space<hbm>>
      %dma_start3A_1051 = arith.constant 0 : i32
      %dma_start3A_1052 = arith.constant 0 : i32
      %dma_start3A_1053 = tpu.memref_slice %arg13[%dma_start3A_1044, %dma_start3A_1051, %dma_start3A_1052] : memref<16x8x64xf32, #tpu.memory_space<vmem>> -> memref<1x8x64xf32, #tpu.memory_space<vmem>>
      %dma_start3A_1054 = tpu.memref_squeeze %dma_start3A_1053 : memref<1x8x64xf32, #tpu.memory_space<vmem>> -> memref<8x64xf32, #tpu.memory_space<vmem>>
      %dma_start3A_1055 = arith.constant 0 : i32
      %dma_start3A_1056 = tpu.memref_slice %arg5[%multiple_of3A_1030, %dma_start3A_1055] : memref<100000x64xf32, #tpu.memory_space<hbm>> -> memref<8x64xf32, #tpu.memory_space<hbm>>
      tpu.enqueue_dma source(%dma_start3A_1056 : memref<8x64xf32, #tpu.memory_space<hbm>>) target(%dma_start3A_1054 : memref<8x64xf32, #tpu.memory_space<vmem>>) target_semaphore(%arg19 : memref<!tpu.dma_semaphore, #tpu.memory_space<semaphore_mem>>)
      tpu.wait_dma2 semaphore(%arg16 : memref<!tpu.dma_semaphore, #tpu.memory_space<semaphore_mem>>) src(%arg6 : memref<16x8x64xf32, #tpu.memory_space<hbm>>) dst(%arg10 : memref<16x8x64xf32, #tpu.memory_space<vmem>>)
      tpu.wait_dma2 semaphore(%arg18 : memref<!tpu.dma_semaphore, #tpu.memory_space<semaphore_mem>>) src(%arg6 : memref<16x8x64xf32, #tpu.memory_space<hbm>>) dst(%arg12 : memref<16x8x64xf32, #tpu.memory_space<vmem>>)
      %mul3A_1057 = arith.constant 16 : i32
      %mul3A_1058 = arith.muli %mul3A_528, %mul3A_1057 : i32
      %get3A_1059 = arith.index_cast %mul3A_1058 : i32 to index
      %get3A_1060 = tpu.vector_load %arg8[%get3A_1059] {strides = array<i32>} : memref<512xi32, #tpu.memory_space<vmem>>, vector<16xi32>,
      %and3A_1061 = arith.constant 7 : i32
      %and3A_1062 = vector.broadcast %and3A_1061 : i32 to vector<16xi32>
      %and3A_1063 = arith.andi %get3A_1060, %and3A_1062 : vector<16xi32>
      %mul3A_1064 = arith.constant 16 : i32
      %mul3A_1065 = arith.muli %mul3A_528, %mul3A_1064 : i32
      %get3A_1066 = arith.index_cast %mul3A_1065 : i32 to index
      %get3A_1067 = tpu.vector_load %arg9[%get3A_1066] {strides = array<i32>} : memref<512xi32, #tpu.memory_space<vmem>>, vector<16xi32>,
      %and3A_1068 = arith.constant 7 : i32
      %and3A_1069 = vector.broadcast %and3A_1068 : i32 to vector<16xi32>
      %and3A_1070 = arith.andi %get3A_1067, %and3A_1069 : vector<16xi32>
      %slice3A_1071 = vector.extract_strided_slice %and3A_1063 {offsets = [0], sizes = [1], strides = [1]} : vector<16xi32> to vector<1xi32>
      %squeeze3A_1072 = vector.extract %slice3A_1071[0] : i32 from vector<1xi32>
      %slice3A_1073 = vector.extract_strided_slice %and3A_1070 {offsets = [0], sizes = [1], strides = [1]} : vector<16xi32> to vector<1xi32>
      %squeeze3A_1074 = vector.extract %slice3A_1073[0] : i32 from vector<1xi32>
      %get3A_1075 = arith.constant 0 : i32
      %get3A_1076 = arith.index_cast %get3A_1075 : i32 to index
      %get3A_1077 = arith.index_cast %squeeze3A_1072 : i32 to index
      %get3A_1078 = arith.constant 0 : index
      %get3A_1079 = tpu.vector_load %arg10[%get3A_1076, %get3A_1077, %get3A_1078] {strides = array<i32>} : memref<16x8x64xf32, #tpu.memory_space<vmem>>, vector<16xf32>,
      %get3A_1080 = arith.constant 0 : i32
      %get3A_1081 = arith.index_cast %get3A_1080 : i32 to index
      %get3A_1082 = arith.index_cast %squeeze3A_1074 : i32 to index
      %get3A_1083 = arith.constant 0 : index
      %get3A_1084 = tpu.vector_load %arg12[%get3A_1081, %get3A_1082, %get3A_1083] {strides = array<i32>} : memref<16x8x64xf32, #tpu.memory_space<vmem>>, vector<16xf32>,
      %mul3A_1085 = arith.mulf %get3A_1079, %get3A_1084 : vector<16xf32>
      %get3A_1086 = arith.constant 0 : i32
      %get3A_1087 = arith.index_cast %get3A_1086 : i32 to index
      %get3A_1088 = arith.index_cast %squeeze3A_1072 : i32 to index
      %get3A_1089 = arith.constant 16 : index
      %get3A_1090 = tpu.vector_load %arg10[%get3A_1087, %get3A_1088, %get3A_1089] {strides = array<i32>} : memref<16x8x64xf32, #tpu.memory_space<vmem>>, vector<16xf32>,
      %get3A_1091 = arith.constant 0 : i32
      %get3A_1092 = arith.index_cast %get3A_1091 : i32 to index
      %get3A_1093 = arith.index_cast %squeeze3A_1074 : i32 to index
      %get3A_1094 = arith.constant 16 : index
      %get3A_1095 = tpu.vector_load %arg12[%get3A_1092, %get3A_1093, %get3A_1094] {strides = array<i32>} : memref<16x8x64xf32, #tpu.memory_space<vmem>>, vector<16xf32>,
      %mul3A_1096 = arith.mulf %get3A_1090, %get3A_1095 : vector<16xf32>
      %add3A_1097 = arith.addf %mul3A_1085, %mul3A_1096 : vector<16xf32>
      %get3A_1098 = arith.constant 0 : i32
      %get3A_1099 = arith.index_cast %get3A_1098 : i32 to index
      %get3A_1100 = arith.index_cast %squeeze3A_1072 : i32 to index
      %get3A_1101 = arith.constant 32 : index
      %get3A_1102 = tpu.vector_load %arg10[%get3A_1099, %get3A_1100, %get3A_1101] {strides = array<i32>} : memref<16x8x64xf32, #tpu.memory_space<vmem>>, vector<16xf32>,
      %get3A_1103 = arith.constant 0 : i32
      %get3A_1104 = arith.index_cast %get3A_1103 : i32 to index
      %get3A_1105 = arith.index_cast %squeeze3A_1074 : i32 to index
      %get3A_1106 = arith.constant 32 : index
      %get3A_1107 = tpu.vector_load %arg12[%get3A_1104, %get3A_1105, %get3A_1106] {strides = array<i32>} : memref<16x8x64xf32, #tpu.memory_space<vmem>>, vector<16xf32>,
      %mul3A_1108 = arith.mulf %get3A_1102, %get3A_1107 : vector<16xf32>
      %add3A_1109 = arith.addf %add3A_1097, %mul3A_1108 : vector<16xf32>
      %get3A_1110 = arith.constant 0 : i32
      %get3A_1111 = arith.index_cast %get3A_1110 : i32 to index
      %get3A_1112 = arith.index_cast %squeeze3A_1072 : i32 to index
      %get3A_1113 = arith.constant 48 : index
      %get3A_1114 = tpu.vector_load %arg10[%get3A_1111, %get3A_1112, %get3A_1113] {strides = array<i32>} : memref<16x8x64xf32, #tpu.memory_space<vmem>>, vector<16xf32>,
      %get3A_1115 = arith.constant 0 : i32
      %get3A_1116 = arith.index_cast %get3A_1115 : i32 to index
      %get3A_1117 = arith.index_cast %squeeze3A_1074 : i32 to index
      %get3A_1118 = arith.constant 48 : index
      %get3A_1119 = tpu.vector_load %arg12[%get3A_1116, %get3A_1117, %get3A_1118] {strides = array<i32>} : memref<16x8x64xf32, #tpu.memory_space<vmem>>, vector<16xf32>,
      %mul3A_1120 = arith.mulf %get3A_1114, %get3A_1119 : vector<16xf32>
      %add3A_1121 = arith.addf %add3A_1109, %mul3A_1120 : vector<16xf32>
      %swap3A = arith.constant 0 : i32
      %swap3A_1122 = arith.index_cast %swap3A : i32 to index
      %swap3A_1123 = arith.constant 0 : index
      %swap3A_1124 = tpu.vector_load %arg14[%swap3A_1122, %swap3A_1123] {strides = array<i32>} : memref<16x17xf32, #tpu.memory_space<vmem>>, vector<16xf32>,
      tpu.vector_store %arg14[%swap3A_1122, %swap3A_1123], %add3A_1121 {strides = array<i32>} : memref<16x17xf32, #tpu.memory_space<vmem>>, vector<16xf32>,
      %slice3A_1125 = vector.extract_strided_slice %and3A_1063 {offsets = [1], sizes = [1], strides = [1]} : vector<16xi32> to vector<1xi32>
      %squeeze3A_1126 = vector.extract %slice3A_1125[0] : i32 from vector<1xi32>
      %slice3A_1127 = vector.extract_strided_slice %and3A_1070 {offsets = [1], sizes = [1], strides = [1]} : vector<16xi32> to vector<1xi32>
      %squeeze3A_1128 = vector.extract %slice3A_1127[0] : i32 from vector<1xi32>
      %get3A_1129 = arith.constant 1 : i32
      %get3A_1130 = arith.index_cast %get3A_1129 : i32 to index
      %get3A_1131 = arith.index_cast %squeeze3A_1126 : i32 to index
      %get3A_1132 = arith.constant 0 : index
      %get3A_1133 = tpu.vector_load %arg10[%get3A_1130, %get3A_1131, %get3A_1132] {strides = array<i32>} : memref<16x8x64xf32, #tpu.memory_space<vmem>>, vector<16xf32>,
      %get3A_1134 = arith.constant 1 : i32
      %get3A_1135 = arith.index_cast %get3A_1134 : i32 to index
      %get3A_1136 = arith.index_cast %squeeze3A_1128 : i32 to index
      %get3A_1137 = arith.constant 0 : index
      %get3A_1138 = tpu.vector_load %arg12[%get3A_1135, %get3A_1136, %get3A_1137] {strides = array<i32>} : memref<16x8x64xf32, #tpu.memory_space<vmem>>, vector<16xf32>,
      %mul3A_1139 = arith.mulf %get3A_1133, %get3A_1138 : vector<16xf32>
      %get3A_1140 = arith.constant 1 : i32
      %get3A_1141 = arith.index_cast %get3A_1140 : i32 to index
      %get3A_1142 = arith.index_cast %squeeze3A_1126 : i32 to index
      %get3A_1143 = arith.constant 16 : index
      %get3A_1144 = tpu.vector_load %arg10[%get3A_1141, %get3A_1142, %get3A_1143] {strides = array<i32>} : memref<16x8x64xf32, #tpu.memory_space<vmem>>, vector<16xf32>,
      %get3A_1145 = arith.constant 1 : i32
      %get3A_1146 = arith.index_cast %get3A_1145 : i32 to index
      %get3A_1147 = arith.index_cast %squeeze3A_1128 : i32 to index
      %get3A_1148 = arith.constant 16 : index
      %get3A_1149 = tpu.vector_load %arg12[%get3A_1146, %get3A_1147, %get3A_1148] {strides = array<i32>} : memref<16x8x64xf32, #tpu.memory_space<vmem>>, vector<16xf32>,
      %mul3A_1150 = arith.mulf %get3A_1144, %get3A_1149 : vector<16xf32>
      %add3A_1151 = arith.addf %mul3A_1139, %mul3A_1150 : vector<16xf32>
      %get3A_1152 = arith.constant 1 : i32
      %get3A_1153 = arith.index_cast %get3A_1152 : i32 to index
      %get3A_1154 = arith.index_cast %squeeze3A_1126 : i32 to index
      %get3A_1155 = arith.constant 32 : index
      %get3A_1156 = tpu.vector_load %arg10[%get3A_1153, %get3A_1154, %get3A_1155] {strides = array<i32>} : memref<16x8x64xf32, #tpu.memory_space<vmem>>, vector<16xf32>,
      %get3A_1157 = arith.constant 1 : i32
      %get3A_1158 = arith.index_cast %get3A_1157 : i32 to index
      %get3A_1159 = arith.index_cast %squeeze3A_1128 : i32 to index
      %get3A_1160 = arith.constant 32 : index
      %get3A_1161 = tpu.vector_load %arg12[%get3A_1158, %get3A_1159, %get3A_1160] {strides = array<i32>} : memref<16x8x64xf32, #tpu.memory_space<vmem>>, vector<16xf32>,
      %mul3A_1162 = arith.mulf %get3A_1156, %get3A_1161 : vector<16xf32>
      %add3A_1163 = arith.addf %add3A_1151, %mul3A_1162 : vector<16xf32>
      %get3A_1164 = arith.constant 1 : i32
      %get3A_1165 = arith.index_cast %get3A_1164 : i32 to index
      %get3A_1166 = arith.index_cast %squeeze3A_1126 : i32 to index
      %get3A_1167 = arith.constant 48 : index
      %get3A_1168 = tpu.vector_load %arg10[%get3A_1165, %get3A_1166, %get3A_1167] {strides = array<i32>} : memref<16x8x64xf32, #tpu.memory_space<vmem>>, vector<16xf32>,
      %get3A_1169 = arith.constant 1 : i32
      %get3A_1170 = arith.index_cast %get3A_1169 : i32 to index
      %get3A_1171 = arith.index_cast %squeeze3A_1128 : i32 to index
      %get3A_1172 = arith.constant 48 : index
      %get3A_1173 = tpu.vector_load %arg12[%get3A_1170, %get3A_1171, %get3A_1172] {strides = array<i32>} : memref<16x8x64xf32, #tpu.memory_space<vmem>>, vector<16xf32>,
      %mul3A_1174 = arith.mulf %get3A_1168, %get3A_1173 : vector<16xf32>
      %add3A_1175 = arith.addf %add3A_1163, %mul3A_1174 : vector<16xf32>
      %swap3A_1176 = arith.constant 1 : i32
      %swap3A_1177 = arith.index_cast %swap3A_1176 : i32 to index
      %swap3A_1178 = arith.constant 0 : index
      %swap3A_1179 = tpu.vector_load %arg14[%swap3A_1177, %swap3A_1178] {strides = array<i32>} : memref<16x17xf32, #tpu.memory_space<vmem>>, vector<16xf32>,
      tpu.vector_store %arg14[%swap3A_1177, %swap3A_1178], %add3A_1175 {strides = array<i32>} : memref<16x17xf32, #tpu.memory_space<vmem>>, vector<16xf32>,
      %slice3A_1180 = vector.extract_strided_slice %and3A_1063 {offsets = [2], sizes = [1], strides = [1]} : vector<16xi32> to vector<1xi32>
      %squeeze3A_1181 = vector.extract %slice3A_1180[0] : i32 from vector<1xi32>
      %slice3A_1182 = vector.extract_strided_slice %and3A_1070 {offsets = [2], sizes = [1], strides = [1]} : vector<16xi32> to vector<1xi32>
      %squeeze3A_1183 = vector.extract %slice3A_1182[0] : i32 from vector<1xi32>
      %get3A_1184 = arith.constant 2 : i32
      %get3A_1185 = arith.index_cast %get3A_1184 : i32 to index
      %get3A_1186 = arith.index_cast %squeeze3A_1181 : i32 to index
      %get3A_1187 = arith.constant 0 : index
      %get3A_1188 = tpu.vector_load %arg10[%get3A_1185, %get3A_1186, %get3A_1187] {strides = array<i32>} : memref<16x8x64xf32, #tpu.memory_space<vmem>>, vector<16xf32>,
      %get3A_1189 = arith.constant 2 : i32
      %get3A_1190 = arith.index_cast %get3A_1189 : i32 to index
      %get3A_1191 = arith.index_cast %squeeze3A_1183 : i32 to index
      %get3A_1192 = arith.constant 0 : index
      %get3A_1193 = tpu.vector_load %arg12[%get3A_1190, %get3A_1191, %get3A_1192] {strides = array<i32>} : memref<16x8x64xf32, #tpu.memory_space<vmem>>, vector<16xf32>,
      %mul3A_1194 = arith.mulf %get3A_1188, %get3A_1193 : vector<16xf32>
      %get3A_1195 = arith.constant 2 : i32
      %get3A_1196 = arith.index_cast %get3A_1195 : i32 to index
      %get3A_1197 = arith.index_cast %squeeze3A_1181 : i32 to index
      %get3A_1198 = arith.constant 16 : index
      %get3A_1199 = tpu.vector_load %arg10[%get3A_1196, %get3A_1197, %get3A_1198] {strides = array<i32>} : memref<16x8x64xf32, #tpu.memory_space<vmem>>, vector<16xf32>,
      %get3A_1200 = arith.constant 2 : i32
      %get3A_1201 = arith.index_cast %get3A_1200 : i32 to index
      %get3A_1202 = arith.index_cast %squeeze3A_1183 : i32 to index
      %get3A_1203 = arith.constant 16 : index
      %get3A_1204 = tpu.vector_load %arg12[%get3A_1201, %get3A_1202, %get3A_1203] {strides = array<i32>} : memref<16x8x64xf32, #tpu.memory_space<vmem>>, vector<16xf32>,
      %mul3A_1205 = arith.mulf %get3A_1199, %get3A_1204 : vector<16xf32>
      %add3A_1206 = arith.addf %mul3A_1194, %mul3A_1205 : vector<16xf32>
      %get3A_1207 = arith.constant 2 : i32
      %get3A_1208 = arith.index_cast %get3A_1207 : i32 to index
      %get3A_1209 = arith.index_cast %squeeze3A_1181 : i32 to index
      %get3A_1210 = arith.constant 32 : index
      %get3A_1211 = tpu.vector_load %arg10[%get3A_1208, %get3A_1209, %get3A_1210] {strides = array<i32>} : memref<16x8x64xf32, #tpu.memory_space<vmem>>, vector<16xf32>,
      %get3A_1212 = arith.constant 2 : i32
      %get3A_1213 = arith.index_cast %get3A_1212 : i32 to index
      %get3A_1214 = arith.index_cast %squeeze3A_1183 : i32 to index
      %get3A_1215 = arith.constant 32 : index
      %get3A_1216 = tpu.vector_load %arg12[%get3A_1213, %get3A_1214, %get3A_1215] {strides = array<i32>} : memref<16x8x64xf32, #tpu.memory_space<vmem>>, vector<16xf32>,
      %mul3A_1217 = arith.mulf %get3A_1211, %get3A_1216 : vector<16xf32>
      %add3A_1218 = arith.addf %add3A_1206, %mul3A_1217 : vector<16xf32>
      %get3A_1219 = arith.constant 2 : i32
      %get3A_1220 = arith.index_cast %get3A_1219 : i32 to index
      %get3A_1221 = arith.index_cast %squeeze3A_1181 : i32 to index
      %get3A_1222 = arith.constant 48 : index
      %get3A_1223 = tpu.vector_load %arg10[%get3A_1220, %get3A_1221, %get3A_1222] {strides = array<i32>} : memref<16x8x64xf32, #tpu.memory_space<vmem>>, vector<16xf32>,
      %get3A_1224 = arith.constant 2 : i32
      %get3A_1225 = arith.index_cast %get3A_1224 : i32 to index
      %get3A_1226 = arith.index_cast %squeeze3A_1183 : i32 to index
      %get3A_1227 = arith.constant 48 : index
      %get3A_1228 = tpu.vector_load %arg12[%get3A_1225, %get3A_1226, %get3A_1227] {strides = array<i32>} : memref<16x8x64xf32, #tpu.memory_space<vmem>>, vector<16xf32>,
      %mul3A_1229 = arith.mulf %get3A_1223, %get3A_1228 : vector<16xf32>
      %add3A_1230 = arith.addf %add3A_1218, %mul3A_1229 : vector<16xf32>
      %swap3A_1231 = arith.constant 2 : i32
      %swap3A_1232 = arith.index_cast %swap3A_1231 : i32 to index
      %swap3A_1233 = arith.constant 0 : index
      %swap3A_1234 = tpu.vector_load %arg14[%swap3A_1232, %swap3A_1233] {strides = array<i32>} : memref<16x17xf32, #tpu.memory_space<vmem>>, vector<16xf32>,
      tpu.vector_store %arg14[%swap3A_1232, %swap3A_1233], %add3A_1230 {strides = array<i32>} : memref<16x17xf32, #tpu.memory_space<vmem>>, vector<16xf32>,
      %slice3A_1235 = vector.extract_strided_slice %and3A_1063 {offsets = [3], sizes = [1], strides = [1]} : vector<16xi32> to vector<1xi32>
      %squeeze3A_1236 = vector.extract %slice3A_1235[0] : i32 from vector<1xi32>
      %slice3A_1237 = vector.extract_strided_slice %and3A_1070 {offsets = [3], sizes = [1], strides = [1]} : vector<16xi32> to vector<1xi32>
      %squeeze3A_1238 = vector.extract %slice3A_1237[0] : i32 from vector<1xi32>
      %get3A_1239 = arith.constant 3 : i32
      %get3A_1240 = arith.index_cast %get3A_1239 : i32 to index
      %get3A_1241 = arith.index_cast %squeeze3A_1236 : i32 to index
      %get3A_1242 = arith.constant 0 : index
      %get3A_1243 = tpu.vector_load %arg10[%get3A_1240, %get3A_1241, %get3A_1242] {strides = array<i32>} : memref<16x8x64xf32, #tpu.memory_space<vmem>>, vector<16xf32>,
      %get3A_1244 = arith.constant 3 : i32
      %get3A_1245 = arith.index_cast %get3A_1244 : i32 to index
      %get3A_1246 = arith.index_cast %squeeze3A_1238 : i32 to index
      %get3A_1247 = arith.constant 0 : index
      %get3A_1248 = tpu.vector_load %arg12[%get3A_1245, %get3A_1246, %get3A_1247] {strides = array<i32>} : memref<16x8x64xf32, #tpu.memory_space<vmem>>, vector<16xf32>,
      %mul3A_1249 = arith.mulf %get3A_1243, %get3A_1248 : vector<16xf32>
      %get3A_1250 = arith.constant 3 : i32
      %get3A_1251 = arith.index_cast %get3A_1250 : i32 to index
      %get3A_1252 = arith.index_cast %squeeze3A_1236 : i32 to index
      %get3A_1253 = arith.constant 16 : index
      %get3A_1254 = tpu.vector_load %arg10[%get3A_1251, %get3A_1252, %get3A_1253] {strides = array<i32>} : memref<16x8x64xf32, #tpu.memory_space<vmem>>, vector<16xf32>,
      %get3A_1255 = arith.constant 3 : i32
      %get3A_1256 = arith.index_cast %get3A_1255 : i32 to index
      %get3A_1257 = arith.index_cast %squeeze3A_1238 : i32 to index
      %get3A_1258 = arith.constant 16 : index
      %get3A_1259 = tpu.vector_load %arg12[%get3A_1256, %get3A_1257, %get3A_1258] {strides = array<i32>} : memref<16x8x64xf32, #tpu.memory_space<vmem>>, vector<16xf32>,
      %mul3A_1260 = arith.mulf %get3A_1254, %get3A_1259 : vector<16xf32>
      %add3A_1261 = arith.addf %mul3A_1249, %mul3A_1260 : vector<16xf32>
      %get3A_1262 = arith.constant 3 : i32
      %get3A_1263 = arith.index_cast %get3A_1262 : i32 to index
      %get3A_1264 = arith.index_cast %squeeze3A_1236 : i32 to index
      %get3A_1265 = arith.constant 32 : index
      %get3A_1266 = tpu.vector_load %arg10[%get3A_1263, %get3A_1264, %get3A_1265] {strides = array<i32>} : memref<16x8x64xf32, #tpu.memory_space<vmem>>, vector<16xf32>,
      %get3A_1267 = arith.constant 3 : i32
      %get3A_1268 = arith.index_cast %get3A_1267 : i32 to index
      %get3A_1269 = arith.index_cast %squeeze3A_1238 : i32 to index
      %get3A_1270 = arith.constant 32 : index
      %get3A_1271 = tpu.vector_load %arg12[%get3A_1268, %get3A_1269, %get3A_1270] {strides = array<i32>} : memref<16x8x64xf32, #tpu.memory_space<vmem>>, vector<16xf32>,
      %mul3A_1272 = arith.mulf %get3A_1266, %get3A_1271 : vector<16xf32>
      %add3A_1273 = arith.addf %add3A_1261, %mul3A_1272 : vector<16xf32>
      %get3A_1274 = arith.constant 3 : i32
      %get3A_1275 = arith.index_cast %get3A_1274 : i32 to index
      %get3A_1276 = arith.index_cast %squeeze3A_1236 : i32 to index
      %get3A_1277 = arith.constant 48 : index
      %get3A_1278 = tpu.vector_load %arg10[%get3A_1275, %get3A_1276, %get3A_1277] {strides = array<i32>} : memref<16x8x64xf32, #tpu.memory_space<vmem>>, vector<16xf32>,
      %get3A_1279 = arith.constant 3 : i32
      %get3A_1280 = arith.index_cast %get3A_1279 : i32 to index
      %get3A_1281 = arith.index_cast %squeeze3A_1238 : i32 to index
      %get3A_1282 = arith.constant 48 : index
      %get3A_1283 = tpu.vector_load %arg12[%get3A_1280, %get3A_1281, %get3A_1282] {strides = array<i32>} : memref<16x8x64xf32, #tpu.memory_space<vmem>>, vector<16xf32>,
      %mul3A_1284 = arith.mulf %get3A_1278, %get3A_1283 : vector<16xf32>
      %add3A_1285 = arith.addf %add3A_1273, %mul3A_1284 : vector<16xf32>
      %swap3A_1286 = arith.constant 3 : i32
      %swap3A_1287 = arith.index_cast %swap3A_1286 : i32 to index
      %swap3A_1288 = arith.constant 0 : index
      %swap3A_1289 = tpu.vector_load %arg14[%swap3A_1287, %swap3A_1288] {strides = array<i32>} : memref<16x17xf32, #tpu.memory_space<vmem>>, vector<16xf32>,
      tpu.vector_store %arg14[%swap3A_1287, %swap3A_1288], %add3A_1285 {strides = array<i32>} : memref<16x17xf32, #tpu.memory_space<vmem>>, vector<16xf32>,
      %slice3A_1290 = vector.extract_strided_slice %and3A_1063 {offsets = [4], sizes = [1], strides = [1]} : vector<16xi32> to vector<1xi32>
      %squeeze3A_1291 = vector.extract %slice3A_1290[0] : i32 from vector<1xi32>
      %slice3A_1292 = vector.extract_strided_slice %and3A_1070 {offsets = [4], sizes = [1], strides = [1]} : vector<16xi32> to vector<1xi32>
      %squeeze3A_1293 = vector.extract %slice3A_1292[0] : i32 from vector<1xi32>
      %get3A_1294 = arith.constant 4 : i32
      %get3A_1295 = arith.index_cast %get3A_1294 : i32 to index
      %get3A_1296 = arith.index_cast %squeeze3A_1291 : i32 to index
      %get3A_1297 = arith.constant 0 : index
      %get3A_1298 = tpu.vector_load %arg10[%get3A_1295, %get3A_1296, %get3A_1297] {strides = array<i32>} : memref<16x8x64xf32, #tpu.memory_space<vmem>>, vector<16xf32>,
      %get3A_1299 = arith.constant 4 : i32
      %get3A_1300 = arith.index_cast %get3A_1299 : i32 to index
      %get3A_1301 = arith.index_cast %squeeze3A_1293 : i32 to index
      %get3A_1302 = arith.constant 0 : index
      %get3A_1303 = tpu.vector_load %arg12[%get3A_1300, %get3A_1301, %get3A_1302] {strides = array<i32>} : memref<16x8x64xf32, #tpu.memory_space<vmem>>, vector<16xf32>,
      %mul3A_1304 = arith.mulf %get3A_1298, %get3A_1303 : vector<16xf32>
      %get3A_1305 = arith.constant 4 : i32
      %get3A_1306 = arith.index_cast %get3A_1305 : i32 to index
      %get3A_1307 = arith.index_cast %squeeze3A_1291 : i32 to index
      %get3A_1308 = arith.constant 16 : index
      %get3A_1309 = tpu.vector_load %arg10[%get3A_1306, %get3A_1307, %get3A_1308] {strides = array<i32>} : memref<16x8x64xf32, #tpu.memory_space<vmem>>, vector<16xf32>,
      %get3A_1310 = arith.constant 4 : i32
      %get3A_1311 = arith.index_cast %get3A_1310 : i32 to index
      %get3A_1312 = arith.index_cast %squeeze3A_1293 : i32 to index
      %get3A_1313 = arith.constant 16 : index
      %get3A_1314 = tpu.vector_load %arg12[%get3A_1311, %get3A_1312, %get3A_1313] {strides = array<i32>} : memref<16x8x64xf32, #tpu.memory_space<vmem>>, vector<16xf32>,
      %mul3A_1315 = arith.mulf %get3A_1309, %get3A_1314 : vector<16xf32>
      %add3A_1316 = arith.addf %mul3A_1304, %mul3A_1315 : vector<16xf32>
      %get3A_1317 = arith.constant 4 : i32
      %get3A_1318 = arith.index_cast %get3A_1317 : i32 to index
      %get3A_1319 = arith.index_cast %squeeze3A_1291 : i32 to index
      %get3A_1320 = arith.constant 32 : index
      %get3A_1321 = tpu.vector_load %arg10[%get3A_1318, %get3A_1319, %get3A_1320] {strides = array<i32>} : memref<16x8x64xf32, #tpu.memory_space<vmem>>, vector<16xf32>,
      %get3A_1322 = arith.constant 4 : i32
      %get3A_1323 = arith.index_cast %get3A_1322 : i32 to index
      %get3A_1324 = arith.index_cast %squeeze3A_1293 : i32 to index
      %get3A_1325 = arith.constant 32 : index
      %get3A_1326 = tpu.vector_load %arg12[%get3A_1323, %get3A_1324, %get3A_1325] {strides = array<i32>} : memref<16x8x64xf32, #tpu.memory_space<vmem>>, vector<16xf32>,
      %mul3A_1327 = arith.mulf %get3A_1321, %get3A_1326 : vector<16xf32>
      %add3A_1328 = arith.addf %add3A_1316, %mul3A_1327 : vector<16xf32>
      %get3A_1329 = arith.constant 4 : i32
      %get3A_1330 = arith.index_cast %get3A_1329 : i32 to index
      %get3A_1331 = arith.index_cast %squeeze3A_1291 : i32 to index
      %get3A_1332 = arith.constant 48 : index
      %get3A_1333 = tpu.vector_load %arg10[%get3A_1330, %get3A_1331, %get3A_1332] {strides = array<i32>} : memref<16x8x64xf32, #tpu.memory_space<vmem>>, vector<16xf32>,
      %get3A_1334 = arith.constant 4 : i32
      %get3A_1335 = arith.index_cast %get3A_1334 : i32 to index
      %get3A_1336 = arith.index_cast %squeeze3A_1293 : i32 to index
      %get3A_1337 = arith.constant 48 : index
      %get3A_1338 = tpu.vector_load %arg12[%get3A_1335, %get3A_1336, %get3A_1337] {strides = array<i32>} : memref<16x8x64xf32, #tpu.memory_space<vmem>>, vector<16xf32>,
      %mul3A_1339 = arith.mulf %get3A_1333, %get3A_1338 : vector<16xf32>
      %add3A_1340 = arith.addf %add3A_1328, %mul3A_1339 : vector<16xf32>
      %swap3A_1341 = arith.constant 4 : i32
      %swap3A_1342 = arith.index_cast %swap3A_1341 : i32 to index
      %swap3A_1343 = arith.constant 0 : index
      %swap3A_1344 = tpu.vector_load %arg14[%swap3A_1342, %swap3A_1343] {strides = array<i32>} : memref<16x17xf32, #tpu.memory_space<vmem>>, vector<16xf32>,
      tpu.vector_store %arg14[%swap3A_1342, %swap3A_1343], %add3A_1340 {strides = array<i32>} : memref<16x17xf32, #tpu.memory_space<vmem>>, vector<16xf32>,
      %slice3A_1345 = vector.extract_strided_slice %and3A_1063 {offsets = [5], sizes = [1], strides = [1]} : vector<16xi32> to vector<1xi32>
      %squeeze3A_1346 = vector.extract %slice3A_1345[0] : i32 from vector<1xi32>
      %slice3A_1347 = vector.extract_strided_slice %and3A_1070 {offsets = [5], sizes = [1], strides = [1]} : vector<16xi32> to vector<1xi32>
      %squeeze3A_1348 = vector.extract %slice3A_1347[0] : i32 from vector<1xi32>
      %get3A_1349 = arith.constant 5 : i32
      %get3A_1350 = arith.index_cast %get3A_1349 : i32 to index
      %get3A_1351 = arith.index_cast %squeeze3A_1346 : i32 to index
      %get3A_1352 = arith.constant 0 : index
      %get3A_1353 = tpu.vector_load %arg10[%get3A_1350, %get3A_1351, %get3A_1352] {strides = array<i32>} : memref<16x8x64xf32, #tpu.memory_space<vmem>>, vector<16xf32>,
      %get3A_1354 = arith.constant 5 : i32
      %get3A_1355 = arith.index_cast %get3A_1354 : i32 to index
      %get3A_1356 = arith.index_cast %squeeze3A_1348 : i32 to index
      %get3A_1357 = arith.constant 0 : index
      %get3A_1358 = tpu.vector_load %arg12[%get3A_1355, %get3A_1356, %get3A_1357] {strides = array<i32>} : memref<16x8x64xf32, #tpu.memory_space<vmem>>, vector<16xf32>,
      %mul3A_1359 = arith.mulf %get3A_1353, %get3A_1358 : vector<16xf32>
      %get3A_1360 = arith.constant 5 : i32
      %get3A_1361 = arith.index_cast %get3A_1360 : i32 to index
      %get3A_1362 = arith.index_cast %squeeze3A_1346 : i32 to index
      %get3A_1363 = arith.constant 16 : index
      %get3A_1364 = tpu.vector_load %arg10[%get3A_1361, %get3A_1362, %get3A_1363] {strides = array<i32>} : memref<16x8x64xf32, #tpu.memory_space<vmem>>, vector<16xf32>,
      %get3A_1365 = arith.constant 5 : i32
      %get3A_1366 = arith.index_cast %get3A_1365 : i32 to index
      %get3A_1367 = arith.index_cast %squeeze3A_1348 : i32 to index
      %get3A_1368 = arith.constant 16 : index
      %get3A_1369 = tpu.vector_load %arg12[%get3A_1366, %get3A_1367, %get3A_1368] {strides = array<i32>} : memref<16x8x64xf32, #tpu.memory_space<vmem>>, vector<16xf32>,
      %mul3A_1370 = arith.mulf %get3A_1364, %get3A_1369 : vector<16xf32>
      %add3A_1371 = arith.addf %mul3A_1359, %mul3A_1370 : vector<16xf32>
      %get3A_1372 = arith.constant 5 : i32
      %get3A_1373 = arith.index_cast %get3A_1372 : i32 to index
      %get3A_1374 = arith.index_cast %squeeze3A_1346 : i32 to index
      %get3A_1375 = arith.constant 32 : index
      %get3A_1376 = tpu.vector_load %arg10[%get3A_1373, %get3A_1374, %get3A_1375] {strides = array<i32>} : memref<16x8x64xf32, #tpu.memory_space<vmem>>, vector<16xf32>,
      %get3A_1377 = arith.constant 5 : i32
      %get3A_1378 = arith.index_cast %get3A_1377 : i32 to index
      %get3A_1379 = arith.index_cast %squeeze3A_1348 : i32 to index
      %get3A_1380 = arith.constant 32 : index
      %get3A_1381 = tpu.vector_load %arg12[%get3A_1378, %get3A_1379, %get3A_1380] {strides = array<i32>} : memref<16x8x64xf32, #tpu.memory_space<vmem>>, vector<16xf32>,
      %mul3A_1382 = arith.mulf %get3A_1376, %get3A_1381 : vector<16xf32>
      %add3A_1383 = arith.addf %add3A_1371, %mul3A_1382 : vector<16xf32>
      %get3A_1384 = arith.constant 5 : i32
      %get3A_1385 = arith.index_cast %get3A_1384 : i32 to index
      %get3A_1386 = arith.index_cast %squeeze3A_1346 : i32 to index
      %get3A_1387 = arith.constant 48 : index
      %get3A_1388 = tpu.vector_load %arg10[%get3A_1385, %get3A_1386, %get3A_1387] {strides = array<i32>} : memref<16x8x64xf32, #tpu.memory_space<vmem>>, vector<16xf32>,
      %get3A_1389 = arith.constant 5 : i32
      %get3A_1390 = arith.index_cast %get3A_1389 : i32 to index
      %get3A_1391 = arith.index_cast %squeeze3A_1348 : i32 to index
      %get3A_1392 = arith.constant 48 : index
      %get3A_1393 = tpu.vector_load %arg12[%get3A_1390, %get3A_1391, %get3A_1392] {strides = array<i32>} : memref<16x8x64xf32, #tpu.memory_space<vmem>>, vector<16xf32>,
      %mul3A_1394 = arith.mulf %get3A_1388, %get3A_1393 : vector<16xf32>
      %add3A_1395 = arith.addf %add3A_1383, %mul3A_1394 : vector<16xf32>
      %swap3A_1396 = arith.constant 5 : i32
      %swap3A_1397 = arith.index_cast %swap3A_1396 : i32 to index
      %swap3A_1398 = arith.constant 0 : index
      %swap3A_1399 = tpu.vector_load %arg14[%swap3A_1397, %swap3A_1398] {strides = array<i32>} : memref<16x17xf32, #tpu.memory_space<vmem>>, vector<16xf32>,
      tpu.vector_store %arg14[%swap3A_1397, %swap3A_1398], %add3A_1395 {strides = array<i32>} : memref<16x17xf32, #tpu.memory_space<vmem>>, vector<16xf32>,
      %slice3A_1400 = vector.extract_strided_slice %and3A_1063 {offsets = [6], sizes = [1], strides = [1]} : vector<16xi32> to vector<1xi32>
      %squeeze3A_1401 = vector.extract %slice3A_1400[0] : i32 from vector<1xi32>
      %slice3A_1402 = vector.extract_strided_slice %and3A_1070 {offsets = [6], sizes = [1], strides = [1]} : vector<16xi32> to vector<1xi32>
      %squeeze3A_1403 = vector.extract %slice3A_1402[0] : i32 from vector<1xi32>
      %get3A_1404 = arith.constant 6 : i32
      %get3A_1405 = arith.index_cast %get3A_1404 : i32 to index
      %get3A_1406 = arith.index_cast %squeeze3A_1401 : i32 to index
      %get3A_1407 = arith.constant 0 : index
      %get3A_1408 = tpu.vector_load %arg10[%get3A_1405, %get3A_1406, %get3A_1407] {strides = array<i32>} : memref<16x8x64xf32, #tpu.memory_space<vmem>>, vector<16xf32>,
      %get3A_1409 = arith.constant 6 : i32
      %get3A_1410 = arith.index_cast %get3A_1409 : i32 to index
      %get3A_1411 = arith.index_cast %squeeze3A_1403 : i32 to index
      %get3A_1412 = arith.constant 0 : index
      %get3A_1413 = tpu.vector_load %arg12[%get3A_1410, %get3A_1411, %get3A_1412] {strides = array<i32>} : memref<16x8x64xf32, #tpu.memory_space<vmem>>, vector<16xf32>,
      %mul3A_1414 = arith.mulf %get3A_1408, %get3A_1413 : vector<16xf32>
      %get3A_1415 = arith.constant 6 : i32
      %get3A_1416 = arith.index_cast %get3A_1415 : i32 to index
      %get3A_1417 = arith.index_cast %squeeze3A_1401 : i32 to index
      %get3A_1418 = arith.constant 16 : index
      %get3A_1419 = tpu.vector_load %arg10[%get3A_1416, %get3A_1417, %get3A_1418] {strides = array<i32>} : memref<16x8x64xf32, #tpu.memory_space<vmem>>, vector<16xf32>,
      %get3A_1420 = arith.constant 6 : i32
      %get3A_1421 = arith.index_cast %get3A_1420 : i32 to index
      %get3A_1422 = arith.index_cast %squeeze3A_1403 : i32 to index
      %get3A_1423 = arith.constant 16 : index
      %get3A_1424 = tpu.vector_load %arg12[%get3A_1421, %get3A_1422, %get3A_1423] {strides = array<i32>} : memref<16x8x64xf32, #tpu.memory_space<vmem>>, vector<16xf32>,
      %mul3A_1425 = arith.mulf %get3A_1419, %get3A_1424 : vector<16xf32>
      %add3A_1426 = arith.addf %mul3A_1414, %mul3A_1425 : vector<16xf32>
      %get3A_1427 = arith.constant 6 : i32
      %get3A_1428 = arith.index_cast %get3A_1427 : i32 to index
      %get3A_1429 = arith.index_cast %squeeze3A_1401 : i32 to index
      %get3A_1430 = arith.constant 32 : index
      %get3A_1431 = tpu.vector_load %arg10[%get3A_1428, %get3A_1429, %get3A_1430] {strides = array<i32>} : memref<16x8x64xf32, #tpu.memory_space<vmem>>, vector<16xf32>,
      %get3A_1432 = arith.constant 6 : i32
      %get3A_1433 = arith.index_cast %get3A_1432 : i32 to index
      %get3A_1434 = arith.index_cast %squeeze3A_1403 : i32 to index
      %get3A_1435 = arith.constant 32 : index
      %get3A_1436 = tpu.vector_load %arg12[%get3A_1433, %get3A_1434, %get3A_1435] {strides = array<i32>} : memref<16x8x64xf32, #tpu.memory_space<vmem>>, vector<16xf32>,
      %mul3A_1437 = arith.mulf %get3A_1431, %get3A_1436 : vector<16xf32>
      %add3A_1438 = arith.addf %add3A_1426, %mul3A_1437 : vector<16xf32>
      %get3A_1439 = arith.constant 6 : i32
      %get3A_1440 = arith.index_cast %get3A_1439 : i32 to index
      %get3A_1441 = arith.index_cast %squeeze3A_1401 : i32 to index
      %get3A_1442 = arith.constant 48 : index
      %get3A_1443 = tpu.vector_load %arg10[%get3A_1440, %get3A_1441, %get3A_1442] {strides = array<i32>} : memref<16x8x64xf32, #tpu.memory_space<vmem>>, vector<16xf32>,
      %get3A_1444 = arith.constant 6 : i32
      %get3A_1445 = arith.index_cast %get3A_1444 : i32 to index
      %get3A_1446 = arith.index_cast %squeeze3A_1403 : i32 to index
      %get3A_1447 = arith.constant 48 : index
      %get3A_1448 = tpu.vector_load %arg12[%get3A_1445, %get3A_1446, %get3A_1447] {strides = array<i32>} : memref<16x8x64xf32, #tpu.memory_space<vmem>>, vector<16xf32>,
      %mul3A_1449 = arith.mulf %get3A_1443, %get3A_1448 : vector<16xf32>
      %add3A_1450 = arith.addf %add3A_1438, %mul3A_1449 : vector<16xf32>
      %swap3A_1451 = arith.constant 6 : i32
      %swap3A_1452 = arith.index_cast %swap3A_1451 : i32 to index
      %swap3A_1453 = arith.constant 0 : index
      %swap3A_1454 = tpu.vector_load %arg14[%swap3A_1452, %swap3A_1453] {strides = array<i32>} : memref<16x17xf32, #tpu.memory_space<vmem>>, vector<16xf32>,
      tpu.vector_store %arg14[%swap3A_1452, %swap3A_1453], %add3A_1450 {strides = array<i32>} : memref<16x17xf32, #tpu.memory_space<vmem>>, vector<16xf32>,
      %slice3A_1455 = vector.extract_strided_slice %and3A_1063 {offsets = [7], sizes = [1], strides = [1]} : vector<16xi32> to vector<1xi32>
      %squeeze3A_1456 = vector.extract %slice3A_1455[0] : i32 from vector<1xi32>
      %slice3A_1457 = vector.extract_strided_slice %and3A_1070 {offsets = [7], sizes = [1], strides = [1]} : vector<16xi32> to vector<1xi32>
      %squeeze3A_1458 = vector.extract %slice3A_1457[0] : i32 from vector<1xi32>
      %get3A_1459 = arith.constant 7 : i32
      %get3A_1460 = arith.index_cast %get3A_1459 : i32 to index
      %get3A_1461 = arith.index_cast %squeeze3A_1456 : i32 to index
      %get3A_1462 = arith.constant 0 : index
      %get3A_1463 = tpu.vector_load %arg10[%get3A_1460, %get3A_1461, %get3A_1462] {strides = array<i32>} : memref<16x8x64xf32, #tpu.memory_space<vmem>>, vector<16xf32>,
      %get3A_1464 = arith.constant 7 : i32
      %get3A_1465 = arith.index_cast %get3A_1464 : i32 to index
      %get3A_1466 = arith.index_cast %squeeze3A_1458 : i32 to index
      %get3A_1467 = arith.constant 0 : index
      %get3A_1468 = tpu.vector_load %arg12[%get3A_1465, %get3A_1466, %get3A_1467] {strides = array<i32>} : memref<16x8x64xf32, #tpu.memory_space<vmem>>, vector<16xf32>,
      %mul3A_1469 = arith.mulf %get3A_1463, %get3A_1468 : vector<16xf32>
      %get3A_1470 = arith.constant 7 : i32
      %get3A_1471 = arith.index_cast %get3A_1470 : i32 to index
      %get3A_1472 = arith.index_cast %squeeze3A_1456 : i32 to index
      %get3A_1473 = arith.constant 16 : index
      %get3A_1474 = tpu.vector_load %arg10[%get3A_1471, %get3A_1472, %get3A_1473] {strides = array<i32>} : memref<16x8x64xf32, #tpu.memory_space<vmem>>, vector<16xf32>,
      %get3A_1475 = arith.constant 7 : i32
      %get3A_1476 = arith.index_cast %get3A_1475 : i32 to index
      %get3A_1477 = arith.index_cast %squeeze3A_1458 : i32 to index
      %get3A_1478 = arith.constant 16 : index
      %get3A_1479 = tpu.vector_load %arg12[%get3A_1476, %get3A_1477, %get3A_1478] {strides = array<i32>} : memref<16x8x64xf32, #tpu.memory_space<vmem>>, vector<16xf32>,
      %mul3A_1480 = arith.mulf %get3A_1474, %get3A_1479 : vector<16xf32>
      %add3A_1481 = arith.addf %mul3A_1469, %mul3A_1480 : vector<16xf32>
      %get3A_1482 = arith.constant 7 : i32
      %get3A_1483 = arith.index_cast %get3A_1482 : i32 to index
      %get3A_1484 = arith.index_cast %squeeze3A_1456 : i32 to index
      %get3A_1485 = arith.constant 32 : index
      %get3A_1486 = tpu.vector_load %arg10[%get3A_1483, %get3A_1484, %get3A_1485] {strides = array<i32>} : memref<16x8x64xf32, #tpu.memory_space<vmem>>, vector<16xf32>,
      %get3A_1487 = arith.constant 7 : i32
      %get3A_1488 = arith.index_cast %get3A_1487 : i32 to index
      %get3A_1489 = arith.index_cast %squeeze3A_1458 : i32 to index
      %get3A_1490 = arith.constant 32 : index
      %get3A_1491 = tpu.vector_load %arg12[%get3A_1488, %get3A_1489, %get3A_1490] {strides = array<i32>} : memref<16x8x64xf32, #tpu.memory_space<vmem>>, vector<16xf32>,
      %mul3A_1492 = arith.mulf %get3A_1486, %get3A_1491 : vector<16xf32>
      %add3A_1493 = arith.addf %add3A_1481, %mul3A_1492 : vector<16xf32>
      %get3A_1494 = arith.constant 7 : i32
      %get3A_1495 = arith.index_cast %get3A_1494 : i32 to index
      %get3A_1496 = arith.index_cast %squeeze3A_1456 : i32 to index
      %get3A_1497 = arith.constant 48 : index
      %get3A_1498 = tpu.vector_load %arg10[%get3A_1495, %get3A_1496, %get3A_1497] {strides = array<i32>} : memref<16x8x64xf32, #tpu.memory_space<vmem>>, vector<16xf32>,
      %get3A_1499 = arith.constant 7 : i32
      %get3A_1500 = arith.index_cast %get3A_1499 : i32 to index
      %get3A_1501 = arith.index_cast %squeeze3A_1458 : i32 to index
      %get3A_1502 = arith.constant 48 : index
      %get3A_1503 = tpu.vector_load %arg12[%get3A_1500, %get3A_1501, %get3A_1502] {strides = array<i32>} : memref<16x8x64xf32, #tpu.memory_space<vmem>>, vector<16xf32>,
      %mul3A_1504 = arith.mulf %get3A_1498, %get3A_1503 : vector<16xf32>
      %add3A_1505 = arith.addf %add3A_1493, %mul3A_1504 : vector<16xf32>
      %swap3A_1506 = arith.constant 7 : i32
      %swap3A_1507 = arith.index_cast %swap3A_1506 : i32 to index
      %swap3A_1508 = arith.constant 0 : index
      %swap3A_1509 = tpu.vector_load %arg14[%swap3A_1507, %swap3A_1508] {strides = array<i32>} : memref<16x17xf32, #tpu.memory_space<vmem>>, vector<16xf32>,
      tpu.vector_store %arg14[%swap3A_1507, %swap3A_1508], %add3A_1505 {strides = array<i32>} : memref<16x17xf32, #tpu.memory_space<vmem>>, vector<16xf32>,
      %slice3A_1510 = vector.extract_strided_slice %and3A_1063 {offsets = [8], sizes = [1], strides = [1]} : vector<16xi32> to vector<1xi32>
      %squeeze3A_1511 = vector.extract %slice3A_1510[0] : i32 from vector<1xi32>
      %slice3A_1512 = vector.extract_strided_slice %and3A_1070 {offsets = [8], sizes = [1], strides = [1]} : vector<16xi32> to vector<1xi32>
      %squeeze3A_1513 = vector.extract %slice3A_1512[0] : i32 from vector<1xi32>
      %get3A_1514 = arith.constant 8 : i32
      %get3A_1515 = arith.index_cast %get3A_1514 : i32 to index
      %get3A_1516 = arith.index_cast %squeeze3A_1511 : i32 to index
      %get3A_1517 = arith.constant 0 : index
      %get3A_1518 = tpu.vector_load %arg10[%get3A_1515, %get3A_1516, %get3A_1517] {strides = array<i32>} : memref<16x8x64xf32, #tpu.memory_space<vmem>>, vector<16xf32>,
      %get3A_1519 = arith.constant 8 : i32
      %get3A_1520 = arith.index_cast %get3A_1519 : i32 to index
      %get3A_1521 = arith.index_cast %squeeze3A_1513 : i32 to index
      %get3A_1522 = arith.constant 0 : index
      %get3A_1523 = tpu.vector_load %arg12[%get3A_1520, %get3A_1521, %get3A_1522] {strides = array<i32>} : memref<16x8x64xf32, #tpu.memory_space<vmem>>, vector<16xf32>,
      %mul3A_1524 = arith.mulf %get3A_1518, %get3A_1523 : vector<16xf32>
      %get3A_1525 = arith.constant 8 : i32
      %get3A_1526 = arith.index_cast %get3A_1525 : i32 to index
      %get3A_1527 = arith.index_cast %squeeze3A_1511 : i32 to index
      %get3A_1528 = arith.constant 16 : index
      %get3A_1529 = tpu.vector_load %arg10[%get3A_1526, %get3A_1527, %get3A_1528] {strides = array<i32>} : memref<16x8x64xf32, #tpu.memory_space<vmem>>, vector<16xf32>,
      %get3A_1530 = arith.constant 8 : i32
      %get3A_1531 = arith.index_cast %get3A_1530 : i32 to index
      %get3A_1532 = arith.index_cast %squeeze3A_1513 : i32 to index
      %get3A_1533 = arith.constant 16 : index
      %get3A_1534 = tpu.vector_load %arg12[%get3A_1531, %get3A_1532, %get3A_1533] {strides = array<i32>} : memref<16x8x64xf32, #tpu.memory_space<vmem>>, vector<16xf32>,
      %mul3A_1535 = arith.mulf %get3A_1529, %get3A_1534 : vector<16xf32>
      %add3A_1536 = arith.addf %mul3A_1524, %mul3A_1535 : vector<16xf32>
      %get3A_1537 = arith.constant 8 : i32
      %get3A_1538 = arith.index_cast %get3A_1537 : i32 to index
      %get3A_1539 = arith.index_cast %squeeze3A_1511 : i32 to index
      %get3A_1540 = arith.constant 32 : index
      %get3A_1541 = tpu.vector_load %arg10[%get3A_1538, %get3A_1539, %get3A_1540] {strides = array<i32>} : memref<16x8x64xf32, #tpu.memory_space<vmem>>, vector<16xf32>,
      %get3A_1542 = arith.constant 8 : i32
      %get3A_1543 = arith.index_cast %get3A_1542 : i32 to index
      %get3A_1544 = arith.index_cast %squeeze3A_1513 : i32 to index
      %get3A_1545 = arith.constant 32 : index
      %get3A_1546 = tpu.vector_load %arg12[%get3A_1543, %get3A_1544, %get3A_1545] {strides = array<i32>} : memref<16x8x64xf32, #tpu.memory_space<vmem>>, vector<16xf32>,
      %mul3A_1547 = arith.mulf %get3A_1541, %get3A_1546 : vector<16xf32>
      %add3A_1548 = arith.addf %add3A_1536, %mul3A_1547 : vector<16xf32>
      %get3A_1549 = arith.constant 8 : i32
      %get3A_1550 = arith.index_cast %get3A_1549 : i32 to index
      %get3A_1551 = arith.index_cast %squeeze3A_1511 : i32 to index
      %get3A_1552 = arith.constant 48 : index
      %get3A_1553 = tpu.vector_load %arg10[%get3A_1550, %get3A_1551, %get3A_1552] {strides = array<i32>} : memref<16x8x64xf32, #tpu.memory_space<vmem>>, vector<16xf32>,
      %get3A_1554 = arith.constant 8 : i32
      %get3A_1555 = arith.index_cast %get3A_1554 : i32 to index
      %get3A_1556 = arith.index_cast %squeeze3A_1513 : i32 to index
      %get3A_1557 = arith.constant 48 : index
      %get3A_1558 = tpu.vector_load %arg12[%get3A_1555, %get3A_1556, %get3A_1557] {strides = array<i32>} : memref<16x8x64xf32, #tpu.memory_space<vmem>>, vector<16xf32>,
      %mul3A_1559 = arith.mulf %get3A_1553, %get3A_1558 : vector<16xf32>
      %add3A_1560 = arith.addf %add3A_1548, %mul3A_1559 : vector<16xf32>
      %swap3A_1561 = arith.constant 8 : i32
      %swap3A_1562 = arith.index_cast %swap3A_1561 : i32 to index
      %swap3A_1563 = arith.constant 0 : index
      %swap3A_1564 = tpu.vector_load %arg14[%swap3A_1562, %swap3A_1563] {strides = array<i32>} : memref<16x17xf32, #tpu.memory_space<vmem>>, vector<16xf32>,
      tpu.vector_store %arg14[%swap3A_1562, %swap3A_1563], %add3A_1560 {strides = array<i32>} : memref<16x17xf32, #tpu.memory_space<vmem>>, vector<16xf32>,
      %slice3A_1565 = vector.extract_strided_slice %and3A_1063 {offsets = [9], sizes = [1], strides = [1]} : vector<16xi32> to vector<1xi32>
      %squeeze3A_1566 = vector.extract %slice3A_1565[0] : i32 from vector<1xi32>
      %slice3A_1567 = vector.extract_strided_slice %and3A_1070 {offsets = [9], sizes = [1], strides = [1]} : vector<16xi32> to vector<1xi32>
      %squeeze3A_1568 = vector.extract %slice3A_1567[0] : i32 from vector<1xi32>
      %get3A_1569 = arith.constant 9 : i32
      %get3A_1570 = arith.index_cast %get3A_1569 : i32 to index
      %get3A_1571 = arith.index_cast %squeeze3A_1566 : i32 to index
      %get3A_1572 = arith.constant 0 : index
      %get3A_1573 = tpu.vector_load %arg10[%get3A_1570, %get3A_1571, %get3A_1572] {strides = array<i32>} : memref<16x8x64xf32, #tpu.memory_space<vmem>>, vector<16xf32>,
      %get3A_1574 = arith.constant 9 : i32
      %get3A_1575 = arith.index_cast %get3A_1574 : i32 to index
      %get3A_1576 = arith.index_cast %squeeze3A_1568 : i32 to index
      %get3A_1577 = arith.constant 0 : index
      %get3A_1578 = tpu.vector_load %arg12[%get3A_1575, %get3A_1576, %get3A_1577] {strides = array<i32>} : memref<16x8x64xf32, #tpu.memory_space<vmem>>, vector<16xf32>,
      %mul3A_1579 = arith.mulf %get3A_1573, %get3A_1578 : vector<16xf32>
      %get3A_1580 = arith.constant 9 : i32
      %get3A_1581 = arith.index_cast %get3A_1580 : i32 to index
      %get3A_1582 = arith.index_cast %squeeze3A_1566 : i32 to index
      %get3A_1583 = arith.constant 16 : index
      %get3A_1584 = tpu.vector_load %arg10[%get3A_1581, %get3A_1582, %get3A_1583] {strides = array<i32>} : memref<16x8x64xf32, #tpu.memory_space<vmem>>, vector<16xf32>,
      %get3A_1585 = arith.constant 9 : i32
      %get3A_1586 = arith.index_cast %get3A_1585 : i32 to index
      %get3A_1587 = arith.index_cast %squeeze3A_1568 : i32 to index
      %get3A_1588 = arith.constant 16 : index
      %get3A_1589 = tpu.vector_load %arg12[%get3A_1586, %get3A_1587, %get3A_1588] {strides = array<i32>} : memref<16x8x64xf32, #tpu.memory_space<vmem>>, vector<16xf32>,
      %mul3A_1590 = arith.mulf %get3A_1584, %get3A_1589 : vector<16xf32>
      %add3A_1591 = arith.addf %mul3A_1579, %mul3A_1590 : vector<16xf32>
      %get3A_1592 = arith.constant 9 : i32
      %get3A_1593 = arith.index_cast %get3A_1592 : i32 to index
      %get3A_1594 = arith.index_cast %squeeze3A_1566 : i32 to index
      %get3A_1595 = arith.constant 32 : index
      %get3A_1596 = tpu.vector_load %arg10[%get3A_1593, %get3A_1594, %get3A_1595] {strides = array<i32>} : memref<16x8x64xf32, #tpu.memory_space<vmem>>, vector<16xf32>,
      %get3A_1597 = arith.constant 9 : i32
      %get3A_1598 = arith.index_cast %get3A_1597 : i32 to index
      %get3A_1599 = arith.index_cast %squeeze3A_1568 : i32 to index
      %get3A_1600 = arith.constant 32 : index
      %get3A_1601 = tpu.vector_load %arg12[%get3A_1598, %get3A_1599, %get3A_1600] {strides = array<i32>} : memref<16x8x64xf32, #tpu.memory_space<vmem>>, vector<16xf32>,
      %mul3A_1602 = arith.mulf %get3A_1596, %get3A_1601 : vector<16xf32>
      %add3A_1603 = arith.addf %add3A_1591, %mul3A_1602 : vector<16xf32>
      %get3A_1604 = arith.constant 9 : i32
      %get3A_1605 = arith.index_cast %get3A_1604 : i32 to index
      %get3A_1606 = arith.index_cast %squeeze3A_1566 : i32 to index
      %get3A_1607 = arith.constant 48 : index
      %get3A_1608 = tpu.vector_load %arg10[%get3A_1605, %get3A_1606, %get3A_1607] {strides = array<i32>} : memref<16x8x64xf32, #tpu.memory_space<vmem>>, vector<16xf32>,
      %get3A_1609 = arith.constant 9 : i32
      %get3A_1610 = arith.index_cast %get3A_1609 : i32 to index
      %get3A_1611 = arith.index_cast %squeeze3A_1568 : i32 to index
      %get3A_1612 = arith.constant 48 : index
      %get3A_1613 = tpu.vector_load %arg12[%get3A_1610, %get3A_1611, %get3A_1612] {strides = array<i32>} : memref<16x8x64xf32, #tpu.memory_space<vmem>>, vector<16xf32>,
      %mul3A_1614 = arith.mulf %get3A_1608, %get3A_1613 : vector<16xf32>
      %add3A_1615 = arith.addf %add3A_1603, %mul3A_1614 : vector<16xf32>
      %swap3A_1616 = arith.constant 9 : i32
      %swap3A_1617 = arith.index_cast %swap3A_1616 : i32 to index
      %swap3A_1618 = arith.constant 0 : index
      %swap3A_1619 = tpu.vector_load %arg14[%swap3A_1617, %swap3A_1618] {strides = array<i32>} : memref<16x17xf32, #tpu.memory_space<vmem>>, vector<16xf32>,
      tpu.vector_store %arg14[%swap3A_1617, %swap3A_1618], %add3A_1615 {strides = array<i32>} : memref<16x17xf32, #tpu.memory_space<vmem>>, vector<16xf32>,
      %slice3A_1620 = vector.extract_strided_slice %and3A_1063 {offsets = [10], sizes = [1], strides = [1]} : vector<16xi32> to vector<1xi32>
      %squeeze3A_1621 = vector.extract %slice3A_1620[0] : i32 from vector<1xi32>
      %slice3A_1622 = vector.extract_strided_slice %and3A_1070 {offsets = [10], sizes = [1], strides = [1]} : vector<16xi32> to vector<1xi32>
      %squeeze3A_1623 = vector.extract %slice3A_1622[0] : i32 from vector<1xi32>
      %get3A_1624 = arith.constant 10 : i32
      %get3A_1625 = arith.index_cast %get3A_1624 : i32 to index
      %get3A_1626 = arith.index_cast %squeeze3A_1621 : i32 to index
      %get3A_1627 = arith.constant 0 : index
      %get3A_1628 = tpu.vector_load %arg10[%get3A_1625, %get3A_1626, %get3A_1627] {strides = array<i32>} : memref<16x8x64xf32, #tpu.memory_space<vmem>>, vector<16xf32>,
      %get3A_1629 = arith.constant 10 : i32
      %get3A_1630 = arith.index_cast %get3A_1629 : i32 to index
      %get3A_1631 = arith.index_cast %squeeze3A_1623 : i32 to index
      %get3A_1632 = arith.constant 0 : index
      %get3A_1633 = tpu.vector_load %arg12[%get3A_1630, %get3A_1631, %get3A_1632] {strides = array<i32>} : memref<16x8x64xf32, #tpu.memory_space<vmem>>, vector<16xf32>,
      %mul3A_1634 = arith.mulf %get3A_1628, %get3A_1633 : vector<16xf32>
      %get3A_1635 = arith.constant 10 : i32
      %get3A_1636 = arith.index_cast %get3A_1635 : i32 to index
      %get3A_1637 = arith.index_cast %squeeze3A_1621 : i32 to index
      %get3A_1638 = arith.constant 16 : index
      %get3A_1639 = tpu.vector_load %arg10[%get3A_1636, %get3A_1637, %get3A_1638] {strides = array<i32>} : memref<16x8x64xf32, #tpu.memory_space<vmem>>, vector<16xf32>,
      %get3A_1640 = arith.constant 10 : i32
      %get3A_1641 = arith.index_cast %get3A_1640 : i32 to index
      %get3A_1642 = arith.index_cast %squeeze3A_1623 : i32 to index
      %get3A_1643 = arith.constant 16 : index
      %get3A_1644 = tpu.vector_load %arg12[%get3A_1641, %get3A_1642, %get3A_1643] {strides = array<i32>} : memref<16x8x64xf32, #tpu.memory_space<vmem>>, vector<16xf32>,
      %mul3A_1645 = arith.mulf %get3A_1639, %get3A_1644 : vector<16xf32>
      %add3A_1646 = arith.addf %mul3A_1634, %mul3A_1645 : vector<16xf32>
      %get3A_1647 = arith.constant 10 : i32
      %get3A_1648 = arith.index_cast %get3A_1647 : i32 to index
      %get3A_1649 = arith.index_cast %squeeze3A_1621 : i32 to index
      %get3A_1650 = arith.constant 32 : index
      %get3A_1651 = tpu.vector_load %arg10[%get3A_1648, %get3A_1649, %get3A_1650] {strides = array<i32>} : memref<16x8x64xf32, #tpu.memory_space<vmem>>, vector<16xf32>,
      %get3A_1652 = arith.constant 10 : i32
      %get3A_1653 = arith.index_cast %get3A_1652 : i32 to index
      %get3A_1654 = arith.index_cast %squeeze3A_1623 : i32 to index
      %get3A_1655 = arith.constant 32 : index
      %get3A_1656 = tpu.vector_load %arg12[%get3A_1653, %get3A_1654, %get3A_1655] {strides = array<i32>} : memref<16x8x64xf32, #tpu.memory_space<vmem>>, vector<16xf32>,
      %mul3A_1657 = arith.mulf %get3A_1651, %get3A_1656 : vector<16xf32>
      %add3A_1658 = arith.addf %add3A_1646, %mul3A_1657 : vector<16xf32>
      %get3A_1659 = arith.constant 10 : i32
      %get3A_1660 = arith.index_cast %get3A_1659 : i32 to index
      %get3A_1661 = arith.index_cast %squeeze3A_1621 : i32 to index
      %get3A_1662 = arith.constant 48 : index
      %get3A_1663 = tpu.vector_load %arg10[%get3A_1660, %get3A_1661, %get3A_1662] {strides = array<i32>} : memref<16x8x64xf32, #tpu.memory_space<vmem>>, vector<16xf32>,
      %get3A_1664 = arith.constant 10 : i32
      %get3A_1665 = arith.index_cast %get3A_1664 : i32 to index
      %get3A_1666 = arith.index_cast %squeeze3A_1623 : i32 to index
      %get3A_1667 = arith.constant 48 : index
      %get3A_1668 = tpu.vector_load %arg12[%get3A_1665, %get3A_1666, %get3A_1667] {strides = array<i32>} : memref<16x8x64xf32, #tpu.memory_space<vmem>>, vector<16xf32>,
      %mul3A_1669 = arith.mulf %get3A_1663, %get3A_1668 : vector<16xf32>
      %add3A_1670 = arith.addf %add3A_1658, %mul3A_1669 : vector<16xf32>
      %swap3A_1671 = arith.constant 10 : i32
      %swap3A_1672 = arith.index_cast %swap3A_1671 : i32 to index
      %swap3A_1673 = arith.constant 0 : index
      %swap3A_1674 = tpu.vector_load %arg14[%swap3A_1672, %swap3A_1673] {strides = array<i32>} : memref<16x17xf32, #tpu.memory_space<vmem>>, vector<16xf32>,
      tpu.vector_store %arg14[%swap3A_1672, %swap3A_1673], %add3A_1670 {strides = array<i32>} : memref<16x17xf32, #tpu.memory_space<vmem>>, vector<16xf32>,
      %slice3A_1675 = vector.extract_strided_slice %and3A_1063 {offsets = [11], sizes = [1], strides = [1]} : vector<16xi32> to vector<1xi32>
      %squeeze3A_1676 = vector.extract %slice3A_1675[0] : i32 from vector<1xi32>
      %slice3A_1677 = vector.extract_strided_slice %and3A_1070 {offsets = [11], sizes = [1], strides = [1]} : vector<16xi32> to vector<1xi32>
      %squeeze3A_1678 = vector.extract %slice3A_1677[0] : i32 from vector<1xi32>
      %get3A_1679 = arith.constant 11 : i32
      %get3A_1680 = arith.index_cast %get3A_1679 : i32 to index
      %get3A_1681 = arith.index_cast %squeeze3A_1676 : i32 to index
      %get3A_1682 = arith.constant 0 : index
      %get3A_1683 = tpu.vector_load %arg10[%get3A_1680, %get3A_1681, %get3A_1682] {strides = array<i32>} : memref<16x8x64xf32, #tpu.memory_space<vmem>>, vector<16xf32>,
      %get3A_1684 = arith.constant 11 : i32
      %get3A_1685 = arith.index_cast %get3A_1684 : i32 to index
      %get3A_1686 = arith.index_cast %squeeze3A_1678 : i32 to index
      %get3A_1687 = arith.constant 0 : index
      %get3A_1688 = tpu.vector_load %arg12[%get3A_1685, %get3A_1686, %get3A_1687] {strides = array<i32>} : memref<16x8x64xf32, #tpu.memory_space<vmem>>, vector<16xf32>,
      %mul3A_1689 = arith.mulf %get3A_1683, %get3A_1688 : vector<16xf32>
      %get3A_1690 = arith.constant 11 : i32
      %get3A_1691 = arith.index_cast %get3A_1690 : i32 to index
      %get3A_1692 = arith.index_cast %squeeze3A_1676 : i32 to index
      %get3A_1693 = arith.constant 16 : index
      %get3A_1694 = tpu.vector_load %arg10[%get3A_1691, %get3A_1692, %get3A_1693] {strides = array<i32>} : memref<16x8x64xf32, #tpu.memory_space<vmem>>, vector<16xf32>,
      %get3A_1695 = arith.constant 11 : i32
      %get3A_1696 = arith.index_cast %get3A_1695 : i32 to index
      %get3A_1697 = arith.index_cast %squeeze3A_1678 : i32 to index
      %get3A_1698 = arith.constant 16 : index
      %get3A_1699 = tpu.vector_load %arg12[%get3A_1696, %get3A_1697, %get3A_1698] {strides = array<i32>} : memref<16x8x64xf32, #tpu.memory_space<vmem>>, vector<16xf32>,
      %mul3A_1700 = arith.mulf %get3A_1694, %get3A_1699 : vector<16xf32>
      %add3A_1701 = arith.addf %mul3A_1689, %mul3A_1700 : vector<16xf32>
      %get3A_1702 = arith.constant 11 : i32
      %get3A_1703 = arith.index_cast %get3A_1702 : i32 to index
      %get3A_1704 = arith.index_cast %squeeze3A_1676 : i32 to index
      %get3A_1705 = arith.constant 32 : index
      %get3A_1706 = tpu.vector_load %arg10[%get3A_1703, %get3A_1704, %get3A_1705] {strides = array<i32>} : memref<16x8x64xf32, #tpu.memory_space<vmem>>, vector<16xf32>,
      %get3A_1707 = arith.constant 11 : i32
      %get3A_1708 = arith.index_cast %get3A_1707 : i32 to index
      %get3A_1709 = arith.index_cast %squeeze3A_1678 : i32 to index
      %get3A_1710 = arith.constant 32 : index
      %get3A_1711 = tpu.vector_load %arg12[%get3A_1708, %get3A_1709, %get3A_1710] {strides = array<i32>} : memref<16x8x64xf32, #tpu.memory_space<vmem>>, vector<16xf32>,
      %mul3A_1712 = arith.mulf %get3A_1706, %get3A_1711 : vector<16xf32>
      %add3A_1713 = arith.addf %add3A_1701, %mul3A_1712 : vector<16xf32>
      %get3A_1714 = arith.constant 11 : i32
      %get3A_1715 = arith.index_cast %get3A_1714 : i32 to index
      %get3A_1716 = arith.index_cast %squeeze3A_1676 : i32 to index
      %get3A_1717 = arith.constant 48 : index
      %get3A_1718 = tpu.vector_load %arg10[%get3A_1715, %get3A_1716, %get3A_1717] {strides = array<i32>} : memref<16x8x64xf32, #tpu.memory_space<vmem>>, vector<16xf32>,
      %get3A_1719 = arith.constant 11 : i32
      %get3A_1720 = arith.index_cast %get3A_1719 : i32 to index
      %get3A_1721 = arith.index_cast %squeeze3A_1678 : i32 to index
      %get3A_1722 = arith.constant 48 : index
      %get3A_1723 = tpu.vector_load %arg12[%get3A_1720, %get3A_1721, %get3A_1722] {strides = array<i32>} : memref<16x8x64xf32, #tpu.memory_space<vmem>>, vector<16xf32>,
      %mul3A_1724 = arith.mulf %get3A_1718, %get3A_1723 : vector<16xf32>
      %add3A_1725 = arith.addf %add3A_1713, %mul3A_1724 : vector<16xf32>
      %swap3A_1726 = arith.constant 11 : i32
      %swap3A_1727 = arith.index_cast %swap3A_1726 : i32 to index
      %swap3A_1728 = arith.constant 0 : index
      %swap3A_1729 = tpu.vector_load %arg14[%swap3A_1727, %swap3A_1728] {strides = array<i32>} : memref<16x17xf32, #tpu.memory_space<vmem>>, vector<16xf32>,
      tpu.vector_store %arg14[%swap3A_1727, %swap3A_1728], %add3A_1725 {strides = array<i32>} : memref<16x17xf32, #tpu.memory_space<vmem>>, vector<16xf32>,
      %slice3A_1730 = vector.extract_strided_slice %and3A_1063 {offsets = [12], sizes = [1], strides = [1]} : vector<16xi32> to vector<1xi32>
      %squeeze3A_1731 = vector.extract %slice3A_1730[0] : i32 from vector<1xi32>
      %slice3A_1732 = vector.extract_strided_slice %and3A_1070 {offsets = [12], sizes = [1], strides = [1]} : vector<16xi32> to vector<1xi32>
      %squeeze3A_1733 = vector.extract %slice3A_1732[0] : i32 from vector<1xi32>
      %get3A_1734 = arith.constant 12 : i32
      %get3A_1735 = arith.index_cast %get3A_1734 : i32 to index
      %get3A_1736 = arith.index_cast %squeeze3A_1731 : i32 to index
      %get3A_1737 = arith.constant 0 : index
      %get3A_1738 = tpu.vector_load %arg10[%get3A_1735, %get3A_1736, %get3A_1737] {strides = array<i32>} : memref<16x8x64xf32, #tpu.memory_space<vmem>>, vector<16xf32>,
      %get3A_1739 = arith.constant 12 : i32
      %get3A_1740 = arith.index_cast %get3A_1739 : i32 to index
      %get3A_1741 = arith.index_cast %squeeze3A_1733 : i32 to index
      %get3A_1742 = arith.constant 0 : index
      %get3A_1743 = tpu.vector_load %arg12[%get3A_1740, %get3A_1741, %get3A_1742] {strides = array<i32>} : memref<16x8x64xf32, #tpu.memory_space<vmem>>, vector<16xf32>,
      %mul3A_1744 = arith.mulf %get3A_1738, %get3A_1743 : vector<16xf32>
      %get3A_1745 = arith.constant 12 : i32
      %get3A_1746 = arith.index_cast %get3A_1745 : i32 to index
      %get3A_1747 = arith.index_cast %squeeze3A_1731 : i32 to index
      %get3A_1748 = arith.constant 16 : index
      %get3A_1749 = tpu.vector_load %arg10[%get3A_1746, %get3A_1747, %get3A_1748] {strides = array<i32>} : memref<16x8x64xf32, #tpu.memory_space<vmem>>, vector<16xf32>,
      %get3A_1750 = arith.constant 12 : i32
      %get3A_1751 = arith.index_cast %get3A_1750 : i32 to index
      %get3A_1752 = arith.index_cast %squeeze3A_1733 : i32 to index
      %get3A_1753 = arith.constant 16 : index
      %get3A_1754 = tpu.vector_load %arg12[%get3A_1751, %get3A_1752, %get3A_1753] {strides = array<i32>} : memref<16x8x64xf32, #tpu.memory_space<vmem>>, vector<16xf32>,
      %mul3A_1755 = arith.mulf %get3A_1749, %get3A_1754 : vector<16xf32>
      %add3A_1756 = arith.addf %mul3A_1744, %mul3A_1755 : vector<16xf32>
      %get3A_1757 = arith.constant 12 : i32
      %get3A_1758 = arith.index_cast %get3A_1757 : i32 to index
      %get3A_1759 = arith.index_cast %squeeze3A_1731 : i32 to index
      %get3A_1760 = arith.constant 32 : index
      %get3A_1761 = tpu.vector_load %arg10[%get3A_1758, %get3A_1759, %get3A_1760] {strides = array<i32>} : memref<16x8x64xf32, #tpu.memory_space<vmem>>, vector<16xf32>,
      %get3A_1762 = arith.constant 12 : i32
      %get3A_1763 = arith.index_cast %get3A_1762 : i32 to index
      %get3A_1764 = arith.index_cast %squeeze3A_1733 : i32 to index
      %get3A_1765 = arith.constant 32 : index
      %get3A_1766 = tpu.vector_load %arg12[%get3A_1763, %get3A_1764, %get3A_1765] {strides = array<i32>} : memref<16x8x64xf32, #tpu.memory_space<vmem>>, vector<16xf32>,
      %mul3A_1767 = arith.mulf %get3A_1761, %get3A_1766 : vector<16xf32>
      %add3A_1768 = arith.addf %add3A_1756, %mul3A_1767 : vector<16xf32>
      %get3A_1769 = arith.constant 12 : i32
      %get3A_1770 = arith.index_cast %get3A_1769 : i32 to index
      %get3A_1771 = arith.index_cast %squeeze3A_1731 : i32 to index
      %get3A_1772 = arith.constant 48 : index
      %get3A_1773 = tpu.vector_load %arg10[%get3A_1770, %get3A_1771, %get3A_1772] {strides = array<i32>} : memref<16x8x64xf32, #tpu.memory_space<vmem>>, vector<16xf32>,
      %get3A_1774 = arith.constant 12 : i32
      %get3A_1775 = arith.index_cast %get3A_1774 : i32 to index
      %get3A_1776 = arith.index_cast %squeeze3A_1733 : i32 to index
      %get3A_1777 = arith.constant 48 : index
      %get3A_1778 = tpu.vector_load %arg12[%get3A_1775, %get3A_1776, %get3A_1777] {strides = array<i32>} : memref<16x8x64xf32, #tpu.memory_space<vmem>>, vector<16xf32>,
      %mul3A_1779 = arith.mulf %get3A_1773, %get3A_1778 : vector<16xf32>
      %add3A_1780 = arith.addf %add3A_1768, %mul3A_1779 : vector<16xf32>
      %swap3A_1781 = arith.constant 12 : i32
      %swap3A_1782 = arith.index_cast %swap3A_1781 : i32 to index
      %swap3A_1783 = arith.constant 0 : index
      %swap3A_1784 = tpu.vector_load %arg14[%swap3A_1782, %swap3A_1783] {strides = array<i32>} : memref<16x17xf32, #tpu.memory_space<vmem>>, vector<16xf32>,
      tpu.vector_store %arg14[%swap3A_1782, %swap3A_1783], %add3A_1780 {strides = array<i32>} : memref<16x17xf32, #tpu.memory_space<vmem>>, vector<16xf32>,
      %slice3A_1785 = vector.extract_strided_slice %and3A_1063 {offsets = [13], sizes = [1], strides = [1]} : vector<16xi32> to vector<1xi32>
      %squeeze3A_1786 = vector.extract %slice3A_1785[0] : i32 from vector<1xi32>
      %slice3A_1787 = vector.extract_strided_slice %and3A_1070 {offsets = [13], sizes = [1], strides = [1]} : vector<16xi32> to vector<1xi32>
      %squeeze3A_1788 = vector.extract %slice3A_1787[0] : i32 from vector<1xi32>
      %get3A_1789 = arith.constant 13 : i32
      %get3A_1790 = arith.index_cast %get3A_1789 : i32 to index
      %get3A_1791 = arith.index_cast %squeeze3A_1786 : i32 to index
      %get3A_1792 = arith.constant 0 : index
      %get3A_1793 = tpu.vector_load %arg10[%get3A_1790, %get3A_1791, %get3A_1792] {strides = array<i32>} : memref<16x8x64xf32, #tpu.memory_space<vmem>>, vector<16xf32>,
      %get3A_1794 = arith.constant 13 : i32
      %get3A_1795 = arith.index_cast %get3A_1794 : i32 to index
      %get3A_1796 = arith.index_cast %squeeze3A_1788 : i32 to index
      %get3A_1797 = arith.constant 0 : index
      %get3A_1798 = tpu.vector_load %arg12[%get3A_1795, %get3A_1796, %get3A_1797] {strides = array<i32>} : memref<16x8x64xf32, #tpu.memory_space<vmem>>, vector<16xf32>,
      %mul3A_1799 = arith.mulf %get3A_1793, %get3A_1798 : vector<16xf32>
      %get3A_1800 = arith.constant 13 : i32
      %get3A_1801 = arith.index_cast %get3A_1800 : i32 to index
      %get3A_1802 = arith.index_cast %squeeze3A_1786 : i32 to index
      %get3A_1803 = arith.constant 16 : index
      %get3A_1804 = tpu.vector_load %arg10[%get3A_1801, %get3A_1802, %get3A_1803] {strides = array<i32>} : memref<16x8x64xf32, #tpu.memory_space<vmem>>, vector<16xf32>,
      %get3A_1805 = arith.constant 13 : i32
      %get3A_1806 = arith.index_cast %get3A_1805 : i32 to index
      %get3A_1807 = arith.index_cast %squeeze3A_1788 : i32 to index
      %get3A_1808 = arith.constant 16 : index
      %get3A_1809 = tpu.vector_load %arg12[%get3A_1806, %get3A_1807, %get3A_1808] {strides = array<i32>} : memref<16x8x64xf32, #tpu.memory_space<vmem>>, vector<16xf32>,
      %mul3A_1810 = arith.mulf %get3A_1804, %get3A_1809 : vector<16xf32>
      %add3A_1811 = arith.addf %mul3A_1799, %mul3A_1810 : vector<16xf32>
      %get3A_1812 = arith.constant 13 : i32
      %get3A_1813 = arith.index_cast %get3A_1812 : i32 to index
      %get3A_1814 = arith.index_cast %squeeze3A_1786 : i32 to index
      %get3A_1815 = arith.constant 32 : index
      %get3A_1816 = tpu.vector_load %arg10[%get3A_1813, %get3A_1814, %get3A_1815] {strides = array<i32>} : memref<16x8x64xf32, #tpu.memory_space<vmem>>, vector<16xf32>,
      %get3A_1817 = arith.constant 13 : i32
      %get3A_1818 = arith.index_cast %get3A_1817 : i32 to index
      %get3A_1819 = arith.index_cast %squeeze3A_1788 : i32 to index
      %get3A_1820 = arith.constant 32 : index
      %get3A_1821 = tpu.vector_load %arg12[%get3A_1818, %get3A_1819, %get3A_1820] {strides = array<i32>} : memref<16x8x64xf32, #tpu.memory_space<vmem>>, vector<16xf32>,
      %mul3A_1822 = arith.mulf %get3A_1816, %get3A_1821 : vector<16xf32>
      %add3A_1823 = arith.addf %add3A_1811, %mul3A_1822 : vector<16xf32>
      %get3A_1824 = arith.constant 13 : i32
      %get3A_1825 = arith.index_cast %get3A_1824 : i32 to index
      %get3A_1826 = arith.index_cast %squeeze3A_1786 : i32 to index
      %get3A_1827 = arith.constant 48 : index
      %get3A_1828 = tpu.vector_load %arg10[%get3A_1825, %get3A_1826, %get3A_1827] {strides = array<i32>} : memref<16x8x64xf32, #tpu.memory_space<vmem>>, vector<16xf32>,
      %get3A_1829 = arith.constant 13 : i32
      %get3A_1830 = arith.index_cast %get3A_1829 : i32 to index
      %get3A_1831 = arith.index_cast %squeeze3A_1788 : i32 to index
      %get3A_1832 = arith.constant 48 : index
      %get3A_1833 = tpu.vector_load %arg12[%get3A_1830, %get3A_1831, %get3A_1832] {strides = array<i32>} : memref<16x8x64xf32, #tpu.memory_space<vmem>>, vector<16xf32>,
      %mul3A_1834 = arith.mulf %get3A_1828, %get3A_1833 : vector<16xf32>
      %add3A_1835 = arith.addf %add3A_1823, %mul3A_1834 : vector<16xf32>
      %swap3A_1836 = arith.constant 13 : i32
      %swap3A_1837 = arith.index_cast %swap3A_1836 : i32 to index
      %swap3A_1838 = arith.constant 0 : index
      %swap3A_1839 = tpu.vector_load %arg14[%swap3A_1837, %swap3A_1838] {strides = array<i32>} : memref<16x17xf32, #tpu.memory_space<vmem>>, vector<16xf32>,
      tpu.vector_store %arg14[%swap3A_1837, %swap3A_1838], %add3A_1835 {strides = array<i32>} : memref<16x17xf32, #tpu.memory_space<vmem>>, vector<16xf32>,
      %slice3A_1840 = vector.extract_strided_slice %and3A_1063 {offsets = [14], sizes = [1], strides = [1]} : vector<16xi32> to vector<1xi32>
      %squeeze3A_1841 = vector.extract %slice3A_1840[0] : i32 from vector<1xi32>
      %slice3A_1842 = vector.extract_strided_slice %and3A_1070 {offsets = [14], sizes = [1], strides = [1]} : vector<16xi32> to vector<1xi32>
      %squeeze3A_1843 = vector.extract %slice3A_1842[0] : i32 from vector<1xi32>
      %get3A_1844 = arith.constant 14 : i32
      %get3A_1845 = arith.index_cast %get3A_1844 : i32 to index
      %get3A_1846 = arith.index_cast %squeeze3A_1841 : i32 to index
      %get3A_1847 = arith.constant 0 : index
      %get3A_1848 = tpu.vector_load %arg10[%get3A_1845, %get3A_1846, %get3A_1847] {strides = array<i32>} : memref<16x8x64xf32, #tpu.memory_space<vmem>>, vector<16xf32>,
      %get3A_1849 = arith.constant 14 : i32
      %get3A_1850 = arith.index_cast %get3A_1849 : i32 to index
      %get3A_1851 = arith.index_cast %squeeze3A_1843 : i32 to index
      %get3A_1852 = arith.constant 0 : index
      %get3A_1853 = tpu.vector_load %arg12[%get3A_1850, %get3A_1851, %get3A_1852] {strides = array<i32>} : memref<16x8x64xf32, #tpu.memory_space<vmem>>, vector<16xf32>,
      %mul3A_1854 = arith.mulf %get3A_1848, %get3A_1853 : vector<16xf32>
      %get3A_1855 = arith.constant 14 : i32
      %get3A_1856 = arith.index_cast %get3A_1855 : i32 to index
      %get3A_1857 = arith.index_cast %squeeze3A_1841 : i32 to index
      %get3A_1858 = arith.constant 16 : index
      %get3A_1859 = tpu.vector_load %arg10[%get3A_1856, %get3A_1857, %get3A_1858] {strides = array<i32>} : memref<16x8x64xf32, #tpu.memory_space<vmem>>, vector<16xf32>,
      %get3A_1860 = arith.constant 14 : i32
      %get3A_1861 = arith.index_cast %get3A_1860 : i32 to index
      %get3A_1862 = arith.index_cast %squeeze3A_1843 : i32 to index
      %get3A_1863 = arith.constant 16 : index
      %get3A_1864 = tpu.vector_load %arg12[%get3A_1861, %get3A_1862, %get3A_1863] {strides = array<i32>} : memref<16x8x64xf32, #tpu.memory_space<vmem>>, vector<16xf32>,
      %mul3A_1865 = arith.mulf %get3A_1859, %get3A_1864 : vector<16xf32>
      %add3A_1866 = arith.addf %mul3A_1854, %mul3A_1865 : vector<16xf32>
      %get3A_1867 = arith.constant 14 : i32
      %get3A_1868 = arith.index_cast %get3A_1867 : i32 to index
      %get3A_1869 = arith.index_cast %squeeze3A_1841 : i32 to index
      %get3A_1870 = arith.constant 32 : index
      %get3A_1871 = tpu.vector_load %arg10[%get3A_1868, %get3A_1869, %get3A_1870] {strides = array<i32>} : memref<16x8x64xf32, #tpu.memory_space<vmem>>, vector<16xf32>,
      %get3A_1872 = arith.constant 14 : i32
      %get3A_1873 = arith.index_cast %get3A_1872 : i32 to index
      %get3A_1874 = arith.index_cast %squeeze3A_1843 : i32 to index
      %get3A_1875 = arith.constant 32 : index
      %get3A_1876 = tpu.vector_load %arg12[%get3A_1873, %get3A_1874, %get3A_1875] {strides = array<i32>} : memref<16x8x64xf32, #tpu.memory_space<vmem>>, vector<16xf32>,
      %mul3A_1877 = arith.mulf %get3A_1871, %get3A_1876 : vector<16xf32>
      %add3A_1878 = arith.addf %add3A_1866, %mul3A_1877 : vector<16xf32>
      %get3A_1879 = arith.constant 14 : i32
      %get3A_1880 = arith.index_cast %get3A_1879 : i32 to index
      %get3A_1881 = arith.index_cast %squeeze3A_1841 : i32 to index
      %get3A_1882 = arith.constant 48 : index
      %get3A_1883 = tpu.vector_load %arg10[%get3A_1880, %get3A_1881, %get3A_1882] {strides = array<i32>} : memref<16x8x64xf32, #tpu.memory_space<vmem>>, vector<16xf32>,
      %get3A_1884 = arith.constant 14 : i32
      %get3A_1885 = arith.index_cast %get3A_1884 : i32 to index
      %get3A_1886 = arith.index_cast %squeeze3A_1843 : i32 to index
      %get3A_1887 = arith.constant 48 : index
      %get3A_1888 = tpu.vector_load %arg12[%get3A_1885, %get3A_1886, %get3A_1887] {strides = array<i32>} : memref<16x8x64xf32, #tpu.memory_space<vmem>>, vector<16xf32>,
      %mul3A_1889 = arith.mulf %get3A_1883, %get3A_1888 : vector<16xf32>
      %add3A_1890 = arith.addf %add3A_1878, %mul3A_1889 : vector<16xf32>
      %swap3A_1891 = arith.constant 14 : i32
      %swap3A_1892 = arith.index_cast %swap3A_1891 : i32 to index
      %swap3A_1893 = arith.constant 0 : index
      %swap3A_1894 = tpu.vector_load %arg14[%swap3A_1892, %swap3A_1893] {strides = array<i32>} : memref<16x17xf32, #tpu.memory_space<vmem>>, vector<16xf32>,
      tpu.vector_store %arg14[%swap3A_1892, %swap3A_1893], %add3A_1890 {strides = array<i32>} : memref<16x17xf32, #tpu.memory_space<vmem>>, vector<16xf32>,
      %slice3A_1895 = vector.extract_strided_slice %and3A_1063 {offsets = [15], sizes = [1], strides = [1]} : vector<16xi32> to vector<1xi32>
      %squeeze3A_1896 = vector.extract %slice3A_1895[0] : i32 from vector<1xi32>
      %slice3A_1897 = vector.extract_strided_slice %and3A_1070 {offsets = [15], sizes = [1], strides = [1]} : vector<16xi32> to vector<1xi32>
      %squeeze3A_1898 = vector.extract %slice3A_1897[0] : i32 from vector<1xi32>
      %get3A_1899 = arith.constant 15 : i32
      %get3A_1900 = arith.index_cast %get3A_1899 : i32 to index
      %get3A_1901 = arith.index_cast %squeeze3A_1896 : i32 to index
      %get3A_1902 = arith.constant 0 : index
      %get3A_1903 = tpu.vector_load %arg10[%get3A_1900, %get3A_1901, %get3A_1902] {strides = array<i32>} : memref<16x8x64xf32, #tpu.memory_space<vmem>>, vector<16xf32>,
      %get3A_1904 = arith.constant 15 : i32
      %get3A_1905 = arith.index_cast %get3A_1904 : i32 to index
      %get3A_1906 = arith.index_cast %squeeze3A_1898 : i32 to index
      %get3A_1907 = arith.constant 0 : index
      %get3A_1908 = tpu.vector_load %arg12[%get3A_1905, %get3A_1906, %get3A_1907] {strides = array<i32>} : memref<16x8x64xf32, #tpu.memory_space<vmem>>, vector<16xf32>,
      %mul3A_1909 = arith.mulf %get3A_1903, %get3A_1908 : vector<16xf32>
      %get3A_1910 = arith.constant 15 : i32
      %get3A_1911 = arith.index_cast %get3A_1910 : i32 to index
      %get3A_1912 = arith.index_cast %squeeze3A_1896 : i32 to index
      %get3A_1913 = arith.constant 16 : index
      %get3A_1914 = tpu.vector_load %arg10[%get3A_1911, %get3A_1912, %get3A_1913] {strides = array<i32>} : memref<16x8x64xf32, #tpu.memory_space<vmem>>, vector<16xf32>,
      %get3A_1915 = arith.constant 15 : i32
      %get3A_1916 = arith.index_cast %get3A_1915 : i32 to index
      %get3A_1917 = arith.index_cast %squeeze3A_1898 : i32 to index
      %get3A_1918 = arith.constant 16 : index
      %get3A_1919 = tpu.vector_load %arg12[%get3A_1916, %get3A_1917, %get3A_1918] {strides = array<i32>} : memref<16x8x64xf32, #tpu.memory_space<vmem>>, vector<16xf32>,
      %mul3A_1920 = arith.mulf %get3A_1914, %get3A_1919 : vector<16xf32>
      %add3A_1921 = arith.addf %mul3A_1909, %mul3A_1920 : vector<16xf32>
      %get3A_1922 = arith.constant 15 : i32
      %get3A_1923 = arith.index_cast %get3A_1922 : i32 to index
      %get3A_1924 = arith.index_cast %squeeze3A_1896 : i32 to index
      %get3A_1925 = arith.constant 32 : index
      %get3A_1926 = tpu.vector_load %arg10[%get3A_1923, %get3A_1924, %get3A_1925] {strides = array<i32>} : memref<16x8x64xf32, #tpu.memory_space<vmem>>, vector<16xf32>,
      %get3A_1927 = arith.constant 15 : i32
      %get3A_1928 = arith.index_cast %get3A_1927 : i32 to index
      %get3A_1929 = arith.index_cast %squeeze3A_1898 : i32 to index
      %get3A_1930 = arith.constant 32 : index
      %get3A_1931 = tpu.vector_load %arg12[%get3A_1928, %get3A_1929, %get3A_1930] {strides = array<i32>} : memref<16x8x64xf32, #tpu.memory_space<vmem>>, vector<16xf32>,
      %mul3A_1932 = arith.mulf %get3A_1926, %get3A_1931 : vector<16xf32>
      %add3A_1933 = arith.addf %add3A_1921, %mul3A_1932 : vector<16xf32>
      %get3A_1934 = arith.constant 15 : i32
      %get3A_1935 = arith.index_cast %get3A_1934 : i32 to index
      %get3A_1936 = arith.index_cast %squeeze3A_1896 : i32 to index
      %get3A_1937 = arith.constant 48 : index
      %get3A_1938 = tpu.vector_load %arg10[%get3A_1935, %get3A_1936, %get3A_1937] {strides = array<i32>} : memref<16x8x64xf32, #tpu.memory_space<vmem>>, vector<16xf32>,
      %get3A_1939 = arith.constant 15 : i32
      %get3A_1940 = arith.index_cast %get3A_1939 : i32 to index
      %get3A_1941 = arith.index_cast %squeeze3A_1898 : i32 to index
      %get3A_1942 = arith.constant 48 : index
      %get3A_1943 = tpu.vector_load %arg12[%get3A_1940, %get3A_1941, %get3A_1942] {strides = array<i32>} : memref<16x8x64xf32, #tpu.memory_space<vmem>>, vector<16xf32>,
      %mul3A_1944 = arith.mulf %get3A_1938, %get3A_1943 : vector<16xf32>
      %add3A_1945 = arith.addf %add3A_1933, %mul3A_1944 : vector<16xf32>
      %swap3A_1946 = arith.constant 15 : i32
      %swap3A_1947 = arith.index_cast %swap3A_1946 : i32 to index
      %swap3A_1948 = arith.constant 0 : index
      %swap3A_1949 = tpu.vector_load %arg14[%swap3A_1947, %swap3A_1948] {strides = array<i32>} : memref<16x17xf32, #tpu.memory_space<vmem>>, vector<16xf32>,
      tpu.vector_store %arg14[%swap3A_1947, %swap3A_1948], %add3A_1945 {strides = array<i32>} : memref<16x17xf32, #tpu.memory_space<vmem>>, vector<16xf32>,
      %iota3A = tpu.iota {dimensions = array<i32: 0>} : vector<16xi32>
      %broadcast_in_dim3A = arith.constant 0 : i32
      %broadcast_in_dim3A_1950 = vector.broadcast %broadcast_in_dim3A : i32 to vector<16xi32>
      %gather3A = tpu.vector_load_idx %arg14[%iota3A, %broadcast_in_dim3A_1950] : memref<16x17xf32, #tpu.memory_space<vmem>>[vector<16xi32>, vector<16xi32>], vector<16xf32>,
      %broadcast_in_dim3A_1951 = arith.constant 1 : i32
      %broadcast_in_dim3A_1952 = vector.broadcast %broadcast_in_dim3A_1951 : i32 to vector<16xi32>
      %gather3A_1953 = tpu.vector_load_idx %arg14[%iota3A, %broadcast_in_dim3A_1952] : memref<16x17xf32, #tpu.memory_space<vmem>>[vector<16xi32>, vector<16xi32>], vector<16xf32>,
      %add3A_1954 = arith.addf %gather3A, %gather3A_1953 : vector<16xf32>
      %broadcast_in_dim3A_1955 = arith.constant 2 : i32
      %broadcast_in_dim3A_1956 = vector.broadcast %broadcast_in_dim3A_1955 : i32 to vector<16xi32>
      %gather3A_1957 = tpu.vector_load_idx %arg14[%iota3A, %broadcast_in_dim3A_1956] : memref<16x17xf32, #tpu.memory_space<vmem>>[vector<16xi32>, vector<16xi32>], vector<16xf32>,
      %add3A_1958 = arith.addf %add3A_1954, %gather3A_1957 : vector<16xf32>
      %broadcast_in_dim3A_1959 = arith.constant 3 : i32
      %broadcast_in_dim3A_1960 = vector.broadcast %broadcast_in_dim3A_1959 : i32 to vector<16xi32>
      %gather3A_1961 = tpu.vector_load_idx %arg14[%iota3A, %broadcast_in_dim3A_1960] : memref<16x17xf32, #tpu.memory_space<vmem>>[vector<16xi32>, vector<16xi32>], vector<16xf32>,
      %add3A_1962 = arith.addf %add3A_1958, %gather3A_1961 : vector<16xf32>
      %broadcast_in_dim3A_1963 = arith.constant 4 : i32
      %broadcast_in_dim3A_1964 = vector.broadcast %broadcast_in_dim3A_1963 : i32 to vector<16xi32>
      %gather3A_1965 = tpu.vector_load_idx %arg14[%iota3A, %broadcast_in_dim3A_1964] : memref<16x17xf32, #tpu.memory_space<vmem>>[vector<16xi32>, vector<16xi32>], vector<16xf32>,
      %add3A_1966 = arith.addf %add3A_1962, %gather3A_1965 : vector<16xf32>
      %broadcast_in_dim3A_1967 = arith.constant 5 : i32
      %broadcast_in_dim3A_1968 = vector.broadcast %broadcast_in_dim3A_1967 : i32 to vector<16xi32>
      %gather3A_1969 = tpu.vector_load_idx %arg14[%iota3A, %broadcast_in_dim3A_1968] : memref<16x17xf32, #tpu.memory_space<vmem>>[vector<16xi32>, vector<16xi32>], vector<16xf32>,
      %add3A_1970 = arith.addf %add3A_1966, %gather3A_1969 : vector<16xf32>
      %broadcast_in_dim3A_1971 = arith.constant 6 : i32
      %broadcast_in_dim3A_1972 = vector.broadcast %broadcast_in_dim3A_1971 : i32 to vector<16xi32>
      %gather3A_1973 = tpu.vector_load_idx %arg14[%iota3A, %broadcast_in_dim3A_1972] : memref<16x17xf32, #tpu.memory_space<vmem>>[vector<16xi32>, vector<16xi32>], vector<16xf32>,
      %add3A_1974 = arith.addf %add3A_1970, %gather3A_1973 : vector<16xf32>
      %broadcast_in_dim3A_1975 = arith.constant 7 : i32
      %broadcast_in_dim3A_1976 = vector.broadcast %broadcast_in_dim3A_1975 : i32 to vector<16xi32>
      %gather3A_1977 = tpu.vector_load_idx %arg14[%iota3A, %broadcast_in_dim3A_1976] : memref<16x17xf32, #tpu.memory_space<vmem>>[vector<16xi32>, vector<16xi32>], vector<16xf32>,
      %add3A_1978 = arith.addf %add3A_1974, %gather3A_1977 : vector<16xf32>
      %broadcast_in_dim3A_1979 = arith.constant 8 : i32
      %broadcast_in_dim3A_1980 = vector.broadcast %broadcast_in_dim3A_1979 : i32 to vector<16xi32>
      %gather3A_1981 = tpu.vector_load_idx %arg14[%iota3A, %broadcast_in_dim3A_1980] : memref<16x17xf32, #tpu.memory_space<vmem>>[vector<16xi32>, vector<16xi32>], vector<16xf32>,
      %add3A_1982 = arith.addf %add3A_1978, %gather3A_1981 : vector<16xf32>
      %broadcast_in_dim3A_1983 = arith.constant 9 : i32
      %broadcast_in_dim3A_1984 = vector.broadcast %broadcast_in_dim3A_1983 : i32 to vector<16xi32>
      %gather3A_1985 = tpu.vector_load_idx %arg14[%iota3A, %broadcast_in_dim3A_1984] : memref<16x17xf32, #tpu.memory_space<vmem>>[vector<16xi32>, vector<16xi32>], vector<16xf32>,
      %add3A_1986 = arith.addf %add3A_1982, %gather3A_1985 : vector<16xf32>
      %broadcast_in_dim3A_1987 = arith.constant 10 : i32
      %broadcast_in_dim3A_1988 = vector.broadcast %broadcast_in_dim3A_1987 : i32 to vector<16xi32>
      %gather3A_1989 = tpu.vector_load_idx %arg14[%iota3A, %broadcast_in_dim3A_1988] : memref<16x17xf32, #tpu.memory_space<vmem>>[vector<16xi32>, vector<16xi32>], vector<16xf32>,
      %add3A_1990 = arith.addf %add3A_1986, %gather3A_1989 : vector<16xf32>
      %broadcast_in_dim3A_1991 = arith.constant 11 : i32
      %broadcast_in_dim3A_1992 = vector.broadcast %broadcast_in_dim3A_1991 : i32 to vector<16xi32>
      %gather3A_1993 = tpu.vector_load_idx %arg14[%iota3A, %broadcast_in_dim3A_1992] : memref<16x17xf32, #tpu.memory_space<vmem>>[vector<16xi32>, vector<16xi32>], vector<16xf32>,
      %add3A_1994 = arith.addf %add3A_1990, %gather3A_1993 : vector<16xf32>
      %broadcast_in_dim3A_1995 = arith.constant 12 : i32
      %broadcast_in_dim3A_1996 = vector.broadcast %broadcast_in_dim3A_1995 : i32 to vector<16xi32>
      %gather3A_1997 = tpu.vector_load_idx %arg14[%iota3A, %broadcast_in_dim3A_1996] : memref<16x17xf32, #tpu.memory_space<vmem>>[vector<16xi32>, vector<16xi32>], vector<16xf32>,
      %add3A_1998 = arith.addf %add3A_1994, %gather3A_1997 : vector<16xf32>
      %broadcast_in_dim3A_1999 = arith.constant 13 : i32
      %broadcast_in_dim3A_2000 = vector.broadcast %broadcast_in_dim3A_1999 : i32 to vector<16xi32>
      %gather3A_2001 = tpu.vector_load_idx %arg14[%iota3A, %broadcast_in_dim3A_2000] : memref<16x17xf32, #tpu.memory_space<vmem>>[vector<16xi32>, vector<16xi32>], vector<16xf32>,
      %add3A_2002 = arith.addf %add3A_1998, %gather3A_2001 : vector<16xf32>
      %broadcast_in_dim3A_2003 = arith.constant 14 : i32
      %broadcast_in_dim3A_2004 = vector.broadcast %broadcast_in_dim3A_2003 : i32 to vector<16xi32>
      %gather3A_2005 = tpu.vector_load_idx %arg14[%iota3A, %broadcast_in_dim3A_2004] : memref<16x17xf32, #tpu.memory_space<vmem>>[vector<16xi32>, vector<16xi32>], vector<16xf32>,
      %add3A_2006 = arith.addf %add3A_2002, %gather3A_2005 : vector<16xf32>
      %broadcast_in_dim3A_2007 = arith.constant 15 : i32
      %broadcast_in_dim3A_2008 = vector.broadcast %broadcast_in_dim3A_2007 : i32 to vector<16xi32>
      %gather3A_2009 = tpu.vector_load_idx %arg14[%iota3A, %broadcast_in_dim3A_2008] : memref<16x17xf32, #tpu.memory_space<vmem>>[vector<16xi32>, vector<16xi32>], vector<16xf32>,
      %add3A_2010 = arith.addf %add3A_2006, %gather3A_2009 : vector<16xf32>
      %mul3A_2011 = arith.constant 16 : i32
      %mul3A_2012 = arith.muli %mul3A_528, %mul3A_2011 : i32
      %swap3A_2013 = arith.index_cast %mul3A_2012 : i32 to index
      %swap3A_2014 = tpu.vector_load %arg15[%swap3A_2013] {strides = array<i32>} : memref<512xf32, #tpu.memory_space<vmem>>, vector<16xf32>,
      tpu.vector_store %arg15[%swap3A_2013], %add3A_2010 {strides = array<i32>} : memref<512xf32, #tpu.memory_space<vmem>>, vector<16xf32>,
      %lt3A = arith.constant 15 : i32
      %lt3A_2015 = arith.cmpi slt, %scan3A_525, %lt3A : i32
      %convert_element_type3A = arith.extui %lt3A_2015 : i1 to i32
      %cond3A = arith.constant 0 : i32
      %cond3A_2016 = arith.cmpi ne, %convert_element_type3A, %cond3A : i32
      scf.if %cond3A_2016 {
        %add3A_2982 = arith.constant 2 : i32
        %add3A_2983 = arith.addi %mul3A_528, %add3A_2982 : i32
        %mul3A_2984 = arith.constant 16 : i32
        %mul3A_2985 = arith.muli %add3A_2983, %mul3A_2984 : i32
        %get3A_2986 = arith.index_cast %mul3A_2985 : i32 to index
        %get3A_2987 = tpu.vector_load %arg8[%get3A_2986] {strides = array<i32>} : memref<512xi32, #tpu.memory_space<vmem>>, vector<16xi32>,
        %and3A_2988 = arith.constant -8 : i32
        %and3A_2989 = vector.broadcast %and3A_2988 : i32 to vector<16xi32>
        %and3A_2990 = arith.andi %get3A_2987, %and3A_2989 : vector<16xi32>
        %mul3A_2991 = arith.constant 16 : i32
        %mul3A_2992 = arith.muli %add3A_2983, %mul3A_2991 : i32
        %get3A_2993 = arith.index_cast %mul3A_2992 : i32 to index
        %get3A_2994 = tpu.vector_load %arg9[%get3A_2993] {strides = array<i32>} : memref<512xi32, #tpu.memory_space<vmem>>, vector<16xi32>,
        %and3A_2995 = arith.constant -8 : i32
        %and3A_2996 = vector.broadcast %and3A_2995 : i32 to vector<16xi32>
        %and3A_2997 = arith.andi %get3A_2994, %and3A_2996 : vector<16xi32>
        %slice3A_2998 = vector.extract_strided_slice %and3A_2990 {offsets = [0], sizes = [1], strides = [1]} : vector<16xi32> to vector<1xi32>
        %squeeze3A_2999 = vector.extract %slice3A_2998[0] : i32 from vector<1xi32>
        %multiple_of3A_3000 = tpu.assume_multiple %squeeze3A_2999, 8 : i32
        %slice3A_3001 = vector.extract_strided_slice %and3A_2997 {offsets = [0], sizes = [1], strides = [1]} : vector<16xi32> to vector<1xi32>
        %squeeze3A_3002 = vector.extract %slice3A_3001[0] : i32 from vector<1xi32>
        %multiple_of3A_3003 = tpu.assume_multiple %squeeze3A_3002, 8 : i32
        %dma_start3A_3004 = arith.constant 0 : i32
        %dma_start3A_3005 = arith.constant 0 : i32
        %dma_start3A_3006 = arith.constant 0 : i32
        %dma_start3A_3007 = tpu.memref_slice %arg10[%dma_start3A_3004, %dma_start3A_3005, %dma_start3A_3006] : memref<16x8x64xf32, #tpu.memory_space<vmem>> -> memref<1x8x64xf32, #tpu.memory_space<vmem>>
        %dma_start3A_3008 = tpu.memref_squeeze %dma_start3A_3007 : memref<1x8x64xf32, #tpu.memory_space<vmem>> -> memref<8x64xf32, #tpu.memory_space<vmem>>
        %dma_start3A_3009 = arith.constant 0 : i32
        %dma_start3A_3010 = tpu.memref_slice %arg4[%multiple_of3A_3000, %dma_start3A_3009] : memref<1000000x64xf32, #tpu.memory_space<hbm>> -> memref<8x64xf32, #tpu.memory_space<hbm>>
        %dma_start3A_3011 = arith.constant 0 : i32
        %dma_start3A_3012 = arith.constant 0 : i32
        %dma_start3A_3013 = tpu.memref_slice %arg10[%dma_start3A_3004, %dma_start3A_3011, %dma_start3A_3012] : memref<16x8x64xf32, #tpu.memory_space<vmem>> -> memref<1x8x64xf32, #tpu.memory_space<vmem>>
        %dma_start3A_3014 = tpu.memref_squeeze %dma_start3A_3013 : memref<1x8x64xf32, #tpu.memory_space<vmem>> -> memref<8x64xf32, #tpu.memory_space<vmem>>
        %dma_start3A_3015 = arith.constant 0 : i32
        %dma_start3A_3016 = tpu.memref_slice %arg4[%multiple_of3A_3000, %dma_start3A_3015] : memref<1000000x64xf32, #tpu.memory_space<hbm>> -> memref<8x64xf32, #tpu.memory_space<hbm>>
        tpu.enqueue_dma source(%dma_start3A_3016 : memref<8x64xf32, #tpu.memory_space<hbm>>) target(%dma_start3A_3014 : memref<8x64xf32, #tpu.memory_space<vmem>>) target_semaphore(%arg16 : memref<!tpu.dma_semaphore, #tpu.memory_space<semaphore_mem>>)
        %dma_start3A_3017 = arith.constant 0 : i32
        %dma_start3A_3018 = arith.constant 0 : i32
        %dma_start3A_3019 = arith.constant 0 : i32
        %dma_start3A_3020 = tpu.memref_slice %arg12[%dma_start3A_3017, %dma_start3A_3018, %dma_start3A_3019] : memref<16x8x64xf32, #tpu.memory_space<vmem>> -> memref<1x8x64xf32, #tpu.memory_space<vmem>>
        %dma_start3A_3021 = tpu.memref_squeeze %dma_start3A_3020 : memref<1x8x64xf32, #tpu.memory_space<vmem>> -> memref<8x64xf32, #tpu.memory_space<vmem>>
        %dma_start3A_3022 = arith.constant 0 : i32
        %dma_start3A_3023 = tpu.memref_slice %arg5[%multiple_of3A_3003, %dma_start3A_3022] : memref<100000x64xf32, #tpu.memory_space<hbm>> -> memref<8x64xf32, #tpu.memory_space<hbm>>
        %dma_start3A_3024 = arith.constant 0 : i32
        %dma_start3A_3025 = arith.constant 0 : i32
        %dma_start3A_3026 = tpu.memref_slice %arg12[%dma_start3A_3017, %dma_start3A_3024, %dma_start3A_3025] : memref<16x8x64xf32, #tpu.memory_space<vmem>> -> memref<1x8x64xf32, #tpu.memory_space<vmem>>
        %dma_start3A_3027 = tpu.memref_squeeze %dma_start3A_3026 : memref<1x8x64xf32, #tpu.memory_space<vmem>> -> memref<8x64xf32, #tpu.memory_space<vmem>>
        %dma_start3A_3028 = arith.constant 0 : i32
        %dma_start3A_3029 = tpu.memref_slice %arg5[%multiple_of3A_3003, %dma_start3A_3028] : memref<100000x64xf32, #tpu.memory_space<hbm>> -> memref<8x64xf32, #tpu.memory_space<hbm>>
        tpu.enqueue_dma source(%dma_start3A_3029 : memref<8x64xf32, #tpu.memory_space<hbm>>) target(%dma_start3A_3027 : memref<8x64xf32, #tpu.memory_space<vmem>>) target_semaphore(%arg18 : memref<!tpu.dma_semaphore, #tpu.memory_space<semaphore_mem>>)
        %slice3A_3030 = vector.extract_strided_slice %and3A_2990 {offsets = [1], sizes = [1], strides = [1]} : vector<16xi32> to vector<1xi32>
        %squeeze3A_3031 = vector.extract %slice3A_3030[0] : i32 from vector<1xi32>
        %multiple_of3A_3032 = tpu.assume_multiple %squeeze3A_3031, 8 : i32
        %slice3A_3033 = vector.extract_strided_slice %and3A_2997 {offsets = [1], sizes = [1], strides = [1]} : vector<16xi32> to vector<1xi32>
        %squeeze3A_3034 = vector.extract %slice3A_3033[0] : i32 from vector<1xi32>
        %multiple_of3A_3035 = tpu.assume_multiple %squeeze3A_3034, 8 : i32
        %dma_start3A_3036 = arith.constant 1 : i32
        %dma_start3A_3037 = arith.constant 0 : i32
        %dma_start3A_3038 = arith.constant 0 : i32
        %dma_start3A_3039 = tpu.memref_slice %arg10[%dma_start3A_3036, %dma_start3A_3037, %dma_start3A_3038] : memref<16x8x64xf32, #tpu.memory_space<vmem>> -> memref<1x8x64xf32, #tpu.memory_space<vmem>>
        %dma_start3A_3040 = tpu.memref_squeeze %dma_start3A_3039 : memref<1x8x64xf32, #tpu.memory_space<vmem>> -> memref<8x64xf32, #tpu.memory_space<vmem>>
        %dma_start3A_3041 = arith.constant 0 : i32
        %dma_start3A_3042 = tpu.memref_slice %arg4[%multiple_of3A_3032, %dma_start3A_3041] : memref<1000000x64xf32, #tpu.memory_space<hbm>> -> memref<8x64xf32, #tpu.memory_space<hbm>>
        %dma_start3A_3043 = arith.constant 0 : i32
        %dma_start3A_3044 = arith.constant 0 : i32
        %dma_start3A_3045 = tpu.memref_slice %arg10[%dma_start3A_3036, %dma_start3A_3043, %dma_start3A_3044] : memref<16x8x64xf32, #tpu.memory_space<vmem>> -> memref<1x8x64xf32, #tpu.memory_space<vmem>>
        %dma_start3A_3046 = tpu.memref_squeeze %dma_start3A_3045 : memref<1x8x64xf32, #tpu.memory_space<vmem>> -> memref<8x64xf32, #tpu.memory_space<vmem>>
        %dma_start3A_3047 = arith.constant 0 : i32
        %dma_start3A_3048 = tpu.memref_slice %arg4[%multiple_of3A_3032, %dma_start3A_3047] : memref<1000000x64xf32, #tpu.memory_space<hbm>> -> memref<8x64xf32, #tpu.memory_space<hbm>>
        tpu.enqueue_dma source(%dma_start3A_3048 : memref<8x64xf32, #tpu.memory_space<hbm>>) target(%dma_start3A_3046 : memref<8x64xf32, #tpu.memory_space<vmem>>) target_semaphore(%arg16 : memref<!tpu.dma_semaphore, #tpu.memory_space<semaphore_mem>>)
        %dma_start3A_3049 = arith.constant 1 : i32
        %dma_start3A_3050 = arith.constant 0 : i32
        %dma_start3A_3051 = arith.constant 0 : i32
        %dma_start3A_3052 = tpu.memref_slice %arg12[%dma_start3A_3049, %dma_start3A_3050, %dma_start3A_3051] : memref<16x8x64xf32, #tpu.memory_space<vmem>> -> memref<1x8x64xf32, #tpu.memory_space<vmem>>
        %dma_start3A_3053 = tpu.memref_squeeze %dma_start3A_3052 : memref<1x8x64xf32, #tpu.memory_space<vmem>> -> memref<8x64xf32, #tpu.memory_space<vmem>>
        %dma_start3A_3054 = arith.constant 0 : i32
        %dma_start3A_3055 = tpu.memref_slice %arg5[%multiple_of3A_3035, %dma_start3A_3054] : memref<100000x64xf32, #tpu.memory_space<hbm>> -> memref<8x64xf32, #tpu.memory_space<hbm>>
        %dma_start3A_3056 = arith.constant 0 : i32
        %dma_start3A_3057 = arith.constant 0 : i32
        %dma_start3A_3058 = tpu.memref_slice %arg12[%dma_start3A_3049, %dma_start3A_3056, %dma_start3A_3057] : memref<16x8x64xf32, #tpu.memory_space<vmem>> -> memref<1x8x64xf32, #tpu.memory_space<vmem>>
        %dma_start3A_3059 = tpu.memref_squeeze %dma_start3A_3058 : memref<1x8x64xf32, #tpu.memory_space<vmem>> -> memref<8x64xf32, #tpu.memory_space<vmem>>
        %dma_start3A_3060 = arith.constant 0 : i32
        %dma_start3A_3061 = tpu.memref_slice %arg5[%multiple_of3A_3035, %dma_start3A_3060] : memref<100000x64xf32, #tpu.memory_space<hbm>> -> memref<8x64xf32, #tpu.memory_space<hbm>>
        tpu.enqueue_dma source(%dma_start3A_3061 : memref<8x64xf32, #tpu.memory_space<hbm>>) target(%dma_start3A_3059 : memref<8x64xf32, #tpu.memory_space<vmem>>) target_semaphore(%arg18 : memref<!tpu.dma_semaphore, #tpu.memory_space<semaphore_mem>>)
        %slice3A_3062 = vector.extract_strided_slice %and3A_2990 {offsets = [2], sizes = [1], strides = [1]} : vector<16xi32> to vector<1xi32>
        %squeeze3A_3063 = vector.extract %slice3A_3062[0] : i32 from vector<1xi32>
        %multiple_of3A_3064 = tpu.assume_multiple %squeeze3A_3063, 8 : i32
        %slice3A_3065 = vector.extract_strided_slice %and3A_2997 {offsets = [2], sizes = [1], strides = [1]} : vector<16xi32> to vector<1xi32>
        %squeeze3A_3066 = vector.extract %slice3A_3065[0] : i32 from vector<1xi32>
        %multiple_of3A_3067 = tpu.assume_multiple %squeeze3A_3066, 8 : i32
        %dma_start3A_3068 = arith.constant 2 : i32
        %dma_start3A_3069 = arith.constant 0 : i32
        %dma_start3A_3070 = arith.constant 0 : i32
        %dma_start3A_3071 = tpu.memref_slice %arg10[%dma_start3A_3068, %dma_start3A_3069, %dma_start3A_3070] : memref<16x8x64xf32, #tpu.memory_space<vmem>> -> memref<1x8x64xf32, #tpu.memory_space<vmem>>
        %dma_start3A_3072 = tpu.memref_squeeze %dma_start3A_3071 : memref<1x8x64xf32, #tpu.memory_space<vmem>> -> memref<8x64xf32, #tpu.memory_space<vmem>>
        %dma_start3A_3073 = arith.constant 0 : i32
        %dma_start3A_3074 = tpu.memref_slice %arg4[%multiple_of3A_3064, %dma_start3A_3073] : memref<1000000x64xf32, #tpu.memory_space<hbm>> -> memref<8x64xf32, #tpu.memory_space<hbm>>
        %dma_start3A_3075 = arith.constant 0 : i32
        %dma_start3A_3076 = arith.constant 0 : i32
        %dma_start3A_3077 = tpu.memref_slice %arg10[%dma_start3A_3068, %dma_start3A_3075, %dma_start3A_3076] : memref<16x8x64xf32, #tpu.memory_space<vmem>> -> memref<1x8x64xf32, #tpu.memory_space<vmem>>
        %dma_start3A_3078 = tpu.memref_squeeze %dma_start3A_3077 : memref<1x8x64xf32, #tpu.memory_space<vmem>> -> memref<8x64xf32, #tpu.memory_space<vmem>>
        %dma_start3A_3079 = arith.constant 0 : i32
        %dma_start3A_3080 = tpu.memref_slice %arg4[%multiple_of3A_3064, %dma_start3A_3079] : memref<1000000x64xf32, #tpu.memory_space<hbm>> -> memref<8x64xf32, #tpu.memory_space<hbm>>
        tpu.enqueue_dma source(%dma_start3A_3080 : memref<8x64xf32, #tpu.memory_space<hbm>>) target(%dma_start3A_3078 : memref<8x64xf32, #tpu.memory_space<vmem>>) target_semaphore(%arg16 : memref<!tpu.dma_semaphore, #tpu.memory_space<semaphore_mem>>)
        %dma_start3A_3081 = arith.constant 2 : i32
        %dma_start3A_3082 = arith.constant 0 : i32
        %dma_start3A_3083 = arith.constant 0 : i32
        %dma_start3A_3084 = tpu.memref_slice %arg12[%dma_start3A_3081, %dma_start3A_3082, %dma_start3A_3083] : memref<16x8x64xf32, #tpu.memory_space<vmem>> -> memref<1x8x64xf32, #tpu.memory_space<vmem>>
        %dma_start3A_3085 = tpu.memref_squeeze %dma_start3A_3084 : memref<1x8x64xf32, #tpu.memory_space<vmem>> -> memref<8x64xf32, #tpu.memory_space<vmem>>
        %dma_start3A_3086 = arith.constant 0 : i32
        %dma_start3A_3087 = tpu.memref_slice %arg5[%multiple_of3A_3067, %dma_start3A_3086] : memref<100000x64xf32, #tpu.memory_space<hbm>> -> memref<8x64xf32, #tpu.memory_space<hbm>>
        %dma_start3A_3088 = arith.constant 0 : i32
        %dma_start3A_3089 = arith.constant 0 : i32
        %dma_start3A_3090 = tpu.memref_slice %arg12[%dma_start3A_3081, %dma_start3A_3088, %dma_start3A_3089] : memref<16x8x64xf32, #tpu.memory_space<vmem>> -> memref<1x8x64xf32, #tpu.memory_space<vmem>>
        %dma_start3A_3091 = tpu.memref_squeeze %dma_start3A_3090 : memref<1x8x64xf32, #tpu.memory_space<vmem>> -> memref<8x64xf32, #tpu.memory_space<vmem>>
        %dma_start3A_3092 = arith.constant 0 : i32
        %dma_start3A_3093 = tpu.memref_slice %arg5[%multiple_of3A_3067, %dma_start3A_3092] : memref<100000x64xf32, #tpu.memory_space<hbm>> -> memref<8x64xf32, #tpu.memory_space<hbm>>
        tpu.enqueue_dma source(%dma_start3A_3093 : memref<8x64xf32, #tpu.memory_space<hbm>>) target(%dma_start3A_3091 : memref<8x64xf32, #tpu.memory_space<vmem>>) target_semaphore(%arg18 : memref<!tpu.dma_semaphore, #tpu.memory_space<semaphore_mem>>)
        %slice3A_3094 = vector.extract_strided_slice %and3A_2990 {offsets = [3], sizes = [1], strides = [1]} : vector<16xi32> to vector<1xi32>
        %squeeze3A_3095 = vector.extract %slice3A_3094[0] : i32 from vector<1xi32>
        %multiple_of3A_3096 = tpu.assume_multiple %squeeze3A_3095, 8 : i32
        %slice3A_3097 = vector.extract_strided_slice %and3A_2997 {offsets = [3], sizes = [1], strides = [1]} : vector<16xi32> to vector<1xi32>
        %squeeze3A_3098 = vector.extract %slice3A_3097[0] : i32 from vector<1xi32>
        %multiple_of3A_3099 = tpu.assume_multiple %squeeze3A_3098, 8 : i32
        %dma_start3A_3100 = arith.constant 3 : i32
        %dma_start3A_3101 = arith.constant 0 : i32
        %dma_start3A_3102 = arith.constant 0 : i32
        %dma_start3A_3103 = tpu.memref_slice %arg10[%dma_start3A_3100, %dma_start3A_3101, %dma_start3A_3102] : memref<16x8x64xf32, #tpu.memory_space<vmem>> -> memref<1x8x64xf32, #tpu.memory_space<vmem>>
        %dma_start3A_3104 = tpu.memref_squeeze %dma_start3A_3103 : memref<1x8x64xf32, #tpu.memory_space<vmem>> -> memref<8x64xf32, #tpu.memory_space<vmem>>
        %dma_start3A_3105 = arith.constant 0 : i32
        %dma_start3A_3106 = tpu.memref_slice %arg4[%multiple_of3A_3096, %dma_start3A_3105] : memref<1000000x64xf32, #tpu.memory_space<hbm>> -> memref<8x64xf32, #tpu.memory_space<hbm>>
        %dma_start3A_3107 = arith.constant 0 : i32
        %dma_start3A_3108 = arith.constant 0 : i32
        %dma_start3A_3109 = tpu.memref_slice %arg10[%dma_start3A_3100, %dma_start3A_3107, %dma_start3A_3108] : memref<16x8x64xf32, #tpu.memory_space<vmem>> -> memref<1x8x64xf32, #tpu.memory_space<vmem>>
        %dma_start3A_3110 = tpu.memref_squeeze %dma_start3A_3109 : memref<1x8x64xf32, #tpu.memory_space<vmem>> -> memref<8x64xf32, #tpu.memory_space<vmem>>
        %dma_start3A_3111 = arith.constant 0 : i32
        %dma_start3A_3112 = tpu.memref_slice %arg4[%multiple_of3A_3096, %dma_start3A_3111] : memref<1000000x64xf32, #tpu.memory_space<hbm>> -> memref<8x64xf32, #tpu.memory_space<hbm>>
        tpu.enqueue_dma source(%dma_start3A_3112 : memref<8x64xf32, #tpu.memory_space<hbm>>) target(%dma_start3A_3110 : memref<8x64xf32, #tpu.memory_space<vmem>>) target_semaphore(%arg16 : memref<!tpu.dma_semaphore, #tpu.memory_space<semaphore_mem>>)
        %dma_start3A_3113 = arith.constant 3 : i32
        %dma_start3A_3114 = arith.constant 0 : i32
        %dma_start3A_3115 = arith.constant 0 : i32
        %dma_start3A_3116 = tpu.memref_slice %arg12[%dma_start3A_3113, %dma_start3A_3114, %dma_start3A_3115] : memref<16x8x64xf32, #tpu.memory_space<vmem>> -> memref<1x8x64xf32, #tpu.memory_space<vmem>>
        %dma_start3A_3117 = tpu.memref_squeeze %dma_start3A_3116 : memref<1x8x64xf32, #tpu.memory_space<vmem>> -> memref<8x64xf32, #tpu.memory_space<vmem>>
        %dma_start3A_3118 = arith.constant 0 : i32
        %dma_start3A_3119 = tpu.memref_slice %arg5[%multiple_of3A_3099, %dma_start3A_3118] : memref<100000x64xf32, #tpu.memory_space<hbm>> -> memref<8x64xf32, #tpu.memory_space<hbm>>
        %dma_start3A_3120 = arith.constant 0 : i32
        %dma_start3A_3121 = arith.constant 0 : i32
        %dma_start3A_3122 = tpu.memref_slice %arg12[%dma_start3A_3113, %dma_start3A_3120, %dma_start3A_3121] : memref<16x8x64xf32, #tpu.memory_space<vmem>> -> memref<1x8x64xf32, #tpu.memory_space<vmem>>
        %dma_start3A_3123 = tpu.memref_squeeze %dma_start3A_3122 : memref<1x8x64xf32, #tpu.memory_space<vmem>> -> memref<8x64xf32, #tpu.memory_space<vmem>>
        %dma_start3A_3124 = arith.constant 0 : i32
        %dma_start3A_3125 = tpu.memref_slice %arg5[%multiple_of3A_3099, %dma_start3A_3124] : memref<100000x64xf32, #tpu.memory_space<hbm>> -> memref<8x64xf32, #tpu.memory_space<hbm>>
        tpu.enqueue_dma source(%dma_start3A_3125 : memref<8x64xf32, #tpu.memory_space<hbm>>) target(%dma_start3A_3123 : memref<8x64xf32, #tpu.memory_space<vmem>>) target_semaphore(%arg18 : memref<!tpu.dma_semaphore, #tpu.memory_space<semaphore_mem>>)
        %slice3A_3126 = vector.extract_strided_slice %and3A_2990 {offsets = [4], sizes = [1], strides = [1]} : vector<16xi32> to vector<1xi32>
        %squeeze3A_3127 = vector.extract %slice3A_3126[0] : i32 from vector<1xi32>
        %multiple_of3A_3128 = tpu.assume_multiple %squeeze3A_3127, 8 : i32
        %slice3A_3129 = vector.extract_strided_slice %and3A_2997 {offsets = [4], sizes = [1], strides = [1]} : vector<16xi32> to vector<1xi32>
        %squeeze3A_3130 = vector.extract %slice3A_3129[0] : i32 from vector<1xi32>
        %multiple_of3A_3131 = tpu.assume_multiple %squeeze3A_3130, 8 : i32
        %dma_start3A_3132 = arith.constant 4 : i32
        %dma_start3A_3133 = arith.constant 0 : i32
        %dma_start3A_3134 = arith.constant 0 : i32
        %dma_start3A_3135 = tpu.memref_slice %arg10[%dma_start3A_3132, %dma_start3A_3133, %dma_start3A_3134] : memref<16x8x64xf32, #tpu.memory_space<vmem>> -> memref<1x8x64xf32, #tpu.memory_space<vmem>>
        %dma_start3A_3136 = tpu.memref_squeeze %dma_start3A_3135 : memref<1x8x64xf32, #tpu.memory_space<vmem>> -> memref<8x64xf32, #tpu.memory_space<vmem>>
        %dma_start3A_3137 = arith.constant 0 : i32
        %dma_start3A_3138 = tpu.memref_slice %arg4[%multiple_of3A_3128, %dma_start3A_3137] : memref<1000000x64xf32, #tpu.memory_space<hbm>> -> memref<8x64xf32, #tpu.memory_space<hbm>>
        %dma_start3A_3139 = arith.constant 0 : i32
        %dma_start3A_3140 = arith.constant 0 : i32
        %dma_start3A_3141 = tpu.memref_slice %arg10[%dma_start3A_3132, %dma_start3A_3139, %dma_start3A_3140] : memref<16x8x64xf32, #tpu.memory_space<vmem>> -> memref<1x8x64xf32, #tpu.memory_space<vmem>>
        %dma_start3A_3142 = tpu.memref_squeeze %dma_start3A_3141 : memref<1x8x64xf32, #tpu.memory_space<vmem>> -> memref<8x64xf32, #tpu.memory_space<vmem>>
        %dma_start3A_3143 = arith.constant 0 : i32
        %dma_start3A_3144 = tpu.memref_slice %arg4[%multiple_of3A_3128, %dma_start3A_3143] : memref<1000000x64xf32, #tpu.memory_space<hbm>> -> memref<8x64xf32, #tpu.memory_space<hbm>>
        tpu.enqueue_dma source(%dma_start3A_3144 : memref<8x64xf32, #tpu.memory_space<hbm>>) target(%dma_start3A_3142 : memref<8x64xf32, #tpu.memory_space<vmem>>) target_semaphore(%arg16 : memref<!tpu.dma_semaphore, #tpu.memory_space<semaphore_mem>>)
        %dma_start3A_3145 = arith.constant 4 : i32
        %dma_start3A_3146 = arith.constant 0 : i32
        %dma_start3A_3147 = arith.constant 0 : i32
        %dma_start3A_3148 = tpu.memref_slice %arg12[%dma_start3A_3145, %dma_start3A_3146, %dma_start3A_3147] : memref<16x8x64xf32, #tpu.memory_space<vmem>> -> memref<1x8x64xf32, #tpu.memory_space<vmem>>
        %dma_start3A_3149 = tpu.memref_squeeze %dma_start3A_3148 : memref<1x8x64xf32, #tpu.memory_space<vmem>> -> memref<8x64xf32, #tpu.memory_space<vmem>>
        %dma_start3A_3150 = arith.constant 0 : i32
        %dma_start3A_3151 = tpu.memref_slice %arg5[%multiple_of3A_3131, %dma_start3A_3150] : memref<100000x64xf32, #tpu.memory_space<hbm>> -> memref<8x64xf32, #tpu.memory_space<hbm>>
        %dma_start3A_3152 = arith.constant 0 : i32
        %dma_start3A_3153 = arith.constant 0 : i32
        %dma_start3A_3154 = tpu.memref_slice %arg12[%dma_start3A_3145, %dma_start3A_3152, %dma_start3A_3153] : memref<16x8x64xf32, #tpu.memory_space<vmem>> -> memref<1x8x64xf32, #tpu.memory_space<vmem>>
        %dma_start3A_3155 = tpu.memref_squeeze %dma_start3A_3154 : memref<1x8x64xf32, #tpu.memory_space<vmem>> -> memref<8x64xf32, #tpu.memory_space<vmem>>
        %dma_start3A_3156 = arith.constant 0 : i32
        %dma_start3A_3157 = tpu.memref_slice %arg5[%multiple_of3A_3131, %dma_start3A_3156] : memref<100000x64xf32, #tpu.memory_space<hbm>> -> memref<8x64xf32, #tpu.memory_space<hbm>>
        tpu.enqueue_dma source(%dma_start3A_3157 : memref<8x64xf32, #tpu.memory_space<hbm>>) target(%dma_start3A_3155 : memref<8x64xf32, #tpu.memory_space<vmem>>) target_semaphore(%arg18 : memref<!tpu.dma_semaphore, #tpu.memory_space<semaphore_mem>>)
        %slice3A_3158 = vector.extract_strided_slice %and3A_2990 {offsets = [5], sizes = [1], strides = [1]} : vector<16xi32> to vector<1xi32>
        %squeeze3A_3159 = vector.extract %slice3A_3158[0] : i32 from vector<1xi32>
        %multiple_of3A_3160 = tpu.assume_multiple %squeeze3A_3159, 8 : i32
        %slice3A_3161 = vector.extract_strided_slice %and3A_2997 {offsets = [5], sizes = [1], strides = [1]} : vector<16xi32> to vector<1xi32>
        %squeeze3A_3162 = vector.extract %slice3A_3161[0] : i32 from vector<1xi32>
        %multiple_of3A_3163 = tpu.assume_multiple %squeeze3A_3162, 8 : i32
        %dma_start3A_3164 = arith.constant 5 : i32
        %dma_start3A_3165 = arith.constant 0 : i32
        %dma_start3A_3166 = arith.constant 0 : i32
        %dma_start3A_3167 = tpu.memref_slice %arg10[%dma_start3A_3164, %dma_start3A_3165, %dma_start3A_3166] : memref<16x8x64xf32, #tpu.memory_space<vmem>> -> memref<1x8x64xf32, #tpu.memory_space<vmem>>
        %dma_start3A_3168 = tpu.memref_squeeze %dma_start3A_3167 : memref<1x8x64xf32, #tpu.memory_space<vmem>> -> memref<8x64xf32, #tpu.memory_space<vmem>>
        %dma_start3A_3169 = arith.constant 0 : i32
        %dma_start3A_3170 = tpu.memref_slice %arg4[%multiple_of3A_3160, %dma_start3A_3169] : memref<1000000x64xf32, #tpu.memory_space<hbm>> -> memref<8x64xf32, #tpu.memory_space<hbm>>
        %dma_start3A_3171 = arith.constant 0 : i32
        %dma_start3A_3172 = arith.constant 0 : i32
        %dma_start3A_3173 = tpu.memref_slice %arg10[%dma_start3A_3164, %dma_start3A_3171, %dma_start3A_3172] : memref<16x8x64xf32, #tpu.memory_space<vmem>> -> memref<1x8x64xf32, #tpu.memory_space<vmem>>
        %dma_start3A_3174 = tpu.memref_squeeze %dma_start3A_3173 : memref<1x8x64xf32, #tpu.memory_space<vmem>> -> memref<8x64xf32, #tpu.memory_space<vmem>>
        %dma_start3A_3175 = arith.constant 0 : i32
        %dma_start3A_3176 = tpu.memref_slice %arg4[%multiple_of3A_3160, %dma_start3A_3175] : memref<1000000x64xf32, #tpu.memory_space<hbm>> -> memref<8x64xf32, #tpu.memory_space<hbm>>
        tpu.enqueue_dma source(%dma_start3A_3176 : memref<8x64xf32, #tpu.memory_space<hbm>>) target(%dma_start3A_3174 : memref<8x64xf32, #tpu.memory_space<vmem>>) target_semaphore(%arg16 : memref<!tpu.dma_semaphore, #tpu.memory_space<semaphore_mem>>)
        %dma_start3A_3177 = arith.constant 5 : i32
        %dma_start3A_3178 = arith.constant 0 : i32
        %dma_start3A_3179 = arith.constant 0 : i32
        %dma_start3A_3180 = tpu.memref_slice %arg12[%dma_start3A_3177, %dma_start3A_3178, %dma_start3A_3179] : memref<16x8x64xf32, #tpu.memory_space<vmem>> -> memref<1x8x64xf32, #tpu.memory_space<vmem>>
        %dma_start3A_3181 = tpu.memref_squeeze %dma_start3A_3180 : memref<1x8x64xf32, #tpu.memory_space<vmem>> -> memref<8x64xf32, #tpu.memory_space<vmem>>
        %dma_start3A_3182 = arith.constant 0 : i32
        %dma_start3A_3183 = tpu.memref_slice %arg5[%multiple_of3A_3163, %dma_start3A_3182] : memref<100000x64xf32, #tpu.memory_space<hbm>> -> memref<8x64xf32, #tpu.memory_space<hbm>>
        %dma_start3A_3184 = arith.constant 0 : i32
        %dma_start3A_3185 = arith.constant 0 : i32
        %dma_start3A_3186 = tpu.memref_slice %arg12[%dma_start3A_3177, %dma_start3A_3184, %dma_start3A_3185] : memref<16x8x64xf32, #tpu.memory_space<vmem>> -> memref<1x8x64xf32, #tpu.memory_space<vmem>>
        %dma_start3A_3187 = tpu.memref_squeeze %dma_start3A_3186 : memref<1x8x64xf32, #tpu.memory_space<vmem>> -> memref<8x64xf32, #tpu.memory_space<vmem>>
        %dma_start3A_3188 = arith.constant 0 : i32
        %dma_start3A_3189 = tpu.memref_slice %arg5[%multiple_of3A_3163, %dma_start3A_3188] : memref<100000x64xf32, #tpu.memory_space<hbm>> -> memref<8x64xf32, #tpu.memory_space<hbm>>
        tpu.enqueue_dma source(%dma_start3A_3189 : memref<8x64xf32, #tpu.memory_space<hbm>>) target(%dma_start3A_3187 : memref<8x64xf32, #tpu.memory_space<vmem>>) target_semaphore(%arg18 : memref<!tpu.dma_semaphore, #tpu.memory_space<semaphore_mem>>)
        %slice3A_3190 = vector.extract_strided_slice %and3A_2990 {offsets = [6], sizes = [1], strides = [1]} : vector<16xi32> to vector<1xi32>
        %squeeze3A_3191 = vector.extract %slice3A_3190[0] : i32 from vector<1xi32>
        %multiple_of3A_3192 = tpu.assume_multiple %squeeze3A_3191, 8 : i32
        %slice3A_3193 = vector.extract_strided_slice %and3A_2997 {offsets = [6], sizes = [1], strides = [1]} : vector<16xi32> to vector<1xi32>
        %squeeze3A_3194 = vector.extract %slice3A_3193[0] : i32 from vector<1xi32>
        %multiple_of3A_3195 = tpu.assume_multiple %squeeze3A_3194, 8 : i32
        %dma_start3A_3196 = arith.constant 6 : i32
        %dma_start3A_3197 = arith.constant 0 : i32
        %dma_start3A_3198 = arith.constant 0 : i32
        %dma_start3A_3199 = tpu.memref_slice %arg10[%dma_start3A_3196, %dma_start3A_3197, %dma_start3A_3198] : memref<16x8x64xf32, #tpu.memory_space<vmem>> -> memref<1x8x64xf32, #tpu.memory_space<vmem>>
        %dma_start3A_3200 = tpu.memref_squeeze %dma_start3A_3199 : memref<1x8x64xf32, #tpu.memory_space<vmem>> -> memref<8x64xf32, #tpu.memory_space<vmem>>
        %dma_start3A_3201 = arith.constant 0 : i32
        %dma_start3A_3202 = tpu.memref_slice %arg4[%multiple_of3A_3192, %dma_start3A_3201] : memref<1000000x64xf32, #tpu.memory_space<hbm>> -> memref<8x64xf32, #tpu.memory_space<hbm>>
        %dma_start3A_3203 = arith.constant 0 : i32
        %dma_start3A_3204 = arith.constant 0 : i32
        %dma_start3A_3205 = tpu.memref_slice %arg10[%dma_start3A_3196, %dma_start3A_3203, %dma_start3A_3204] : memref<16x8x64xf32, #tpu.memory_space<vmem>> -> memref<1x8x64xf32, #tpu.memory_space<vmem>>
        %dma_start3A_3206 = tpu.memref_squeeze %dma_start3A_3205 : memref<1x8x64xf32, #tpu.memory_space<vmem>> -> memref<8x64xf32, #tpu.memory_space<vmem>>
        %dma_start3A_3207 = arith.constant 0 : i32
        %dma_start3A_3208 = tpu.memref_slice %arg4[%multiple_of3A_3192, %dma_start3A_3207] : memref<1000000x64xf32, #tpu.memory_space<hbm>> -> memref<8x64xf32, #tpu.memory_space<hbm>>
        tpu.enqueue_dma source(%dma_start3A_3208 : memref<8x64xf32, #tpu.memory_space<hbm>>) target(%dma_start3A_3206 : memref<8x64xf32, #tpu.memory_space<vmem>>) target_semaphore(%arg16 : memref<!tpu.dma_semaphore, #tpu.memory_space<semaphore_mem>>)
        %dma_start3A_3209 = arith.constant 6 : i32
        %dma_start3A_3210 = arith.constant 0 : i32
        %dma_start3A_3211 = arith.constant 0 : i32
        %dma_start3A_3212 = tpu.memref_slice %arg12[%dma_start3A_3209, %dma_start3A_3210, %dma_start3A_3211] : memref<16x8x64xf32, #tpu.memory_space<vmem>> -> memref<1x8x64xf32, #tpu.memory_space<vmem>>
        %dma_start3A_3213 = tpu.memref_squeeze %dma_start3A_3212 : memref<1x8x64xf32, #tpu.memory_space<vmem>> -> memref<8x64xf32, #tpu.memory_space<vmem>>
        %dma_start3A_3214 = arith.constant 0 : i32
        %dma_start3A_3215 = tpu.memref_slice %arg5[%multiple_of3A_3195, %dma_start3A_3214] : memref<100000x64xf32, #tpu.memory_space<hbm>> -> memref<8x64xf32, #tpu.memory_space<hbm>>
        %dma_start3A_3216 = arith.constant 0 : i32
        %dma_start3A_3217 = arith.constant 0 : i32
        %dma_start3A_3218 = tpu.memref_slice %arg12[%dma_start3A_3209, %dma_start3A_3216, %dma_start3A_3217] : memref<16x8x64xf32, #tpu.memory_space<vmem>> -> memref<1x8x64xf32, #tpu.memory_space<vmem>>
        %dma_start3A_3219 = tpu.memref_squeeze %dma_start3A_3218 : memref<1x8x64xf32, #tpu.memory_space<vmem>> -> memref<8x64xf32, #tpu.memory_space<vmem>>
        %dma_start3A_3220 = arith.constant 0 : i32
        %dma_start3A_3221 = tpu.memref_slice %arg5[%multiple_of3A_3195, %dma_start3A_3220] : memref<100000x64xf32, #tpu.memory_space<hbm>> -> memref<8x64xf32, #tpu.memory_space<hbm>>
        tpu.enqueue_dma source(%dma_start3A_3221 : memref<8x64xf32, #tpu.memory_space<hbm>>) target(%dma_start3A_3219 : memref<8x64xf32, #tpu.memory_space<vmem>>) target_semaphore(%arg18 : memref<!tpu.dma_semaphore, #tpu.memory_space<semaphore_mem>>)
        %slice3A_3222 = vector.extract_strided_slice %and3A_2990 {offsets = [7], sizes = [1], strides = [1]} : vector<16xi32> to vector<1xi32>
        %squeeze3A_3223 = vector.extract %slice3A_3222[0] : i32 from vector<1xi32>
        %multiple_of3A_3224 = tpu.assume_multiple %squeeze3A_3223, 8 : i32
        %slice3A_3225 = vector.extract_strided_slice %and3A_2997 {offsets = [7], sizes = [1], strides = [1]} : vector<16xi32> to vector<1xi32>
        %squeeze3A_3226 = vector.extract %slice3A_3225[0] : i32 from vector<1xi32>
        %multiple_of3A_3227 = tpu.assume_multiple %squeeze3A_3226, 8 : i32
        %dma_start3A_3228 = arith.constant 7 : i32
        %dma_start3A_3229 = arith.constant 0 : i32
        %dma_start3A_3230 = arith.constant 0 : i32
        %dma_start3A_3231 = tpu.memref_slice %arg10[%dma_start3A_3228, %dma_start3A_3229, %dma_start3A_3230] : memref<16x8x64xf32, #tpu.memory_space<vmem>> -> memref<1x8x64xf32, #tpu.memory_space<vmem>>
        %dma_start3A_3232 = tpu.memref_squeeze %dma_start3A_3231 : memref<1x8x64xf32, #tpu.memory_space<vmem>> -> memref<8x64xf32, #tpu.memory_space<vmem>>
        %dma_start3A_3233 = arith.constant 0 : i32
        %dma_start3A_3234 = tpu.memref_slice %arg4[%multiple_of3A_3224, %dma_start3A_3233] : memref<1000000x64xf32, #tpu.memory_space<hbm>> -> memref<8x64xf32, #tpu.memory_space<hbm>>
        %dma_start3A_3235 = arith.constant 0 : i32
        %dma_start3A_3236 = arith.constant 0 : i32
        %dma_start3A_3237 = tpu.memref_slice %arg10[%dma_start3A_3228, %dma_start3A_3235, %dma_start3A_3236] : memref<16x8x64xf32, #tpu.memory_space<vmem>> -> memref<1x8x64xf32, #tpu.memory_space<vmem>>
        %dma_start3A_3238 = tpu.memref_squeeze %dma_start3A_3237 : memref<1x8x64xf32, #tpu.memory_space<vmem>> -> memref<8x64xf32, #tpu.memory_space<vmem>>
        %dma_start3A_3239 = arith.constant 0 : i32
        %dma_start3A_3240 = tpu.memref_slice %arg4[%multiple_of3A_3224, %dma_start3A_3239] : memref<1000000x64xf32, #tpu.memory_space<hbm>> -> memref<8x64xf32, #tpu.memory_space<hbm>>
        tpu.enqueue_dma source(%dma_start3A_3240 : memref<8x64xf32, #tpu.memory_space<hbm>>) target(%dma_start3A_3238 : memref<8x64xf32, #tpu.memory_space<vmem>>) target_semaphore(%arg16 : memref<!tpu.dma_semaphore, #tpu.memory_space<semaphore_mem>>)
        %dma_start3A_3241 = arith.constant 7 : i32
        %dma_start3A_3242 = arith.constant 0 : i32
        %dma_start3A_3243 = arith.constant 0 : i32
        %dma_start3A_3244 = tpu.memref_slice %arg12[%dma_start3A_3241, %dma_start3A_3242, %dma_start3A_3243] : memref<16x8x64xf32, #tpu.memory_space<vmem>> -> memref<1x8x64xf32, #tpu.memory_space<vmem>>
        %dma_start3A_3245 = tpu.memref_squeeze %dma_start3A_3244 : memref<1x8x64xf32, #tpu.memory_space<vmem>> -> memref<8x64xf32, #tpu.memory_space<vmem>>
        %dma_start3A_3246 = arith.constant 0 : i32
        %dma_start3A_3247 = tpu.memref_slice %arg5[%multiple_of3A_3227, %dma_start3A_3246] : memref<100000x64xf32, #tpu.memory_space<hbm>> -> memref<8x64xf32, #tpu.memory_space<hbm>>
        %dma_start3A_3248 = arith.constant 0 : i32
        %dma_start3A_3249 = arith.constant 0 : i32
        %dma_start3A_3250 = tpu.memref_slice %arg12[%dma_start3A_3241, %dma_start3A_3248, %dma_start3A_3249] : memref<16x8x64xf32, #tpu.memory_space<vmem>> -> memref<1x8x64xf32, #tpu.memory_space<vmem>>
        %dma_start3A_3251 = tpu.memref_squeeze %dma_start3A_3250 : memref<1x8x64xf32, #tpu.memory_space<vmem>> -> memref<8x64xf32, #tpu.memory_space<vmem>>
        %dma_start3A_3252 = arith.constant 0 : i32
        %dma_start3A_3253 = tpu.memref_slice %arg5[%multiple_of3A_3227, %dma_start3A_3252] : memref<100000x64xf32, #tpu.memory_space<hbm>> -> memref<8x64xf32, #tpu.memory_space<hbm>>
        tpu.enqueue_dma source(%dma_start3A_3253 : memref<8x64xf32, #tpu.memory_space<hbm>>) target(%dma_start3A_3251 : memref<8x64xf32, #tpu.memory_space<vmem>>) target_semaphore(%arg18 : memref<!tpu.dma_semaphore, #tpu.memory_space<semaphore_mem>>)
        %slice3A_3254 = vector.extract_strided_slice %and3A_2990 {offsets = [8], sizes = [1], strides = [1]} : vector<16xi32> to vector<1xi32>
        %squeeze3A_3255 = vector.extract %slice3A_3254[0] : i32 from vector<1xi32>
        %multiple_of3A_3256 = tpu.assume_multiple %squeeze3A_3255, 8 : i32
        %slice3A_3257 = vector.extract_strided_slice %and3A_2997 {offsets = [8], sizes = [1], strides = [1]} : vector<16xi32> to vector<1xi32>
        %squeeze3A_3258 = vector.extract %slice3A_3257[0] : i32 from vector<1xi32>
        %multiple_of3A_3259 = tpu.assume_multiple %squeeze3A_3258, 8 : i32
        %dma_start3A_3260 = arith.constant 8 : i32
        %dma_start3A_3261 = arith.constant 0 : i32
        %dma_start3A_3262 = arith.constant 0 : i32
        %dma_start3A_3263 = tpu.memref_slice %arg10[%dma_start3A_3260, %dma_start3A_3261, %dma_start3A_3262] : memref<16x8x64xf32, #tpu.memory_space<vmem>> -> memref<1x8x64xf32, #tpu.memory_space<vmem>>
        %dma_start3A_3264 = tpu.memref_squeeze %dma_start3A_3263 : memref<1x8x64xf32, #tpu.memory_space<vmem>> -> memref<8x64xf32, #tpu.memory_space<vmem>>
        %dma_start3A_3265 = arith.constant 0 : i32
        %dma_start3A_3266 = tpu.memref_slice %arg4[%multiple_of3A_3256, %dma_start3A_3265] : memref<1000000x64xf32, #tpu.memory_space<hbm>> -> memref<8x64xf32, #tpu.memory_space<hbm>>
        %dma_start3A_3267 = arith.constant 0 : i32
        %dma_start3A_3268 = arith.constant 0 : i32
        %dma_start3A_3269 = tpu.memref_slice %arg10[%dma_start3A_3260, %dma_start3A_3267, %dma_start3A_3268] : memref<16x8x64xf32, #tpu.memory_space<vmem>> -> memref<1x8x64xf32, #tpu.memory_space<vmem>>
        %dma_start3A_3270 = tpu.memref_squeeze %dma_start3A_3269 : memref<1x8x64xf32, #tpu.memory_space<vmem>> -> memref<8x64xf32, #tpu.memory_space<vmem>>
        %dma_start3A_3271 = arith.constant 0 : i32
        %dma_start3A_3272 = tpu.memref_slice %arg4[%multiple_of3A_3256, %dma_start3A_3271] : memref<1000000x64xf32, #tpu.memory_space<hbm>> -> memref<8x64xf32, #tpu.memory_space<hbm>>
        tpu.enqueue_dma source(%dma_start3A_3272 : memref<8x64xf32, #tpu.memory_space<hbm>>) target(%dma_start3A_3270 : memref<8x64xf32, #tpu.memory_space<vmem>>) target_semaphore(%arg16 : memref<!tpu.dma_semaphore, #tpu.memory_space<semaphore_mem>>)
        %dma_start3A_3273 = arith.constant 8 : i32
        %dma_start3A_3274 = arith.constant 0 : i32
        %dma_start3A_3275 = arith.constant 0 : i32
        %dma_start3A_3276 = tpu.memref_slice %arg12[%dma_start3A_3273, %dma_start3A_3274, %dma_start3A_3275] : memref<16x8x64xf32, #tpu.memory_space<vmem>> -> memref<1x8x64xf32, #tpu.memory_space<vmem>>
        %dma_start3A_3277 = tpu.memref_squeeze %dma_start3A_3276 : memref<1x8x64xf32, #tpu.memory_space<vmem>> -> memref<8x64xf32, #tpu.memory_space<vmem>>
        %dma_start3A_3278 = arith.constant 0 : i32
        %dma_start3A_3279 = tpu.memref_slice %arg5[%multiple_of3A_3259, %dma_start3A_3278] : memref<100000x64xf32, #tpu.memory_space<hbm>> -> memref<8x64xf32, #tpu.memory_space<hbm>>
        %dma_start3A_3280 = arith.constant 0 : i32
        %dma_start3A_3281 = arith.constant 0 : i32
        %dma_start3A_3282 = tpu.memref_slice %arg12[%dma_start3A_3273, %dma_start3A_3280, %dma_start3A_3281] : memref<16x8x64xf32, #tpu.memory_space<vmem>> -> memref<1x8x64xf32, #tpu.memory_space<vmem>>
        %dma_start3A_3283 = tpu.memref_squeeze %dma_start3A_3282 : memref<1x8x64xf32, #tpu.memory_space<vmem>> -> memref<8x64xf32, #tpu.memory_space<vmem>>
        %dma_start3A_3284 = arith.constant 0 : i32
        %dma_start3A_3285 = tpu.memref_slice %arg5[%multiple_of3A_3259, %dma_start3A_3284] : memref<100000x64xf32, #tpu.memory_space<hbm>> -> memref<8x64xf32, #tpu.memory_space<hbm>>
        tpu.enqueue_dma source(%dma_start3A_3285 : memref<8x64xf32, #tpu.memory_space<hbm>>) target(%dma_start3A_3283 : memref<8x64xf32, #tpu.memory_space<vmem>>) target_semaphore(%arg18 : memref<!tpu.dma_semaphore, #tpu.memory_space<semaphore_mem>>)
        %slice3A_3286 = vector.extract_strided_slice %and3A_2990 {offsets = [9], sizes = [1], strides = [1]} : vector<16xi32> to vector<1xi32>
        %squeeze3A_3287 = vector.extract %slice3A_3286[0] : i32 from vector<1xi32>
        %multiple_of3A_3288 = tpu.assume_multiple %squeeze3A_3287, 8 : i32
        %slice3A_3289 = vector.extract_strided_slice %and3A_2997 {offsets = [9], sizes = [1], strides = [1]} : vector<16xi32> to vector<1xi32>
        %squeeze3A_3290 = vector.extract %slice3A_3289[0] : i32 from vector<1xi32>
        %multiple_of3A_3291 = tpu.assume_multiple %squeeze3A_3290, 8 : i32
        %dma_start3A_3292 = arith.constant 9 : i32
        %dma_start3A_3293 = arith.constant 0 : i32
        %dma_start3A_3294 = arith.constant 0 : i32
        %dma_start3A_3295 = tpu.memref_slice %arg10[%dma_start3A_3292, %dma_start3A_3293, %dma_start3A_3294] : memref<16x8x64xf32, #tpu.memory_space<vmem>> -> memref<1x8x64xf32, #tpu.memory_space<vmem>>
        %dma_start3A_3296 = tpu.memref_squeeze %dma_start3A_3295 : memref<1x8x64xf32, #tpu.memory_space<vmem>> -> memref<8x64xf32, #tpu.memory_space<vmem>>
        %dma_start3A_3297 = arith.constant 0 : i32
        %dma_start3A_3298 = tpu.memref_slice %arg4[%multiple_of3A_3288, %dma_start3A_3297] : memref<1000000x64xf32, #tpu.memory_space<hbm>> -> memref<8x64xf32, #tpu.memory_space<hbm>>
        %dma_start3A_3299 = arith.constant 0 : i32
        %dma_start3A_3300 = arith.constant 0 : i32
        %dma_start3A_3301 = tpu.memref_slice %arg10[%dma_start3A_3292, %dma_start3A_3299, %dma_start3A_3300] : memref<16x8x64xf32, #tpu.memory_space<vmem>> -> memref<1x8x64xf32, #tpu.memory_space<vmem>>
        %dma_start3A_3302 = tpu.memref_squeeze %dma_start3A_3301 : memref<1x8x64xf32, #tpu.memory_space<vmem>> -> memref<8x64xf32, #tpu.memory_space<vmem>>
        %dma_start3A_3303 = arith.constant 0 : i32
        %dma_start3A_3304 = tpu.memref_slice %arg4[%multiple_of3A_3288, %dma_start3A_3303] : memref<1000000x64xf32, #tpu.memory_space<hbm>> -> memref<8x64xf32, #tpu.memory_space<hbm>>
        tpu.enqueue_dma source(%dma_start3A_3304 : memref<8x64xf32, #tpu.memory_space<hbm>>) target(%dma_start3A_3302 : memref<8x64xf32, #tpu.memory_space<vmem>>) target_semaphore(%arg16 : memref<!tpu.dma_semaphore, #tpu.memory_space<semaphore_mem>>)
        %dma_start3A_3305 = arith.constant 9 : i32
        %dma_start3A_3306 = arith.constant 0 : i32
        %dma_start3A_3307 = arith.constant 0 : i32
        %dma_start3A_3308 = tpu.memref_slice %arg12[%dma_start3A_3305, %dma_start3A_3306, %dma_start3A_3307] : memref<16x8x64xf32, #tpu.memory_space<vmem>> -> memref<1x8x64xf32, #tpu.memory_space<vmem>>
        %dma_start3A_3309 = tpu.memref_squeeze %dma_start3A_3308 : memref<1x8x64xf32, #tpu.memory_space<vmem>> -> memref<8x64xf32, #tpu.memory_space<vmem>>
        %dma_start3A_3310 = arith.constant 0 : i32
        %dma_start3A_3311 = tpu.memref_slice %arg5[%multiple_of3A_3291, %dma_start3A_3310] : memref<100000x64xf32, #tpu.memory_space<hbm>> -> memref<8x64xf32, #tpu.memory_space<hbm>>
        %dma_start3A_3312 = arith.constant 0 : i32
        %dma_start3A_3313 = arith.constant 0 : i32
        %dma_start3A_3314 = tpu.memref_slice %arg12[%dma_start3A_3305, %dma_start3A_3312, %dma_start3A_3313] : memref<16x8x64xf32, #tpu.memory_space<vmem>> -> memref<1x8x64xf32, #tpu.memory_space<vmem>>
        %dma_start3A_3315 = tpu.memref_squeeze %dma_start3A_3314 : memref<1x8x64xf32, #tpu.memory_space<vmem>> -> memref<8x64xf32, #tpu.memory_space<vmem>>
        %dma_start3A_3316 = arith.constant 0 : i32
        %dma_start3A_3317 = tpu.memref_slice %arg5[%multiple_of3A_3291, %dma_start3A_3316] : memref<100000x64xf32, #tpu.memory_space<hbm>> -> memref<8x64xf32, #tpu.memory_space<hbm>>
        tpu.enqueue_dma source(%dma_start3A_3317 : memref<8x64xf32, #tpu.memory_space<hbm>>) target(%dma_start3A_3315 : memref<8x64xf32, #tpu.memory_space<vmem>>) target_semaphore(%arg18 : memref<!tpu.dma_semaphore, #tpu.memory_space<semaphore_mem>>)
        %slice3A_3318 = vector.extract_strided_slice %and3A_2990 {offsets = [10], sizes = [1], strides = [1]} : vector<16xi32> to vector<1xi32>
        %squeeze3A_3319 = vector.extract %slice3A_3318[0] : i32 from vector<1xi32>
        %multiple_of3A_3320 = tpu.assume_multiple %squeeze3A_3319, 8 : i32
        %slice3A_3321 = vector.extract_strided_slice %and3A_2997 {offsets = [10], sizes = [1], strides = [1]} : vector<16xi32> to vector<1xi32>
        %squeeze3A_3322 = vector.extract %slice3A_3321[0] : i32 from vector<1xi32>
        %multiple_of3A_3323 = tpu.assume_multiple %squeeze3A_3322, 8 : i32
        %dma_start3A_3324 = arith.constant 10 : i32
        %dma_start3A_3325 = arith.constant 0 : i32
        %dma_start3A_3326 = arith.constant 0 : i32
        %dma_start3A_3327 = tpu.memref_slice %arg10[%dma_start3A_3324, %dma_start3A_3325, %dma_start3A_3326] : memref<16x8x64xf32, #tpu.memory_space<vmem>> -> memref<1x8x64xf32, #tpu.memory_space<vmem>>
        %dma_start3A_3328 = tpu.memref_squeeze %dma_start3A_3327 : memref<1x8x64xf32, #tpu.memory_space<vmem>> -> memref<8x64xf32, #tpu.memory_space<vmem>>
        %dma_start3A_3329 = arith.constant 0 : i32
        %dma_start3A_3330 = tpu.memref_slice %arg4[%multiple_of3A_3320, %dma_start3A_3329] : memref<1000000x64xf32, #tpu.memory_space<hbm>> -> memref<8x64xf32, #tpu.memory_space<hbm>>
        %dma_start3A_3331 = arith.constant 0 : i32
        %dma_start3A_3332 = arith.constant 0 : i32
        %dma_start3A_3333 = tpu.memref_slice %arg10[%dma_start3A_3324, %dma_start3A_3331, %dma_start3A_3332] : memref<16x8x64xf32, #tpu.memory_space<vmem>> -> memref<1x8x64xf32, #tpu.memory_space<vmem>>
        %dma_start3A_3334 = tpu.memref_squeeze %dma_start3A_3333 : memref<1x8x64xf32, #tpu.memory_space<vmem>> -> memref<8x64xf32, #tpu.memory_space<vmem>>
        %dma_start3A_3335 = arith.constant 0 : i32
        %dma_start3A_3336 = tpu.memref_slice %arg4[%multiple_of3A_3320, %dma_start3A_3335] : memref<1000000x64xf32, #tpu.memory_space<hbm>> -> memref<8x64xf32, #tpu.memory_space<hbm>>
        tpu.enqueue_dma source(%dma_start3A_3336 : memref<8x64xf32, #tpu.memory_space<hbm>>) target(%dma_start3A_3334 : memref<8x64xf32, #tpu.memory_space<vmem>>) target_semaphore(%arg16 : memref<!tpu.dma_semaphore, #tpu.memory_space<semaphore_mem>>)
        %dma_start3A_3337 = arith.constant 10 : i32
        %dma_start3A_3338 = arith.constant 0 : i32
        %dma_start3A_3339 = arith.constant 0 : i32
        %dma_start3A_3340 = tpu.memref_slice %arg12[%dma_start3A_3337, %dma_start3A_3338, %dma_start3A_3339] : memref<16x8x64xf32, #tpu.memory_space<vmem>> -> memref<1x8x64xf32, #tpu.memory_space<vmem>>
        %dma_start3A_3341 = tpu.memref_squeeze %dma_start3A_3340 : memref<1x8x64xf32, #tpu.memory_space<vmem>> -> memref<8x64xf32, #tpu.memory_space<vmem>>
        %dma_start3A_3342 = arith.constant 0 : i32
        %dma_start3A_3343 = tpu.memref_slice %arg5[%multiple_of3A_3323, %dma_start3A_3342] : memref<100000x64xf32, #tpu.memory_space<hbm>> -> memref<8x64xf32, #tpu.memory_space<hbm>>
        %dma_start3A_3344 = arith.constant 0 : i32
        %dma_start3A_3345 = arith.constant 0 : i32
        %dma_start3A_3346 = tpu.memref_slice %arg12[%dma_start3A_3337, %dma_start3A_3344, %dma_start3A_3345] : memref<16x8x64xf32, #tpu.memory_space<vmem>> -> memref<1x8x64xf32, #tpu.memory_space<vmem>>
        %dma_start3A_3347 = tpu.memref_squeeze %dma_start3A_3346 : memref<1x8x64xf32, #tpu.memory_space<vmem>> -> memref<8x64xf32, #tpu.memory_space<vmem>>
        %dma_start3A_3348 = arith.constant 0 : i32
        %dma_start3A_3349 = tpu.memref_slice %arg5[%multiple_of3A_3323, %dma_start3A_3348] : memref<100000x64xf32, #tpu.memory_space<hbm>> -> memref<8x64xf32, #tpu.memory_space<hbm>>
        tpu.enqueue_dma source(%dma_start3A_3349 : memref<8x64xf32, #tpu.memory_space<hbm>>) target(%dma_start3A_3347 : memref<8x64xf32, #tpu.memory_space<vmem>>) target_semaphore(%arg18 : memref<!tpu.dma_semaphore, #tpu.memory_space<semaphore_mem>>)
        %slice3A_3350 = vector.extract_strided_slice %and3A_2990 {offsets = [11], sizes = [1], strides = [1]} : vector<16xi32> to vector<1xi32>
        %squeeze3A_3351 = vector.extract %slice3A_3350[0] : i32 from vector<1xi32>
        %multiple_of3A_3352 = tpu.assume_multiple %squeeze3A_3351, 8 : i32
        %slice3A_3353 = vector.extract_strided_slice %and3A_2997 {offsets = [11], sizes = [1], strides = [1]} : vector<16xi32> to vector<1xi32>
        %squeeze3A_3354 = vector.extract %slice3A_3353[0] : i32 from vector<1xi32>
        %multiple_of3A_3355 = tpu.assume_multiple %squeeze3A_3354, 8 : i32
        %dma_start3A_3356 = arith.constant 11 : i32
        %dma_start3A_3357 = arith.constant 0 : i32
        %dma_start3A_3358 = arith.constant 0 : i32
        %dma_start3A_3359 = tpu.memref_slice %arg10[%dma_start3A_3356, %dma_start3A_3357, %dma_start3A_3358] : memref<16x8x64xf32, #tpu.memory_space<vmem>> -> memref<1x8x64xf32, #tpu.memory_space<vmem>>
        %dma_start3A_3360 = tpu.memref_squeeze %dma_start3A_3359 : memref<1x8x64xf32, #tpu.memory_space<vmem>> -> memref<8x64xf32, #tpu.memory_space<vmem>>
        %dma_start3A_3361 = arith.constant 0 : i32
        %dma_start3A_3362 = tpu.memref_slice %arg4[%multiple_of3A_3352, %dma_start3A_3361] : memref<1000000x64xf32, #tpu.memory_space<hbm>> -> memref<8x64xf32, #tpu.memory_space<hbm>>
        %dma_start3A_3363 = arith.constant 0 : i32
        %dma_start3A_3364 = arith.constant 0 : i32
        %dma_start3A_3365 = tpu.memref_slice %arg10[%dma_start3A_3356, %dma_start3A_3363, %dma_start3A_3364] : memref<16x8x64xf32, #tpu.memory_space<vmem>> -> memref<1x8x64xf32, #tpu.memory_space<vmem>>
        %dma_start3A_3366 = tpu.memref_squeeze %dma_start3A_3365 : memref<1x8x64xf32, #tpu.memory_space<vmem>> -> memref<8x64xf32, #tpu.memory_space<vmem>>
        %dma_start3A_3367 = arith.constant 0 : i32
        %dma_start3A_3368 = tpu.memref_slice %arg4[%multiple_of3A_3352, %dma_start3A_3367] : memref<1000000x64xf32, #tpu.memory_space<hbm>> -> memref<8x64xf32, #tpu.memory_space<hbm>>
        tpu.enqueue_dma source(%dma_start3A_3368 : memref<8x64xf32, #tpu.memory_space<hbm>>) target(%dma_start3A_3366 : memref<8x64xf32, #tpu.memory_space<vmem>>) target_semaphore(%arg16 : memref<!tpu.dma_semaphore, #tpu.memory_space<semaphore_mem>>)
        %dma_start3A_3369 = arith.constant 11 : i32
        %dma_start3A_3370 = arith.constant 0 : i32
        %dma_start3A_3371 = arith.constant 0 : i32
        %dma_start3A_3372 = tpu.memref_slice %arg12[%dma_start3A_3369, %dma_start3A_3370, %dma_start3A_3371] : memref<16x8x64xf32, #tpu.memory_space<vmem>> -> memref<1x8x64xf32, #tpu.memory_space<vmem>>
        %dma_start3A_3373 = tpu.memref_squeeze %dma_start3A_3372 : memref<1x8x64xf32, #tpu.memory_space<vmem>> -> memref<8x64xf32, #tpu.memory_space<vmem>>
        %dma_start3A_3374 = arith.constant 0 : i32
        %dma_start3A_3375 = tpu.memref_slice %arg5[%multiple_of3A_3355, %dma_start3A_3374] : memref<100000x64xf32, #tpu.memory_space<hbm>> -> memref<8x64xf32, #tpu.memory_space<hbm>>
        %dma_start3A_3376 = arith.constant 0 : i32
        %dma_start3A_3377 = arith.constant 0 : i32
        %dma_start3A_3378 = tpu.memref_slice %arg12[%dma_start3A_3369, %dma_start3A_3376, %dma_start3A_3377] : memref<16x8x64xf32, #tpu.memory_space<vmem>> -> memref<1x8x64xf32, #tpu.memory_space<vmem>>
        %dma_start3A_3379 = tpu.memref_squeeze %dma_start3A_3378 : memref<1x8x64xf32, #tpu.memory_space<vmem>> -> memref<8x64xf32, #tpu.memory_space<vmem>>
        %dma_start3A_3380 = arith.constant 0 : i32
        %dma_start3A_3381 = tpu.memref_slice %arg5[%multiple_of3A_3355, %dma_start3A_3380] : memref<100000x64xf32, #tpu.memory_space<hbm>> -> memref<8x64xf32, #tpu.memory_space<hbm>>
        tpu.enqueue_dma source(%dma_start3A_3381 : memref<8x64xf32, #tpu.memory_space<hbm>>) target(%dma_start3A_3379 : memref<8x64xf32, #tpu.memory_space<vmem>>) target_semaphore(%arg18 : memref<!tpu.dma_semaphore, #tpu.memory_space<semaphore_mem>>)
        %slice3A_3382 = vector.extract_strided_slice %and3A_2990 {offsets = [12], sizes = [1], strides = [1]} : vector<16xi32> to vector<1xi32>
        %squeeze3A_3383 = vector.extract %slice3A_3382[0] : i32 from vector<1xi32>
        %multiple_of3A_3384 = tpu.assume_multiple %squeeze3A_3383, 8 : i32
        %slice3A_3385 = vector.extract_strided_slice %and3A_2997 {offsets = [12], sizes = [1], strides = [1]} : vector<16xi32> to vector<1xi32>
        %squeeze3A_3386 = vector.extract %slice3A_3385[0] : i32 from vector<1xi32>
        %multiple_of3A_3387 = tpu.assume_multiple %squeeze3A_3386, 8 : i32
        %dma_start3A_3388 = arith.constant 12 : i32
        %dma_start3A_3389 = arith.constant 0 : i32
        %dma_start3A_3390 = arith.constant 0 : i32
        %dma_start3A_3391 = tpu.memref_slice %arg10[%dma_start3A_3388, %dma_start3A_3389, %dma_start3A_3390] : memref<16x8x64xf32, #tpu.memory_space<vmem>> -> memref<1x8x64xf32, #tpu.memory_space<vmem>>
        %dma_start3A_3392 = tpu.memref_squeeze %dma_start3A_3391 : memref<1x8x64xf32, #tpu.memory_space<vmem>> -> memref<8x64xf32, #tpu.memory_space<vmem>>
        %dma_start3A_3393 = arith.constant 0 : i32
        %dma_start3A_3394 = tpu.memref_slice %arg4[%multiple_of3A_3384, %dma_start3A_3393] : memref<1000000x64xf32, #tpu.memory_space<hbm>> -> memref<8x64xf32, #tpu.memory_space<hbm>>
        %dma_start3A_3395 = arith.constant 0 : i32
        %dma_start3A_3396 = arith.constant 0 : i32
        %dma_start3A_3397 = tpu.memref_slice %arg10[%dma_start3A_3388, %dma_start3A_3395, %dma_start3A_3396] : memref<16x8x64xf32, #tpu.memory_space<vmem>> -> memref<1x8x64xf32, #tpu.memory_space<vmem>>
        %dma_start3A_3398 = tpu.memref_squeeze %dma_start3A_3397 : memref<1x8x64xf32, #tpu.memory_space<vmem>> -> memref<8x64xf32, #tpu.memory_space<vmem>>
        %dma_start3A_3399 = arith.constant 0 : i32
        %dma_start3A_3400 = tpu.memref_slice %arg4[%multiple_of3A_3384, %dma_start3A_3399] : memref<1000000x64xf32, #tpu.memory_space<hbm>> -> memref<8x64xf32, #tpu.memory_space<hbm>>
        tpu.enqueue_dma source(%dma_start3A_3400 : memref<8x64xf32, #tpu.memory_space<hbm>>) target(%dma_start3A_3398 : memref<8x64xf32, #tpu.memory_space<vmem>>) target_semaphore(%arg16 : memref<!tpu.dma_semaphore, #tpu.memory_space<semaphore_mem>>)
        %dma_start3A_3401 = arith.constant 12 : i32
        %dma_start3A_3402 = arith.constant 0 : i32
        %dma_start3A_3403 = arith.constant 0 : i32
        %dma_start3A_3404 = tpu.memref_slice %arg12[%dma_start3A_3401, %dma_start3A_3402, %dma_start3A_3403] : memref<16x8x64xf32, #tpu.memory_space<vmem>> -> memref<1x8x64xf32, #tpu.memory_space<vmem>>
        %dma_start3A_3405 = tpu.memref_squeeze %dma_start3A_3404 : memref<1x8x64xf32, #tpu.memory_space<vmem>> -> memref<8x64xf32, #tpu.memory_space<vmem>>
        %dma_start3A_3406 = arith.constant 0 : i32
        %dma_start3A_3407 = tpu.memref_slice %arg5[%multiple_of3A_3387, %dma_start3A_3406] : memref<100000x64xf32, #tpu.memory_space<hbm>> -> memref<8x64xf32, #tpu.memory_space<hbm>>
        %dma_start3A_3408 = arith.constant 0 : i32
        %dma_start3A_3409 = arith.constant 0 : i32
        %dma_start3A_3410 = tpu.memref_slice %arg12[%dma_start3A_3401, %dma_start3A_3408, %dma_start3A_3409] : memref<16x8x64xf32, #tpu.memory_space<vmem>> -> memref<1x8x64xf32, #tpu.memory_space<vmem>>
        %dma_start3A_3411 = tpu.memref_squeeze %dma_start3A_3410 : memref<1x8x64xf32, #tpu.memory_space<vmem>> -> memref<8x64xf32, #tpu.memory_space<vmem>>
        %dma_start3A_3412 = arith.constant 0 : i32
        %dma_start3A_3413 = tpu.memref_slice %arg5[%multiple_of3A_3387, %dma_start3A_3412] : memref<100000x64xf32, #tpu.memory_space<hbm>> -> memref<8x64xf32, #tpu.memory_space<hbm>>
        tpu.enqueue_dma source(%dma_start3A_3413 : memref<8x64xf32, #tpu.memory_space<hbm>>) target(%dma_start3A_3411 : memref<8x64xf32, #tpu.memory_space<vmem>>) target_semaphore(%arg18 : memref<!tpu.dma_semaphore, #tpu.memory_space<semaphore_mem>>)
        %slice3A_3414 = vector.extract_strided_slice %and3A_2990 {offsets = [13], sizes = [1], strides = [1]} : vector<16xi32> to vector<1xi32>
        %squeeze3A_3415 = vector.extract %slice3A_3414[0] : i32 from vector<1xi32>
        %multiple_of3A_3416 = tpu.assume_multiple %squeeze3A_3415, 8 : i32
        %slice3A_3417 = vector.extract_strided_slice %and3A_2997 {offsets = [13], sizes = [1], strides = [1]} : vector<16xi32> to vector<1xi32>
        %squeeze3A_3418 = vector.extract %slice3A_3417[0] : i32 from vector<1xi32>
        %multiple_of3A_3419 = tpu.assume_multiple %squeeze3A_3418, 8 : i32
        %dma_start3A_3420 = arith.constant 13 : i32
        %dma_start3A_3421 = arith.constant 0 : i32
        %dma_start3A_3422 = arith.constant 0 : i32
        %dma_start3A_3423 = tpu.memref_slice %arg10[%dma_start3A_3420, %dma_start3A_3421, %dma_start3A_3422] : memref<16x8x64xf32, #tpu.memory_space<vmem>> -> memref<1x8x64xf32, #tpu.memory_space<vmem>>
        %dma_start3A_3424 = tpu.memref_squeeze %dma_start3A_3423 : memref<1x8x64xf32, #tpu.memory_space<vmem>> -> memref<8x64xf32, #tpu.memory_space<vmem>>
        %dma_start3A_3425 = arith.constant 0 : i32
        %dma_start3A_3426 = tpu.memref_slice %arg4[%multiple_of3A_3416, %dma_start3A_3425] : memref<1000000x64xf32, #tpu.memory_space<hbm>> -> memref<8x64xf32, #tpu.memory_space<hbm>>
        %dma_start3A_3427 = arith.constant 0 : i32
        %dma_start3A_3428 = arith.constant 0 : i32
        %dma_start3A_3429 = tpu.memref_slice %arg10[%dma_start3A_3420, %dma_start3A_3427, %dma_start3A_3428] : memref<16x8x64xf32, #tpu.memory_space<vmem>> -> memref<1x8x64xf32, #tpu.memory_space<vmem>>
        %dma_start3A_3430 = tpu.memref_squeeze %dma_start3A_3429 : memref<1x8x64xf32, #tpu.memory_space<vmem>> -> memref<8x64xf32, #tpu.memory_space<vmem>>
        %dma_start3A_3431 = arith.constant 0 : i32
        %dma_start3A_3432 = tpu.memref_slice %arg4[%multiple_of3A_3416, %dma_start3A_3431] : memref<1000000x64xf32, #tpu.memory_space<hbm>> -> memref<8x64xf32, #tpu.memory_space<hbm>>
        tpu.enqueue_dma source(%dma_start3A_3432 : memref<8x64xf32, #tpu.memory_space<hbm>>) target(%dma_start3A_3430 : memref<8x64xf32, #tpu.memory_space<vmem>>) target_semaphore(%arg16 : memref<!tpu.dma_semaphore, #tpu.memory_space<semaphore_mem>>)
        %dma_start3A_3433 = arith.constant 13 : i32
        %dma_start3A_3434 = arith.constant 0 : i32
        %dma_start3A_3435 = arith.constant 0 : i32
        %dma_start3A_3436 = tpu.memref_slice %arg12[%dma_start3A_3433, %dma_start3A_3434, %dma_start3A_3435] : memref<16x8x64xf32, #tpu.memory_space<vmem>> -> memref<1x8x64xf32, #tpu.memory_space<vmem>>
        %dma_start3A_3437 = tpu.memref_squeeze %dma_start3A_3436 : memref<1x8x64xf32, #tpu.memory_space<vmem>> -> memref<8x64xf32, #tpu.memory_space<vmem>>
        %dma_start3A_3438 = arith.constant 0 : i32
        %dma_start3A_3439 = tpu.memref_slice %arg5[%multiple_of3A_3419, %dma_start3A_3438] : memref<100000x64xf32, #tpu.memory_space<hbm>> -> memref<8x64xf32, #tpu.memory_space<hbm>>
        %dma_start3A_3440 = arith.constant 0 : i32
        %dma_start3A_3441 = arith.constant 0 : i32
        %dma_start3A_3442 = tpu.memref_slice %arg12[%dma_start3A_3433, %dma_start3A_3440, %dma_start3A_3441] : memref<16x8x64xf32, #tpu.memory_space<vmem>> -> memref<1x8x64xf32, #tpu.memory_space<vmem>>
        %dma_start3A_3443 = tpu.memref_squeeze %dma_start3A_3442 : memref<1x8x64xf32, #tpu.memory_space<vmem>> -> memref<8x64xf32, #tpu.memory_space<vmem>>
        %dma_start3A_3444 = arith.constant 0 : i32
        %dma_start3A_3445 = tpu.memref_slice %arg5[%multiple_of3A_3419, %dma_start3A_3444] : memref<100000x64xf32, #tpu.memory_space<hbm>> -> memref<8x64xf32, #tpu.memory_space<hbm>>
        tpu.enqueue_dma source(%dma_start3A_3445 : memref<8x64xf32, #tpu.memory_space<hbm>>) target(%dma_start3A_3443 : memref<8x64xf32, #tpu.memory_space<vmem>>) target_semaphore(%arg18 : memref<!tpu.dma_semaphore, #tpu.memory_space<semaphore_mem>>)
        %slice3A_3446 = vector.extract_strided_slice %and3A_2990 {offsets = [14], sizes = [1], strides = [1]} : vector<16xi32> to vector<1xi32>
        %squeeze3A_3447 = vector.extract %slice3A_3446[0] : i32 from vector<1xi32>
        %multiple_of3A_3448 = tpu.assume_multiple %squeeze3A_3447, 8 : i32
        %slice3A_3449 = vector.extract_strided_slice %and3A_2997 {offsets = [14], sizes = [1], strides = [1]} : vector<16xi32> to vector<1xi32>
        %squeeze3A_3450 = vector.extract %slice3A_3449[0] : i32 from vector<1xi32>
        %multiple_of3A_3451 = tpu.assume_multiple %squeeze3A_3450, 8 : i32
        %dma_start3A_3452 = arith.constant 14 : i32
        %dma_start3A_3453 = arith.constant 0 : i32
        %dma_start3A_3454 = arith.constant 0 : i32
        %dma_start3A_3455 = tpu.memref_slice %arg10[%dma_start3A_3452, %dma_start3A_3453, %dma_start3A_3454] : memref<16x8x64xf32, #tpu.memory_space<vmem>> -> memref<1x8x64xf32, #tpu.memory_space<vmem>>
        %dma_start3A_3456 = tpu.memref_squeeze %dma_start3A_3455 : memref<1x8x64xf32, #tpu.memory_space<vmem>> -> memref<8x64xf32, #tpu.memory_space<vmem>>
        %dma_start3A_3457 = arith.constant 0 : i32
        %dma_start3A_3458 = tpu.memref_slice %arg4[%multiple_of3A_3448, %dma_start3A_3457] : memref<1000000x64xf32, #tpu.memory_space<hbm>> -> memref<8x64xf32, #tpu.memory_space<hbm>>
        %dma_start3A_3459 = arith.constant 0 : i32
        %dma_start3A_3460 = arith.constant 0 : i32
        %dma_start3A_3461 = tpu.memref_slice %arg10[%dma_start3A_3452, %dma_start3A_3459, %dma_start3A_3460] : memref<16x8x64xf32, #tpu.memory_space<vmem>> -> memref<1x8x64xf32, #tpu.memory_space<vmem>>
        %dma_start3A_3462 = tpu.memref_squeeze %dma_start3A_3461 : memref<1x8x64xf32, #tpu.memory_space<vmem>> -> memref<8x64xf32, #tpu.memory_space<vmem>>
        %dma_start3A_3463 = arith.constant 0 : i32
        %dma_start3A_3464 = tpu.memref_slice %arg4[%multiple_of3A_3448, %dma_start3A_3463] : memref<1000000x64xf32, #tpu.memory_space<hbm>> -> memref<8x64xf32, #tpu.memory_space<hbm>>
        tpu.enqueue_dma source(%dma_start3A_3464 : memref<8x64xf32, #tpu.memory_space<hbm>>) target(%dma_start3A_3462 : memref<8x64xf32, #tpu.memory_space<vmem>>) target_semaphore(%arg16 : memref<!tpu.dma_semaphore, #tpu.memory_space<semaphore_mem>>)
        %dma_start3A_3465 = arith.constant 14 : i32
        %dma_start3A_3466 = arith.constant 0 : i32
        %dma_start3A_3467 = arith.constant 0 : i32
        %dma_start3A_3468 = tpu.memref_slice %arg12[%dma_start3A_3465, %dma_start3A_3466, %dma_start3A_3467] : memref<16x8x64xf32, #tpu.memory_space<vmem>> -> memref<1x8x64xf32, #tpu.memory_space<vmem>>
        %dma_start3A_3469 = tpu.memref_squeeze %dma_start3A_3468 : memref<1x8x64xf32, #tpu.memory_space<vmem>> -> memref<8x64xf32, #tpu.memory_space<vmem>>
        %dma_start3A_3470 = arith.constant 0 : i32
        %dma_start3A_3471 = tpu.memref_slice %arg5[%multiple_of3A_3451, %dma_start3A_3470] : memref<100000x64xf32, #tpu.memory_space<hbm>> -> memref<8x64xf32, #tpu.memory_space<hbm>>
        %dma_start3A_3472 = arith.constant 0 : i32
        %dma_start3A_3473 = arith.constant 0 : i32
        %dma_start3A_3474 = tpu.memref_slice %arg12[%dma_start3A_3465, %dma_start3A_3472, %dma_start3A_3473] : memref<16x8x64xf32, #tpu.memory_space<vmem>> -> memref<1x8x64xf32, #tpu.memory_space<vmem>>
        %dma_start3A_3475 = tpu.memref_squeeze %dma_start3A_3474 : memref<1x8x64xf32, #tpu.memory_space<vmem>> -> memref<8x64xf32, #tpu.memory_space<vmem>>
        %dma_start3A_3476 = arith.constant 0 : i32
        %dma_start3A_3477 = tpu.memref_slice %arg5[%multiple_of3A_3451, %dma_start3A_3476] : memref<100000x64xf32, #tpu.memory_space<hbm>> -> memref<8x64xf32, #tpu.memory_space<hbm>>
        tpu.enqueue_dma source(%dma_start3A_3477 : memref<8x64xf32, #tpu.memory_space<hbm>>) target(%dma_start3A_3475 : memref<8x64xf32, #tpu.memory_space<vmem>>) target_semaphore(%arg18 : memref<!tpu.dma_semaphore, #tpu.memory_space<semaphore_mem>>)
        %slice3A_3478 = vector.extract_strided_slice %and3A_2990 {offsets = [15], sizes = [1], strides = [1]} : vector<16xi32> to vector<1xi32>
        %squeeze3A_3479 = vector.extract %slice3A_3478[0] : i32 from vector<1xi32>
        %multiple_of3A_3480 = tpu.assume_multiple %squeeze3A_3479, 8 : i32
        %slice3A_3481 = vector.extract_strided_slice %and3A_2997 {offsets = [15], sizes = [1], strides = [1]} : vector<16xi32> to vector<1xi32>
        %squeeze3A_3482 = vector.extract %slice3A_3481[0] : i32 from vector<1xi32>
        %multiple_of3A_3483 = tpu.assume_multiple %squeeze3A_3482, 8 : i32
        %dma_start3A_3484 = arith.constant 15 : i32
        %dma_start3A_3485 = arith.constant 0 : i32
        %dma_start3A_3486 = arith.constant 0 : i32
        %dma_start3A_3487 = tpu.memref_slice %arg10[%dma_start3A_3484, %dma_start3A_3485, %dma_start3A_3486] : memref<16x8x64xf32, #tpu.memory_space<vmem>> -> memref<1x8x64xf32, #tpu.memory_space<vmem>>
        %dma_start3A_3488 = tpu.memref_squeeze %dma_start3A_3487 : memref<1x8x64xf32, #tpu.memory_space<vmem>> -> memref<8x64xf32, #tpu.memory_space<vmem>>
        %dma_start3A_3489 = arith.constant 0 : i32
        %dma_start3A_3490 = tpu.memref_slice %arg4[%multiple_of3A_3480, %dma_start3A_3489] : memref<1000000x64xf32, #tpu.memory_space<hbm>> -> memref<8x64xf32, #tpu.memory_space<hbm>>
        %dma_start3A_3491 = arith.constant 0 : i32
        %dma_start3A_3492 = arith.constant 0 : i32
        %dma_start3A_3493 = tpu.memref_slice %arg10[%dma_start3A_3484, %dma_start3A_3491, %dma_start3A_3492] : memref<16x8x64xf32, #tpu.memory_space<vmem>> -> memref<1x8x64xf32, #tpu.memory_space<vmem>>
        %dma_start3A_3494 = tpu.memref_squeeze %dma_start3A_3493 : memref<1x8x64xf32, #tpu.memory_space<vmem>> -> memref<8x64xf32, #tpu.memory_space<vmem>>
        %dma_start3A_3495 = arith.constant 0 : i32
        %dma_start3A_3496 = tpu.memref_slice %arg4[%multiple_of3A_3480, %dma_start3A_3495] : memref<1000000x64xf32, #tpu.memory_space<hbm>> -> memref<8x64xf32, #tpu.memory_space<hbm>>
        tpu.enqueue_dma source(%dma_start3A_3496 : memref<8x64xf32, #tpu.memory_space<hbm>>) target(%dma_start3A_3494 : memref<8x64xf32, #tpu.memory_space<vmem>>) target_semaphore(%arg16 : memref<!tpu.dma_semaphore, #tpu.memory_space<semaphore_mem>>)
        %dma_start3A_3497 = arith.constant 15 : i32
        %dma_start3A_3498 = arith.constant 0 : i32
        %dma_start3A_3499 = arith.constant 0 : i32
        %dma_start3A_3500 = tpu.memref_slice %arg12[%dma_start3A_3497, %dma_start3A_3498, %dma_start3A_3499] : memref<16x8x64xf32, #tpu.memory_space<vmem>> -> memref<1x8x64xf32, #tpu.memory_space<vmem>>
        %dma_start3A_3501 = tpu.memref_squeeze %dma_start3A_3500 : memref<1x8x64xf32, #tpu.memory_space<vmem>> -> memref<8x64xf32, #tpu.memory_space<vmem>>
        %dma_start3A_3502 = arith.constant 0 : i32
        %dma_start3A_3503 = tpu.memref_slice %arg5[%multiple_of3A_3483, %dma_start3A_3502] : memref<100000x64xf32, #tpu.memory_space<hbm>> -> memref<8x64xf32, #tpu.memory_space<hbm>>
        %dma_start3A_3504 = arith.constant 0 : i32
        %dma_start3A_3505 = arith.constant 0 : i32
        %dma_start3A_3506 = tpu.memref_slice %arg12[%dma_start3A_3497, %dma_start3A_3504, %dma_start3A_3505] : memref<16x8x64xf32, #tpu.memory_space<vmem>> -> memref<1x8x64xf32, #tpu.memory_space<vmem>>
        %dma_start3A_3507 = tpu.memref_squeeze %dma_start3A_3506 : memref<1x8x64xf32, #tpu.memory_space<vmem>> -> memref<8x64xf32, #tpu.memory_space<vmem>>
        %dma_start3A_3508 = arith.constant 0 : i32
        %dma_start3A_3509 = tpu.memref_slice %arg5[%multiple_of3A_3483, %dma_start3A_3508] : memref<100000x64xf32, #tpu.memory_space<hbm>> -> memref<8x64xf32, #tpu.memory_space<hbm>>
        tpu.enqueue_dma source(%dma_start3A_3509 : memref<8x64xf32, #tpu.memory_space<hbm>>) target(%dma_start3A_3507 : memref<8x64xf32, #tpu.memory_space<vmem>>) target_semaphore(%arg18 : memref<!tpu.dma_semaphore, #tpu.memory_space<semaphore_mem>>)
      } else {
      }
      tpu.wait_dma2 semaphore(%arg17 : memref<!tpu.dma_semaphore, #tpu.memory_space<semaphore_mem>>) src(%arg6 : memref<16x8x64xf32, #tpu.memory_space<hbm>>) dst(%arg11 : memref<16x8x64xf32, #tpu.memory_space<vmem>>)
      tpu.wait_dma2 semaphore(%arg19 : memref<!tpu.dma_semaphore, #tpu.memory_space<semaphore_mem>>) src(%arg6 : memref<16x8x64xf32, #tpu.memory_space<hbm>>) dst(%arg13 : memref<16x8x64xf32, #tpu.memory_space<vmem>>)
      %add3A_2017 = arith.constant 1 : i32
      %add3A_2018 = arith.addi %mul3A_528, %add3A_2017 : i32
      %mul3A_2019 = arith.constant 16 : i32
      %mul3A_2020 = arith.muli %add3A_2018, %mul3A_2019 : i32
      %get3A_2021 = arith.index_cast %mul3A_2020 : i32 to index
      %get3A_2022 = tpu.vector_load %arg8[%get3A_2021] {strides = array<i32>} : memref<512xi32, #tpu.memory_space<vmem>>, vector<16xi32>,
      %and3A_2023 = arith.constant 7 : i32
      %and3A_2024 = vector.broadcast %and3A_2023 : i32 to vector<16xi32>
      %and3A_2025 = arith.andi %get3A_2022, %and3A_2024 : vector<16xi32>
      %mul3A_2026 = arith.constant 16 : i32
      %mul3A_2027 = arith.muli %add3A_2018, %mul3A_2026 : i32
      %get3A_2028 = arith.index_cast %mul3A_2027 : i32 to index
      %get3A_2029 = tpu.vector_load %arg9[%get3A_2028] {strides = array<i32>} : memref<512xi32, #tpu.memory_space<vmem>>, vector<16xi32>,
      %and3A_2030 = arith.constant 7 : i32
      %and3A_2031 = vector.broadcast %and3A_2030 : i32 to vector<16xi32>
      %and3A_2032 = arith.andi %get3A_2029, %and3A_2031 : vector<16xi32>
      %slice3A_2033 = vector.extract_strided_slice %and3A_2025 {offsets = [0], sizes = [1], strides = [1]} : vector<16xi32> to vector<1xi32>
      %squeeze3A_2034 = vector.extract %slice3A_2033[0] : i32 from vector<1xi32>
      %slice3A_2035 = vector.extract_strided_slice %and3A_2032 {offsets = [0], sizes = [1], strides = [1]} : vector<16xi32> to vector<1xi32>
      %squeeze3A_2036 = vector.extract %slice3A_2035[0] : i32 from vector<1xi32>
      %get3A_2037 = arith.constant 0 : i32
      %get3A_2038 = arith.index_cast %get3A_2037 : i32 to index
      %get3A_2039 = arith.index_cast %squeeze3A_2034 : i32 to index
      %get3A_2040 = arith.constant 0 : index
      %get3A_2041 = tpu.vector_load %arg11[%get3A_2038, %get3A_2039, %get3A_2040] {strides = array<i32>} : memref<16x8x64xf32, #tpu.memory_space<vmem>>, vector<16xf32>,
      %get3A_2042 = arith.constant 0 : i32
      %get3A_2043 = arith.index_cast %get3A_2042 : i32 to index
      %get3A_2044 = arith.index_cast %squeeze3A_2036 : i32 to index
      %get3A_2045 = arith.constant 0 : index
      %get3A_2046 = tpu.vector_load %arg13[%get3A_2043, %get3A_2044, %get3A_2045] {strides = array<i32>} : memref<16x8x64xf32, #tpu.memory_space<vmem>>, vector<16xf32>,
      %mul3A_2047 = arith.mulf %get3A_2041, %get3A_2046 : vector<16xf32>
      %get3A_2048 = arith.constant 0 : i32
      %get3A_2049 = arith.index_cast %get3A_2048 : i32 to index
      %get3A_2050 = arith.index_cast %squeeze3A_2034 : i32 to index
      %get3A_2051 = arith.constant 16 : index
      %get3A_2052 = tpu.vector_load %arg11[%get3A_2049, %get3A_2050, %get3A_2051] {strides = array<i32>} : memref<16x8x64xf32, #tpu.memory_space<vmem>>, vector<16xf32>,
      %get3A_2053 = arith.constant 0 : i32
      %get3A_2054 = arith.index_cast %get3A_2053 : i32 to index
      %get3A_2055 = arith.index_cast %squeeze3A_2036 : i32 to index
      %get3A_2056 = arith.constant 16 : index
      %get3A_2057 = tpu.vector_load %arg13[%get3A_2054, %get3A_2055, %get3A_2056] {strides = array<i32>} : memref<16x8x64xf32, #tpu.memory_space<vmem>>, vector<16xf32>,
      %mul3A_2058 = arith.mulf %get3A_2052, %get3A_2057 : vector<16xf32>
      %add3A_2059 = arith.addf %mul3A_2047, %mul3A_2058 : vector<16xf32>
      %get3A_2060 = arith.constant 0 : i32
      %get3A_2061 = arith.index_cast %get3A_2060 : i32 to index
      %get3A_2062 = arith.index_cast %squeeze3A_2034 : i32 to index
      %get3A_2063 = arith.constant 32 : index
      %get3A_2064 = tpu.vector_load %arg11[%get3A_2061, %get3A_2062, %get3A_2063] {strides = array<i32>} : memref<16x8x64xf32, #tpu.memory_space<vmem>>, vector<16xf32>,
      %get3A_2065 = arith.constant 0 : i32
      %get3A_2066 = arith.index_cast %get3A_2065 : i32 to index
      %get3A_2067 = arith.index_cast %squeeze3A_2036 : i32 to index
      %get3A_2068 = arith.constant 32 : index
      %get3A_2069 = tpu.vector_load %arg13[%get3A_2066, %get3A_2067, %get3A_2068] {strides = array<i32>} : memref<16x8x64xf32, #tpu.memory_space<vmem>>, vector<16xf32>,
      %mul3A_2070 = arith.mulf %get3A_2064, %get3A_2069 : vector<16xf32>
      %add3A_2071 = arith.addf %add3A_2059, %mul3A_2070 : vector<16xf32>
      %get3A_2072 = arith.constant 0 : i32
      %get3A_2073 = arith.index_cast %get3A_2072 : i32 to index
      %get3A_2074 = arith.index_cast %squeeze3A_2034 : i32 to index
      %get3A_2075 = arith.constant 48 : index
      %get3A_2076 = tpu.vector_load %arg11[%get3A_2073, %get3A_2074, %get3A_2075] {strides = array<i32>} : memref<16x8x64xf32, #tpu.memory_space<vmem>>, vector<16xf32>,
      %get3A_2077 = arith.constant 0 : i32
      %get3A_2078 = arith.index_cast %get3A_2077 : i32 to index
      %get3A_2079 = arith.index_cast %squeeze3A_2036 : i32 to index
      %get3A_2080 = arith.constant 48 : index
      %get3A_2081 = tpu.vector_load %arg13[%get3A_2078, %get3A_2079, %get3A_2080] {strides = array<i32>} : memref<16x8x64xf32, #tpu.memory_space<vmem>>, vector<16xf32>,
      %mul3A_2082 = arith.mulf %get3A_2076, %get3A_2081 : vector<16xf32>
      %add3A_2083 = arith.addf %add3A_2071, %mul3A_2082 : vector<16xf32>
      %swap3A_2084 = arith.constant 0 : i32
      %swap3A_2085 = arith.index_cast %swap3A_2084 : i32 to index
      %swap3A_2086 = arith.constant 0 : index
      %swap3A_2087 = tpu.vector_load %arg14[%swap3A_2085, %swap3A_2086] {strides = array<i32>} : memref<16x17xf32, #tpu.memory_space<vmem>>, vector<16xf32>,
      tpu.vector_store %arg14[%swap3A_2085, %swap3A_2086], %add3A_2083 {strides = array<i32>} : memref<16x17xf32, #tpu.memory_space<vmem>>, vector<16xf32>,
      %slice3A_2088 = vector.extract_strided_slice %and3A_2025 {offsets = [1], sizes = [1], strides = [1]} : vector<16xi32> to vector<1xi32>
      %squeeze3A_2089 = vector.extract %slice3A_2088[0] : i32 from vector<1xi32>
      %slice3A_2090 = vector.extract_strided_slice %and3A_2032 {offsets = [1], sizes = [1], strides = [1]} : vector<16xi32> to vector<1xi32>
      %squeeze3A_2091 = vector.extract %slice3A_2090[0] : i32 from vector<1xi32>
      %get3A_2092 = arith.constant 1 : i32
      %get3A_2093 = arith.index_cast %get3A_2092 : i32 to index
      %get3A_2094 = arith.index_cast %squeeze3A_2089 : i32 to index
      %get3A_2095 = arith.constant 0 : index
      %get3A_2096 = tpu.vector_load %arg11[%get3A_2093, %get3A_2094, %get3A_2095] {strides = array<i32>} : memref<16x8x64xf32, #tpu.memory_space<vmem>>, vector<16xf32>,
      %get3A_2097 = arith.constant 1 : i32
      %get3A_2098 = arith.index_cast %get3A_2097 : i32 to index
      %get3A_2099 = arith.index_cast %squeeze3A_2091 : i32 to index
      %get3A_2100 = arith.constant 0 : index
      %get3A_2101 = tpu.vector_load %arg13[%get3A_2098, %get3A_2099, %get3A_2100] {strides = array<i32>} : memref<16x8x64xf32, #tpu.memory_space<vmem>>, vector<16xf32>,
      %mul3A_2102 = arith.mulf %get3A_2096, %get3A_2101 : vector<16xf32>
      %get3A_2103 = arith.constant 1 : i32
      %get3A_2104 = arith.index_cast %get3A_2103 : i32 to index
      %get3A_2105 = arith.index_cast %squeeze3A_2089 : i32 to index
      %get3A_2106 = arith.constant 16 : index
      %get3A_2107 = tpu.vector_load %arg11[%get3A_2104, %get3A_2105, %get3A_2106] {strides = array<i32>} : memref<16x8x64xf32, #tpu.memory_space<vmem>>, vector<16xf32>,
      %get3A_2108 = arith.constant 1 : i32
      %get3A_2109 = arith.index_cast %get3A_2108 : i32 to index
      %get3A_2110 = arith.index_cast %squeeze3A_2091 : i32 to index
      %get3A_2111 = arith.constant 16 : index
      %get3A_2112 = tpu.vector_load %arg13[%get3A_2109, %get3A_2110, %get3A_2111] {strides = array<i32>} : memref<16x8x64xf32, #tpu.memory_space<vmem>>, vector<16xf32>,
      %mul3A_2113 = arith.mulf %get3A_2107, %get3A_2112 : vector<16xf32>
      %add3A_2114 = arith.addf %mul3A_2102, %mul3A_2113 : vector<16xf32>
      %get3A_2115 = arith.constant 1 : i32
      %get3A_2116 = arith.index_cast %get3A_2115 : i32 to index
      %get3A_2117 = arith.index_cast %squeeze3A_2089 : i32 to index
      %get3A_2118 = arith.constant 32 : index
      %get3A_2119 = tpu.vector_load %arg11[%get3A_2116, %get3A_2117, %get3A_2118] {strides = array<i32>} : memref<16x8x64xf32, #tpu.memory_space<vmem>>, vector<16xf32>,
      %get3A_2120 = arith.constant 1 : i32
      %get3A_2121 = arith.index_cast %get3A_2120 : i32 to index
      %get3A_2122 = arith.index_cast %squeeze3A_2091 : i32 to index
      %get3A_2123 = arith.constant 32 : index
      %get3A_2124 = tpu.vector_load %arg13[%get3A_2121, %get3A_2122, %get3A_2123] {strides = array<i32>} : memref<16x8x64xf32, #tpu.memory_space<vmem>>, vector<16xf32>,
      %mul3A_2125 = arith.mulf %get3A_2119, %get3A_2124 : vector<16xf32>
      %add3A_2126 = arith.addf %add3A_2114, %mul3A_2125 : vector<16xf32>
      %get3A_2127 = arith.constant 1 : i32
      %get3A_2128 = arith.index_cast %get3A_2127 : i32 to index
      %get3A_2129 = arith.index_cast %squeeze3A_2089 : i32 to index
      %get3A_2130 = arith.constant 48 : index
      %get3A_2131 = tpu.vector_load %arg11[%get3A_2128, %get3A_2129, %get3A_2130] {strides = array<i32>} : memref<16x8x64xf32, #tpu.memory_space<vmem>>, vector<16xf32>,
      %get3A_2132 = arith.constant 1 : i32
      %get3A_2133 = arith.index_cast %get3A_2132 : i32 to index
      %get3A_2134 = arith.index_cast %squeeze3A_2091 : i32 to index
      %get3A_2135 = arith.constant 48 : index
      %get3A_2136 = tpu.vector_load %arg13[%get3A_2133, %get3A_2134, %get3A_2135] {strides = array<i32>} : memref<16x8x64xf32, #tpu.memory_space<vmem>>, vector<16xf32>,
      %mul3A_2137 = arith.mulf %get3A_2131, %get3A_2136 : vector<16xf32>
      %add3A_2138 = arith.addf %add3A_2126, %mul3A_2137 : vector<16xf32>
      %swap3A_2139 = arith.constant 1 : i32
      %swap3A_2140 = arith.index_cast %swap3A_2139 : i32 to index
      %swap3A_2141 = arith.constant 0 : index
      %swap3A_2142 = tpu.vector_load %arg14[%swap3A_2140, %swap3A_2141] {strides = array<i32>} : memref<16x17xf32, #tpu.memory_space<vmem>>, vector<16xf32>,
      tpu.vector_store %arg14[%swap3A_2140, %swap3A_2141], %add3A_2138 {strides = array<i32>} : memref<16x17xf32, #tpu.memory_space<vmem>>, vector<16xf32>,
      %slice3A_2143 = vector.extract_strided_slice %and3A_2025 {offsets = [2], sizes = [1], strides = [1]} : vector<16xi32> to vector<1xi32>
      %squeeze3A_2144 = vector.extract %slice3A_2143[0] : i32 from vector<1xi32>
      %slice3A_2145 = vector.extract_strided_slice %and3A_2032 {offsets = [2], sizes = [1], strides = [1]} : vector<16xi32> to vector<1xi32>
      %squeeze3A_2146 = vector.extract %slice3A_2145[0] : i32 from vector<1xi32>
      %get3A_2147 = arith.constant 2 : i32
      %get3A_2148 = arith.index_cast %get3A_2147 : i32 to index
      %get3A_2149 = arith.index_cast %squeeze3A_2144 : i32 to index
      %get3A_2150 = arith.constant 0 : index
      %get3A_2151 = tpu.vector_load %arg11[%get3A_2148, %get3A_2149, %get3A_2150] {strides = array<i32>} : memref<16x8x64xf32, #tpu.memory_space<vmem>>, vector<16xf32>,
      %get3A_2152 = arith.constant 2 : i32
      %get3A_2153 = arith.index_cast %get3A_2152 : i32 to index
      %get3A_2154 = arith.index_cast %squeeze3A_2146 : i32 to index
      %get3A_2155 = arith.constant 0 : index
      %get3A_2156 = tpu.vector_load %arg13[%get3A_2153, %get3A_2154, %get3A_2155] {strides = array<i32>} : memref<16x8x64xf32, #tpu.memory_space<vmem>>, vector<16xf32>,
      %mul3A_2157 = arith.mulf %get3A_2151, %get3A_2156 : vector<16xf32>
      %get3A_2158 = arith.constant 2 : i32
      %get3A_2159 = arith.index_cast %get3A_2158 : i32 to index
      %get3A_2160 = arith.index_cast %squeeze3A_2144 : i32 to index
      %get3A_2161 = arith.constant 16 : index
      %get3A_2162 = tpu.vector_load %arg11[%get3A_2159, %get3A_2160, %get3A_2161] {strides = array<i32>} : memref<16x8x64xf32, #tpu.memory_space<vmem>>, vector<16xf32>,
      %get3A_2163 = arith.constant 2 : i32
      %get3A_2164 = arith.index_cast %get3A_2163 : i32 to index
      %get3A_2165 = arith.index_cast %squeeze3A_2146 : i32 to index
      %get3A_2166 = arith.constant 16 : index
      %get3A_2167 = tpu.vector_load %arg13[%get3A_2164, %get3A_2165, %get3A_2166] {strides = array<i32>} : memref<16x8x64xf32, #tpu.memory_space<vmem>>, vector<16xf32>,
      %mul3A_2168 = arith.mulf %get3A_2162, %get3A_2167 : vector<16xf32>
      %add3A_2169 = arith.addf %mul3A_2157, %mul3A_2168 : vector<16xf32>
      %get3A_2170 = arith.constant 2 : i32
      %get3A_2171 = arith.index_cast %get3A_2170 : i32 to index
      %get3A_2172 = arith.index_cast %squeeze3A_2144 : i32 to index
      %get3A_2173 = arith.constant 32 : index
      %get3A_2174 = tpu.vector_load %arg11[%get3A_2171, %get3A_2172, %get3A_2173] {strides = array<i32>} : memref<16x8x64xf32, #tpu.memory_space<vmem>>, vector<16xf32>,
      %get3A_2175 = arith.constant 2 : i32
      %get3A_2176 = arith.index_cast %get3A_2175 : i32 to index
      %get3A_2177 = arith.index_cast %squeeze3A_2146 : i32 to index
      %get3A_2178 = arith.constant 32 : index
      %get3A_2179 = tpu.vector_load %arg13[%get3A_2176, %get3A_2177, %get3A_2178] {strides = array<i32>} : memref<16x8x64xf32, #tpu.memory_space<vmem>>, vector<16xf32>,
      %mul3A_2180 = arith.mulf %get3A_2174, %get3A_2179 : vector<16xf32>
      %add3A_2181 = arith.addf %add3A_2169, %mul3A_2180 : vector<16xf32>
      %get3A_2182 = arith.constant 2 : i32
      %get3A_2183 = arith.index_cast %get3A_2182 : i32 to index
      %get3A_2184 = arith.index_cast %squeeze3A_2144 : i32 to index
      %get3A_2185 = arith.constant 48 : index
      %get3A_2186 = tpu.vector_load %arg11[%get3A_2183, %get3A_2184, %get3A_2185] {strides = array<i32>} : memref<16x8x64xf32, #tpu.memory_space<vmem>>, vector<16xf32>,
      %get3A_2187 = arith.constant 2 : i32
      %get3A_2188 = arith.index_cast %get3A_2187 : i32 to index
      %get3A_2189 = arith.index_cast %squeeze3A_2146 : i32 to index
      %get3A_2190 = arith.constant 48 : index
      %get3A_2191 = tpu.vector_load %arg13[%get3A_2188, %get3A_2189, %get3A_2190] {strides = array<i32>} : memref<16x8x64xf32, #tpu.memory_space<vmem>>, vector<16xf32>,
      %mul3A_2192 = arith.mulf %get3A_2186, %get3A_2191 : vector<16xf32>
      %add3A_2193 = arith.addf %add3A_2181, %mul3A_2192 : vector<16xf32>
      %swap3A_2194 = arith.constant 2 : i32
      %swap3A_2195 = arith.index_cast %swap3A_2194 : i32 to index
      %swap3A_2196 = arith.constant 0 : index
      %swap3A_2197 = tpu.vector_load %arg14[%swap3A_2195, %swap3A_2196] {strides = array<i32>} : memref<16x17xf32, #tpu.memory_space<vmem>>, vector<16xf32>,
      tpu.vector_store %arg14[%swap3A_2195, %swap3A_2196], %add3A_2193 {strides = array<i32>} : memref<16x17xf32, #tpu.memory_space<vmem>>, vector<16xf32>,
      %slice3A_2198 = vector.extract_strided_slice %and3A_2025 {offsets = [3], sizes = [1], strides = [1]} : vector<16xi32> to vector<1xi32>
      %squeeze3A_2199 = vector.extract %slice3A_2198[0] : i32 from vector<1xi32>
      %slice3A_2200 = vector.extract_strided_slice %and3A_2032 {offsets = [3], sizes = [1], strides = [1]} : vector<16xi32> to vector<1xi32>
      %squeeze3A_2201 = vector.extract %slice3A_2200[0] : i32 from vector<1xi32>
      %get3A_2202 = arith.constant 3 : i32
      %get3A_2203 = arith.index_cast %get3A_2202 : i32 to index
      %get3A_2204 = arith.index_cast %squeeze3A_2199 : i32 to index
      %get3A_2205 = arith.constant 0 : index
      %get3A_2206 = tpu.vector_load %arg11[%get3A_2203, %get3A_2204, %get3A_2205] {strides = array<i32>} : memref<16x8x64xf32, #tpu.memory_space<vmem>>, vector<16xf32>,
      %get3A_2207 = arith.constant 3 : i32
      %get3A_2208 = arith.index_cast %get3A_2207 : i32 to index
      %get3A_2209 = arith.index_cast %squeeze3A_2201 : i32 to index
      %get3A_2210 = arith.constant 0 : index
      %get3A_2211 = tpu.vector_load %arg13[%get3A_2208, %get3A_2209, %get3A_2210] {strides = array<i32>} : memref<16x8x64xf32, #tpu.memory_space<vmem>>, vector<16xf32>,
      %mul3A_2212 = arith.mulf %get3A_2206, %get3A_2211 : vector<16xf32>
      %get3A_2213 = arith.constant 3 : i32
      %get3A_2214 = arith.index_cast %get3A_2213 : i32 to index
      %get3A_2215 = arith.index_cast %squeeze3A_2199 : i32 to index
      %get3A_2216 = arith.constant 16 : index
      %get3A_2217 = tpu.vector_load %arg11[%get3A_2214, %get3A_2215, %get3A_2216] {strides = array<i32>} : memref<16x8x64xf32, #tpu.memory_space<vmem>>, vector<16xf32>,
      %get3A_2218 = arith.constant 3 : i32
      %get3A_2219 = arith.index_cast %get3A_2218 : i32 to index
      %get3A_2220 = arith.index_cast %squeeze3A_2201 : i32 to index
      %get3A_2221 = arith.constant 16 : index
      %get3A_2222 = tpu.vector_load %arg13[%get3A_2219, %get3A_2220, %get3A_2221] {strides = array<i32>} : memref<16x8x64xf32, #tpu.memory_space<vmem>>, vector<16xf32>,
      %mul3A_2223 = arith.mulf %get3A_2217, %get3A_2222 : vector<16xf32>
      %add3A_2224 = arith.addf %mul3A_2212, %mul3A_2223 : vector<16xf32>
      %get3A_2225 = arith.constant 3 : i32
      %get3A_2226 = arith.index_cast %get3A_2225 : i32 to index
      %get3A_2227 = arith.index_cast %squeeze3A_2199 : i32 to index
      %get3A_2228 = arith.constant 32 : index
      %get3A_2229 = tpu.vector_load %arg11[%get3A_2226, %get3A_2227, %get3A_2228] {strides = array<i32>} : memref<16x8x64xf32, #tpu.memory_space<vmem>>, vector<16xf32>,
      %get3A_2230 = arith.constant 3 : i32
      %get3A_2231 = arith.index_cast %get3A_2230 : i32 to index
      %get3A_2232 = arith.index_cast %squeeze3A_2201 : i32 to index
      %get3A_2233 = arith.constant 32 : index
      %get3A_2234 = tpu.vector_load %arg13[%get3A_2231, %get3A_2232, %get3A_2233] {strides = array<i32>} : memref<16x8x64xf32, #tpu.memory_space<vmem>>, vector<16xf32>,
      %mul3A_2235 = arith.mulf %get3A_2229, %get3A_2234 : vector<16xf32>
      %add3A_2236 = arith.addf %add3A_2224, %mul3A_2235 : vector<16xf32>
      %get3A_2237 = arith.constant 3 : i32
      %get3A_2238 = arith.index_cast %get3A_2237 : i32 to index
      %get3A_2239 = arith.index_cast %squeeze3A_2199 : i32 to index
      %get3A_2240 = arith.constant 48 : index
      %get3A_2241 = tpu.vector_load %arg11[%get3A_2238, %get3A_2239, %get3A_2240] {strides = array<i32>} : memref<16x8x64xf32, #tpu.memory_space<vmem>>, vector<16xf32>,
      %get3A_2242 = arith.constant 3 : i32
      %get3A_2243 = arith.index_cast %get3A_2242 : i32 to index
      %get3A_2244 = arith.index_cast %squeeze3A_2201 : i32 to index
      %get3A_2245 = arith.constant 48 : index
      %get3A_2246 = tpu.vector_load %arg13[%get3A_2243, %get3A_2244, %get3A_2245] {strides = array<i32>} : memref<16x8x64xf32, #tpu.memory_space<vmem>>, vector<16xf32>,
      %mul3A_2247 = arith.mulf %get3A_2241, %get3A_2246 : vector<16xf32>
      %add3A_2248 = arith.addf %add3A_2236, %mul3A_2247 : vector<16xf32>
      %swap3A_2249 = arith.constant 3 : i32
      %swap3A_2250 = arith.index_cast %swap3A_2249 : i32 to index
      %swap3A_2251 = arith.constant 0 : index
      %swap3A_2252 = tpu.vector_load %arg14[%swap3A_2250, %swap3A_2251] {strides = array<i32>} : memref<16x17xf32, #tpu.memory_space<vmem>>, vector<16xf32>,
      tpu.vector_store %arg14[%swap3A_2250, %swap3A_2251], %add3A_2248 {strides = array<i32>} : memref<16x17xf32, #tpu.memory_space<vmem>>, vector<16xf32>,
      %slice3A_2253 = vector.extract_strided_slice %and3A_2025 {offsets = [4], sizes = [1], strides = [1]} : vector<16xi32> to vector<1xi32>
      %squeeze3A_2254 = vector.extract %slice3A_2253[0] : i32 from vector<1xi32>
      %slice3A_2255 = vector.extract_strided_slice %and3A_2032 {offsets = [4], sizes = [1], strides = [1]} : vector<16xi32> to vector<1xi32>
      %squeeze3A_2256 = vector.extract %slice3A_2255[0] : i32 from vector<1xi32>
      %get3A_2257 = arith.constant 4 : i32
      %get3A_2258 = arith.index_cast %get3A_2257 : i32 to index
      %get3A_2259 = arith.index_cast %squeeze3A_2254 : i32 to index
      %get3A_2260 = arith.constant 0 : index
      %get3A_2261 = tpu.vector_load %arg11[%get3A_2258, %get3A_2259, %get3A_2260] {strides = array<i32>} : memref<16x8x64xf32, #tpu.memory_space<vmem>>, vector<16xf32>,
      %get3A_2262 = arith.constant 4 : i32
      %get3A_2263 = arith.index_cast %get3A_2262 : i32 to index
      %get3A_2264 = arith.index_cast %squeeze3A_2256 : i32 to index
      %get3A_2265 = arith.constant 0 : index
      %get3A_2266 = tpu.vector_load %arg13[%get3A_2263, %get3A_2264, %get3A_2265] {strides = array<i32>} : memref<16x8x64xf32, #tpu.memory_space<vmem>>, vector<16xf32>,
      %mul3A_2267 = arith.mulf %get3A_2261, %get3A_2266 : vector<16xf32>
      %get3A_2268 = arith.constant 4 : i32
      %get3A_2269 = arith.index_cast %get3A_2268 : i32 to index
      %get3A_2270 = arith.index_cast %squeeze3A_2254 : i32 to index
      %get3A_2271 = arith.constant 16 : index
      %get3A_2272 = tpu.vector_load %arg11[%get3A_2269, %get3A_2270, %get3A_2271] {strides = array<i32>} : memref<16x8x64xf32, #tpu.memory_space<vmem>>, vector<16xf32>,
      %get3A_2273 = arith.constant 4 : i32
      %get3A_2274 = arith.index_cast %get3A_2273 : i32 to index
      %get3A_2275 = arith.index_cast %squeeze3A_2256 : i32 to index
      %get3A_2276 = arith.constant 16 : index
      %get3A_2277 = tpu.vector_load %arg13[%get3A_2274, %get3A_2275, %get3A_2276] {strides = array<i32>} : memref<16x8x64xf32, #tpu.memory_space<vmem>>, vector<16xf32>,
      %mul3A_2278 = arith.mulf %get3A_2272, %get3A_2277 : vector<16xf32>
      %add3A_2279 = arith.addf %mul3A_2267, %mul3A_2278 : vector<16xf32>
      %get3A_2280 = arith.constant 4 : i32
      %get3A_2281 = arith.index_cast %get3A_2280 : i32 to index
      %get3A_2282 = arith.index_cast %squeeze3A_2254 : i32 to index
      %get3A_2283 = arith.constant 32 : index
      %get3A_2284 = tpu.vector_load %arg11[%get3A_2281, %get3A_2282, %get3A_2283] {strides = array<i32>} : memref<16x8x64xf32, #tpu.memory_space<vmem>>, vector<16xf32>,
      %get3A_2285 = arith.constant 4 : i32
      %get3A_2286 = arith.index_cast %get3A_2285 : i32 to index
      %get3A_2287 = arith.index_cast %squeeze3A_2256 : i32 to index
      %get3A_2288 = arith.constant 32 : index
      %get3A_2289 = tpu.vector_load %arg13[%get3A_2286, %get3A_2287, %get3A_2288] {strides = array<i32>} : memref<16x8x64xf32, #tpu.memory_space<vmem>>, vector<16xf32>,
      %mul3A_2290 = arith.mulf %get3A_2284, %get3A_2289 : vector<16xf32>
      %add3A_2291 = arith.addf %add3A_2279, %mul3A_2290 : vector<16xf32>
      %get3A_2292 = arith.constant 4 : i32
      %get3A_2293 = arith.index_cast %get3A_2292 : i32 to index
      %get3A_2294 = arith.index_cast %squeeze3A_2254 : i32 to index
      %get3A_2295 = arith.constant 48 : index
      %get3A_2296 = tpu.vector_load %arg11[%get3A_2293, %get3A_2294, %get3A_2295] {strides = array<i32>} : memref<16x8x64xf32, #tpu.memory_space<vmem>>, vector<16xf32>,
      %get3A_2297 = arith.constant 4 : i32
      %get3A_2298 = arith.index_cast %get3A_2297 : i32 to index
      %get3A_2299 = arith.index_cast %squeeze3A_2256 : i32 to index
      %get3A_2300 = arith.constant 48 : index
      %get3A_2301 = tpu.vector_load %arg13[%get3A_2298, %get3A_2299, %get3A_2300] {strides = array<i32>} : memref<16x8x64xf32, #tpu.memory_space<vmem>>, vector<16xf32>,
      %mul3A_2302 = arith.mulf %get3A_2296, %get3A_2301 : vector<16xf32>
      %add3A_2303 = arith.addf %add3A_2291, %mul3A_2302 : vector<16xf32>
      %swap3A_2304 = arith.constant 4 : i32
      %swap3A_2305 = arith.index_cast %swap3A_2304 : i32 to index
      %swap3A_2306 = arith.constant 0 : index
      %swap3A_2307 = tpu.vector_load %arg14[%swap3A_2305, %swap3A_2306] {strides = array<i32>} : memref<16x17xf32, #tpu.memory_space<vmem>>, vector<16xf32>,
      tpu.vector_store %arg14[%swap3A_2305, %swap3A_2306], %add3A_2303 {strides = array<i32>} : memref<16x17xf32, #tpu.memory_space<vmem>>, vector<16xf32>,
      %slice3A_2308 = vector.extract_strided_slice %and3A_2025 {offsets = [5], sizes = [1], strides = [1]} : vector<16xi32> to vector<1xi32>
      %squeeze3A_2309 = vector.extract %slice3A_2308[0] : i32 from vector<1xi32>
      %slice3A_2310 = vector.extract_strided_slice %and3A_2032 {offsets = [5], sizes = [1], strides = [1]} : vector<16xi32> to vector<1xi32>
      %squeeze3A_2311 = vector.extract %slice3A_2310[0] : i32 from vector<1xi32>
      %get3A_2312 = arith.constant 5 : i32
      %get3A_2313 = arith.index_cast %get3A_2312 : i32 to index
      %get3A_2314 = arith.index_cast %squeeze3A_2309 : i32 to index
      %get3A_2315 = arith.constant 0 : index
      %get3A_2316 = tpu.vector_load %arg11[%get3A_2313, %get3A_2314, %get3A_2315] {strides = array<i32>} : memref<16x8x64xf32, #tpu.memory_space<vmem>>, vector<16xf32>,
      %get3A_2317 = arith.constant 5 : i32
      %get3A_2318 = arith.index_cast %get3A_2317 : i32 to index
      %get3A_2319 = arith.index_cast %squeeze3A_2311 : i32 to index
      %get3A_2320 = arith.constant 0 : index
      %get3A_2321 = tpu.vector_load %arg13[%get3A_2318, %get3A_2319, %get3A_2320] {strides = array<i32>} : memref<16x8x64xf32, #tpu.memory_space<vmem>>, vector<16xf32>,
      %mul3A_2322 = arith.mulf %get3A_2316, %get3A_2321 : vector<16xf32>
      %get3A_2323 = arith.constant 5 : i32
      %get3A_2324 = arith.index_cast %get3A_2323 : i32 to index
      %get3A_2325 = arith.index_cast %squeeze3A_2309 : i32 to index
      %get3A_2326 = arith.constant 16 : index
      %get3A_2327 = tpu.vector_load %arg11[%get3A_2324, %get3A_2325, %get3A_2326] {strides = array<i32>} : memref<16x8x64xf32, #tpu.memory_space<vmem>>, vector<16xf32>,
      %get3A_2328 = arith.constant 5 : i32
      %get3A_2329 = arith.index_cast %get3A_2328 : i32 to index
      %get3A_2330 = arith.index_cast %squeeze3A_2311 : i32 to index
      %get3A_2331 = arith.constant 16 : index
      %get3A_2332 = tpu.vector_load %arg13[%get3A_2329, %get3A_2330, %get3A_2331] {strides = array<i32>} : memref<16x8x64xf32, #tpu.memory_space<vmem>>, vector<16xf32>,
      %mul3A_2333 = arith.mulf %get3A_2327, %get3A_2332 : vector<16xf32>
      %add3A_2334 = arith.addf %mul3A_2322, %mul3A_2333 : vector<16xf32>
      %get3A_2335 = arith.constant 5 : i32
      %get3A_2336 = arith.index_cast %get3A_2335 : i32 to index
      %get3A_2337 = arith.index_cast %squeeze3A_2309 : i32 to index
      %get3A_2338 = arith.constant 32 : index
      %get3A_2339 = tpu.vector_load %arg11[%get3A_2336, %get3A_2337, %get3A_2338] {strides = array<i32>} : memref<16x8x64xf32, #tpu.memory_space<vmem>>, vector<16xf32>,
      %get3A_2340 = arith.constant 5 : i32
      %get3A_2341 = arith.index_cast %get3A_2340 : i32 to index
      %get3A_2342 = arith.index_cast %squeeze3A_2311 : i32 to index
      %get3A_2343 = arith.constant 32 : index
      %get3A_2344 = tpu.vector_load %arg13[%get3A_2341, %get3A_2342, %get3A_2343] {strides = array<i32>} : memref<16x8x64xf32, #tpu.memory_space<vmem>>, vector<16xf32>,
      %mul3A_2345 = arith.mulf %get3A_2339, %get3A_2344 : vector<16xf32>
      %add3A_2346 = arith.addf %add3A_2334, %mul3A_2345 : vector<16xf32>
      %get3A_2347 = arith.constant 5 : i32
      %get3A_2348 = arith.index_cast %get3A_2347 : i32 to index
      %get3A_2349 = arith.index_cast %squeeze3A_2309 : i32 to index
      %get3A_2350 = arith.constant 48 : index
      %get3A_2351 = tpu.vector_load %arg11[%get3A_2348, %get3A_2349, %get3A_2350] {strides = array<i32>} : memref<16x8x64xf32, #tpu.memory_space<vmem>>, vector<16xf32>,
      %get3A_2352 = arith.constant 5 : i32
      %get3A_2353 = arith.index_cast %get3A_2352 : i32 to index
      %get3A_2354 = arith.index_cast %squeeze3A_2311 : i32 to index
      %get3A_2355 = arith.constant 48 : index
      %get3A_2356 = tpu.vector_load %arg13[%get3A_2353, %get3A_2354, %get3A_2355] {strides = array<i32>} : memref<16x8x64xf32, #tpu.memory_space<vmem>>, vector<16xf32>,
      %mul3A_2357 = arith.mulf %get3A_2351, %get3A_2356 : vector<16xf32>
      %add3A_2358 = arith.addf %add3A_2346, %mul3A_2357 : vector<16xf32>
      %swap3A_2359 = arith.constant 5 : i32
      %swap3A_2360 = arith.index_cast %swap3A_2359 : i32 to index
      %swap3A_2361 = arith.constant 0 : index
      %swap3A_2362 = tpu.vector_load %arg14[%swap3A_2360, %swap3A_2361] {strides = array<i32>} : memref<16x17xf32, #tpu.memory_space<vmem>>, vector<16xf32>,
      tpu.vector_store %arg14[%swap3A_2360, %swap3A_2361], %add3A_2358 {strides = array<i32>} : memref<16x17xf32, #tpu.memory_space<vmem>>, vector<16xf32>,
      %slice3A_2363 = vector.extract_strided_slice %and3A_2025 {offsets = [6], sizes = [1], strides = [1]} : vector<16xi32> to vector<1xi32>
      %squeeze3A_2364 = vector.extract %slice3A_2363[0] : i32 from vector<1xi32>
      %slice3A_2365 = vector.extract_strided_slice %and3A_2032 {offsets = [6], sizes = [1], strides = [1]} : vector<16xi32> to vector<1xi32>
      %squeeze3A_2366 = vector.extract %slice3A_2365[0] : i32 from vector<1xi32>
      %get3A_2367 = arith.constant 6 : i32
      %get3A_2368 = arith.index_cast %get3A_2367 : i32 to index
      %get3A_2369 = arith.index_cast %squeeze3A_2364 : i32 to index
      %get3A_2370 = arith.constant 0 : index
      %get3A_2371 = tpu.vector_load %arg11[%get3A_2368, %get3A_2369, %get3A_2370] {strides = array<i32>} : memref<16x8x64xf32, #tpu.memory_space<vmem>>, vector<16xf32>,
      %get3A_2372 = arith.constant 6 : i32
      %get3A_2373 = arith.index_cast %get3A_2372 : i32 to index
      %get3A_2374 = arith.index_cast %squeeze3A_2366 : i32 to index
      %get3A_2375 = arith.constant 0 : index
      %get3A_2376 = tpu.vector_load %arg13[%get3A_2373, %get3A_2374, %get3A_2375] {strides = array<i32>} : memref<16x8x64xf32, #tpu.memory_space<vmem>>, vector<16xf32>,
      %mul3A_2377 = arith.mulf %get3A_2371, %get3A_2376 : vector<16xf32>
      %get3A_2378 = arith.constant 6 : i32
      %get3A_2379 = arith.index_cast %get3A_2378 : i32 to index
      %get3A_2380 = arith.index_cast %squeeze3A_2364 : i32 to index
      %get3A_2381 = arith.constant 16 : index
      %get3A_2382 = tpu.vector_load %arg11[%get3A_2379, %get3A_2380, %get3A_2381] {strides = array<i32>} : memref<16x8x64xf32, #tpu.memory_space<vmem>>, vector<16xf32>,
      %get3A_2383 = arith.constant 6 : i32
      %get3A_2384 = arith.index_cast %get3A_2383 : i32 to index
      %get3A_2385 = arith.index_cast %squeeze3A_2366 : i32 to index
      %get3A_2386 = arith.constant 16 : index
      %get3A_2387 = tpu.vector_load %arg13[%get3A_2384, %get3A_2385, %get3A_2386] {strides = array<i32>} : memref<16x8x64xf32, #tpu.memory_space<vmem>>, vector<16xf32>,
      %mul3A_2388 = arith.mulf %get3A_2382, %get3A_2387 : vector<16xf32>
      %add3A_2389 = arith.addf %mul3A_2377, %mul3A_2388 : vector<16xf32>
      %get3A_2390 = arith.constant 6 : i32
      %get3A_2391 = arith.index_cast %get3A_2390 : i32 to index
      %get3A_2392 = arith.index_cast %squeeze3A_2364 : i32 to index
      %get3A_2393 = arith.constant 32 : index
      %get3A_2394 = tpu.vector_load %arg11[%get3A_2391, %get3A_2392, %get3A_2393] {strides = array<i32>} : memref<16x8x64xf32, #tpu.memory_space<vmem>>, vector<16xf32>,
      %get3A_2395 = arith.constant 6 : i32
      %get3A_2396 = arith.index_cast %get3A_2395 : i32 to index
      %get3A_2397 = arith.index_cast %squeeze3A_2366 : i32 to index
      %get3A_2398 = arith.constant 32 : index
      %get3A_2399 = tpu.vector_load %arg13[%get3A_2396, %get3A_2397, %get3A_2398] {strides = array<i32>} : memref<16x8x64xf32, #tpu.memory_space<vmem>>, vector<16xf32>,
      %mul3A_2400 = arith.mulf %get3A_2394, %get3A_2399 : vector<16xf32>
      %add3A_2401 = arith.addf %add3A_2389, %mul3A_2400 : vector<16xf32>
      %get3A_2402 = arith.constant 6 : i32
      %get3A_2403 = arith.index_cast %get3A_2402 : i32 to index
      %get3A_2404 = arith.index_cast %squeeze3A_2364 : i32 to index
      %get3A_2405 = arith.constant 48 : index
      %get3A_2406 = tpu.vector_load %arg11[%get3A_2403, %get3A_2404, %get3A_2405] {strides = array<i32>} : memref<16x8x64xf32, #tpu.memory_space<vmem>>, vector<16xf32>,
      %get3A_2407 = arith.constant 6 : i32
      %get3A_2408 = arith.index_cast %get3A_2407 : i32 to index
      %get3A_2409 = arith.index_cast %squeeze3A_2366 : i32 to index
      %get3A_2410 = arith.constant 48 : index
      %get3A_2411 = tpu.vector_load %arg13[%get3A_2408, %get3A_2409, %get3A_2410] {strides = array<i32>} : memref<16x8x64xf32, #tpu.memory_space<vmem>>, vector<16xf32>,
      %mul3A_2412 = arith.mulf %get3A_2406, %get3A_2411 : vector<16xf32>
      %add3A_2413 = arith.addf %add3A_2401, %mul3A_2412 : vector<16xf32>
      %swap3A_2414 = arith.constant 6 : i32
      %swap3A_2415 = arith.index_cast %swap3A_2414 : i32 to index
      %swap3A_2416 = arith.constant 0 : index
      %swap3A_2417 = tpu.vector_load %arg14[%swap3A_2415, %swap3A_2416] {strides = array<i32>} : memref<16x17xf32, #tpu.memory_space<vmem>>, vector<16xf32>,
      tpu.vector_store %arg14[%swap3A_2415, %swap3A_2416], %add3A_2413 {strides = array<i32>} : memref<16x17xf32, #tpu.memory_space<vmem>>, vector<16xf32>,
      %slice3A_2418 = vector.extract_strided_slice %and3A_2025 {offsets = [7], sizes = [1], strides = [1]} : vector<16xi32> to vector<1xi32>
      %squeeze3A_2419 = vector.extract %slice3A_2418[0] : i32 from vector<1xi32>
      %slice3A_2420 = vector.extract_strided_slice %and3A_2032 {offsets = [7], sizes = [1], strides = [1]} : vector<16xi32> to vector<1xi32>
      %squeeze3A_2421 = vector.extract %slice3A_2420[0] : i32 from vector<1xi32>
      %get3A_2422 = arith.constant 7 : i32
      %get3A_2423 = arith.index_cast %get3A_2422 : i32 to index
      %get3A_2424 = arith.index_cast %squeeze3A_2419 : i32 to index
      %get3A_2425 = arith.constant 0 : index
      %get3A_2426 = tpu.vector_load %arg11[%get3A_2423, %get3A_2424, %get3A_2425] {strides = array<i32>} : memref<16x8x64xf32, #tpu.memory_space<vmem>>, vector<16xf32>,
      %get3A_2427 = arith.constant 7 : i32
      %get3A_2428 = arith.index_cast %get3A_2427 : i32 to index
      %get3A_2429 = arith.index_cast %squeeze3A_2421 : i32 to index
      %get3A_2430 = arith.constant 0 : index
      %get3A_2431 = tpu.vector_load %arg13[%get3A_2428, %get3A_2429, %get3A_2430] {strides = array<i32>} : memref<16x8x64xf32, #tpu.memory_space<vmem>>, vector<16xf32>,
      %mul3A_2432 = arith.mulf %get3A_2426, %get3A_2431 : vector<16xf32>
      %get3A_2433 = arith.constant 7 : i32
      %get3A_2434 = arith.index_cast %get3A_2433 : i32 to index
      %get3A_2435 = arith.index_cast %squeeze3A_2419 : i32 to index
      %get3A_2436 = arith.constant 16 : index
      %get3A_2437 = tpu.vector_load %arg11[%get3A_2434, %get3A_2435, %get3A_2436] {strides = array<i32>} : memref<16x8x64xf32, #tpu.memory_space<vmem>>, vector<16xf32>,
      %get3A_2438 = arith.constant 7 : i32
      %get3A_2439 = arith.index_cast %get3A_2438 : i32 to index
      %get3A_2440 = arith.index_cast %squeeze3A_2421 : i32 to index
      %get3A_2441 = arith.constant 16 : index
      %get3A_2442 = tpu.vector_load %arg13[%get3A_2439, %get3A_2440, %get3A_2441] {strides = array<i32>} : memref<16x8x64xf32, #tpu.memory_space<vmem>>, vector<16xf32>,
      %mul3A_2443 = arith.mulf %get3A_2437, %get3A_2442 : vector<16xf32>
      %add3A_2444 = arith.addf %mul3A_2432, %mul3A_2443 : vector<16xf32>
      %get3A_2445 = arith.constant 7 : i32
      %get3A_2446 = arith.index_cast %get3A_2445 : i32 to index
      %get3A_2447 = arith.index_cast %squeeze3A_2419 : i32 to index
      %get3A_2448 = arith.constant 32 : index
      %get3A_2449 = tpu.vector_load %arg11[%get3A_2446, %get3A_2447, %get3A_2448] {strides = array<i32>} : memref<16x8x64xf32, #tpu.memory_space<vmem>>, vector<16xf32>,
      %get3A_2450 = arith.constant 7 : i32
      %get3A_2451 = arith.index_cast %get3A_2450 : i32 to index
      %get3A_2452 = arith.index_cast %squeeze3A_2421 : i32 to index
      %get3A_2453 = arith.constant 32 : index
      %get3A_2454 = tpu.vector_load %arg13[%get3A_2451, %get3A_2452, %get3A_2453] {strides = array<i32>} : memref<16x8x64xf32, #tpu.memory_space<vmem>>, vector<16xf32>,
      %mul3A_2455 = arith.mulf %get3A_2449, %get3A_2454 : vector<16xf32>
      %add3A_2456 = arith.addf %add3A_2444, %mul3A_2455 : vector<16xf32>
      %get3A_2457 = arith.constant 7 : i32
      %get3A_2458 = arith.index_cast %get3A_2457 : i32 to index
      %get3A_2459 = arith.index_cast %squeeze3A_2419 : i32 to index
      %get3A_2460 = arith.constant 48 : index
      %get3A_2461 = tpu.vector_load %arg11[%get3A_2458, %get3A_2459, %get3A_2460] {strides = array<i32>} : memref<16x8x64xf32, #tpu.memory_space<vmem>>, vector<16xf32>,
      %get3A_2462 = arith.constant 7 : i32
      %get3A_2463 = arith.index_cast %get3A_2462 : i32 to index
      %get3A_2464 = arith.index_cast %squeeze3A_2421 : i32 to index
      %get3A_2465 = arith.constant 48 : index
      %get3A_2466 = tpu.vector_load %arg13[%get3A_2463, %get3A_2464, %get3A_2465] {strides = array<i32>} : memref<16x8x64xf32, #tpu.memory_space<vmem>>, vector<16xf32>,
      %mul3A_2467 = arith.mulf %get3A_2461, %get3A_2466 : vector<16xf32>
      %add3A_2468 = arith.addf %add3A_2456, %mul3A_2467 : vector<16xf32>
      %swap3A_2469 = arith.constant 7 : i32
      %swap3A_2470 = arith.index_cast %swap3A_2469 : i32 to index
      %swap3A_2471 = arith.constant 0 : index
      %swap3A_2472 = tpu.vector_load %arg14[%swap3A_2470, %swap3A_2471] {strides = array<i32>} : memref<16x17xf32, #tpu.memory_space<vmem>>, vector<16xf32>,
      tpu.vector_store %arg14[%swap3A_2470, %swap3A_2471], %add3A_2468 {strides = array<i32>} : memref<16x17xf32, #tpu.memory_space<vmem>>, vector<16xf32>,
      %slice3A_2473 = vector.extract_strided_slice %and3A_2025 {offsets = [8], sizes = [1], strides = [1]} : vector<16xi32> to vector<1xi32>
      %squeeze3A_2474 = vector.extract %slice3A_2473[0] : i32 from vector<1xi32>
      %slice3A_2475 = vector.extract_strided_slice %and3A_2032 {offsets = [8], sizes = [1], strides = [1]} : vector<16xi32> to vector<1xi32>
      %squeeze3A_2476 = vector.extract %slice3A_2475[0] : i32 from vector<1xi32>
      %get3A_2477 = arith.constant 8 : i32
      %get3A_2478 = arith.index_cast %get3A_2477 : i32 to index
      %get3A_2479 = arith.index_cast %squeeze3A_2474 : i32 to index
      %get3A_2480 = arith.constant 0 : index
      %get3A_2481 = tpu.vector_load %arg11[%get3A_2478, %get3A_2479, %get3A_2480] {strides = array<i32>} : memref<16x8x64xf32, #tpu.memory_space<vmem>>, vector<16xf32>,
      %get3A_2482 = arith.constant 8 : i32
      %get3A_2483 = arith.index_cast %get3A_2482 : i32 to index
      %get3A_2484 = arith.index_cast %squeeze3A_2476 : i32 to index
      %get3A_2485 = arith.constant 0 : index
      %get3A_2486 = tpu.vector_load %arg13[%get3A_2483, %get3A_2484, %get3A_2485] {strides = array<i32>} : memref<16x8x64xf32, #tpu.memory_space<vmem>>, vector<16xf32>,
      %mul3A_2487 = arith.mulf %get3A_2481, %get3A_2486 : vector<16xf32>
      %get3A_2488 = arith.constant 8 : i32
      %get3A_2489 = arith.index_cast %get3A_2488 : i32 to index
      %get3A_2490 = arith.index_cast %squeeze3A_2474 : i32 to index
      %get3A_2491 = arith.constant 16 : index
      %get3A_2492 = tpu.vector_load %arg11[%get3A_2489, %get3A_2490, %get3A_2491] {strides = array<i32>} : memref<16x8x64xf32, #tpu.memory_space<vmem>>, vector<16xf32>,
      %get3A_2493 = arith.constant 8 : i32
      %get3A_2494 = arith.index_cast %get3A_2493 : i32 to index
      %get3A_2495 = arith.index_cast %squeeze3A_2476 : i32 to index
      %get3A_2496 = arith.constant 16 : index
      %get3A_2497 = tpu.vector_load %arg13[%get3A_2494, %get3A_2495, %get3A_2496] {strides = array<i32>} : memref<16x8x64xf32, #tpu.memory_space<vmem>>, vector<16xf32>,
      %mul3A_2498 = arith.mulf %get3A_2492, %get3A_2497 : vector<16xf32>
      %add3A_2499 = arith.addf %mul3A_2487, %mul3A_2498 : vector<16xf32>
      %get3A_2500 = arith.constant 8 : i32
      %get3A_2501 = arith.index_cast %get3A_2500 : i32 to index
      %get3A_2502 = arith.index_cast %squeeze3A_2474 : i32 to index
      %get3A_2503 = arith.constant 32 : index
      %get3A_2504 = tpu.vector_load %arg11[%get3A_2501, %get3A_2502, %get3A_2503] {strides = array<i32>} : memref<16x8x64xf32, #tpu.memory_space<vmem>>, vector<16xf32>,
      %get3A_2505 = arith.constant 8 : i32
      %get3A_2506 = arith.index_cast %get3A_2505 : i32 to index
      %get3A_2507 = arith.index_cast %squeeze3A_2476 : i32 to index
      %get3A_2508 = arith.constant 32 : index
      %get3A_2509 = tpu.vector_load %arg13[%get3A_2506, %get3A_2507, %get3A_2508] {strides = array<i32>} : memref<16x8x64xf32, #tpu.memory_space<vmem>>, vector<16xf32>,
      %mul3A_2510 = arith.mulf %get3A_2504, %get3A_2509 : vector<16xf32>
      %add3A_2511 = arith.addf %add3A_2499, %mul3A_2510 : vector<16xf32>
      %get3A_2512 = arith.constant 8 : i32
      %get3A_2513 = arith.index_cast %get3A_2512 : i32 to index
      %get3A_2514 = arith.index_cast %squeeze3A_2474 : i32 to index
      %get3A_2515 = arith.constant 48 : index
      %get3A_2516 = tpu.vector_load %arg11[%get3A_2513, %get3A_2514, %get3A_2515] {strides = array<i32>} : memref<16x8x64xf32, #tpu.memory_space<vmem>>, vector<16xf32>,
      %get3A_2517 = arith.constant 8 : i32
      %get3A_2518 = arith.index_cast %get3A_2517 : i32 to index
      %get3A_2519 = arith.index_cast %squeeze3A_2476 : i32 to index
      %get3A_2520 = arith.constant 48 : index
      %get3A_2521 = tpu.vector_load %arg13[%get3A_2518, %get3A_2519, %get3A_2520] {strides = array<i32>} : memref<16x8x64xf32, #tpu.memory_space<vmem>>, vector<16xf32>,
      %mul3A_2522 = arith.mulf %get3A_2516, %get3A_2521 : vector<16xf32>
      %add3A_2523 = arith.addf %add3A_2511, %mul3A_2522 : vector<16xf32>
      %swap3A_2524 = arith.constant 8 : i32
      %swap3A_2525 = arith.index_cast %swap3A_2524 : i32 to index
      %swap3A_2526 = arith.constant 0 : index
      %swap3A_2527 = tpu.vector_load %arg14[%swap3A_2525, %swap3A_2526] {strides = array<i32>} : memref<16x17xf32, #tpu.memory_space<vmem>>, vector<16xf32>,
      tpu.vector_store %arg14[%swap3A_2525, %swap3A_2526], %add3A_2523 {strides = array<i32>} : memref<16x17xf32, #tpu.memory_space<vmem>>, vector<16xf32>,
      %slice3A_2528 = vector.extract_strided_slice %and3A_2025 {offsets = [9], sizes = [1], strides = [1]} : vector<16xi32> to vector<1xi32>
      %squeeze3A_2529 = vector.extract %slice3A_2528[0] : i32 from vector<1xi32>
      %slice3A_2530 = vector.extract_strided_slice %and3A_2032 {offsets = [9], sizes = [1], strides = [1]} : vector<16xi32> to vector<1xi32>
      %squeeze3A_2531 = vector.extract %slice3A_2530[0] : i32 from vector<1xi32>
      %get3A_2532 = arith.constant 9 : i32
      %get3A_2533 = arith.index_cast %get3A_2532 : i32 to index
      %get3A_2534 = arith.index_cast %squeeze3A_2529 : i32 to index
      %get3A_2535 = arith.constant 0 : index
      %get3A_2536 = tpu.vector_load %arg11[%get3A_2533, %get3A_2534, %get3A_2535] {strides = array<i32>} : memref<16x8x64xf32, #tpu.memory_space<vmem>>, vector<16xf32>,
      %get3A_2537 = arith.constant 9 : i32
      %get3A_2538 = arith.index_cast %get3A_2537 : i32 to index
      %get3A_2539 = arith.index_cast %squeeze3A_2531 : i32 to index
      %get3A_2540 = arith.constant 0 : index
      %get3A_2541 = tpu.vector_load %arg13[%get3A_2538, %get3A_2539, %get3A_2540] {strides = array<i32>} : memref<16x8x64xf32, #tpu.memory_space<vmem>>, vector<16xf32>,
      %mul3A_2542 = arith.mulf %get3A_2536, %get3A_2541 : vector<16xf32>
      %get3A_2543 = arith.constant 9 : i32
      %get3A_2544 = arith.index_cast %get3A_2543 : i32 to index
      %get3A_2545 = arith.index_cast %squeeze3A_2529 : i32 to index
      %get3A_2546 = arith.constant 16 : index
      %get3A_2547 = tpu.vector_load %arg11[%get3A_2544, %get3A_2545, %get3A_2546] {strides = array<i32>} : memref<16x8x64xf32, #tpu.memory_space<vmem>>, vector<16xf32>,
      %get3A_2548 = arith.constant 9 : i32
      %get3A_2549 = arith.index_cast %get3A_2548 : i32 to index
      %get3A_2550 = arith.index_cast %squeeze3A_2531 : i32 to index
      %get3A_2551 = arith.constant 16 : index
      %get3A_2552 = tpu.vector_load %arg13[%get3A_2549, %get3A_2550, %get3A_2551] {strides = array<i32>} : memref<16x8x64xf32, #tpu.memory_space<vmem>>, vector<16xf32>,
      %mul3A_2553 = arith.mulf %get3A_2547, %get3A_2552 : vector<16xf32>
      %add3A_2554 = arith.addf %mul3A_2542, %mul3A_2553 : vector<16xf32>
      %get3A_2555 = arith.constant 9 : i32
      %get3A_2556 = arith.index_cast %get3A_2555 : i32 to index
      %get3A_2557 = arith.index_cast %squeeze3A_2529 : i32 to index
      %get3A_2558 = arith.constant 32 : index
      %get3A_2559 = tpu.vector_load %arg11[%get3A_2556, %get3A_2557, %get3A_2558] {strides = array<i32>} : memref<16x8x64xf32, #tpu.memory_space<vmem>>, vector<16xf32>,
      %get3A_2560 = arith.constant 9 : i32
      %get3A_2561 = arith.index_cast %get3A_2560 : i32 to index
      %get3A_2562 = arith.index_cast %squeeze3A_2531 : i32 to index
      %get3A_2563 = arith.constant 32 : index
      %get3A_2564 = tpu.vector_load %arg13[%get3A_2561, %get3A_2562, %get3A_2563] {strides = array<i32>} : memref<16x8x64xf32, #tpu.memory_space<vmem>>, vector<16xf32>,
      %mul3A_2565 = arith.mulf %get3A_2559, %get3A_2564 : vector<16xf32>
      %add3A_2566 = arith.addf %add3A_2554, %mul3A_2565 : vector<16xf32>
      %get3A_2567 = arith.constant 9 : i32
      %get3A_2568 = arith.index_cast %get3A_2567 : i32 to index
      %get3A_2569 = arith.index_cast %squeeze3A_2529 : i32 to index
      %get3A_2570 = arith.constant 48 : index
      %get3A_2571 = tpu.vector_load %arg11[%get3A_2568, %get3A_2569, %get3A_2570] {strides = array<i32>} : memref<16x8x64xf32, #tpu.memory_space<vmem>>, vector<16xf32>,
      %get3A_2572 = arith.constant 9 : i32
      %get3A_2573 = arith.index_cast %get3A_2572 : i32 to index
      %get3A_2574 = arith.index_cast %squeeze3A_2531 : i32 to index
      %get3A_2575 = arith.constant 48 : index
      %get3A_2576 = tpu.vector_load %arg13[%get3A_2573, %get3A_2574, %get3A_2575] {strides = array<i32>} : memref<16x8x64xf32, #tpu.memory_space<vmem>>, vector<16xf32>,
      %mul3A_2577 = arith.mulf %get3A_2571, %get3A_2576 : vector<16xf32>
      %add3A_2578 = arith.addf %add3A_2566, %mul3A_2577 : vector<16xf32>
      %swap3A_2579 = arith.constant 9 : i32
      %swap3A_2580 = arith.index_cast %swap3A_2579 : i32 to index
      %swap3A_2581 = arith.constant 0 : index
      %swap3A_2582 = tpu.vector_load %arg14[%swap3A_2580, %swap3A_2581] {strides = array<i32>} : memref<16x17xf32, #tpu.memory_space<vmem>>, vector<16xf32>,
      tpu.vector_store %arg14[%swap3A_2580, %swap3A_2581], %add3A_2578 {strides = array<i32>} : memref<16x17xf32, #tpu.memory_space<vmem>>, vector<16xf32>,
      %slice3A_2583 = vector.extract_strided_slice %and3A_2025 {offsets = [10], sizes = [1], strides = [1]} : vector<16xi32> to vector<1xi32>
      %squeeze3A_2584 = vector.extract %slice3A_2583[0] : i32 from vector<1xi32>
      %slice3A_2585 = vector.extract_strided_slice %and3A_2032 {offsets = [10], sizes = [1], strides = [1]} : vector<16xi32> to vector<1xi32>
      %squeeze3A_2586 = vector.extract %slice3A_2585[0] : i32 from vector<1xi32>
      %get3A_2587 = arith.constant 10 : i32
      %get3A_2588 = arith.index_cast %get3A_2587 : i32 to index
      %get3A_2589 = arith.index_cast %squeeze3A_2584 : i32 to index
      %get3A_2590 = arith.constant 0 : index
      %get3A_2591 = tpu.vector_load %arg11[%get3A_2588, %get3A_2589, %get3A_2590] {strides = array<i32>} : memref<16x8x64xf32, #tpu.memory_space<vmem>>, vector<16xf32>,
      %get3A_2592 = arith.constant 10 : i32
      %get3A_2593 = arith.index_cast %get3A_2592 : i32 to index
      %get3A_2594 = arith.index_cast %squeeze3A_2586 : i32 to index
      %get3A_2595 = arith.constant 0 : index
      %get3A_2596 = tpu.vector_load %arg13[%get3A_2593, %get3A_2594, %get3A_2595] {strides = array<i32>} : memref<16x8x64xf32, #tpu.memory_space<vmem>>, vector<16xf32>,
      %mul3A_2597 = arith.mulf %get3A_2591, %get3A_2596 : vector<16xf32>
      %get3A_2598 = arith.constant 10 : i32
      %get3A_2599 = arith.index_cast %get3A_2598 : i32 to index
      %get3A_2600 = arith.index_cast %squeeze3A_2584 : i32 to index
      %get3A_2601 = arith.constant 16 : index
      %get3A_2602 = tpu.vector_load %arg11[%get3A_2599, %get3A_2600, %get3A_2601] {strides = array<i32>} : memref<16x8x64xf32, #tpu.memory_space<vmem>>, vector<16xf32>,
      %get3A_2603 = arith.constant 10 : i32
      %get3A_2604 = arith.index_cast %get3A_2603 : i32 to index
      %get3A_2605 = arith.index_cast %squeeze3A_2586 : i32 to index
      %get3A_2606 = arith.constant 16 : index
      %get3A_2607 = tpu.vector_load %arg13[%get3A_2604, %get3A_2605, %get3A_2606] {strides = array<i32>} : memref<16x8x64xf32, #tpu.memory_space<vmem>>, vector<16xf32>,
      %mul3A_2608 = arith.mulf %get3A_2602, %get3A_2607 : vector<16xf32>
      %add3A_2609 = arith.addf %mul3A_2597, %mul3A_2608 : vector<16xf32>
      %get3A_2610 = arith.constant 10 : i32
      %get3A_2611 = arith.index_cast %get3A_2610 : i32 to index
      %get3A_2612 = arith.index_cast %squeeze3A_2584 : i32 to index
      %get3A_2613 = arith.constant 32 : index
      %get3A_2614 = tpu.vector_load %arg11[%get3A_2611, %get3A_2612, %get3A_2613] {strides = array<i32>} : memref<16x8x64xf32, #tpu.memory_space<vmem>>, vector<16xf32>,
      %get3A_2615 = arith.constant 10 : i32
      %get3A_2616 = arith.index_cast %get3A_2615 : i32 to index
      %get3A_2617 = arith.index_cast %squeeze3A_2586 : i32 to index
      %get3A_2618 = arith.constant 32 : index
      %get3A_2619 = tpu.vector_load %arg13[%get3A_2616, %get3A_2617, %get3A_2618] {strides = array<i32>} : memref<16x8x64xf32, #tpu.memory_space<vmem>>, vector<16xf32>,
      %mul3A_2620 = arith.mulf %get3A_2614, %get3A_2619 : vector<16xf32>
      %add3A_2621 = arith.addf %add3A_2609, %mul3A_2620 : vector<16xf32>
      %get3A_2622 = arith.constant 10 : i32
      %get3A_2623 = arith.index_cast %get3A_2622 : i32 to index
      %get3A_2624 = arith.index_cast %squeeze3A_2584 : i32 to index
      %get3A_2625 = arith.constant 48 : index
      %get3A_2626 = tpu.vector_load %arg11[%get3A_2623, %get3A_2624, %get3A_2625] {strides = array<i32>} : memref<16x8x64xf32, #tpu.memory_space<vmem>>, vector<16xf32>,
      %get3A_2627 = arith.constant 10 : i32
      %get3A_2628 = arith.index_cast %get3A_2627 : i32 to index
      %get3A_2629 = arith.index_cast %squeeze3A_2586 : i32 to index
      %get3A_2630 = arith.constant 48 : index
      %get3A_2631 = tpu.vector_load %arg13[%get3A_2628, %get3A_2629, %get3A_2630] {strides = array<i32>} : memref<16x8x64xf32, #tpu.memory_space<vmem>>, vector<16xf32>,
      %mul3A_2632 = arith.mulf %get3A_2626, %get3A_2631 : vector<16xf32>
      %add3A_2633 = arith.addf %add3A_2621, %mul3A_2632 : vector<16xf32>
      %swap3A_2634 = arith.constant 10 : i32
      %swap3A_2635 = arith.index_cast %swap3A_2634 : i32 to index
      %swap3A_2636 = arith.constant 0 : index
      %swap3A_2637 = tpu.vector_load %arg14[%swap3A_2635, %swap3A_2636] {strides = array<i32>} : memref<16x17xf32, #tpu.memory_space<vmem>>, vector<16xf32>,
      tpu.vector_store %arg14[%swap3A_2635, %swap3A_2636], %add3A_2633 {strides = array<i32>} : memref<16x17xf32, #tpu.memory_space<vmem>>, vector<16xf32>,
      %slice3A_2638 = vector.extract_strided_slice %and3A_2025 {offsets = [11], sizes = [1], strides = [1]} : vector<16xi32> to vector<1xi32>
      %squeeze3A_2639 = vector.extract %slice3A_2638[0] : i32 from vector<1xi32>
      %slice3A_2640 = vector.extract_strided_slice %and3A_2032 {offsets = [11], sizes = [1], strides = [1]} : vector<16xi32> to vector<1xi32>
      %squeeze3A_2641 = vector.extract %slice3A_2640[0] : i32 from vector<1xi32>
      %get3A_2642 = arith.constant 11 : i32
      %get3A_2643 = arith.index_cast %get3A_2642 : i32 to index
      %get3A_2644 = arith.index_cast %squeeze3A_2639 : i32 to index
      %get3A_2645 = arith.constant 0 : index
      %get3A_2646 = tpu.vector_load %arg11[%get3A_2643, %get3A_2644, %get3A_2645] {strides = array<i32>} : memref<16x8x64xf32, #tpu.memory_space<vmem>>, vector<16xf32>,
      %get3A_2647 = arith.constant 11 : i32
      %get3A_2648 = arith.index_cast %get3A_2647 : i32 to index
      %get3A_2649 = arith.index_cast %squeeze3A_2641 : i32 to index
      %get3A_2650 = arith.constant 0 : index
      %get3A_2651 = tpu.vector_load %arg13[%get3A_2648, %get3A_2649, %get3A_2650] {strides = array<i32>} : memref<16x8x64xf32, #tpu.memory_space<vmem>>, vector<16xf32>,
      %mul3A_2652 = arith.mulf %get3A_2646, %get3A_2651 : vector<16xf32>
      %get3A_2653 = arith.constant 11 : i32
      %get3A_2654 = arith.index_cast %get3A_2653 : i32 to index
      %get3A_2655 = arith.index_cast %squeeze3A_2639 : i32 to index
      %get3A_2656 = arith.constant 16 : index
      %get3A_2657 = tpu.vector_load %arg11[%get3A_2654, %get3A_2655, %get3A_2656] {strides = array<i32>} : memref<16x8x64xf32, #tpu.memory_space<vmem>>, vector<16xf32>,
      %get3A_2658 = arith.constant 11 : i32
      %get3A_2659 = arith.index_cast %get3A_2658 : i32 to index
      %get3A_2660 = arith.index_cast %squeeze3A_2641 : i32 to index
      %get3A_2661 = arith.constant 16 : index
      %get3A_2662 = tpu.vector_load %arg13[%get3A_2659, %get3A_2660, %get3A_2661] {strides = array<i32>} : memref<16x8x64xf32, #tpu.memory_space<vmem>>, vector<16xf32>,
      %mul3A_2663 = arith.mulf %get3A_2657, %get3A_2662 : vector<16xf32>
      %add3A_2664 = arith.addf %mul3A_2652, %mul3A_2663 : vector<16xf32>
      %get3A_2665 = arith.constant 11 : i32
      %get3A_2666 = arith.index_cast %get3A_2665 : i32 to index
      %get3A_2667 = arith.index_cast %squeeze3A_2639 : i32 to index
      %get3A_2668 = arith.constant 32 : index
      %get3A_2669 = tpu.vector_load %arg11[%get3A_2666, %get3A_2667, %get3A_2668] {strides = array<i32>} : memref<16x8x64xf32, #tpu.memory_space<vmem>>, vector<16xf32>,
      %get3A_2670 = arith.constant 11 : i32
      %get3A_2671 = arith.index_cast %get3A_2670 : i32 to index
      %get3A_2672 = arith.index_cast %squeeze3A_2641 : i32 to index
      %get3A_2673 = arith.constant 32 : index
      %get3A_2674 = tpu.vector_load %arg13[%get3A_2671, %get3A_2672, %get3A_2673] {strides = array<i32>} : memref<16x8x64xf32, #tpu.memory_space<vmem>>, vector<16xf32>,
      %mul3A_2675 = arith.mulf %get3A_2669, %get3A_2674 : vector<16xf32>
      %add3A_2676 = arith.addf %add3A_2664, %mul3A_2675 : vector<16xf32>
      %get3A_2677 = arith.constant 11 : i32
      %get3A_2678 = arith.index_cast %get3A_2677 : i32 to index
      %get3A_2679 = arith.index_cast %squeeze3A_2639 : i32 to index
      %get3A_2680 = arith.constant 48 : index
      %get3A_2681 = tpu.vector_load %arg11[%get3A_2678, %get3A_2679, %get3A_2680] {strides = array<i32>} : memref<16x8x64xf32, #tpu.memory_space<vmem>>, vector<16xf32>,
      %get3A_2682 = arith.constant 11 : i32
      %get3A_2683 = arith.index_cast %get3A_2682 : i32 to index
      %get3A_2684 = arith.index_cast %squeeze3A_2641 : i32 to index
      %get3A_2685 = arith.constant 48 : index
      %get3A_2686 = tpu.vector_load %arg13[%get3A_2683, %get3A_2684, %get3A_2685] {strides = array<i32>} : memref<16x8x64xf32, #tpu.memory_space<vmem>>, vector<16xf32>,
      %mul3A_2687 = arith.mulf %get3A_2681, %get3A_2686 : vector<16xf32>
      %add3A_2688 = arith.addf %add3A_2676, %mul3A_2687 : vector<16xf32>
      %swap3A_2689 = arith.constant 11 : i32
      %swap3A_2690 = arith.index_cast %swap3A_2689 : i32 to index
      %swap3A_2691 = arith.constant 0 : index
      %swap3A_2692 = tpu.vector_load %arg14[%swap3A_2690, %swap3A_2691] {strides = array<i32>} : memref<16x17xf32, #tpu.memory_space<vmem>>, vector<16xf32>,
      tpu.vector_store %arg14[%swap3A_2690, %swap3A_2691], %add3A_2688 {strides = array<i32>} : memref<16x17xf32, #tpu.memory_space<vmem>>, vector<16xf32>,
      %slice3A_2693 = vector.extract_strided_slice %and3A_2025 {offsets = [12], sizes = [1], strides = [1]} : vector<16xi32> to vector<1xi32>
      %squeeze3A_2694 = vector.extract %slice3A_2693[0] : i32 from vector<1xi32>
      %slice3A_2695 = vector.extract_strided_slice %and3A_2032 {offsets = [12], sizes = [1], strides = [1]} : vector<16xi32> to vector<1xi32>
      %squeeze3A_2696 = vector.extract %slice3A_2695[0] : i32 from vector<1xi32>
      %get3A_2697 = arith.constant 12 : i32
      %get3A_2698 = arith.index_cast %get3A_2697 : i32 to index
      %get3A_2699 = arith.index_cast %squeeze3A_2694 : i32 to index
      %get3A_2700 = arith.constant 0 : index
      %get3A_2701 = tpu.vector_load %arg11[%get3A_2698, %get3A_2699, %get3A_2700] {strides = array<i32>} : memref<16x8x64xf32, #tpu.memory_space<vmem>>, vector<16xf32>,
      %get3A_2702 = arith.constant 12 : i32
      %get3A_2703 = arith.index_cast %get3A_2702 : i32 to index
      %get3A_2704 = arith.index_cast %squeeze3A_2696 : i32 to index
      %get3A_2705 = arith.constant 0 : index
      %get3A_2706 = tpu.vector_load %arg13[%get3A_2703, %get3A_2704, %get3A_2705] {strides = array<i32>} : memref<16x8x64xf32, #tpu.memory_space<vmem>>, vector<16xf32>,
      %mul3A_2707 = arith.mulf %get3A_2701, %get3A_2706 : vector<16xf32>
      %get3A_2708 = arith.constant 12 : i32
      %get3A_2709 = arith.index_cast %get3A_2708 : i32 to index
      %get3A_2710 = arith.index_cast %squeeze3A_2694 : i32 to index
      %get3A_2711 = arith.constant 16 : index
      %get3A_2712 = tpu.vector_load %arg11[%get3A_2709, %get3A_2710, %get3A_2711] {strides = array<i32>} : memref<16x8x64xf32, #tpu.memory_space<vmem>>, vector<16xf32>,
      %get3A_2713 = arith.constant 12 : i32
      %get3A_2714 = arith.index_cast %get3A_2713 : i32 to index
      %get3A_2715 = arith.index_cast %squeeze3A_2696 : i32 to index
      %get3A_2716 = arith.constant 16 : index
      %get3A_2717 = tpu.vector_load %arg13[%get3A_2714, %get3A_2715, %get3A_2716] {strides = array<i32>} : memref<16x8x64xf32, #tpu.memory_space<vmem>>, vector<16xf32>,
      %mul3A_2718 = arith.mulf %get3A_2712, %get3A_2717 : vector<16xf32>
      %add3A_2719 = arith.addf %mul3A_2707, %mul3A_2718 : vector<16xf32>
      %get3A_2720 = arith.constant 12 : i32
      %get3A_2721 = arith.index_cast %get3A_2720 : i32 to index
      %get3A_2722 = arith.index_cast %squeeze3A_2694 : i32 to index
      %get3A_2723 = arith.constant 32 : index
      %get3A_2724 = tpu.vector_load %arg11[%get3A_2721, %get3A_2722, %get3A_2723] {strides = array<i32>} : memref<16x8x64xf32, #tpu.memory_space<vmem>>, vector<16xf32>,
      %get3A_2725 = arith.constant 12 : i32
      %get3A_2726 = arith.index_cast %get3A_2725 : i32 to index
      %get3A_2727 = arith.index_cast %squeeze3A_2696 : i32 to index
      %get3A_2728 = arith.constant 32 : index
      %get3A_2729 = tpu.vector_load %arg13[%get3A_2726, %get3A_2727, %get3A_2728] {strides = array<i32>} : memref<16x8x64xf32, #tpu.memory_space<vmem>>, vector<16xf32>,
      %mul3A_2730 = arith.mulf %get3A_2724, %get3A_2729 : vector<16xf32>
      %add3A_2731 = arith.addf %add3A_2719, %mul3A_2730 : vector<16xf32>
      %get3A_2732 = arith.constant 12 : i32
      %get3A_2733 = arith.index_cast %get3A_2732 : i32 to index
      %get3A_2734 = arith.index_cast %squeeze3A_2694 : i32 to index
      %get3A_2735 = arith.constant 48 : index
      %get3A_2736 = tpu.vector_load %arg11[%get3A_2733, %get3A_2734, %get3A_2735] {strides = array<i32>} : memref<16x8x64xf32, #tpu.memory_space<vmem>>, vector<16xf32>,
      %get3A_2737 = arith.constant 12 : i32
      %get3A_2738 = arith.index_cast %get3A_2737 : i32 to index
      %get3A_2739 = arith.index_cast %squeeze3A_2696 : i32 to index
      %get3A_2740 = arith.constant 48 : index
      %get3A_2741 = tpu.vector_load %arg13[%get3A_2738, %get3A_2739, %get3A_2740] {strides = array<i32>} : memref<16x8x64xf32, #tpu.memory_space<vmem>>, vector<16xf32>,
      %mul3A_2742 = arith.mulf %get3A_2736, %get3A_2741 : vector<16xf32>
      %add3A_2743 = arith.addf %add3A_2731, %mul3A_2742 : vector<16xf32>
      %swap3A_2744 = arith.constant 12 : i32
      %swap3A_2745 = arith.index_cast %swap3A_2744 : i32 to index
      %swap3A_2746 = arith.constant 0 : index
      %swap3A_2747 = tpu.vector_load %arg14[%swap3A_2745, %swap3A_2746] {strides = array<i32>} : memref<16x17xf32, #tpu.memory_space<vmem>>, vector<16xf32>,
      tpu.vector_store %arg14[%swap3A_2745, %swap3A_2746], %add3A_2743 {strides = array<i32>} : memref<16x17xf32, #tpu.memory_space<vmem>>, vector<16xf32>,
      %slice3A_2748 = vector.extract_strided_slice %and3A_2025 {offsets = [13], sizes = [1], strides = [1]} : vector<16xi32> to vector<1xi32>
      %squeeze3A_2749 = vector.extract %slice3A_2748[0] : i32 from vector<1xi32>
      %slice3A_2750 = vector.extract_strided_slice %and3A_2032 {offsets = [13], sizes = [1], strides = [1]} : vector<16xi32> to vector<1xi32>
      %squeeze3A_2751 = vector.extract %slice3A_2750[0] : i32 from vector<1xi32>
      %get3A_2752 = arith.constant 13 : i32
      %get3A_2753 = arith.index_cast %get3A_2752 : i32 to index
      %get3A_2754 = arith.index_cast %squeeze3A_2749 : i32 to index
      %get3A_2755 = arith.constant 0 : index
      %get3A_2756 = tpu.vector_load %arg11[%get3A_2753, %get3A_2754, %get3A_2755] {strides = array<i32>} : memref<16x8x64xf32, #tpu.memory_space<vmem>>, vector<16xf32>,
      %get3A_2757 = arith.constant 13 : i32
      %get3A_2758 = arith.index_cast %get3A_2757 : i32 to index
      %get3A_2759 = arith.index_cast %squeeze3A_2751 : i32 to index
      %get3A_2760 = arith.constant 0 : index
      %get3A_2761 = tpu.vector_load %arg13[%get3A_2758, %get3A_2759, %get3A_2760] {strides = array<i32>} : memref<16x8x64xf32, #tpu.memory_space<vmem>>, vector<16xf32>,
      %mul3A_2762 = arith.mulf %get3A_2756, %get3A_2761 : vector<16xf32>
      %get3A_2763 = arith.constant 13 : i32
      %get3A_2764 = arith.index_cast %get3A_2763 : i32 to index
      %get3A_2765 = arith.index_cast %squeeze3A_2749 : i32 to index
      %get3A_2766 = arith.constant 16 : index
      %get3A_2767 = tpu.vector_load %arg11[%get3A_2764, %get3A_2765, %get3A_2766] {strides = array<i32>} : memref<16x8x64xf32, #tpu.memory_space<vmem>>, vector<16xf32>,
      %get3A_2768 = arith.constant 13 : i32
      %get3A_2769 = arith.index_cast %get3A_2768 : i32 to index
      %get3A_2770 = arith.index_cast %squeeze3A_2751 : i32 to index
      %get3A_2771 = arith.constant 16 : index
      %get3A_2772 = tpu.vector_load %arg13[%get3A_2769, %get3A_2770, %get3A_2771] {strides = array<i32>} : memref<16x8x64xf32, #tpu.memory_space<vmem>>, vector<16xf32>,
      %mul3A_2773 = arith.mulf %get3A_2767, %get3A_2772 : vector<16xf32>
      %add3A_2774 = arith.addf %mul3A_2762, %mul3A_2773 : vector<16xf32>
      %get3A_2775 = arith.constant 13 : i32
      %get3A_2776 = arith.index_cast %get3A_2775 : i32 to index
      %get3A_2777 = arith.index_cast %squeeze3A_2749 : i32 to index
      %get3A_2778 = arith.constant 32 : index
      %get3A_2779 = tpu.vector_load %arg11[%get3A_2776, %get3A_2777, %get3A_2778] {strides = array<i32>} : memref<16x8x64xf32, #tpu.memory_space<vmem>>, vector<16xf32>,
      %get3A_2780 = arith.constant 13 : i32
      %get3A_2781 = arith.index_cast %get3A_2780 : i32 to index
      %get3A_2782 = arith.index_cast %squeeze3A_2751 : i32 to index
      %get3A_2783 = arith.constant 32 : index
      %get3A_2784 = tpu.vector_load %arg13[%get3A_2781, %get3A_2782, %get3A_2783] {strides = array<i32>} : memref<16x8x64xf32, #tpu.memory_space<vmem>>, vector<16xf32>,
      %mul3A_2785 = arith.mulf %get3A_2779, %get3A_2784 : vector<16xf32>
      %add3A_2786 = arith.addf %add3A_2774, %mul3A_2785 : vector<16xf32>
      %get3A_2787 = arith.constant 13 : i32
      %get3A_2788 = arith.index_cast %get3A_2787 : i32 to index
      %get3A_2789 = arith.index_cast %squeeze3A_2749 : i32 to index
      %get3A_2790 = arith.constant 48 : index
      %get3A_2791 = tpu.vector_load %arg11[%get3A_2788, %get3A_2789, %get3A_2790] {strides = array<i32>} : memref<16x8x64xf32, #tpu.memory_space<vmem>>, vector<16xf32>,
      %get3A_2792 = arith.constant 13 : i32
      %get3A_2793 = arith.index_cast %get3A_2792 : i32 to index
      %get3A_2794 = arith.index_cast %squeeze3A_2751 : i32 to index
      %get3A_2795 = arith.constant 48 : index
      %get3A_2796 = tpu.vector_load %arg13[%get3A_2793, %get3A_2794, %get3A_2795] {strides = array<i32>} : memref<16x8x64xf32, #tpu.memory_space<vmem>>, vector<16xf32>,
      %mul3A_2797 = arith.mulf %get3A_2791, %get3A_2796 : vector<16xf32>
      %add3A_2798 = arith.addf %add3A_2786, %mul3A_2797 : vector<16xf32>
      %swap3A_2799 = arith.constant 13 : i32
      %swap3A_2800 = arith.index_cast %swap3A_2799 : i32 to index
      %swap3A_2801 = arith.constant 0 : index
      %swap3A_2802 = tpu.vector_load %arg14[%swap3A_2800, %swap3A_2801] {strides = array<i32>} : memref<16x17xf32, #tpu.memory_space<vmem>>, vector<16xf32>,
      tpu.vector_store %arg14[%swap3A_2800, %swap3A_2801], %add3A_2798 {strides = array<i32>} : memref<16x17xf32, #tpu.memory_space<vmem>>, vector<16xf32>,
      %slice3A_2803 = vector.extract_strided_slice %and3A_2025 {offsets = [14], sizes = [1], strides = [1]} : vector<16xi32> to vector<1xi32>
      %squeeze3A_2804 = vector.extract %slice3A_2803[0] : i32 from vector<1xi32>
      %slice3A_2805 = vector.extract_strided_slice %and3A_2032 {offsets = [14], sizes = [1], strides = [1]} : vector<16xi32> to vector<1xi32>
      %squeeze3A_2806 = vector.extract %slice3A_2805[0] : i32 from vector<1xi32>
      %get3A_2807 = arith.constant 14 : i32
      %get3A_2808 = arith.index_cast %get3A_2807 : i32 to index
      %get3A_2809 = arith.index_cast %squeeze3A_2804 : i32 to index
      %get3A_2810 = arith.constant 0 : index
      %get3A_2811 = tpu.vector_load %arg11[%get3A_2808, %get3A_2809, %get3A_2810] {strides = array<i32>} : memref<16x8x64xf32, #tpu.memory_space<vmem>>, vector<16xf32>,
      %get3A_2812 = arith.constant 14 : i32
      %get3A_2813 = arith.index_cast %get3A_2812 : i32 to index
      %get3A_2814 = arith.index_cast %squeeze3A_2806 : i32 to index
      %get3A_2815 = arith.constant 0 : index
      %get3A_2816 = tpu.vector_load %arg13[%get3A_2813, %get3A_2814, %get3A_2815] {strides = array<i32>} : memref<16x8x64xf32, #tpu.memory_space<vmem>>, vector<16xf32>,
      %mul3A_2817 = arith.mulf %get3A_2811, %get3A_2816 : vector<16xf32>
      %get3A_2818 = arith.constant 14 : i32
      %get3A_2819 = arith.index_cast %get3A_2818 : i32 to index
      %get3A_2820 = arith.index_cast %squeeze3A_2804 : i32 to index
      %get3A_2821 = arith.constant 16 : index
      %get3A_2822 = tpu.vector_load %arg11[%get3A_2819, %get3A_2820, %get3A_2821] {strides = array<i32>} : memref<16x8x64xf32, #tpu.memory_space<vmem>>, vector<16xf32>,
      %get3A_2823 = arith.constant 14 : i32
      %get3A_2824 = arith.index_cast %get3A_2823 : i32 to index
      %get3A_2825 = arith.index_cast %squeeze3A_2806 : i32 to index
      %get3A_2826 = arith.constant 16 : index
      %get3A_2827 = tpu.vector_load %arg13[%get3A_2824, %get3A_2825, %get3A_2826] {strides = array<i32>} : memref<16x8x64xf32, #tpu.memory_space<vmem>>, vector<16xf32>,
      %mul3A_2828 = arith.mulf %get3A_2822, %get3A_2827 : vector<16xf32>
      %add3A_2829 = arith.addf %mul3A_2817, %mul3A_2828 : vector<16xf32>
      %get3A_2830 = arith.constant 14 : i32
      %get3A_2831 = arith.index_cast %get3A_2830 : i32 to index
      %get3A_2832 = arith.index_cast %squeeze3A_2804 : i32 to index
      %get3A_2833 = arith.constant 32 : index
      %get3A_2834 = tpu.vector_load %arg11[%get3A_2831, %get3A_2832, %get3A_2833] {strides = array<i32>} : memref<16x8x64xf32, #tpu.memory_space<vmem>>, vector<16xf32>,
      %get3A_2835 = arith.constant 14 : i32
      %get3A_2836 = arith.index_cast %get3A_2835 : i32 to index
      %get3A_2837 = arith.index_cast %squeeze3A_2806 : i32 to index
      %get3A_2838 = arith.constant 32 : index
      %get3A_2839 = tpu.vector_load %arg13[%get3A_2836, %get3A_2837, %get3A_2838] {strides = array<i32>} : memref<16x8x64xf32, #tpu.memory_space<vmem>>, vector<16xf32>,
      %mul3A_2840 = arith.mulf %get3A_2834, %get3A_2839 : vector<16xf32>
      %add3A_2841 = arith.addf %add3A_2829, %mul3A_2840 : vector<16xf32>
      %get3A_2842 = arith.constant 14 : i32
      %get3A_2843 = arith.index_cast %get3A_2842 : i32 to index
      %get3A_2844 = arith.index_cast %squeeze3A_2804 : i32 to index
      %get3A_2845 = arith.constant 48 : index
      %get3A_2846 = tpu.vector_load %arg11[%get3A_2843, %get3A_2844, %get3A_2845] {strides = array<i32>} : memref<16x8x64xf32, #tpu.memory_space<vmem>>, vector<16xf32>,
      %get3A_2847 = arith.constant 14 : i32
      %get3A_2848 = arith.index_cast %get3A_2847 : i32 to index
      %get3A_2849 = arith.index_cast %squeeze3A_2806 : i32 to index
      %get3A_2850 = arith.constant 48 : index
      %get3A_2851 = tpu.vector_load %arg13[%get3A_2848, %get3A_2849, %get3A_2850] {strides = array<i32>} : memref<16x8x64xf32, #tpu.memory_space<vmem>>, vector<16xf32>,
      %mul3A_2852 = arith.mulf %get3A_2846, %get3A_2851 : vector<16xf32>
      %add3A_2853 = arith.addf %add3A_2841, %mul3A_2852 : vector<16xf32>
      %swap3A_2854 = arith.constant 14 : i32
      %swap3A_2855 = arith.index_cast %swap3A_2854 : i32 to index
      %swap3A_2856 = arith.constant 0 : index
      %swap3A_2857 = tpu.vector_load %arg14[%swap3A_2855, %swap3A_2856] {strides = array<i32>} : memref<16x17xf32, #tpu.memory_space<vmem>>, vector<16xf32>,
      tpu.vector_store %arg14[%swap3A_2855, %swap3A_2856], %add3A_2853 {strides = array<i32>} : memref<16x17xf32, #tpu.memory_space<vmem>>, vector<16xf32>,
      %slice3A_2858 = vector.extract_strided_slice %and3A_2025 {offsets = [15], sizes = [1], strides = [1]} : vector<16xi32> to vector<1xi32>
      %squeeze3A_2859 = vector.extract %slice3A_2858[0] : i32 from vector<1xi32>
      %slice3A_2860 = vector.extract_strided_slice %and3A_2032 {offsets = [15], sizes = [1], strides = [1]} : vector<16xi32> to vector<1xi32>
      %squeeze3A_2861 = vector.extract %slice3A_2860[0] : i32 from vector<1xi32>
      %get3A_2862 = arith.constant 15 : i32
      %get3A_2863 = arith.index_cast %get3A_2862 : i32 to index
      %get3A_2864 = arith.index_cast %squeeze3A_2859 : i32 to index
      %get3A_2865 = arith.constant 0 : index
      %get3A_2866 = tpu.vector_load %arg11[%get3A_2863, %get3A_2864, %get3A_2865] {strides = array<i32>} : memref<16x8x64xf32, #tpu.memory_space<vmem>>, vector<16xf32>,
      %get3A_2867 = arith.constant 15 : i32
      %get3A_2868 = arith.index_cast %get3A_2867 : i32 to index
      %get3A_2869 = arith.index_cast %squeeze3A_2861 : i32 to index
      %get3A_2870 = arith.constant 0 : index
      %get3A_2871 = tpu.vector_load %arg13[%get3A_2868, %get3A_2869, %get3A_2870] {strides = array<i32>} : memref<16x8x64xf32, #tpu.memory_space<vmem>>, vector<16xf32>,
      %mul3A_2872 = arith.mulf %get3A_2866, %get3A_2871 : vector<16xf32>
      %get3A_2873 = arith.constant 15 : i32
      %get3A_2874 = arith.index_cast %get3A_2873 : i32 to index
      %get3A_2875 = arith.index_cast %squeeze3A_2859 : i32 to index
      %get3A_2876 = arith.constant 16 : index
      %get3A_2877 = tpu.vector_load %arg11[%get3A_2874, %get3A_2875, %get3A_2876] {strides = array<i32>} : memref<16x8x64xf32, #tpu.memory_space<vmem>>, vector<16xf32>,
      %get3A_2878 = arith.constant 15 : i32
      %get3A_2879 = arith.index_cast %get3A_2878 : i32 to index
      %get3A_2880 = arith.index_cast %squeeze3A_2861 : i32 to index
      %get3A_2881 = arith.constant 16 : index
      %get3A_2882 = tpu.vector_load %arg13[%get3A_2879, %get3A_2880, %get3A_2881] {strides = array<i32>} : memref<16x8x64xf32, #tpu.memory_space<vmem>>, vector<16xf32>,
      %mul3A_2883 = arith.mulf %get3A_2877, %get3A_2882 : vector<16xf32>
      %add3A_2884 = arith.addf %mul3A_2872, %mul3A_2883 : vector<16xf32>
      %get3A_2885 = arith.constant 15 : i32
      %get3A_2886 = arith.index_cast %get3A_2885 : i32 to index
      %get3A_2887 = arith.index_cast %squeeze3A_2859 : i32 to index
      %get3A_2888 = arith.constant 32 : index
      %get3A_2889 = tpu.vector_load %arg11[%get3A_2886, %get3A_2887, %get3A_2888] {strides = array<i32>} : memref<16x8x64xf32, #tpu.memory_space<vmem>>, vector<16xf32>,
      %get3A_2890 = arith.constant 15 : i32
      %get3A_2891 = arith.index_cast %get3A_2890 : i32 to index
      %get3A_2892 = arith.index_cast %squeeze3A_2861 : i32 to index
      %get3A_2893 = arith.constant 32 : index
      %get3A_2894 = tpu.vector_load %arg13[%get3A_2891, %get3A_2892, %get3A_2893] {strides = array<i32>} : memref<16x8x64xf32, #tpu.memory_space<vmem>>, vector<16xf32>,
      %mul3A_2895 = arith.mulf %get3A_2889, %get3A_2894 : vector<16xf32>
      %add3A_2896 = arith.addf %add3A_2884, %mul3A_2895 : vector<16xf32>
      %get3A_2897 = arith.constant 15 : i32
      %get3A_2898 = arith.index_cast %get3A_2897 : i32 to index
      %get3A_2899 = arith.index_cast %squeeze3A_2859 : i32 to index
      %get3A_2900 = arith.constant 48 : index
      %get3A_2901 = tpu.vector_load %arg11[%get3A_2898, %get3A_2899, %get3A_2900] {strides = array<i32>} : memref<16x8x64xf32, #tpu.memory_space<vmem>>, vector<16xf32>,
      %get3A_2902 = arith.constant 15 : i32
      %get3A_2903 = arith.index_cast %get3A_2902 : i32 to index
      %get3A_2904 = arith.index_cast %squeeze3A_2861 : i32 to index
      %get3A_2905 = arith.constant 48 : index
      %get3A_2906 = tpu.vector_load %arg13[%get3A_2903, %get3A_2904, %get3A_2905] {strides = array<i32>} : memref<16x8x64xf32, #tpu.memory_space<vmem>>, vector<16xf32>,
      %mul3A_2907 = arith.mulf %get3A_2901, %get3A_2906 : vector<16xf32>
      %add3A_2908 = arith.addf %add3A_2896, %mul3A_2907 : vector<16xf32>
      %swap3A_2909 = arith.constant 15 : i32
      %swap3A_2910 = arith.index_cast %swap3A_2909 : i32 to index
      %swap3A_2911 = arith.constant 0 : index
      %swap3A_2912 = tpu.vector_load %arg14[%swap3A_2910, %swap3A_2911] {strides = array<i32>} : memref<16x17xf32, #tpu.memory_space<vmem>>, vector<16xf32>,
      tpu.vector_store %arg14[%swap3A_2910, %swap3A_2911], %add3A_2908 {strides = array<i32>} : memref<16x17xf32, #tpu.memory_space<vmem>>, vector<16xf32>,
      %iota3A_2913 = tpu.iota {dimensions = array<i32: 0>} : vector<16xi32>
      %broadcast_in_dim3A_2914 = arith.constant 0 : i32
      %broadcast_in_dim3A_2915 = vector.broadcast %broadcast_in_dim3A_2914 : i32 to vector<16xi32>
      %gather3A_2916 = tpu.vector_load_idx %arg14[%iota3A_2913, %broadcast_in_dim3A_2915] : memref<16x17xf32, #tpu.memory_space<vmem>>[vector<16xi32>, vector<16xi32>], vector<16xf32>,
      %broadcast_in_dim3A_2917 = arith.constant 1 : i32
      %broadcast_in_dim3A_2918 = vector.broadcast %broadcast_in_dim3A_2917 : i32 to vector<16xi32>
      %gather3A_2919 = tpu.vector_load_idx %arg14[%iota3A_2913, %broadcast_in_dim3A_2918] : memref<16x17xf32, #tpu.memory_space<vmem>>[vector<16xi32>, vector<16xi32>], vector<16xf32>,
      %add3A_2920 = arith.addf %gather3A_2916, %gather3A_2919 : vector<16xf32>
      %broadcast_in_dim3A_2921 = arith.constant 2 : i32
      %broadcast_in_dim3A_2922 = vector.broadcast %broadcast_in_dim3A_2921 : i32 to vector<16xi32>
      %gather3A_2923 = tpu.vector_load_idx %arg14[%iota3A_2913, %broadcast_in_dim3A_2922] : memref<16x17xf32, #tpu.memory_space<vmem>>[vector<16xi32>, vector<16xi32>], vector<16xf32>,
      %add3A_2924 = arith.addf %add3A_2920, %gather3A_2923 : vector<16xf32>
      %broadcast_in_dim3A_2925 = arith.constant 3 : i32
      %broadcast_in_dim3A_2926 = vector.broadcast %broadcast_in_dim3A_2925 : i32 to vector<16xi32>
      %gather3A_2927 = tpu.vector_load_idx %arg14[%iota3A_2913, %broadcast_in_dim3A_2926] : memref<16x17xf32, #tpu.memory_space<vmem>>[vector<16xi32>, vector<16xi32>], vector<16xf32>,
      %add3A_2928 = arith.addf %add3A_2924, %gather3A_2927 : vector<16xf32>
      %broadcast_in_dim3A_2929 = arith.constant 4 : i32
      %broadcast_in_dim3A_2930 = vector.broadcast %broadcast_in_dim3A_2929 : i32 to vector<16xi32>
      %gather3A_2931 = tpu.vector_load_idx %arg14[%iota3A_2913, %broadcast_in_dim3A_2930] : memref<16x17xf32, #tpu.memory_space<vmem>>[vector<16xi32>, vector<16xi32>], vector<16xf32>,
      %add3A_2932 = arith.addf %add3A_2928, %gather3A_2931 : vector<16xf32>
      %broadcast_in_dim3A_2933 = arith.constant 5 : i32
      %broadcast_in_dim3A_2934 = vector.broadcast %broadcast_in_dim3A_2933 : i32 to vector<16xi32>
      %gather3A_2935 = tpu.vector_load_idx %arg14[%iota3A_2913, %broadcast_in_dim3A_2934] : memref<16x17xf32, #tpu.memory_space<vmem>>[vector<16xi32>, vector<16xi32>], vector<16xf32>,
      %add3A_2936 = arith.addf %add3A_2932, %gather3A_2935 : vector<16xf32>
      %broadcast_in_dim3A_2937 = arith.constant 6 : i32
      %broadcast_in_dim3A_2938 = vector.broadcast %broadcast_in_dim3A_2937 : i32 to vector<16xi32>
      %gather3A_2939 = tpu.vector_load_idx %arg14[%iota3A_2913, %broadcast_in_dim3A_2938] : memref<16x17xf32, #tpu.memory_space<vmem>>[vector<16xi32>, vector<16xi32>], vector<16xf32>,
      %add3A_2940 = arith.addf %add3A_2936, %gather3A_2939 : vector<16xf32>
      %broadcast_in_dim3A_2941 = arith.constant 7 : i32
      %broadcast_in_dim3A_2942 = vector.broadcast %broadcast_in_dim3A_2941 : i32 to vector<16xi32>
      %gather3A_2943 = tpu.vector_load_idx %arg14[%iota3A_2913, %broadcast_in_dim3A_2942] : memref<16x17xf32, #tpu.memory_space<vmem>>[vector<16xi32>, vector<16xi32>], vector<16xf32>,
      %add3A_2944 = arith.addf %add3A_2940, %gather3A_2943 : vector<16xf32>
      %broadcast_in_dim3A_2945 = arith.constant 8 : i32
      %broadcast_in_dim3A_2946 = vector.broadcast %broadcast_in_dim3A_2945 : i32 to vector<16xi32>
      %gather3A_2947 = tpu.vector_load_idx %arg14[%iota3A_2913, %broadcast_in_dim3A_2946] : memref<16x17xf32, #tpu.memory_space<vmem>>[vector<16xi32>, vector<16xi32>], vector<16xf32>,
      %add3A_2948 = arith.addf %add3A_2944, %gather3A_2947 : vector<16xf32>
      %broadcast_in_dim3A_2949 = arith.constant 9 : i32
      %broadcast_in_dim3A_2950 = vector.broadcast %broadcast_in_dim3A_2949 : i32 to vector<16xi32>
      %gather3A_2951 = tpu.vector_load_idx %arg14[%iota3A_2913, %broadcast_in_dim3A_2950] : memref<16x17xf32, #tpu.memory_space<vmem>>[vector<16xi32>, vector<16xi32>], vector<16xf32>,
      %add3A_2952 = arith.addf %add3A_2948, %gather3A_2951 : vector<16xf32>
      %broadcast_in_dim3A_2953 = arith.constant 10 : i32
      %broadcast_in_dim3A_2954 = vector.broadcast %broadcast_in_dim3A_2953 : i32 to vector<16xi32>
      %gather3A_2955 = tpu.vector_load_idx %arg14[%iota3A_2913, %broadcast_in_dim3A_2954] : memref<16x17xf32, #tpu.memory_space<vmem>>[vector<16xi32>, vector<16xi32>], vector<16xf32>,
      %add3A_2956 = arith.addf %add3A_2952, %gather3A_2955 : vector<16xf32>
      %broadcast_in_dim3A_2957 = arith.constant 11 : i32
      %broadcast_in_dim3A_2958 = vector.broadcast %broadcast_in_dim3A_2957 : i32 to vector<16xi32>
      %gather3A_2959 = tpu.vector_load_idx %arg14[%iota3A_2913, %broadcast_in_dim3A_2958] : memref<16x17xf32, #tpu.memory_space<vmem>>[vector<16xi32>, vector<16xi32>], vector<16xf32>,
      %add3A_2960 = arith.addf %add3A_2956, %gather3A_2959 : vector<16xf32>
      %broadcast_in_dim3A_2961 = arith.constant 12 : i32
      %broadcast_in_dim3A_2962 = vector.broadcast %broadcast_in_dim3A_2961 : i32 to vector<16xi32>
      %gather3A_2963 = tpu.vector_load_idx %arg14[%iota3A_2913, %broadcast_in_dim3A_2962] : memref<16x17xf32, #tpu.memory_space<vmem>>[vector<16xi32>, vector<16xi32>], vector<16xf32>,
      %add3A_2964 = arith.addf %add3A_2960, %gather3A_2963 : vector<16xf32>
      %broadcast_in_dim3A_2965 = arith.constant 13 : i32
      %broadcast_in_dim3A_2966 = vector.broadcast %broadcast_in_dim3A_2965 : i32 to vector<16xi32>
      %gather3A_2967 = tpu.vector_load_idx %arg14[%iota3A_2913, %broadcast_in_dim3A_2966] : memref<16x17xf32, #tpu.memory_space<vmem>>[vector<16xi32>, vector<16xi32>], vector<16xf32>,
      %add3A_2968 = arith.addf %add3A_2964, %gather3A_2967 : vector<16xf32>
      %broadcast_in_dim3A_2969 = arith.constant 14 : i32
      %broadcast_in_dim3A_2970 = vector.broadcast %broadcast_in_dim3A_2969 : i32 to vector<16xi32>
      %gather3A_2971 = tpu.vector_load_idx %arg14[%iota3A_2913, %broadcast_in_dim3A_2970] : memref<16x17xf32, #tpu.memory_space<vmem>>[vector<16xi32>, vector<16xi32>], vector<16xf32>,
      %add3A_2972 = arith.addf %add3A_2968, %gather3A_2971 : vector<16xf32>
      %broadcast_in_dim3A_2973 = arith.constant 15 : i32
      %broadcast_in_dim3A_2974 = vector.broadcast %broadcast_in_dim3A_2973 : i32 to vector<16xi32>
      %gather3A_2975 = tpu.vector_load_idx %arg14[%iota3A_2913, %broadcast_in_dim3A_2974] : memref<16x17xf32, #tpu.memory_space<vmem>>[vector<16xi32>, vector<16xi32>], vector<16xf32>,
      %add3A_2976 = arith.addf %add3A_2972, %gather3A_2975 : vector<16xf32>
      %mul3A_2977 = arith.constant 16 : i32
      %mul3A_2978 = arith.muli %add3A_2018, %mul3A_2977 : i32
      %swap3A_2979 = arith.index_cast %mul3A_2978 : i32 to index
      %swap3A_2980 = tpu.vector_load %arg15[%swap3A_2979] {strides = array<i32>} : memref<512xf32, #tpu.memory_space<vmem>>, vector<16xf32>,
      tpu.vector_store %arg15[%swap3A_2979], %add3A_2976 {strides = array<i32>} : memref<512xf32, #tpu.memory_space<vmem>>, vector<16xf32>,
      %scan3A_2981 = arith.constant 0 : i32
      scf.yield %scan3A_2981 : i32
    }
    %scan3A_524 = arith.constant 16 : i32
    "tpu.region"() ({
      %run_scoped3A = tpu.sem_alloc : memref<!tpu.dma_semaphore, #tpu.memory_space<semaphore_mem>>
      %dma_start3A_525 = tpu.memref_slice %arg7[%mul3A_2] : memref<16384xf32, #tpu.memory_space<hbm>> -> memref<512xf32, #tpu.memory_space<hbm>>
      %dma_start3A_526 = tpu.memref_slice %arg7[%mul3A_2] : memref<16384xf32, #tpu.memory_space<hbm>> -> memref<512xf32, #tpu.memory_space<hbm>>
      tpu.enqueue_dma source(%arg15 : memref<512xf32, #tpu.memory_space<vmem>>) target(%dma_start3A_526 : memref<512xf32, #tpu.memory_space<hbm>>) target_semaphore(%run_scoped3A : memref<!tpu.dma_semaphore, #tpu.memory_space<semaphore_mem>>)
      %dma_wait3A = tpu.memref_slice %arg7[%mul3A_2] : memref<16384xf32, #tpu.memory_space<hbm>> -> memref<512xf32, #tpu.memory_space<hbm>>
      %dma_wait3A_527 = tpu.memref_slice %arg7[%mul3A_2] : memref<16384xf32, #tpu.memory_space<hbm>> -> memref<512xf32, #tpu.memory_space<hbm>>
      tpu.wait_dma2 semaphore(%run_scoped3A : memref<!tpu.dma_semaphore, #tpu.memory_space<semaphore_mem>>) src(%arg15 : memref<512xf32, #tpu.memory_space<vmem>>) dst(%dma_wait3A_527 : memref<512xf32, #tpu.memory_space<hbm>>)
      tpu.yield
    }) : () -> ()
    return
  }
}

</mosaic_0001>

<sc_bundles>
// kernel: kernel.3.cloned.1.call-start
scs
__scs_entry_jumppad:
0x0: {  	(pc) =	sbr.rel $0x88, $3  }
0x1: {  	(tag) =	ssettag $0x0;
	lr =	simm.s32 $0x1  }
0x2: {  	[smem:$0x3F9D] =	sst lr;
	_ =	strace $0xD0000000  }
0x3: {  	_ = 	snop  }
0x4: {  	_ = 	snop  }
0x5: {  	_ = 	snop  }
0x6: {  	_ = 	snop  }
0x7: {  	_ = 	snop  }
__scs_overlays_trampoline_lowered:
0x8: {  	[smem:$0x3FAC] =	sst s0  }
0x9: {  	[smem:$0x3FAD] =	sst s1  }
0xa: {  	[smem:$0x3FAE] =	sst s2  }
0xb: {  	[smem:$0x3FAF] =	sst s3  }
0xc: {  	[smem:$0x3FB0] =	sst s4  }
0xd: {  	[smem:$0x3FB1] =	sst s5  }
0xe: {  	[smem:$0x3FB2] =	sst s6  }
0xf: {  	[smem:$0x3FB3] =	sst s7  }
0x10: {  	[smem:$0x3FB4] =	sst s8  }
0x11: {  	[smem:$0x3FB5] =	sst s9;
	s0 =	simm.s32 @!p0 $0x0  }
0x12: {  	s1 =	sld [smem:$0x3F9B];
	s0 =	simm.s32 @p0 $0x1  }
0x13: {  	[smem:$0x3FB6] =	sst s0;
	s0 =	simm.s32 @!p1 $0x0  }
0x14: {  	s2 =	sld [smem:$0x3F9A];
	s0 =	simm.s32 @p1 $0x1  }
0x15: {  	[smem:$0x3FB7] =	sst s0;
	s0 =	simm.s32 @!p2 $0x0  }
0x16: {  	s3 =	sld [smem:$0x3FDB];
	s0 =	simm.s32 @p2 $0x1  }
0x17: {  	s4 =	simm.s32 $0x1BF5;
	[smem:$0x3FB9] =	sst s0  }
0x18: {  	s0 =	sld [smem:$0x3F9C];
	_ =	swait.ge [sflag:s4], $0x0  }
0x19: {  	s7 =	sld [smem:$0x3F9D]  }
0x1a: {  	s8 =	sadd.s32 $0xFFFFE003, lr  }
0x1b: {  	s9 =	sadd.s32 $0xFFFFFEF7, lr;
	s5 =	simm.s32 $0xFFFFFFFF;
	p2 =	slt.u32 s8, $0xFFFFF086  }
0x1c: {  	p1 =	slt.u32 s9, $0xF7A;
	s5 =	simm.s32 @!p2 $0x0  }
0x1d: {  	s5 =	simm.s32 @p1 $0x1;
	p0 =	seq.s32 s7, s2  }
0x1e: {  	s7 =	smul.u32 @!p0 $0xF7A, s2;
	p2 =	seq.s32 @!p0 s5, $0x0  }
0x1f: {  	s9 =	smul.u32 $0xF7A, s1;
	s8 =	simm.s32 @!p0 $0x1BF5;
	p2 =	por !p2, p0  }
0x20: {  	[sflag:s8] =	ssyncset.s32 @!p0 $0xFFFFF086;
	s6 =	sadd.s32 @!p0 s3, s7;
	s7 =	simm.s32 @!p0 $0x108  }
0x21: {  	s3 =	sadd.s32 s3, s9;
	s6 =	sadd.s32 @!p0 $0x88, s6;
	s7 =	simm.s32 @p2 $0x1082  }
0x22: {  	[simem:s7], [sflag:s8] =	dma.local @!p0 [hbm:s6], $0xF7A  }
0x23: {  	s9 =	sor.u32 $0xD0000000, s2;
	s6 =	simm.s32 $0x108;
	_ =	swait.ge @!p0 [sflag:s8], $0x0  }
0x24: {  	s3 =	sadd.s32 $0x88, s3;
	s6 =	simm.s32 @!p1 $0x1082;
	[sflag:s4] =	ssyncset.s32 $0xFFFFF086  }
0x25: {  	[simem:s6], [sflag:s4] =	dma.local [hbm:s3], $0xF7A  }
0x26: {  	[smem:$0x3F9D] =	sst s1;
	(tag) =	ssettag s2;
	_ =	strace s9  }
0x27: {  	s1 =	sld [smem:$0x3FAD]  }
0x28: {  	s2 =	sld [smem:$0x3FAE]  }
0x29: {  	s4 =	sld [smem:$0x3FB0]  }
0x2a: {  	p0 =	seq.s32 s5, $0x0;
	s5 =	sld [smem:$0x3FB1]  }
0x2b: {  	s6 =	sld [smem:$0x3FB2]  }
0x2c: {  	s7 =	sld [smem:$0x3FB3]  }
0x2d: {  	s3 =	simm.s32 $0x108;
	s8 =	sld [smem:$0x3FB4]  }
0x2e: {  	s3 =	simm.s32 @!p0 $0x1082;
	s9 =	sld [smem:$0x3FB5]  }
0x2f: {  	lr =	sadd.s32 s0, s3;
	s0 =	sld [smem:$0x3FAC]  }
0x30: {  	s3 =	sld [smem:$0x3FAF]  }
0x31: {  	[smem:$0x3FB8] =	sst s10  }
0x32: {  	s10 =	sld [smem:$0x3FB6];
	_ =	sdelay $0x3  }
0x33: {  	p0 =	seq.s32 s10, $0x1;
	s10 =	sld [smem:$0x3FB8];
	_ =	sdelay $0x3  }
0x34: {  	[smem:$0x3FB8] =	sst s10  }
0x35: {  	s10 =	sld [smem:$0x3FB7];
	_ =	sdelay $0x3  }
0x36: {  	p1 =	seq.s32 s10, $0x1;
	s10 =	sld [smem:$0x3FB8];
	_ =	sdelay $0x3  }
0x37: {  	[smem:$0x3FB8] =	sst s10  }
0x38: {  	s10 =	sld [smem:$0x3FB9]  }
0x39: {  	_ = 	snop;
	(pc) =	sbr.ind lr, $3  }
0x3a: {  	_ = 	snop  }
0x3b: {  	_ = 	snop  }
0x3c: {  	p2 =	seq.s32 s10, $0x1;
	s10 =	sld [smem:$0x3FB8]  }
0x3d: {  	_ =	shalt  }
0x3e: {  	_ =	shalt  }
0x3f: {  	_ =	shalt  }
0x40: {  	_ =	shalt  }
0x41: {  	_ =	shalt  }
0x42: {  	_ =	shalt  }
0x43: {  	_ =	shalt  }
0x44: {  	_ =	shalt  }
0x45: {  	_ =	shalt  }
0x46: {  	_ =	shalt  }
0x47: {  	_ =	shalt  }
0x48: {  	_ =	shalt  }
0x49: {  	_ =	shalt  }
0x4a: {  	_ =	shalt  }
0x4b: {  	_ =	shalt  }
0x4c: {  	_ =	shalt  }
0x4d: {  	_ =	shalt  }
0x4e: {  	_ =	shalt  }
0x4f: {  	_ =	shalt  }
0x50: {  	_ =	shalt  }
0x51: {  	_ =	shalt  }
0x52: {  	_ =	shalt  }
0x53: {  	_ =	shalt  }
0x54: {  	_ =	shalt  }
0x55: {  	_ =	shalt  }
0x56: {  	_ =	shalt  }
0x57: {  	_ =	shalt  }
0x58: {  	_ =	shalt  }
0x59: {  	_ =	shalt  }
0x5a: {  	_ =	shalt  }
0x5b: {  	_ =	shalt  }
0x5c: {  	_ =	shalt  }
0x5d: {  	_ =	shalt  }
0x5e: {  	_ =	shalt  }
0x5f: {  	_ =	shalt  }
0x60: {  	_ =	shalt  }
0x61: {  	_ =	shalt  }
0x62: {  	_ =	shalt  }
0x63: {  	_ =	shalt  }
0x64: {  	_ =	shalt  }
0x65: {  	_ =	shalt  }
0x66: {  	_ =	shalt  }
0x67: {  	_ =	shalt  }
0x68: {  	_ =	shalt  }
0x69: {  	_ =	shalt  }
0x6a: {  	_ =	shalt  }
0x6b: {  	_ =	shalt  }
0x6c: {  	_ =	shalt  }
0x6d: {  	_ =	shalt  }
0x6e: {  	_ =	shalt  }
0x6f: {  	_ =	shalt  }
0x70: {  	_ =	shalt  }
0x71: {  	_ =	shalt  }
0x72: {  	_ =	shalt  }
0x73: {  	_ =	shalt  }
0x74: {  	_ =	shalt  }
0x75: {  	_ =	shalt  }
0x76: {  	_ =	shalt  }
0x77: {  	_ =	shalt  }
0x78: {  	_ =	shalt  }
0x79: {  	_ =	shalt  }
0x7a: {  	_ =	shalt  }
0x7b: {  	_ =	shalt  }
0x7c: {  	_ =	shalt  }
0x7d: {  	_ =	shalt  }
0x7e: {  	_ =	shalt  }
0x7f: {  	_ =	shalt  }
0x80: {  	_ =	shalt  }
0x81: {  	_ =	shalt  }
0x82: {  	_ =	shalt  }
0x83: {  	_ =	shalt  }
0x84: {  	_ =	shalt  }
0x85: {  	_ =	shalt  }
0x86: {  	_ =	shalt  }
0x87: {  	_ =	shalt  }
.Lfunc_end0:
.L_simem_size_0:
called_computation_lowered:
.L_overlay_start_0:
0x88: {  	s2 =	sld [smem:$0x3FD9]  }
0x89: {  	s3 =	sld [smem:$0x3FFE];
	_ =	sdelay $0x1  }
0x8a: {  	s1 =	srdreg.scid  }
0x8b: {  	s0 =	sand.u32 $0x1, s1  }
0x8c: {  	s17 =	sshll.u32 s0, $0xA;
	s2 =	sadd.s32 s3, s2  }
0x8d: {  	s2 =	sadd.s32 s2, s17  }
0x8e: {  	[smem:$0x3FC4] =	sst s2  }
0x8f: {  	_ = 	snop  }
0x90: {  	s2 =	sld [smem:$0x3FC9]  }
0x91: {  	s18 =	sld [smem:$0x3FC8]  }
0x92: {  	s4 =	sld [smem:$0x3FD0];
	(tm) =	ssettm $0x1  }
0x93: {  	s5 =	sld [smem:$0x3FFB];
	_ =	sdelay $0x3  }
0x94: {  	_ =	strace s5  }
0x95: {  	s5 =	sld [smem:$0x3FFC];
	_ =	sdelay $0x3  }
0x96: {  	_ =	strace s5  }
0x97: {  	s5 =	sld [smem:$0x3FFD];
	_ =	sdelay $0x3  }
0x98: {  	_ =	strace s5  }
0x99: {  	_ =	strace $0x8FFFFFFF  }
0x9a: {  	s19 =	sld [smem:$0x3FDB];
	_ =	sdelay $0x1  }
0x9b: {  	s6 =	simm.s32 $_scs_section_size  }
0x9c: {  	s7 =	simm.s32 $_size__tile_overlayer_lowered;
	s8 =	simm.s32 $_tile_overlayer_lowered  }
0x9d: {  	s22 =	simm.s32 $0x1BFF;
	s21 =	sshll.u32 s8, $0x1;
	s5 =	sadd.s32 s6, s19  }
0x9e: {  	s9 =	simm.s32 $0x0;
	s20 =	sshll.u32 s7, $0x1;
	s7 =	sadd.s32 s21, s5  }
0x9f: {  	[timem:s9], [sflag:s22] =	dma.local [hbm:s7], s20  }
0xa0: {  	_ =	swait.ge [sflag:s22], s20  }
0xa1: {  	s6 =	ssub.s32 $0x0, s20;
	[sflag:s22] =	ssyncset.done $0x0  }
0xa2: {  	[sflag:s22] =	ssyncadd.s32 s6;
	_ =	sdelay $0x1  }
0xa3: {  	s23 =	simm.s32 $0x1B8B  }
0xa4: {  	_ =	swait.ge [sflag:s23], $0x1  }
0xa5: {  	[sflag:s23] =	ssyncset.done $0x0  }
0xa6: {  	s25 =	simm.s32 $0x1B8E;
	s24 =	sld [smem:$0x3FFE];
	[sflag:s23] =	ssyncadd.s32 $0xFFFFFFFF  }
0xa7: {  	s26 =	simm.s32 $execute0_lowered;
	[smem:$0x3FD2] =	sst s25  }
0xa8: {  	s7 =	sshll.u32 s26, $0x1;
	_ =	strace $0x80000046;
	[dreg:$0x1] =	wrdreg $0xFFFFFFFF  }
0xa9: {  	s28 =	simm.s32 $_size_execute0_lowered;
	s5 =	sadd.s32 s5, s7;
	[dreg:$0x0] =	wrdreg $0x0  }
0xaa: {  	s7 =	sshll.u32 s28, $0x1;
	[dreg:$0x2] =	wrdreg s5  }
0xab: {  	[dreg:$0x3] =	wrdreg s7  }
0xac: {  	[dreg:$0x4] =	wrdreg $0xC0  }
0xad: {  	_ =	task [dreg:s9], $0x5FFFF  }
0xae: {  	[dreg:$0x1] =	wrdreg $0xFFFFFFFF  }
0xaf: {  	[dreg:$0x0] =	wrdreg $0x60  }
0xb0: {  	[dreg:$0x2] =	wrdreg s2  }
0xb1: {  	[dreg:$0x3] =	wrdreg s18  }
0xb2: {  	[dreg:$0x4] =	wrdreg s24  }
0xb3: {  	[dreg:$0x5] =	wrdreg s4  }
0xb4: {  	[dreg:$0x6] =	wrdreg $0x9  }
0xb5: {  	_ =	task.clear_ibuf [dreg:s9], $0x7FFFF;
	_ =	strace $0x90000046  }
0xb6: {  	s29 =	simm.s32 $0x9;
	_ =	strace $0x80000048  }
0xb7: {  	_ =	swait.ge [sflag:s29], $0x1  }
0xb8: {  	[sflag:s29] =	ssyncadd.s32 $0xFFFFFFFF  }
0xb9: {  	_ =	strace $0x90000048  }
0xba: {  	_ =	sfence  }
0xbb: {  	s30 =	sld [smem:$0x0];
	_ =	sdelay $0x2  }
0xbc: {  	s31 =	sshll.u32 s1, $0xD;
	s1 =	sshrl.u32 s1, $0x2  }
0xbd: {  	s3 =	sand.u32 $0x4000, s31;
	s1 =	sadd.s32 s1, s30  }
0xbe: {  	s0 =	sor.u32 s3, s0;
	s1 =	sshll.u32 s1, $0x11  }
0xbf: {  	s0 =	sor.u32 s1, s0  }
0xc0: {  	s0 =	sadd.s32 $0x8F2B, s0  }
0xc1: {  	[sflag:s0] =	ssyncadd.remote.s32 $0x1  }
0xc2: {  	_ =	sfence.sel $0xFFFF  }
0xc3: {  	[dreg:$0x0] =	wrdreg $0xFFFFFFFF;
	(pc) =	sbr.abs _section_cstart, $3  }
0xc4: {  	[dreg:$0x1] =	wrdreg $0xFFFFFFFF  }
0xc5: {  	_ =	task.clear_ibuf [dreg:s9], $0x2FFFF;
	_ =	strace $0x9FFFFFFF  }
0xc6: {  	(tm) =	ssettm $0x7FFFFFFF  }
0xc7: {  	_ =	shalt  }
tec
execute0_lowered:
.L_overlay_start_1:
0x0: {  	(tag) =	ssettag $0x1  }
0x1: {  	s0 =	rddreg [dreg:$0x0]  }
0x2: {  	s2 =	rddreg [dreg:$0x1]  }
0x3: {  	s4 =	rddreg [dreg:$0x2]  }
0x4: {  	s5 =	rddreg [dreg:$0x3];
	s1 =	simm.s32 $0x0;
	s6 =	srdreg.scid  }
0x5: {  	s8 =	stileid.u32;
	s25 =	simm.s32 $0x5;
	s31 =	simm.s32 $0xE000  }
0x6: {  	s10 =	simm.s32 $0x6800;
	s11 =	simm.s32 $0x7400;
	s12 =	simm.s32 $0xF400  }
0x7: {  	s13 =	simm.s32 $0x7800;
	s14 =	simm.s32 $0xF800;
	s15 =	simm.s32 $0x7C00  }
0x8: {  	s16 =	simm.s32 $0xFC00;
	s17 =	simm.s32 $0x8000;
	s18 =	simm.s32 $0x10000  }
0x9: {  	s19 =	simm.s32 $0x1;
	s20 =	simm.s32 $0x3;
	s21 =	simm.s32 $0x10400  }
0xa: {  	s22 =	simm.s32 $0x2;
	s23 =	simm.s32 $0x4;
	s26 =	simm.s32 $0x0  }
0xb: {  	[smem:$0x7FF] =	sst s1;
	s3 =	sadd.s32 $0x186E00, s4;
	s6 =	sand.u32 $0x1, s6  }
0xc: {  	v0 =	vlaneseq.u32;
	s8 =	sshll.u32 s8, $0x7;
	s4 =	sadd.s32 $0x400, s4;
	s7 =	ssub.s32 $0x2, s6  }
0xd: {  	v0 =	vmul.u32 $0x80, v0;
	_ =	strace $0x80000047;
	s6 =	sshll.u32 s6, $0x6;
	s9 =	sshrl.u32 s7, $0x1  }
0xe: {  	s6 =	sor.u32 s6, s8;
	s8 =	simm.s32 $0x7000;
	s7 =	ssub.s32 s7, s9  }
.Ltmp0:
0xf: {  	v1 =	vor.u32 $0x1, v0;
	v2 =	vor.u32 $0x2, v0;
	v3 =	vor.u32 $0x3, v0;
	s0 =	sadd.s32 s0, s6;
	s28 =	sadd.s32 s2, s6;
	(pc) =	sbr.rel .LBB2_1-.Ltmp0, $4  }
0x10: {  	v4 =	vor.u32 $0x4, v0;
	v5 =	vor.u32 $0x5, v0;
	v6 =	vor.u32 $0x6, v0;
	s29 =	sadd.s32 s5, s6;
	s2 =	simm.s32 $0xE400;
	[dreg:$0x5] =	wrdreg s0  }
0x11: {  	v7 =	vor.u32 $0x7, v0;
	v8 =	vor.u32 $0x8, v0;
	v9 =	vor.u32 $0x9, v0;
	s5 =	simm.s32 $0xE800;
	s6 =	simm.s32 $0x6C00;
	[dreg:$0x6] =	wrdreg s28  }
0x12: {  	v10 =	vor.u32 $0xA, v0;
	v11 =	vor.u32 $0xB, v0;
	v12 =	vor.u32 $0xC, v0;
	s9 =	simm.s32 $0xF000;
	[dreg:$0x7] =	wrdreg s29;
	s30 =	smax.u32 s7, $0x1  }
0x13: {  	v13 =	vor.u32 $0xD, v0;
	v14 =	vor.u32 $0xE, v0;
	v15 =	vor.u32 $0xF, v0;
	s0 =	simm.s32 $0x6400;
	s7 =	simm.s32 $0xEC00;
	[dreg:$0x8] =	wrdreg s30  }
.LBB2_5:
0x14: {  	s24 =	rddreg [dreg:$0x7];
	s25 =	simm.s32 $0x10C00  }
0x15: {  	[hbm4b:s24+s1] =	stream.linear.scatter [tilespmem:s25], [sflag:$0x5], $0x200, $0x38;
	[tilespmem:$0x10E00] =	vst v63  }
0x16: {  	s25 =	simm.s32 $0x5  }
0x17: {  	_ =	swait.ge [sflag:s25], $0x200  }
0x18: {  	s26 =	rddreg [dreg:$0x9]  }
0x19: {  	s30 =	rddreg [dreg:$0x8];
	s26 =	sadd.s32 $0x1, s26  }
0x1a: {  	p0 =	sne.s32 s26, s30  }
.Ltmp1:
0x1b: {  	_ = 	snop;
	(pc) =	sbr.rel @!p0 .LBB2_6-.Ltmp1, $3  }
0x1c: {  	_ =	sdelay $0x1  }
0x1d: {  	[sflag:s25] =	ssyncset.done $0x0  }
0x1e: {  	[sflag:s25] =	ssyncadd.s32 $0xFFFFFE00  }
.LBB2_1:
0x1f: {  	[dreg:$0x9] =	wrdreg s26  }
0x20: {  	s24 =	rddreg [dreg:$0x5]  }
0x21: {  	[tilespmem:s1], [sflag:$0x5] =	stream.linear.gather [hbm4b:s24+s1], $0x200, $0x38;
	[tilespmem:$0x10E00] =	vst v63  }
0x22: {  	_ =	swait.ge [sflag:s25], $0x200  }
0x23: {  	[sflag:s25] =	ssyncset.done $0x0  }
0x24: {  	s30 =	simm.s32 $0x200;
	s29 =	rddreg [dreg:$0x6];
	[sflag:s25] =	ssyncadd.s32 $0xFFFFFE00  }
0x25: {  	[tilespmem:s30], [sflag:$0x5] =	stream.linear.gather [hbm4b:s29+s1], $0x200, $0x38;
	[tilespmem:$0x10E00] =	vst v63  }
0x26: {  	_ =	swait.ge [sflag:s25], $0x200  }
0x27: {  	[sflag:s25] =	ssyncset.done $0x0  }
0x28: {  	[sflag:s25] =	ssyncadd.s32 $0xFFFFFE00  }
0x29: {  	v16 =	vld [tilespmem:$0x0];
	_ =	sdelay $0x1  }
0x2a: {  	v17 =	vld [tilespmem:$0x200];
	_ =	sdelay $0x2  }
0x2b: {  	v16 =	vand.u32 $0xFFFFFFF8, v16  }
0x2c: {  	v16 =	vshll.u32 v16, $0x4  }
0x2d: {  	v17 =	vand.u32 $0xFFFFFFF8, v17;
	v16 =	vadd.s32 s3, v16  }
0x2e: {  	v17 =	vshll.u32 v17, $0x4;
	(v2sf) =	vpush v16, $0x0  }
0x2f: {  	v17 =	vadd.s32 s4, v17  }
0x30: {  	(v2sf) =	vpush v17, $0x0;
	_ =	sdelay $0x1  }
0x31: {  	(v2sf) =	vpush v16, $0x1;
	_ =	sdelay $0x1  }
0x32: {  	(v2sf) =	vpush v17, $0x1;
	_ =	sdelay $0x1  }
0x33: {  	(v2sf) =	vpush v16, $0x2;
	_ =	sdelay $0x1  }
0x34: {  	(v2sf) =	vpush v17, $0x2;
	_ =	sdelay $0x1  }
0x35: {  	(v2sf) =	vpush v16, $0x3;
	_ =	sdelay $0x1  }
0x36: {  	(v2sf) =	vpush v17, $0x3  }
0x37: {  	s28 =	simm.s32 $0x400;
	s26 =	spop (v2sf)  }
0x38: {  	(v2sf) =	vpush v16, $0x4;
	[tilespmem:s28], [sflag:$0x1] =	stream.linear.gather [hbm4b:s26+s1], $0x400, $0x38;
	[tilespmem:$0x10E00] =	vst v63  }
0x39: {  	s30 =	simm.s32 $0x8400;
	s29 =	spop (v2sf)  }
0x3a: {  	(v2sf) =	vpush v17, $0x4;
	[tilespmem:s30], [sflag:$0x3] =	stream.linear.gather [hbm4b:s29+s1], $0x400, $0x38;
	[tilespmem:$0x10E00] =	vst v63  }
0x3b: {  	s28 =	simm.s32 $0x800;
	s26 =	spop (v2sf)  }
0x3c: {  	(v2sf) =	vpush v16, $0x5;
	[tilespmem:s28], [sflag:$0x1] =	stream.linear.gather [hbm4b:s26+s1], $0x400, $0x38;
	[tilespmem:$0x10E00] =	vst v63  }
0x3d: {  	s29 =	spop (v2sf);
	s30 =	simm.s32 $0x8800  }
0x3e: {  	(v2sf) =	vpush v17, $0x5;
	[tilespmem:s30], [sflag:$0x3] =	stream.linear.gather [hbm4b:s29+s1], $0x400, $0x38;
	[tilespmem:$0x10E00] =	vst v63  }
0x3f: {  	s26 =	spop (v2sf);
	s28 =	simm.s32 $0xC00  }
0x40: {  	(v2sf) =	vpush v16, $0x6;
	[tilespmem:s28], [sflag:$0x1] =	stream.linear.gather [hbm4b:s26+s1], $0x400, $0x38;
	[tilespmem:$0x10E00] =	vst v63  }
0x41: {  	s29 =	spop (v2sf);
	s30 =	simm.s32 $0x8C00  }
0x42: {  	(v2sf) =	vpush v17, $0x6;
	[tilespmem:s30], [sflag:$0x3] =	stream.linear.gather [hbm4b:s29+s1], $0x400, $0x38;
	[tilespmem:$0x10E00] =	vst v63  }
0x43: {  	s26 =	spop (v2sf);
	s28 =	simm.s32 $0x1000  }
0x44: {  	(v2sf) =	vpush v16, $0x7;
	[tilespmem:s28], [sflag:$0x1] =	stream.linear.gather [hbm4b:s26+s1], $0x400, $0x38;
	[tilespmem:$0x10E00] =	vst v63  }
0x45: {  	s29 =	spop (v2sf);
	s30 =	simm.s32 $0x9000  }
0x46: {  	(v2sf) =	vpush v17, $0x7;
	[tilespmem:s30], [sflag:$0x3] =	stream.linear.gather [hbm4b:s29+s1], $0x400, $0x38;
	[tilespmem:$0x10E00] =	vst v63  }
0x47: {  	s28 =	simm.s32 $0x1400;
	s26 =	spop (v2sf)  }
0x48: {  	(v2sf) =	vpush v16, $0x8;
	[tilespmem:s28], [sflag:$0x1] =	stream.linear.gather [hbm4b:s26+s1], $0x400, $0x38;
	[tilespmem:$0x10E00] =	vst v63  }
0x49: {  	s30 =	simm.s32 $0x9400;
	s29 =	spop (v2sf)  }
0x4a: {  	(v2sf) =	vpush v17, $0x8;
	[tilespmem:s30], [sflag:$0x3] =	stream.linear.gather [hbm4b:s29+s1], $0x400, $0x38;
	[tilespmem:$0x10E00] =	vst v63  }
0x4b: {  	s26 =	spop (v2sf);
	s28 =	simm.s32 $0x1800  }
0x4c: {  	(v2sf) =	vpush v16, $0x9;
	[tilespmem:s28], [sflag:$0x1] =	stream.linear.gather [hbm4b:s26+s1], $0x400, $0x38;
	[tilespmem:$0x10E00] =	vst v63  }
0x4d: {  	s29 =	spop (v2sf);
	s30 =	simm.s32 $0x9800  }
0x4e: {  	(v2sf) =	vpush v17, $0x9;
	[tilespmem:s30], [sflag:$0x3] =	stream.linear.gather [hbm4b:s29+s1], $0x400, $0x38;
	[tilespmem:$0x10E00] =	vst v63  }
0x4f: {  	s26 =	spop (v2sf);
	s28 =	simm.s32 $0x1C00  }
0x50: {  	(v2sf) =	vpush v16, $0xA;
	[tilespmem:s28], [sflag:$0x1] =	stream.linear.gather [hbm4b:s26+s1], $0x400, $0x38;
	[tilespmem:$0x10E00] =	vst v63  }
0x51: {  	s29 =	spop (v2sf);
	s30 =	simm.s32 $0x9C00  }
0x52: {  	(v2sf) =	vpush v17, $0xA;
	[tilespmem:s30], [sflag:$0x3] =	stream.linear.gather [hbm4b:s29+s1], $0x400, $0x38;
	[tilespmem:$0x10E00] =	vst v63  }
0x53: {  	s26 =	spop (v2sf);
	s28 =	simm.s32 $0x2000  }
0x54: {  	(v2sf) =	vpush v16, $0xB;
	[tilespmem:s28], [sflag:$0x1] =	stream.linear.gather [hbm4b:s26+s1], $0x400, $0x38;
	[tilespmem:$0x10E00] =	vst v63  }
0x55: {  	s29 =	spop (v2sf);
	s30 =	simm.s32 $0xA000  }
0x56: {  	(v2sf) =	vpush v17, $0xB;
	[tilespmem:s30], [sflag:$0x3] =	stream.linear.gather [hbm4b:s29+s1], $0x400, $0x38;
	[tilespmem:$0x10E00] =	vst v63  }
0x57: {  	s28 =	simm.s32 $0x2400;
	s26 =	spop (v2sf)  }
0x58: {  	(v2sf) =	vpush v16, $0xC;
	[tilespmem:s28], [sflag:$0x1] =	stream.linear.gather [hbm4b:s26+s1], $0x400, $0x38;
	[tilespmem:$0x10E00] =	vst v63  }
0x59: {  	s29 =	spop (v2sf);
	s30 =	simm.s32 $0xA400  }
0x5a: {  	(v2sf) =	vpush v17, $0xC;
	[tilespmem:s30], [sflag:$0x3] =	stream.linear.gather [hbm4b:s29+s1], $0x400, $0x38;
	[tilespmem:$0x10E00] =	vst v63  }
0x5b: {  	s26 =	spop (v2sf);
	s28 =	simm.s32 $0x2800  }
0x5c: {  	(v2sf) =	vpush v16, $0xD;
	[tilespmem:s28], [sflag:$0x1] =	stream.linear.gather [hbm4b:s26+s1], $0x400, $0x38;
	[tilespmem:$0x10E00] =	vst v63  }
0x5d: {  	s29 =	spop (v2sf);
	s30 =	simm.s32 $0xA800  }
0x5e: {  	(v2sf) =	vpush v17, $0xD;
	[tilespmem:s30], [sflag:$0x3] =	stream.linear.gather [hbm4b:s29+s1], $0x400, $0x38;
	[tilespmem:$0x10E00] =	vst v63  }
0x5f: {  	s26 =	spop (v2sf);
	s28 =	simm.s32 $0x2C00  }
0x60: {  	(v2sf) =	vpush v16, $0xE;
	[tilespmem:s28], [sflag:$0x1] =	stream.linear.gather [hbm4b:s26+s1], $0x400, $0x38;
	[tilespmem:$0x10E00] =	vst v63  }
0x61: {  	s29 =	spop (v2sf);
	s30 =	simm.s32 $0xAC00  }
0x62: {  	(v2sf) =	vpush v17, $0xE;
	[tilespmem:s30], [sflag:$0x3] =	stream.linear.gather [hbm4b:s29+s1], $0x400, $0x38;
	[tilespmem:$0x10E00] =	vst v63  }
0x63: {  	s26 =	spop (v2sf);
	s28 =	simm.s32 $0x3000  }
0x64: {  	[tilespmem:s28], [sflag:$0x1] =	stream.linear.gather [hbm4b:s26+s1], $0x400, $0x38;
	[tilespmem:$0x10E00] =	vst v63  }
0x65: {  	(v2sf) =	vpush v16, $0xF;
	s29 =	spop (v2sf);
	s30 =	simm.s32 $0xB000  }
0x66: {  	[tilespmem:s30], [sflag:$0x3] =	stream.linear.gather [hbm4b:s29+s1], $0x400, $0x38;
	[tilespmem:$0x10E00] =	vst v63  }
0x67: {  	(v2sf) =	vpush v17, $0xF;
	s26 =	spop (v2sf);
	s28 =	simm.s32 $0x3400  }
0x68: {  	[tilespmem:s28], [sflag:$0x1] =	stream.linear.gather [hbm4b:s26+s1], $0x400, $0x38;
	[tilespmem:$0x10E00] =	vst v63  }
0x69: {  	s29 =	spop (v2sf);
	s30 =	simm.s32 $0xB400  }
0x6a: {  	[tilespmem:s30], [sflag:$0x3] =	stream.linear.gather [hbm4b:s29+s1], $0x400, $0x38;
	[tilespmem:$0x10E00] =	vst v63  }
0x6b: {  	s26 =	spop (v2sf);
	s28 =	simm.s32 $0x3800  }
0x6c: {  	[tilespmem:s28], [sflag:$0x1] =	stream.linear.gather [hbm4b:s26+s1], $0x400, $0x38;
	[tilespmem:$0x10E00] =	vst v63  }
0x6d: {  	s29 =	spop (v2sf);
	s30 =	simm.s32 $0xB800  }
0x6e: {  	[tilespmem:s30], [sflag:$0x3] =	stream.linear.gather [hbm4b:s29+s1], $0x400, $0x38;
	[tilespmem:$0x10E00] =	vst v63  }
0x6f: {  	s26 =	spop (v2sf);
	s28 =	simm.s32 $0x3C00  }
0x70: {  	[tilespmem:s28], [sflag:$0x1] =	stream.linear.gather [hbm4b:s26+s1], $0x400, $0x38;
	[tilespmem:$0x10E00] =	vst v63  }
0x71: {  	s29 =	spop (v2sf);
	s30 =	simm.s32 $0xBC00  }
0x72: {  	[tilespmem:s30], [sflag:$0x3] =	stream.linear.gather [hbm4b:s29+s1], $0x400, $0x38;
	[tilespmem:$0x10E00] =	vst v63  }
.Ltmp2:
0x73: {  	_ = 	snop;
	(pc) =	sbr.rel .LBB2_2-.Ltmp2, $4  }
0x74: {  	s26 =	spop (v2sf);
	s28 =	simm.s32 $0x4000  }
0x75: {  	[tilespmem:s28], [sflag:$0x1] =	stream.linear.gather [hbm4b:s26+s1], $0x400, $0x38;
	[tilespmem:$0x10E00] =	vst v63  }
0x76: {  	s24 =	simm.s32 $0x0;
	s29 =	spop (v2sf);
	s30 =	simm.s32 $0xC000  }
0x77: {  	[tilespmem:s30], [sflag:$0x3] =	stream.linear.gather [hbm4b:s29+s1], $0x400, $0x38;
	[tilespmem:$0x10E00] =	vst v63  }
.LBB2_4:
0x78: {  	_ =	swait.ge [sflag:s22], $0x4000  }
0x79: {  	[sflag:s22] =	ssyncset.done $0x0  }
0x7a: {  	[sflag:s22] =	ssyncadd.s32 $0xFFFFC000  }
0x7b: {  	_ =	swait.ge [sflag:s23], $0x4000  }
0x7c: {  	[sflag:s23] =	ssyncset.done $0x0  }
0x7d: {  	[sflag:s23] =	ssyncadd.s32 $0xFFFFC000  }
0x7e: {  	v16 =	vld [tilespmem:s25+$0x10];
	_ =	sdelay $0x1  }
0x7f: {  	v17 =	vld [tilespmem:s25+$0x210];
	_ =	sdelay $0x2  }
0x80: {  	v16 =	vand.u32 $0x7, v16  }
0x81: {  	v16 =	vshll.u32 v16, $0x7  }
0x82: {  	v17 =	vand.u32 $0x7, v17;
	(v2sf) =	vpush v16, $0x1  }
0x83: {  	v17 =	vshll.u32 v17, $0x7;
	(v2sf) =	vpush v16, $0x0  }
0x84: {  	(v2sf) =	vpush v17, $0x1  }
0x85: {  	(v2sf) =	vpush v17, $0x0;
	_ =	sdelay $0xb  }
0x86: {  	s26 =	spop (v2sf)  }
0x87: {  	s28 =	spop (v2sf)  }
0x88: {  	s29 =	spop (v2sf);
	v18 =	vld [tilespmem:s28+$0x4400]  }
0x89: {  	v20 =	vld [tilespmem:s28+$0x4410];
	s30 =	spop (v2sf)  }
0x8a: {  	v19 =	vld [tilespmem:s30+$0xC400]  }
0x8b: {  	v21 =	vld [tilespmem:s30+$0xC410]  }
0x8c: {  	v22 =	vld [tilespmem:s28+$0x4420]  }
0x8d: {  	v23 =	vld [tilespmem:s30+$0xC420]  }
0x8e: {  	v24 =	vld [tilespmem:s28+$0x4430]  }
0x8f: {  	v25 =	vld [tilespmem:s30+$0xC430]  }
0x90: {  	v18 =	vmul.f32 v19, v18;
	v60 =	vmul.f32 v21, v20;
	_ =	sdelay $0x1  }
0x91: {  	v61 =	vmul.f32 v23, v22;
	v18 =	vadd.f32 v60, v18;
	_ =	sdelay $0x1  }
0x92: {  	v62 =	vmul.f32 v25, v24;
	v18 =	vadd.f32 v61, v18;
	_ =	sdelay $0x1  }
0x93: {  	v18 =	vadd.f32 v62, v18;
	_ =	sdelay $0x1  }
0x94: {  	(v2sf) =	vpush v16, $0x3;
	[tilespmem:$0x10400] =	vst v18  }
0x95: {  	(v2sf) =	vpush v16, $0x2;
	v18 =	vld [tilespmem:s26+$0x4800]  }
0x96: {  	(v2sf) =	vpush v17, $0x3;
	v63 =	vld [tilespmem:s29+$0xC800]  }
0x97: {  	(v2sf) =	vpush v17, $0x2;
	v28 =	vld [tilespmem:s26+$0x4810]  }
0x98: {  	v29 =	vld [tilespmem:s29+$0xC810]  }
0x99: {  	v30 =	vld [tilespmem:s26+$0x4820]  }
0x9a: {  	v31 =	vld [tilespmem:s29+$0xC820]  }
0x9b: {  	v32 =	vld [tilespmem:s26+$0x4830]  }
0x9c: {  	v33 =	vld [tilespmem:s29+$0xC830]  }
0x9d: {  	v18 =	vmul.f32 v63, v18;
	v34 =	vmul.f32 v29, v28;
	_ =	sdelay $0x1  }
0x9e: {  	v35 =	vmul.f32 v31, v30;
	v18 =	vadd.f32 v34, v18;
	_ =	sdelay $0x1  }
0x9f: {  	v36 =	vmul.f32 v33, v32;
	v18 =	vadd.f32 v35, v18;
	_ =	sdelay $0x1  }
0xa0: {  	s26 =	spop (v2sf);
	v18 =	vadd.f32 v36, v18  }
0xa1: {  	s28 =	spop (v2sf)  }
0xa2: {  	s29 =	spop (v2sf);
	[tilespmem:$0x10480] =	vst v18  }
0xa3: {  	s30 =	spop (v2sf);
	v18 =	vld [tilespmem:s28+$0x4C00]  }
0xa4: {  	v37 =	vld [tilespmem:s30+$0xCC00]  }
0xa5: {  	v38 =	vld [tilespmem:s28+$0x4C10]  }
0xa6: {  	v39 =	vld [tilespmem:s30+$0xCC10]  }
0xa7: {  	v40 =	vld [tilespmem:s28+$0x4C20]  }
0xa8: {  	v41 =	vld [tilespmem:s30+$0xCC20]  }
0xa9: {  	v42 =	vld [tilespmem:s28+$0x4C30]  }
0xaa: {  	v43 =	vld [tilespmem:s30+$0xCC30]  }
0xab: {  	v18 =	vmul.f32 v37, v18;
	v44 =	vmul.f32 v39, v38;
	_ =	sdelay $0x1  }
0xac: {  	v45 =	vmul.f32 v41, v40;
	v18 =	vadd.f32 v44, v18;
	_ =	sdelay $0x1  }
0xad: {  	v46 =	vmul.f32 v43, v42;
	v18 =	vadd.f32 v45, v18;
	_ =	sdelay $0x1  }
0xae: {  	v18 =	vadd.f32 v46, v18;
	_ =	sdelay $0x1  }
0xaf: {  	(v2sf) =	vpush v16, $0x5;
	[tilespmem:$0x10500] =	vst v18  }
0xb0: {  	(v2sf) =	vpush v16, $0x4;
	v18 =	vld [tilespmem:s26+$0x5000]  }
0xb1: {  	(v2sf) =	vpush v17, $0x5;
	v47 =	vld [tilespmem:s29+$0xD000]  }
0xb2: {  	(v2sf) =	vpush v17, $0x4;
	v48 =	vld [tilespmem:s26+$0x5010]  }
0xb3: {  	v49 =	vld [tilespmem:s29+$0xD010]  }
0xb4: {  	v50 =	vld [tilespmem:s26+$0x5020]  }
0xb5: {  	v51 =	vld [tilespmem:s29+$0xD020]  }
0xb6: {  	v52 =	vld [tilespmem:s26+$0x5030]  }
0xb7: {  	v53 =	vld [tilespmem:s29+$0xD030]  }
0xb8: {  	v18 =	vmul.f32 v47, v18;
	v54 =	vmul.f32 v49, v48;
	_ =	sdelay $0x1  }
0xb9: {  	v55 =	vmul.f32 v51, v50;
	v18 =	vadd.f32 v54, v18;
	_ =	sdelay $0x1  }
0xba: {  	v56 =	vmul.f32 v53, v52;
	v18 =	vadd.f32 v55, v18;
	_ =	sdelay $0x1  }
0xbb: {  	s26 =	spop (v2sf);
	v18 =	vadd.f32 v56, v18  }
0xbc: {  	s28 =	spop (v2sf)  }
0xbd: {  	s29 =	spop (v2sf);
	[tilespmem:$0x10580] =	vst v18  }
0xbe: {  	s30 =	spop (v2sf);
	v18 =	vld [tilespmem:s28+$0x5400]  }
0xbf: {  	v57 =	vld [tilespmem:s30+$0xD400]  }
0xc0: {  	v58 =	vld [tilespmem:s28+$0x5410]  }
0xc1: {  	v59 =	vld [tilespmem:s30+$0xD410]  }
0xc2: {  	v60 =	vld [tilespmem:s28+$0x5420]  }
0xc3: {  	v61 =	vld [tilespmem:s30+$0xD420]  }
0xc4: {  	v62 =	vld [tilespmem:s28+$0x5430]  }
0xc5: {  	v63 =	vld [tilespmem:s30+$0xD430]  }
0xc6: {  	v18 =	vmul.f32 v57, v18;
	v26 =	vmul.f32 v59, v58;
	_ =	sdelay $0x1  }
0xc7: {  	v27 =	vmul.f32 v61, v60;
	v18 =	vadd.f32 v26, v18;
	_ =	sdelay $0x1  }
0xc8: {  	v28 =	vmul.f32 v63, v62;
	v18 =	vadd.f32 v27, v18;
	_ =	sdelay $0x1  }
0xc9: {  	v18 =	vadd.f32 v28, v18;
	_ =	sdelay $0x1  }
0xca: {  	(v2sf) =	vpush v16, $0x7;
	[tilespmem:$0x10600] =	vst v18  }
0xcb: {  	(v2sf) =	vpush v16, $0x6;
	v18 =	vld [tilespmem:s26+$0x5800]  }
0xcc: {  	(v2sf) =	vpush v17, $0x7;
	v29 =	vld [tilespmem:s29+$0xD800]  }
0xcd: {  	(v2sf) =	vpush v17, $0x6;
	v30 =	vld [tilespmem:s26+$0x5810]  }
0xce: {  	v31 =	vld [tilespmem:s29+$0xD810]  }
0xcf: {  	v32 =	vld [tilespmem:s26+$0x5820]  }
0xd0: {  	v33 =	vld [tilespmem:s29+$0xD820]  }
0xd1: {  	v34 =	vld [tilespmem:s26+$0x5830]  }
0xd2: {  	v35 =	vld [tilespmem:s29+$0xD830]  }
0xd3: {  	v18 =	vmul.f32 v29, v18;
	v36 =	vmul.f32 v31, v30;
	_ =	sdelay $0x1  }
0xd4: {  	v37 =	vmul.f32 v33, v32;
	v18 =	vadd.f32 v36, v18;
	_ =	sdelay $0x1  }
0xd5: {  	v38 =	vmul.f32 v35, v34;
	v18 =	vadd.f32 v37, v18;
	_ =	sdelay $0x1  }
0xd6: {  	s26 =	spop (v2sf);
	v18 =	vadd.f32 v38, v18  }
0xd7: {  	s28 =	spop (v2sf)  }
0xd8: {  	s29 =	spop (v2sf);
	[tilespmem:$0x10680] =	vst v18  }
0xd9: {  	s30 =	spop (v2sf);
	v18 =	vld [tilespmem:s28+$0x5C00]  }
0xda: {  	v39 =	vld [tilespmem:s30+$0xDC00]  }
0xdb: {  	v40 =	vld [tilespmem:s28+$0x5C10]  }
0xdc: {  	v41 =	vld [tilespmem:s30+$0xDC10]  }
0xdd: {  	v42 =	vld [tilespmem:s28+$0x5C20]  }
0xde: {  	v43 =	vld [tilespmem:s30+$0xDC20]  }
0xdf: {  	v44 =	vld [tilespmem:s28+$0x5C30]  }
0xe0: {  	v45 =	vld [tilespmem:s30+$0xDC30]  }
0xe1: {  	v18 =	vmul.f32 v39, v18;
	v46 =	vmul.f32 v41, v40;
	_ =	sdelay $0x1  }
0xe2: {  	v47 =	vmul.f32 v43, v42;
	v18 =	vadd.f32 v46, v18;
	_ =	sdelay $0x1  }
0xe3: {  	v48 =	vmul.f32 v45, v44;
	v18 =	vadd.f32 v47, v18;
	_ =	sdelay $0x1  }
0xe4: {  	v18 =	vadd.f32 v48, v18;
	_ =	sdelay $0x1  }
0xe5: {  	(v2sf) =	vpush v16, $0x9;
	[tilespmem:$0x10700] =	vst v18  }
0xe6: {  	(v2sf) =	vpush v16, $0x8;
	v18 =	vld [tilespmem:s26+$0x6000]  }
0xe7: {  	(v2sf) =	vpush v17, $0x9;
	v49 =	vld [tilespmem:s29+$0xE000]  }
0xe8: {  	(v2sf) =	vpush v17, $0x8;
	v50 =	vld [tilespmem:s26+$0x6010]  }
0xe9: {  	v51 =	vld [tilespmem:s29+$0xE010]  }
0xea: {  	v52 =	vld [tilespmem:s26+$0x6020]  }
0xeb: {  	v53 =	vld [tilespmem:s29+$0xE020]  }
0xec: {  	v54 =	vld [tilespmem:s26+$0x6030]  }
0xed: {  	v55 =	vld [tilespmem:s29+$0xE030]  }
0xee: {  	v18 =	vmul.f32 v49, v18;
	v56 =	vmul.f32 v51, v50;
	_ =	sdelay $0x1  }
0xef: {  	v57 =	vmul.f32 v53, v52;
	v18 =	vadd.f32 v56, v18;
	_ =	sdelay $0x1  }
0xf0: {  	v58 =	vmul.f32 v55, v54;
	v18 =	vadd.f32 v57, v18;
	_ =	sdelay $0x1  }
0xf1: {  	s26 =	spop (v2sf);
	v18 =	vadd.f32 v58, v18  }
0xf2: {  	s28 =	spop (v2sf)  }
0xf3: {  	s29 =	spop (v2sf);
	[tilespmem:$0x10780] =	vst v18  }
0xf4: {  	s30 =	spop (v2sf);
	v18 =	vld [tilespmem:s28+$0x6400]  }
0xf5: {  	v59 =	vld [tilespmem:s30+$0xE400]  }
0xf6: {  	v60 =	vld [tilespmem:s28+$0x6410]  }
0xf7: {  	v61 =	vld [tilespmem:s30+$0xE410]  }
0xf8: {  	v62 =	vld [tilespmem:s28+$0x6420]  }
0xf9: {  	v63 =	vld [tilespmem:s30+$0xE420]  }
0xfa: {  	v28 =	vld [tilespmem:s28+$0x6430]  }
0xfb: {  	v29 =	vld [tilespmem:s30+$0xE430]  }
0xfc: {  	v18 =	vmul.f32 v59, v18;
	v30 =	vmul.f32 v61, v60;
	_ =	sdelay $0x1  }
0xfd: {  	v31 =	vmul.f32 v63, v62;
	v18 =	vadd.f32 v30, v18;
	_ =	sdelay $0x1  }
0xfe: {  	v32 =	vmul.f32 v29, v28;
	v18 =	vadd.f32 v31, v18;
	_ =	sdelay $0x1  }
0xff: {  	v18 =	vadd.f32 v32, v18;
	_ =	sdelay $0x1  }
0x100: {  	(v2sf) =	vpush v16, $0xB;
	[tilespmem:$0x10800] =	vst v18  }
0x101: {  	(v2sf) =	vpush v16, $0xA;
	v18 =	vld [tilespmem:s26+$0x6800]  }
0x102: {  	(v2sf) =	vpush v17, $0xB;
	v33 =	vld [tilespmem:s29+$0xE800]  }
0x103: {  	(v2sf) =	vpush v17, $0xA;
	v34 =	vld [tilespmem:s26+$0x6810]  }
0x104: {  	v35 =	vld [tilespmem:s29+$0xE810]  }
0x105: {  	v36 =	vld [tilespmem:s26+$0x6820]  }
0x106: {  	v37 =	vld [tilespmem:s29+$0xE820]  }
0x107: {  	v38 =	vld [tilespmem:s26+$0x6830]  }
0x108: {  	v39 =	vld [tilespmem:s29+$0xE830]  }
0x109: {  	v18 =	vmul.f32 v33, v18;
	v40 =	vmul.f32 v35, v34;
	_ =	sdelay $0x1  }
0x10a: {  	v41 =	vmul.f32 v37, v36;
	v18 =	vadd.f32 v40, v18;
	_ =	sdelay $0x1  }
0x10b: {  	v42 =	vmul.f32 v39, v38;
	v18 =	vadd.f32 v41, v18;
	_ =	sdelay $0x1  }
0x10c: {  	s26 =	spop (v2sf);
	v18 =	vadd.f32 v42, v18  }
0x10d: {  	s28 =	spop (v2sf)  }
0x10e: {  	s29 =	spop (v2sf);
	[tilespmem:$0x10880] =	vst v18  }
0x10f: {  	s30 =	spop (v2sf);
	v18 =	vld [tilespmem:s28+$0x6C00]  }
0x110: {  	v43 =	vld [tilespmem:s30+$0xEC00]  }
0x111: {  	v44 =	vld [tilespmem:s28+$0x6C10]  }
0x112: {  	v45 =	vld [tilespmem:s30+$0xEC10]  }
0x113: {  	v46 =	vld [tilespmem:s28+$0x6C20]  }
0x114: {  	v47 =	vld [tilespmem:s30+$0xEC20]  }
0x115: {  	v48 =	vld [tilespmem:s28+$0x6C30]  }
0x116: {  	v49 =	vld [tilespmem:s30+$0xEC30]  }
0x117: {  	v18 =	vmul.f32 v43, v18;
	v50 =	vmul.f32 v45, v44;
	_ =	sdelay $0x1  }
0x118: {  	v51 =	vmul.f32 v47, v46;
	v18 =	vadd.f32 v50, v18;
	_ =	sdelay $0x1  }
0x119: {  	v52 =	vmul.f32 v49, v48;
	v18 =	vadd.f32 v51, v18;
	_ =	sdelay $0x1  }
0x11a: {  	v18 =	vadd.f32 v52, v18;
	_ =	sdelay $0x1  }
0x11b: {  	(v2sf) =	vpush v16, $0xD;
	[tilespmem:$0x10900] =	vst v18  }
0x11c: {  	(v2sf) =	vpush v16, $0xC;
	v18 =	vld [tilespmem:s26+$0x7000]  }
0x11d: {  	(v2sf) =	vpush v17, $0xD;
	v53 =	vld [tilespmem:s29+$0xF000]  }
0x11e: {  	(v2sf) =	vpush v17, $0xC;
	v54 =	vld [tilespmem:s26+$0x7010]  }
0x11f: {  	v55 =	vld [tilespmem:s29+$0xF010]  }
0x120: {  	v56 =	vld [tilespmem:s26+$0x7020]  }
0x121: {  	v57 =	vld [tilespmem:s29+$0xF020]  }
0x122: {  	v58 =	vld [tilespmem:s26+$0x7030]  }
0x123: {  	v59 =	vld [tilespmem:s29+$0xF030]  }
0x124: {  	v18 =	vmul.f32 v53, v18;
	v60 =	vmul.f32 v55, v54;
	_ =	sdelay $0x1  }
0x125: {  	v61 =	vmul.f32 v57, v56;
	v18 =	vadd.f32 v60, v18;
	_ =	sdelay $0x1  }
0x126: {  	v62 =	vmul.f32 v59, v58;
	v18 =	vadd.f32 v61, v18;
	_ =	sdelay $0x1  }
0x127: {  	s26 =	spop (v2sf);
	v18 =	vadd.f32 v62, v18  }
0x128: {  	s28 =	spop (v2sf)  }
0x129: {  	s29 =	spop (v2sf);
	[tilespmem:$0x10980] =	vst v18  }
0x12a: {  	s30 =	spop (v2sf);
	v18 =	vld [tilespmem:s28+$0x7400]  }
0x12b: {  	v63 =	vld [tilespmem:s30+$0xF400]  }
0x12c: {  	v28 =	vld [tilespmem:s28+$0x7410]  }
0x12d: {  	v29 =	vld [tilespmem:s30+$0xF410]  }
0x12e: {  	v30 =	vld [tilespmem:s28+$0x7420]  }
0x12f: {  	v31 =	vld [tilespmem:s30+$0xF420]  }
0x130: {  	v32 =	vld [tilespmem:s28+$0x7430]  }
0x131: {  	v33 =	vld [tilespmem:s30+$0xF430]  }
0x132: {  	v18 =	vmul.f32 v63, v18;
	v34 =	vmul.f32 v29, v28;
	_ =	sdelay $0x1  }
0x133: {  	v35 =	vmul.f32 v31, v30;
	v18 =	vadd.f32 v34, v18;
	_ =	sdelay $0x1  }
0x134: {  	v36 =	vmul.f32 v33, v32;
	v18 =	vadd.f32 v35, v18;
	_ =	sdelay $0x1  }
0x135: {  	v18 =	vadd.f32 v36, v18;
	_ =	sdelay $0x1  }
0x136: {  	(v2sf) =	vpush v16, $0xF;
	[tilespmem:$0x10A00] =	vst v18  }
0x137: {  	(v2sf) =	vpush v16, $0xE;
	v18 =	vld [tilespmem:s26+$0x7800]  }
0x138: {  	(v2sf) =	vpush v17, $0xF;
	v16 =	vld [tilespmem:s29+$0xF800]  }
0x139: {  	(v2sf) =	vpush v17, $0xE;
	v37 =	vld [tilespmem:s26+$0x7810]  }
0x13a: {  	v17 =	vld [tilespmem:s29+$0xF810]  }
0x13b: {  	v38 =	vld [tilespmem:s26+$0x7820]  }
0x13c: {  	v39 =	vld [tilespmem:s29+$0xF820]  }
0x13d: {  	v40 =	vld [tilespmem:s26+$0x7830]  }
0x13e: {  	v41 =	vld [tilespmem:s29+$0xF830]  }
0x13f: {  	v16 =	vmul.f32 v16, v18;
	v17 =	vmul.f32 v17, v37;
	_ =	sdelay $0x1  }
0x140: {  	v16 =	vadd.f32 v17, v16;
	v17 =	vmul.f32 v39, v38;
	_ =	sdelay $0x1  }
0x141: {  	v16 =	vadd.f32 v17, v16;
	v17 =	vmul.f32 v41, v40;
	_ =	sdelay $0x1  }
0x142: {  	s26 =	spop (v2sf);
	v16 =	vadd.f32 v17, v16  }
0x143: {  	s28 =	spop (v2sf)  }
0x144: {  	s29 =	spop (v2sf);
	[tilespmem:$0x10A80] =	vst v16  }
0x145: {  	s30 =	spop (v2sf);
	v16 =	vld [tilespmem:s28+$0x7C00]  }
0x146: {  	v17 =	vld [tilespmem:s30+$0xFC00]  }
0x147: {  	v42 =	vld [tilespmem:s28+$0x7C10]  }
0x148: {  	v43 =	vld [tilespmem:s30+$0xFC10]  }
0x149: {  	v44 =	vld [tilespmem:s28+$0x7C20]  }
0x14a: {  	v45 =	vld [tilespmem:s30+$0xFC20]  }
0x14b: {  	v46 =	vld [tilespmem:s28+$0x7C30]  }
0x14c: {  	v47 =	vld [tilespmem:s30+$0xFC30]  }
0x14d: {  	v16 =	vmul.f32 v17, v16;
	v17 =	vmul.f32 v43, v42;
	_ =	sdelay $0x1  }
0x14e: {  	v16 =	vadd.f32 v17, v16;
	v17 =	vmul.f32 v45, v44;
	_ =	sdelay $0x1  }
0x14f: {  	v16 =	vadd.f32 v17, v16;
	v17 =	vmul.f32 v47, v46;
	_ =	sdelay $0x1  }
0x150: {  	v16 =	vadd.f32 v17, v16;
	_ =	sdelay $0x1  }
0x151: {  	[tilespmem:$0x10B00] =	vst v16  }
0x152: {  	v16 =	vld [tilespmem:s26+$0x8000]  }
0x153: {  	v17 =	vld [tilespmem:s29+$0x10000]  }
0x154: {  	v48 =	vld [tilespmem:s26+$0x8010]  }
0x155: {  	v49 =	vld [tilespmem:s29+$0x10010]  }
0x156: {  	v50 =	vld [tilespmem:s26+$0x8020]  }
0x157: {  	v51 =	vld [tilespmem:s29+$0x10020]  }
0x158: {  	v52 =	vld [tilespmem:s26+$0x8030]  }
0x159: {  	v53 =	vld [tilespmem:s29+$0x10030]  }
0x15a: {  	v16 =	vmul.f32 v17, v16;
	v17 =	vmul.f32 v49, v48;
	_ =	sdelay $0x1  }
0x15b: {  	v16 =	vadd.f32 v17, v16;
	v17 =	vmul.f32 v51, v50;
	_ =	sdelay $0x1  }
0x15c: {  	v16 =	vadd.f32 v17, v16;
	v17 =	vmul.f32 v53, v52;
	_ =	sdelay $0x1  }
0x15d: {  	v16 =	vadd.f32 v17, v16;
	_ =	sdelay $0x1  }
0x15e: {  	[tilespmem:$0x10B80] =	vst v16  }
0x15f: {  	v16 =	vld.idx.msk [tilespmem:v0+s21+$0x0], $0xffff  }
0x160: {  	v17 =	vld.idx.msk [tilespmem:v1+s21+$0x0], $0xffff;
	_ =	sdelay $0x1  }
0x161: {  	v54 =	vld.idx.msk [tilespmem:v2+s21+$0x0], $0xffff;
	_ =	sdelay $0x1  }
0x162: {  	v55 =	vld.idx.msk [tilespmem:v3+s21+$0x0], $0xffff  }
0x163: {  	v16 =	vadd.f32 v17, v16  }
0x164: {  	v17 =	vld.idx.msk [tilespmem:v4+s21+$0x0], $0xffff  }
0x165: {  	v16 =	vadd.f32 v54, v16  }
0x166: {  	v56 =	vld.idx.msk [tilespmem:v5+s21+$0x0], $0xffff  }
0x167: {  	v16 =	vadd.f32 v55, v16  }
0x168: {  	v57 =	vld.idx.msk [tilespmem:v6+s21+$0x0], $0xffff  }
0x169: {  	v16 =	vadd.f32 v17, v16  }
0x16a: {  	v17 =	vld.idx.msk [tilespmem:v7+s21+$0x0], $0xffff  }
0x16b: {  	v16 =	vadd.f32 v56, v16  }
0x16c: {  	v58 =	vld.idx.msk [tilespmem:v8+s21+$0x0], $0xffff  }
0x16d: {  	v16 =	vadd.f32 v57, v16  }
0x16e: {  	v59 =	vld.idx.msk [tilespmem:v9+s21+$0x0], $0xffff  }
0x16f: {  	v16 =	vadd.f32 v17, v16  }
0x170: {  	v17 =	vld.idx.msk [tilespmem:v10+s21+$0x0], $0xffff  }
0x171: {  	v16 =	vadd.f32 v58, v16  }
0x172: {  	v60 =	vld.idx.msk [tilespmem:v11+s21+$0x0], $0xffff  }
0x173: {  	v16 =	vadd.f32 v59, v16  }
0x174: {  	v61 =	vld.idx.msk [tilespmem:v12+s21+$0x0], $0xffff  }
0x175: {  	v16 =	vadd.f32 v17, v16  }
0x176: {  	v17 =	vld.idx.msk [tilespmem:v13+s21+$0x0], $0xffff  }
0x177: {  	v16 =	vadd.f32 v60, v16  }
0x178: {  	v62 =	vld.idx.msk [tilespmem:v14+s21+$0x0], $0xffff  }
0x179: {  	v16 =	vadd.f32 v61, v16  }
0x17a: {  	v63 =	vld.idx.msk [tilespmem:v15+s21+$0x0], $0xffff  }
0x17b: {  	s24 =	sadd.s32 $0x80, s24;
	v16 =	vadd.f32 v17, v16  }
0x17c: {  	p0 =	sne.s32 s24, $0x800  }
.Ltmp3:
0x17d: {  	v16 =	vadd.f32 v62, v16;
	(pc) =	sbr.rel @!p0 .LBB2_5-.Ltmp3, $3  }
0x17e: {  	_ = 	snop  }
0x17f: {  	v16 =	vadd.f32 v63, v16;
	_ =	sdelay $0x1  }
0x180: {  	[tilespmem:s25+$0x10C10] =	vst v16  }
.LBB2_2:
0x181: {  	s25 =	sshra.s32 s24, $0x2  }
0x182: {  	v16 =	vld [tilespmem:s25+$0x10];
	_ =	sdelay $0x1  }
0x183: {  	v17 =	vld [tilespmem:s25+$0x210];
	_ =	sdelay $0x2  }
0x184: {  	v16 =	vand.u32 $0xFFFFFFF8, v16  }
0x185: {  	v16 =	vshll.u32 v16, $0x4  }
0x186: {  	v17 =	vand.u32 $0xFFFFFFF8, v17;
	v16 =	vadd.s32 s3, v16  }
0x187: {  	v17 =	vshll.u32 v17, $0x4;
	(v2sf) =	vpush v16, $0x0  }
0x188: {  	v17 =	vadd.s32 s4, v17  }
0x189: {  	(v2sf) =	vpush v17, $0x0;
	_ =	sdelay $0x1  }
0x18a: {  	(v2sf) =	vpush v16, $0x1;
	_ =	sdelay $0x1  }
0x18b: {  	(v2sf) =	vpush v17, $0x1;
	_ =	sdelay $0x1  }
0x18c: {  	(v2sf) =	vpush v16, $0x2;
	_ =	sdelay $0x1  }
0x18d: {  	(v2sf) =	vpush v17, $0x2;
	_ =	sdelay $0x1  }
0x18e: {  	(v2sf) =	vpush v16, $0x3;
	_ =	sdelay $0x1  }
0x18f: {  	(v2sf) =	vpush v17, $0x3  }
0x190: {  	s28 =	simm.s32 $0x4400;
	s26 =	spop (v2sf)  }
0x191: {  	(v2sf) =	vpush v16, $0x4;
	[tilespmem:s28], [sflag:$0x2] =	stream.linear.gather [hbm4b:s26+s1], $0x400, $0x38;
	[tilespmem:$0x10E00] =	vst v63  }
0x192: {  	s30 =	simm.s32 $0xC400;
	s29 =	spop (v2sf)  }
0x193: {  	(v2sf) =	vpush v17, $0x4;
	[tilespmem:s30], [sflag:$0x4] =	stream.linear.gather [hbm4b:s29+s1], $0x400, $0x38;
	[tilespmem:$0x10E00] =	vst v63  }
0x194: {  	s29 =	spop (v2sf);
	s30 =	simm.s32 $0x4800  }
0x195: {  	(v2sf) =	vpush v16, $0x5;
	[tilespmem:s30], [sflag:$0x2] =	stream.linear.gather [hbm4b:s29+s1], $0x400, $0x38;
	[tilespmem:$0x10E00] =	vst v63  }
0x196: {  	s29 =	spop (v2sf);
	s30 =	simm.s32 $0xC800  }
0x197: {  	(v2sf) =	vpush v17, $0x5;
	[tilespmem:s30], [sflag:$0x4] =	stream.linear.gather [hbm4b:s29+s1], $0x400, $0x38;
	[tilespmem:$0x10E00] =	vst v63  }
0x198: {  	s29 =	spop (v2sf);
	s30 =	simm.s32 $0x4C00  }
0x199: {  	(v2sf) =	vpush v16, $0x6;
	[tilespmem:s30], [sflag:$0x2] =	stream.linear.gather [hbm4b:s29+s1], $0x400, $0x38;
	[tilespmem:$0x10E00] =	vst v63  }
0x19a: {  	s29 =	spop (v2sf);
	s30 =	simm.s32 $0xCC00  }
0x19b: {  	(v2sf) =	vpush v17, $0x6;
	[tilespmem:s30], [sflag:$0x4] =	stream.linear.gather [hbm4b:s29+s1], $0x400, $0x38;
	[tilespmem:$0x10E00] =	vst v63  }
0x19c: {  	s29 =	spop (v2sf);
	s30 =	simm.s32 $0x5000  }
0x19d: {  	(v2sf) =	vpush v16, $0x7;
	[tilespmem:s30], [sflag:$0x2] =	stream.linear.gather [hbm4b:s29+s1], $0x400, $0x38;
	[tilespmem:$0x10E00] =	vst v63  }
0x19e: {  	s29 =	spop (v2sf);
	s30 =	simm.s32 $0xD000  }
0x19f: {  	(v2sf) =	vpush v17, $0x7;
	[tilespmem:s30], [sflag:$0x4] =	stream.linear.gather [hbm4b:s29+s1], $0x400, $0x38;
	[tilespmem:$0x10E00] =	vst v63  }
0x1a0: {  	s29 =	spop (v2sf);
	s30 =	simm.s32 $0x5400  }
0x1a1: {  	(v2sf) =	vpush v16, $0x8;
	[tilespmem:s30], [sflag:$0x2] =	stream.linear.gather [hbm4b:s29+s1], $0x400, $0x38;
	[tilespmem:$0x10E00] =	vst v63  }
0x1a2: {  	s29 =	spop (v2sf);
	s30 =	simm.s32 $0xD400  }
0x1a3: {  	(v2sf) =	vpush v17, $0x8;
	[tilespmem:s30], [sflag:$0x4] =	stream.linear.gather [hbm4b:s29+s1], $0x400, $0x38;
	[tilespmem:$0x10E00] =	vst v63  }
0x1a4: {  	s29 =	spop (v2sf);
	s30 =	simm.s32 $0x5800  }
0x1a5: {  	(v2sf) =	vpush v16, $0x9;
	[tilespmem:s30], [sflag:$0x2] =	stream.linear.gather [hbm4b:s29+s1], $0x400, $0x38;
	[tilespmem:$0x10E00] =	vst v63  }
0x1a6: {  	s29 =	spop (v2sf);
	s30 =	simm.s32 $0xD800  }
0x1a7: {  	(v2sf) =	vpush v17, $0x9;
	[tilespmem:s30], [sflag:$0x4] =	stream.linear.gather [hbm4b:s29+s1], $0x400, $0x38;
	[tilespmem:$0x10E00] =	vst v63  }
0x1a8: {  	s29 =	spop (v2sf);
	s30 =	simm.s32 $0x5C00  }
0x1a9: {  	(v2sf) =	vpush v16, $0xA;
	[tilespmem:s30], [sflag:$0x2] =	stream.linear.gather [hbm4b:s29+s1], $0x400, $0x38;
	[tilespmem:$0x10E00] =	vst v63  }
0x1aa: {  	s29 =	spop (v2sf);
	s30 =	simm.s32 $0xDC00  }
0x1ab: {  	(v2sf) =	vpush v17, $0xA;
	[tilespmem:s30], [sflag:$0x4] =	stream.linear.gather [hbm4b:s29+s1], $0x400, $0x38;
	[tilespmem:$0x10E00] =	vst v63  }
0x1ac: {  	s29 =	spop (v2sf);
	s30 =	simm.s32 $0x6000  }
0x1ad: {  	(v2sf) =	vpush v16, $0xB;
	[tilespmem:s30], [sflag:$0x2] =	stream.linear.gather [hbm4b:s29+s1], $0x400, $0x38;
	[tilespmem:$0x10E00] =	vst v63  }
0x1ae: {  	s29 =	spop (v2sf)  }
0x1af: {  	(v2sf) =	vpush v17, $0xB;
	[tilespmem:s31], [sflag:$0x4] =	stream.linear.gather [hbm4b:s29+s1], $0x400, $0x38;
	[tilespmem:$0x10E00] =	vst v63  }
0x1b0: {  	s30 =	spop (v2sf)  }
0x1b1: {  	(v2sf) =	vpush v16, $0xC;
	[tilespmem:s0], [sflag:$0x2] =	stream.linear.gather [hbm4b:s30+s1], $0x400, $0x38;
	[tilespmem:$0x10E00] =	vst v63  }
0x1b2: {  	s28 =	spop (v2sf)  }
0x1b3: {  	(v2sf) =	vpush v17, $0xC;
	[tilespmem:s2], [sflag:$0x4] =	stream.linear.gather [hbm4b:s28+s1], $0x400, $0x38;
	[tilespmem:$0x10E00] =	vst v63  }
0x1b4: {  	s29 =	spop (v2sf)  }
0x1b5: {  	(v2sf) =	vpush v16, $0xD;
	[tilespmem:s10], [sflag:$0x2] =	stream.linear.gather [hbm4b:s29+s1], $0x400, $0x38;
	[tilespmem:$0x10E00] =	vst v63  }
0x1b6: {  	s30 =	spop (v2sf)  }
0x1b7: {  	(v2sf) =	vpush v17, $0xD;
	[tilespmem:s5], [sflag:$0x4] =	stream.linear.gather [hbm4b:s30+s1], $0x400, $0x38;
	[tilespmem:$0x10E00] =	vst v63  }
0x1b8: {  	s28 =	spop (v2sf)  }
0x1b9: {  	(v2sf) =	vpush v16, $0xE;
	[tilespmem:s6], [sflag:$0x2] =	stream.linear.gather [hbm4b:s28+s1], $0x400, $0x38;
	[tilespmem:$0x10E00] =	vst v63  }
0x1ba: {  	s29 =	spop (v2sf)  }
0x1bb: {  	(v2sf) =	vpush v17, $0xE;
	[tilespmem:s7], [sflag:$0x4] =	stream.linear.gather [hbm4b:s29+s1], $0x400, $0x38;
	[tilespmem:$0x10E00] =	vst v63  }
0x1bc: {  	s30 =	spop (v2sf)  }
0x1bd: {  	(v2sf) =	vpush v16, $0xF;
	[tilespmem:s8], [sflag:$0x2] =	stream.linear.gather [hbm4b:s30+s1], $0x400, $0x38;
	[tilespmem:$0x10E00] =	vst v63  }
0x1be: {  	s28 =	spop (v2sf)  }
0x1bf: {  	(v2sf) =	vpush v17, $0xF;
	[tilespmem:s9], [sflag:$0x4] =	stream.linear.gather [hbm4b:s28+s1], $0x400, $0x38;
	[tilespmem:$0x10E00] =	vst v63  }
0x1c0: {  	s29 =	spop (v2sf)  }
0x1c1: {  	[tilespmem:s11], [sflag:$0x2] =	stream.linear.gather [hbm4b:s29+s1], $0x400, $0x38;
	[tilespmem:$0x10E00] =	vst v63  }
0x1c2: {  	s30 =	spop (v2sf)  }
0x1c3: {  	[tilespmem:s12], [sflag:$0x4] =	stream.linear.gather [hbm4b:s30+s1], $0x400, $0x38;
	[tilespmem:$0x10E00] =	vst v63  }
0x1c4: {  	s28 =	spop (v2sf)  }
0x1c5: {  	[tilespmem:s13], [sflag:$0x2] =	stream.linear.gather [hbm4b:s28+s1], $0x400, $0x38;
	[tilespmem:$0x10E00] =	vst v63  }
0x1c6: {  	s29 =	spop (v2sf)  }
0x1c7: {  	[tilespmem:s14], [sflag:$0x4] =	stream.linear.gather [hbm4b:s29+s1], $0x400, $0x38;
	[tilespmem:$0x10E00] =	vst v63  }
0x1c8: {  	s30 =	spop (v2sf)  }
0x1c9: {  	[tilespmem:s15], [sflag:$0x2] =	stream.linear.gather [hbm4b:s30+s1], $0x400, $0x38;
	[tilespmem:$0x10E00] =	vst v63  }
0x1ca: {  	s28 =	spop (v2sf)  }
0x1cb: {  	[tilespmem:s16], [sflag:$0x4] =	stream.linear.gather [hbm4b:s28+s1], $0x400, $0x38;
	[tilespmem:$0x10E00] =	vst v63  }
0x1cc: {  	s29 =	spop (v2sf)  }
0x1cd: {  	[tilespmem:s17], [sflag:$0x2] =	stream.linear.gather [hbm4b:s29+s1], $0x400, $0x38;
	[tilespmem:$0x10E00] =	vst v63  }
0x1ce: {  	s30 =	spop (v2sf)  }
0x1cf: {  	[tilespmem:s18], [sflag:$0x4] =	stream.linear.gather [hbm4b:s30+s1], $0x400, $0x38;
	[tilespmem:$0x10E00] =	vst v63  }
0x1d0: {  	_ =	swait.ge [sflag:s19], $0x4000  }
0x1d1: {  	[sflag:s19] =	ssyncset.done $0x0  }
0x1d2: {  	[sflag:s19] =	ssyncadd.s32 $0xFFFFC000  }
0x1d3: {  	_ =	swait.ge [sflag:s20], $0x4000  }
0x1d4: {  	[sflag:s20] =	ssyncset.done $0x0  }
0x1d5: {  	[sflag:s20] =	ssyncadd.s32 $0xFFFFC000  }
0x1d6: {  	v16 =	vld [tilespmem:s25+$0x0];
	_ =	sdelay $0x1  }
0x1d7: {  	v17 =	vld [tilespmem:s25+$0x200];
	_ =	sdelay $0x2  }
0x1d8: {  	v16 =	vand.u32 $0x7, v16  }
0x1d9: {  	v16 =	vshll.u32 v16, $0x7  }
0x1da: {  	v17 =	vand.u32 $0x7, v17;
	(v2sf) =	vpush v16, $0x1  }
0x1db: {  	v17 =	vshll.u32 v17, $0x7;
	(v2sf) =	vpush v16, $0x0  }
0x1dc: {  	(v2sf) =	vpush v17, $0x1  }
0x1dd: {  	(v2sf) =	vpush v17, $0x0;
	_ =	sdelay $0xb  }
0x1de: {  	s26 =	spop (v2sf)  }
0x1df: {  	s28 =	spop (v2sf)  }
0x1e0: {  	s29 =	spop (v2sf);
	v18 =	vld [tilespmem:s28+$0x400]  }
0x1e1: {  	v20 =	vld [tilespmem:s28+$0x410];
	s30 =	spop (v2sf)  }
0x1e2: {  	v19 =	vld [tilespmem:s30+$0x8400]  }
0x1e3: {  	v21 =	vld [tilespmem:s30+$0x8410]  }
0x1e4: {  	v22 =	vld [tilespmem:s28+$0x420]  }
0x1e5: {  	v23 =	vld [tilespmem:s30+$0x8420]  }
0x1e6: {  	v24 =	vld [tilespmem:s28+$0x430]  }
0x1e7: {  	v25 =	vld [tilespmem:s30+$0x8430]  }
0x1e8: {  	v18 =	vmul.f32 v19, v18;
	v60 =	vmul.f32 v21, v20;
	_ =	sdelay $0x1  }
0x1e9: {  	v61 =	vmul.f32 v23, v22;
	v18 =	vadd.f32 v60, v18;
	_ =	sdelay $0x1  }
0x1ea: {  	v62 =	vmul.f32 v25, v24;
	v18 =	vadd.f32 v61, v18;
	_ =	sdelay $0x1  }
0x1eb: {  	v18 =	vadd.f32 v62, v18;
	_ =	sdelay $0x1  }
0x1ec: {  	(v2sf) =	vpush v16, $0x3;
	[tilespmem:$0x10400] =	vst v18  }
0x1ed: {  	(v2sf) =	vpush v16, $0x2;
	v18 =	vld [tilespmem:s26+$0x800]  }
0x1ee: {  	(v2sf) =	vpush v17, $0x3;
	v63 =	vld [tilespmem:s29+$0x8800]  }
0x1ef: {  	(v2sf) =	vpush v17, $0x2;
	v28 =	vld [tilespmem:s26+$0x810]  }
0x1f0: {  	v29 =	vld [tilespmem:s29+$0x8810]  }
0x1f1: {  	v30 =	vld [tilespmem:s26+$0x820]  }
0x1f2: {  	v31 =	vld [tilespmem:s29+$0x8820]  }
0x1f3: {  	v32 =	vld [tilespmem:s26+$0x830]  }
0x1f4: {  	v33 =	vld [tilespmem:s29+$0x8830]  }
0x1f5: {  	v18 =	vmul.f32 v63, v18;
	v34 =	vmul.f32 v29, v28;
	_ =	sdelay $0x1  }
0x1f6: {  	v35 =	vmul.f32 v31, v30;
	v18 =	vadd.f32 v34, v18;
	_ =	sdelay $0x1  }
0x1f7: {  	v36 =	vmul.f32 v33, v32;
	v18 =	vadd.f32 v35, v18;
	_ =	sdelay $0x1  }
0x1f8: {  	s26 =	spop (v2sf);
	v18 =	vadd.f32 v36, v18  }
0x1f9: {  	s28 =	spop (v2sf)  }
0x1fa: {  	s29 =	spop (v2sf);
	[tilespmem:$0x10480] =	vst v18  }
0x1fb: {  	s30 =	spop (v2sf);
	v18 =	vld [tilespmem:s28+$0xC00]  }
0x1fc: {  	v37 =	vld [tilespmem:s30+$0x8C00]  }
0x1fd: {  	v38 =	vld [tilespmem:s28+$0xC10]  }
0x1fe: {  	v39 =	vld [tilespmem:s30+$0x8C10]  }
0x1ff: {  	v40 =	vld [tilespmem:s28+$0xC20]  }
0x200: {  	v41 =	vld [tilespmem:s30+$0x8C20]  }
0x201: {  	v42 =	vld [tilespmem:s28+$0xC30]  }
0x202: {  	v43 =	vld [tilespmem:s30+$0x8C30]  }
0x203: {  	v18 =	vmul.f32 v37, v18;
	v44 =	vmul.f32 v39, v38;
	_ =	sdelay $0x1  }
0x204: {  	v45 =	vmul.f32 v41, v40;
	v18 =	vadd.f32 v44, v18;
	_ =	sdelay $0x1  }
0x205: {  	v46 =	vmul.f32 v43, v42;
	v18 =	vadd.f32 v45, v18;
	_ =	sdelay $0x1  }
0x206: {  	v18 =	vadd.f32 v46, v18;
	_ =	sdelay $0x1  }
0x207: {  	(v2sf) =	vpush v16, $0x5;
	[tilespmem:$0x10500] =	vst v18  }
0x208: {  	(v2sf) =	vpush v16, $0x4;
	v18 =	vld [tilespmem:s26+$0x1000]  }
0x209: {  	(v2sf) =	vpush v17, $0x5;
	v47 =	vld [tilespmem:s29+$0x9000]  }
0x20a: {  	(v2sf) =	vpush v17, $0x4;
	v48 =	vld [tilespmem:s26+$0x1010]  }
0x20b: {  	v49 =	vld [tilespmem:s29+$0x9010]  }
0x20c: {  	v50 =	vld [tilespmem:s26+$0x1020]  }
0x20d: {  	v51 =	vld [tilespmem:s29+$0x9020]  }
0x20e: {  	v52 =	vld [tilespmem:s26+$0x1030]  }
0x20f: {  	v53 =	vld [tilespmem:s29+$0x9030]  }
0x210: {  	v18 =	vmul.f32 v47, v18;
	v54 =	vmul.f32 v49, v48;
	_ =	sdelay $0x1  }
0x211: {  	v55 =	vmul.f32 v51, v50;
	v18 =	vadd.f32 v54, v18;
	_ =	sdelay $0x1  }
0x212: {  	v56 =	vmul.f32 v53, v52;
	v18 =	vadd.f32 v55, v18;
	_ =	sdelay $0x1  }
0x213: {  	s26 =	spop (v2sf);
	v18 =	vadd.f32 v56, v18  }
0x214: {  	s28 =	spop (v2sf)  }
0x215: {  	s29 =	spop (v2sf);
	[tilespmem:$0x10580] =	vst v18  }
0x216: {  	s30 =	spop (v2sf);
	v18 =	vld [tilespmem:s28+$0x1400]  }
0x217: {  	v57 =	vld [tilespmem:s30+$0x9400]  }
0x218: {  	v58 =	vld [tilespmem:s28+$0x1410]  }
0x219: {  	v59 =	vld [tilespmem:s30+$0x9410]  }
0x21a: {  	v60 =	vld [tilespmem:s28+$0x1420]  }
0x21b: {  	v61 =	vld [tilespmem:s30+$0x9420]  }
0x21c: {  	v62 =	vld [tilespmem:s28+$0x1430]  }
0x21d: {  	v63 =	vld [tilespmem:s30+$0x9430]  }
0x21e: {  	v18 =	vmul.f32 v57, v18;
	v26 =	vmul.f32 v59, v58;
	_ =	sdelay $0x1  }
0x21f: {  	v27 =	vmul.f32 v61, v60;
	v18 =	vadd.f32 v26, v18;
	_ =	sdelay $0x1  }
0x220: {  	v28 =	vmul.f32 v63, v62;
	v18 =	vadd.f32 v27, v18;
	_ =	sdelay $0x1  }
0x221: {  	v18 =	vadd.f32 v28, v18;
	_ =	sdelay $0x1  }
0x222: {  	(v2sf) =	vpush v16, $0x7;
	[tilespmem:$0x10600] =	vst v18  }
0x223: {  	(v2sf) =	vpush v16, $0x6;
	v18 =	vld [tilespmem:s26+$0x1800]  }
0x224: {  	(v2sf) =	vpush v17, $0x7;
	v29 =	vld [tilespmem:s29+$0x9800]  }
0x225: {  	(v2sf) =	vpush v17, $0x6;
	v30 =	vld [tilespmem:s26+$0x1810]  }
0x226: {  	v31 =	vld [tilespmem:s29+$0x9810]  }
0x227: {  	v32 =	vld [tilespmem:s26+$0x1820]  }
0x228: {  	v33 =	vld [tilespmem:s29+$0x9820]  }
0x229: {  	v34 =	vld [tilespmem:s26+$0x1830]  }
0x22a: {  	v35 =	vld [tilespmem:s29+$0x9830]  }
0x22b: {  	v18 =	vmul.f32 v29, v18;
	v36 =	vmul.f32 v31, v30;
	_ =	sdelay $0x1  }
0x22c: {  	v37 =	vmul.f32 v33, v32;
	v18 =	vadd.f32 v36, v18;
	_ =	sdelay $0x1  }
0x22d: {  	v38 =	vmul.f32 v35, v34;
	v18 =	vadd.f32 v37, v18;
	_ =	sdelay $0x1  }
0x22e: {  	s26 =	spop (v2sf);
	v18 =	vadd.f32 v38, v18  }
0x22f: {  	s28 =	spop (v2sf)  }
0x230: {  	s29 =	spop (v2sf);
	[tilespmem:$0x10680] =	vst v18  }
0x231: {  	s30 =	spop (v2sf);
	v18 =	vld [tilespmem:s28+$0x1C00]  }
0x232: {  	v39 =	vld [tilespmem:s30+$0x9C00]  }
0x233: {  	v40 =	vld [tilespmem:s28+$0x1C10]  }
0x234: {  	v41 =	vld [tilespmem:s30+$0x9C10]  }
0x235: {  	v42 =	vld [tilespmem:s28+$0x1C20]  }
0x236: {  	v43 =	vld [tilespmem:s30+$0x9C20]  }
0x237: {  	v44 =	vld [tilespmem:s28+$0x1C30]  }
0x238: {  	v45 =	vld [tilespmem:s30+$0x9C30]  }
0x239: {  	v18 =	vmul.f32 v39, v18;
	v46 =	vmul.f32 v41, v40;
	_ =	sdelay $0x1  }
0x23a: {  	v47 =	vmul.f32 v43, v42;
	v18 =	vadd.f32 v46, v18;
	_ =	sdelay $0x1  }
0x23b: {  	v48 =	vmul.f32 v45, v44;
	v18 =	vadd.f32 v47, v18;
	_ =	sdelay $0x1  }
0x23c: {  	v18 =	vadd.f32 v48, v18;
	_ =	sdelay $0x1  }
0x23d: {  	(v2sf) =	vpush v16, $0x9;
	[tilespmem:$0x10700] =	vst v18  }
0x23e: {  	(v2sf) =	vpush v16, $0x8;
	v18 =	vld [tilespmem:s26+$0x2000]  }
0x23f: {  	(v2sf) =	vpush v17, $0x9;
	v49 =	vld [tilespmem:s29+$0xA000]  }
0x240: {  	(v2sf) =	vpush v17, $0x8;
	v50 =	vld [tilespmem:s26+$0x2010]  }
0x241: {  	v51 =	vld [tilespmem:s29+$0xA010]  }
0x242: {  	v52 =	vld [tilespmem:s26+$0x2020]  }
0x243: {  	v53 =	vld [tilespmem:s29+$0xA020]  }
0x244: {  	v54 =	vld [tilespmem:s26+$0x2030]  }
0x245: {  	v55 =	vld [tilespmem:s29+$0xA030]  }
0x246: {  	v18 =	vmul.f32 v49, v18;
	v56 =	vmul.f32 v51, v50;
	_ =	sdelay $0x1  }
0x247: {  	v57 =	vmul.f32 v53, v52;
	v18 =	vadd.f32 v56, v18;
	_ =	sdelay $0x1  }
0x248: {  	v58 =	vmul.f32 v55, v54;
	v18 =	vadd.f32 v57, v18;
	_ =	sdelay $0x1  }
0x249: {  	s26 =	spop (v2sf);
	v18 =	vadd.f32 v58, v18  }
0x24a: {  	s28 =	spop (v2sf)  }
0x24b: {  	s29 =	spop (v2sf);
	[tilespmem:$0x10780] =	vst v18  }
0x24c: {  	s30 =	spop (v2sf);
	v18 =	vld [tilespmem:s28+$0x2400]  }
0x24d: {  	v59 =	vld [tilespmem:s30+$0xA400]  }
0x24e: {  	v60 =	vld [tilespmem:s28+$0x2410]  }
0x24f: {  	v61 =	vld [tilespmem:s30+$0xA410]  }
0x250: {  	v62 =	vld [tilespmem:s28+$0x2420]  }
0x251: {  	v63 =	vld [tilespmem:s30+$0xA420]  }
0x252: {  	v28 =	vld [tilespmem:s28+$0x2430]  }
0x253: {  	v29 =	vld [tilespmem:s30+$0xA430]  }
0x254: {  	v18 =	vmul.f32 v59, v18;
	v30 =	vmul.f32 v61, v60;
	_ =	sdelay $0x1  }
0x255: {  	v31 =	vmul.f32 v63, v62;
	v18 =	vadd.f32 v30, v18;
	_ =	sdelay $0x1  }
0x256: {  	v32 =	vmul.f32 v29, v28;
	v18 =	vadd.f32 v31, v18;
	_ =	sdelay $0x1  }
0x257: {  	v18 =	vadd.f32 v32, v18;
	_ =	sdelay $0x1  }
0x258: {  	(v2sf) =	vpush v16, $0xB;
	[tilespmem:$0x10800] =	vst v18  }
0x259: {  	(v2sf) =	vpush v16, $0xA;
	v18 =	vld [tilespmem:s26+$0x2800]  }
0x25a: {  	(v2sf) =	vpush v17, $0xB;
	v33 =	vld [tilespmem:s29+$0xA800]  }
0x25b: {  	(v2sf) =	vpush v17, $0xA;
	v34 =	vld [tilespmem:s26+$0x2810]  }
0x25c: {  	v35 =	vld [tilespmem:s29+$0xA810]  }
0x25d: {  	v36 =	vld [tilespmem:s26+$0x2820]  }
0x25e: {  	v37 =	vld [tilespmem:s29+$0xA820]  }
0x25f: {  	v38 =	vld [tilespmem:s26+$0x2830]  }
0x260: {  	v39 =	vld [tilespmem:s29+$0xA830]  }
0x261: {  	v18 =	vmul.f32 v33, v18;
	v40 =	vmul.f32 v35, v34;
	_ =	sdelay $0x1  }
0x262: {  	v41 =	vmul.f32 v37, v36;
	v18 =	vadd.f32 v40, v18;
	_ =	sdelay $0x1  }
0x263: {  	v42 =	vmul.f32 v39, v38;
	v18 =	vadd.f32 v41, v18;
	_ =	sdelay $0x1  }
0x264: {  	s26 =	spop (v2sf);
	v18 =	vadd.f32 v42, v18  }
0x265: {  	s28 =	spop (v2sf)  }
0x266: {  	s29 =	spop (v2sf);
	[tilespmem:$0x10880] =	vst v18  }
0x267: {  	s30 =	spop (v2sf);
	v18 =	vld [tilespmem:s28+$0x2C00]  }
0x268: {  	v43 =	vld [tilespmem:s30+$0xAC00]  }
0x269: {  	v44 =	vld [tilespmem:s28+$0x2C10]  }
0x26a: {  	v45 =	vld [tilespmem:s30+$0xAC10]  }
0x26b: {  	v46 =	vld [tilespmem:s28+$0x2C20]  }
0x26c: {  	v47 =	vld [tilespmem:s30+$0xAC20]  }
0x26d: {  	v48 =	vld [tilespmem:s28+$0x2C30]  }
0x26e: {  	v49 =	vld [tilespmem:s30+$0xAC30]  }
0x26f: {  	v18 =	vmul.f32 v43, v18;
	v50 =	vmul.f32 v45, v44;
	_ =	sdelay $0x1  }
0x270: {  	v51 =	vmul.f32 v47, v46;
	v18 =	vadd.f32 v50, v18;
	_ =	sdelay $0x1  }
0x271: {  	v52 =	vmul.f32 v49, v48;
	v18 =	vadd.f32 v51, v18;
	_ =	sdelay $0x1  }
0x272: {  	v18 =	vadd.f32 v52, v18;
	_ =	sdelay $0x1  }
0x273: {  	(v2sf) =	vpush v16, $0xD;
	[tilespmem:$0x10900] =	vst v18  }
0x274: {  	(v2sf) =	vpush v16, $0xC;
	v18 =	vld [tilespmem:s26+$0x3000]  }
0x275: {  	(v2sf) =	vpush v17, $0xD;
	v53 =	vld [tilespmem:s29+$0xB000]  }
0x276: {  	(v2sf) =	vpush v17, $0xC;
	v54 =	vld [tilespmem:s26+$0x3010]  }
0x277: {  	v55 =	vld [tilespmem:s29+$0xB010]  }
0x278: {  	v56 =	vld [tilespmem:s26+$0x3020]  }
0x279: {  	v57 =	vld [tilespmem:s29+$0xB020]  }
0x27a: {  	v58 =	vld [tilespmem:s26+$0x3030]  }
0x27b: {  	v59 =	vld [tilespmem:s29+$0xB030]  }
0x27c: {  	v18 =	vmul.f32 v53, v18;
	v60 =	vmul.f32 v55, v54;
	_ =	sdelay $0x1  }
0x27d: {  	v61 =	vmul.f32 v57, v56;
	v18 =	vadd.f32 v60, v18;
	_ =	sdelay $0x1  }
0x27e: {  	v62 =	vmul.f32 v59, v58;
	v18 =	vadd.f32 v61, v18;
	_ =	sdelay $0x1  }
0x27f: {  	s26 =	spop (v2sf);
	v18 =	vadd.f32 v62, v18  }
0x280: {  	s28 =	spop (v2sf)  }
0x281: {  	s29 =	spop (v2sf);
	[tilespmem:$0x10980] =	vst v18  }
0x282: {  	s30 =	spop (v2sf);
	v18 =	vld [tilespmem:s28+$0x3400]  }
0x283: {  	v63 =	vld [tilespmem:s30+$0xB400]  }
0x284: {  	v28 =	vld [tilespmem:s28+$0x3410]  }
0x285: {  	v29 =	vld [tilespmem:s30+$0xB410]  }
0x286: {  	v30 =	vld [tilespmem:s28+$0x3420]  }
0x287: {  	v31 =	vld [tilespmem:s30+$0xB420]  }
0x288: {  	v32 =	vld [tilespmem:s28+$0x3430]  }
0x289: {  	v33 =	vld [tilespmem:s30+$0xB430]  }
0x28a: {  	v18 =	vmul.f32 v63, v18;
	v34 =	vmul.f32 v29, v28;
	_ =	sdelay $0x1  }
0x28b: {  	v35 =	vmul.f32 v31, v30;
	v18 =	vadd.f32 v34, v18;
	_ =	sdelay $0x1  }
0x28c: {  	v36 =	vmul.f32 v33, v32;
	v18 =	vadd.f32 v35, v18;
	_ =	sdelay $0x1  }
0x28d: {  	v18 =	vadd.f32 v36, v18;
	_ =	sdelay $0x1  }
0x28e: {  	(v2sf) =	vpush v16, $0xF;
	[tilespmem:$0x10A00] =	vst v18  }
0x28f: {  	(v2sf) =	vpush v16, $0xE;
	v18 =	vld [tilespmem:s26+$0x3800]  }
0x290: {  	(v2sf) =	vpush v17, $0xF;
	v16 =	vld [tilespmem:s29+$0xB800]  }
0x291: {  	(v2sf) =	vpush v17, $0xE;
	v37 =	vld [tilespmem:s26+$0x3810]  }
0x292: {  	v17 =	vld [tilespmem:s29+$0xB810]  }
0x293: {  	v38 =	vld [tilespmem:s26+$0x3820]  }
0x294: {  	v39 =	vld [tilespmem:s29+$0xB820]  }
0x295: {  	v40 =	vld [tilespmem:s26+$0x3830]  }
0x296: {  	v41 =	vld [tilespmem:s29+$0xB830]  }
0x297: {  	v16 =	vmul.f32 v16, v18;
	v17 =	vmul.f32 v17, v37;
	_ =	sdelay $0x1  }
0x298: {  	v16 =	vadd.f32 v17, v16;
	v17 =	vmul.f32 v39, v38;
	_ =	sdelay $0x1  }
0x299: {  	v16 =	vadd.f32 v17, v16;
	v17 =	vmul.f32 v41, v40;
	_ =	sdelay $0x1  }
0x29a: {  	s26 =	spop (v2sf);
	v16 =	vadd.f32 v17, v16  }
0x29b: {  	s28 =	spop (v2sf)  }
0x29c: {  	s29 =	spop (v2sf);
	[tilespmem:$0x10A80] =	vst v16  }
0x29d: {  	s30 =	spop (v2sf);
	v16 =	vld [tilespmem:s28+$0x3C00]  }
0x29e: {  	v17 =	vld [tilespmem:s30+$0xBC00]  }
0x29f: {  	v42 =	vld [tilespmem:s28+$0x3C10]  }
0x2a0: {  	v43 =	vld [tilespmem:s30+$0xBC10]  }
0x2a1: {  	v44 =	vld [tilespmem:s28+$0x3C20]  }
0x2a2: {  	v45 =	vld [tilespmem:s30+$0xBC20]  }
0x2a3: {  	v46 =	vld [tilespmem:s28+$0x3C30]  }
0x2a4: {  	v47 =	vld [tilespmem:s30+$0xBC30]  }
0x2a5: {  	v16 =	vmul.f32 v17, v16;
	v17 =	vmul.f32 v43, v42;
	_ =	sdelay $0x1  }
0x2a6: {  	v16 =	vadd.f32 v17, v16;
	v17 =	vmul.f32 v45, v44;
	_ =	sdelay $0x1  }
0x2a7: {  	v16 =	vadd.f32 v17, v16;
	v17 =	vmul.f32 v47, v46;
	_ =	sdelay $0x1  }
0x2a8: {  	v16 =	vadd.f32 v17, v16;
	_ =	sdelay $0x1  }
0x2a9: {  	[tilespmem:$0x10B00] =	vst v16  }
0x2aa: {  	v16 =	vld [tilespmem:s26+$0x4000]  }
0x2ab: {  	v17 =	vld [tilespmem:s29+$0xC000]  }
0x2ac: {  	v48 =	vld [tilespmem:s26+$0x4010]  }
0x2ad: {  	v49 =	vld [tilespmem:s29+$0xC010]  }
0x2ae: {  	v50 =	vld [tilespmem:s26+$0x4020]  }
0x2af: {  	v51 =	vld [tilespmem:s29+$0xC020]  }
0x2b0: {  	v52 =	vld [tilespmem:s26+$0x4030]  }
0x2b1: {  	v53 =	vld [tilespmem:s29+$0xC030]  }
0x2b2: {  	v16 =	vmul.f32 v17, v16;
	v17 =	vmul.f32 v49, v48;
	_ =	sdelay $0x1  }
0x2b3: {  	v16 =	vadd.f32 v17, v16;
	v17 =	vmul.f32 v51, v50;
	_ =	sdelay $0x1  }
0x2b4: {  	v16 =	vadd.f32 v17, v16;
	v17 =	vmul.f32 v53, v52;
	_ =	sdelay $0x1  }
0x2b5: {  	v16 =	vadd.f32 v17, v16;
	_ =	sdelay $0x1  }
0x2b6: {  	[tilespmem:$0x10B80] =	vst v16  }
0x2b7: {  	v16 =	vld.idx.msk [tilespmem:v0+s21+$0x0], $0xffff  }
0x2b8: {  	v17 =	vld.idx.msk [tilespmem:v1+s21+$0x0], $0xffff;
	_ =	sdelay $0x1  }
0x2b9: {  	v54 =	vld.idx.msk [tilespmem:v2+s21+$0x0], $0xffff;
	_ =	sdelay $0x1  }
0x2ba: {  	v55 =	vld.idx.msk [tilespmem:v3+s21+$0x0], $0xffff  }
0x2bb: {  	v16 =	vadd.f32 v17, v16  }
0x2bc: {  	v17 =	vld.idx.msk [tilespmem:v4+s21+$0x0], $0xffff  }
0x2bd: {  	v16 =	vadd.f32 v54, v16  }
0x2be: {  	v56 =	vld.idx.msk [tilespmem:v5+s21+$0x0], $0xffff  }
0x2bf: {  	v16 =	vadd.f32 v55, v16  }
0x2c0: {  	v57 =	vld.idx.msk [tilespmem:v6+s21+$0x0], $0xffff  }
0x2c1: {  	v16 =	vadd.f32 v17, v16  }
0x2c2: {  	v17 =	vld.idx.msk [tilespmem:v7+s21+$0x0], $0xffff  }
0x2c3: {  	v16 =	vadd.f32 v56, v16  }
0x2c4: {  	v58 =	vld.idx.msk [tilespmem:v8+s21+$0x0], $0xffff  }
0x2c5: {  	v16 =	vadd.f32 v57, v16  }
0x2c6: {  	v59 =	vld.idx.msk [tilespmem:v9+s21+$0x0], $0xffff  }
0x2c7: {  	v16 =	vadd.f32 v17, v16  }
0x2c8: {  	v17 =	vld.idx.msk [tilespmem:v10+s21+$0x0], $0xffff  }
0x2c9: {  	v16 =	vadd.f32 v58, v16  }
0x2ca: {  	v60 =	vld.idx.msk [tilespmem:v11+s21+$0x0], $0xffff  }
0x2cb: {  	v16 =	vadd.f32 v59, v16  }
0x2cc: {  	v61 =	vld.idx.msk [tilespmem:v12+s21+$0x0], $0xffff  }
0x2cd: {  	v16 =	vadd.f32 v17, v16  }
0x2ce: {  	v17 =	vld.idx.msk [tilespmem:v13+s21+$0x0], $0xffff  }
0x2cf: {  	v16 =	vadd.f32 v60, v16  }
0x2d0: {  	v62 =	vld.idx.msk [tilespmem:v14+s21+$0x0], $0xffff  }
0x2d1: {  	v16 =	vadd.f32 v61, v16  }
0x2d2: {  	v63 =	vld.idx.msk [tilespmem:v15+s21+$0x0], $0xffff  }
0x2d3: {  	v16 =	vadd.f32 v17, v16  }
0x2d4: {  	p0 =	seq.s32 s24, $0x780  }
.Ltmp4:
0x2d5: {  	v16 =	vadd.f32 v62, v16;
	(pc) =	sbr.rel @p0 .LBB2_4-.Ltmp4, $3  }
0x2d6: {  	_ = 	snop  }
0x2d7: {  	v16 =	vadd.f32 v63, v16;
	_ =	sdelay $0x1  }
0x2d8: {  	[tilespmem:s25+$0x10C00] =	vst v16  }
0x2d9: {  	v16 =	vld [tilespmem:s25+$0x20];
	_ =	sdelay $0x1  }
0x2da: {  	v17 =	vld [tilespmem:s25+$0x220];
	_ =	sdelay $0x2  }
0x2db: {  	v16 =	vand.u32 $0xFFFFFFF8, v16  }
0x2dc: {  	v16 =	vshll.u32 v16, $0x4  }
0x2dd: {  	v17 =	vand.u32 $0xFFFFFFF8, v17;
	v16 =	vadd.s32 s3, v16  }
0x2de: {  	v17 =	vshll.u32 v17, $0x4;
	(v2sf) =	vpush v16, $0x0  }
0x2df: {  	v17 =	vadd.s32 s4, v17  }
0x2e0: {  	(v2sf) =	vpush v17, $0x0;
	_ =	sdelay $0x1  }
0x2e1: {  	(v2sf) =	vpush v16, $0x1;
	_ =	sdelay $0x1  }
0x2e2: {  	(v2sf) =	vpush v17, $0x1;
	_ =	sdelay $0x1  }
0x2e3: {  	(v2sf) =	vpush v16, $0x2;
	_ =	sdelay $0x1  }
0x2e4: {  	(v2sf) =	vpush v17, $0x2;
	_ =	sdelay $0x1  }
0x2e5: {  	(v2sf) =	vpush v16, $0x3;
	_ =	sdelay $0x1  }
0x2e6: {  	(v2sf) =	vpush v17, $0x3  }
0x2e7: {  	s28 =	simm.s32 $0x400;
	s26 =	spop (v2sf)  }
0x2e8: {  	(v2sf) =	vpush v16, $0x4;
	[tilespmem:s28], [sflag:$0x1] =	stream.linear.gather [hbm4b:s26+s1], $0x400, $0x38;
	[tilespmem:$0x10E00] =	vst v63  }
0x2e9: {  	s30 =	simm.s32 $0x8400;
	s29 =	spop (v2sf)  }
0x2ea: {  	(v2sf) =	vpush v17, $0x4;
	[tilespmem:s30], [sflag:$0x3] =	stream.linear.gather [hbm4b:s29+s1], $0x400, $0x38;
	[tilespmem:$0x10E00] =	vst v63  }
0x2eb: {  	s29 =	spop (v2sf);
	s30 =	simm.s32 $0x800  }
0x2ec: {  	(v2sf) =	vpush v16, $0x5;
	[tilespmem:s30], [sflag:$0x1] =	stream.linear.gather [hbm4b:s29+s1], $0x400, $0x38;
	[tilespmem:$0x10E00] =	vst v63  }
0x2ed: {  	s29 =	spop (v2sf);
	s30 =	simm.s32 $0x8800  }
0x2ee: {  	(v2sf) =	vpush v17, $0x5;
	[tilespmem:s30], [sflag:$0x3] =	stream.linear.gather [hbm4b:s29+s1], $0x400, $0x38;
	[tilespmem:$0x10E00] =	vst v63  }
0x2ef: {  	s29 =	spop (v2sf);
	s30 =	simm.s32 $0xC00  }
0x2f0: {  	(v2sf) =	vpush v16, $0x6;
	[tilespmem:s30], [sflag:$0x1] =	stream.linear.gather [hbm4b:s29+s1], $0x400, $0x38;
	[tilespmem:$0x10E00] =	vst v63  }
0x2f1: {  	s29 =	spop (v2sf);
	s30 =	simm.s32 $0x8C00  }
0x2f2: {  	(v2sf) =	vpush v17, $0x6;
	[tilespmem:s30], [sflag:$0x3] =	stream.linear.gather [hbm4b:s29+s1], $0x400, $0x38;
	[tilespmem:$0x10E00] =	vst v63  }
0x2f3: {  	s29 =	spop (v2sf);
	s30 =	simm.s32 $0x1000  }
0x2f4: {  	(v2sf) =	vpush v16, $0x7;
	[tilespmem:s30], [sflag:$0x1] =	stream.linear.gather [hbm4b:s29+s1], $0x400, $0x38;
	[tilespmem:$0x10E00] =	vst v63  }
0x2f5: {  	s29 =	spop (v2sf);
	s30 =	simm.s32 $0x9000  }
0x2f6: {  	(v2sf) =	vpush v17, $0x7;
	[tilespmem:s30], [sflag:$0x3] =	stream.linear.gather [hbm4b:s29+s1], $0x400, $0x38;
	[tilespmem:$0x10E00] =	vst v63  }
0x2f7: {  	s29 =	spop (v2sf);
	s30 =	simm.s32 $0x1400  }
0x2f8: {  	(v2sf) =	vpush v16, $0x8;
	[tilespmem:s30], [sflag:$0x1] =	stream.linear.gather [hbm4b:s29+s1], $0x400, $0x38;
	[tilespmem:$0x10E00] =	vst v63  }
0x2f9: {  	s29 =	spop (v2sf);
	s30 =	simm.s32 $0x9400  }
0x2fa: {  	(v2sf) =	vpush v17, $0x8;
	[tilespmem:s30], [sflag:$0x3] =	stream.linear.gather [hbm4b:s29+s1], $0x400, $0x38;
	[tilespmem:$0x10E00] =	vst v63  }
0x2fb: {  	s29 =	spop (v2sf);
	s30 =	simm.s32 $0x1800  }
0x2fc: {  	(v2sf) =	vpush v16, $0x9;
	[tilespmem:s30], [sflag:$0x1] =	stream.linear.gather [hbm4b:s29+s1], $0x400, $0x38;
	[tilespmem:$0x10E00] =	vst v63  }
0x2fd: {  	s29 =	spop (v2sf);
	s30 =	simm.s32 $0x9800  }
0x2fe: {  	(v2sf) =	vpush v17, $0x9;
	[tilespmem:s30], [sflag:$0x3] =	stream.linear.gather [hbm4b:s29+s1], $0x400, $0x38;
	[tilespmem:$0x10E00] =	vst v63  }
0x2ff: {  	s29 =	spop (v2sf);
	s30 =	simm.s32 $0x1C00  }
0x300: {  	(v2sf) =	vpush v16, $0xA;
	[tilespmem:s30], [sflag:$0x1] =	stream.linear.gather [hbm4b:s29+s1], $0x400, $0x38;
	[tilespmem:$0x10E00] =	vst v63  }
0x301: {  	s29 =	spop (v2sf);
	s30 =	simm.s32 $0x9C00  }
0x302: {  	(v2sf) =	vpush v17, $0xA;
	[tilespmem:s30], [sflag:$0x3] =	stream.linear.gather [hbm4b:s29+s1], $0x400, $0x38;
	[tilespmem:$0x10E00] =	vst v63  }
0x303: {  	s29 =	spop (v2sf);
	s30 =	simm.s32 $0x2000  }
0x304: {  	(v2sf) =	vpush v16, $0xB;
	[tilespmem:s30], [sflag:$0x1] =	stream.linear.gather [hbm4b:s29+s1], $0x400, $0x38;
	[tilespmem:$0x10E00] =	vst v63  }
0x305: {  	s29 =	spop (v2sf);
	s30 =	simm.s32 $0xA000  }
0x306: {  	(v2sf) =	vpush v17, $0xB;
	[tilespmem:s30], [sflag:$0x3] =	stream.linear.gather [hbm4b:s29+s1], $0x400, $0x38;
	[tilespmem:$0x10E00] =	vst v63  }
0x307: {  	s29 =	spop (v2sf);
	s30 =	simm.s32 $0x2400  }
0x308: {  	(v2sf) =	vpush v16, $0xC;
	[tilespmem:s30], [sflag:$0x1] =	stream.linear.gather [hbm4b:s29+s1], $0x400, $0x38;
	[tilespmem:$0x10E00] =	vst v63  }
0x309: {  	s29 =	spop (v2sf);
	s30 =	simm.s32 $0xA400  }
0x30a: {  	(v2sf) =	vpush v17, $0xC;
	[tilespmem:s30], [sflag:$0x3] =	stream.linear.gather [hbm4b:s29+s1], $0x400, $0x38;
	[tilespmem:$0x10E00] =	vst v63  }
0x30b: {  	s29 =	spop (v2sf);
	s30 =	simm.s32 $0x2800  }
0x30c: {  	(v2sf) =	vpush v16, $0xD;
	[tilespmem:s30], [sflag:$0x1] =	stream.linear.gather [hbm4b:s29+s1], $0x400, $0x38;
	[tilespmem:$0x10E00] =	vst v63  }
0x30d: {  	s29 =	spop (v2sf);
	s30 =	simm.s32 $0xA800  }
0x30e: {  	(v2sf) =	vpush v17, $0xD;
	[tilespmem:s30], [sflag:$0x3] =	stream.linear.gather [hbm4b:s29+s1], $0x400, $0x38;
	[tilespmem:$0x10E00] =	vst v63  }
0x30f: {  	s29 =	spop (v2sf);
	s30 =	simm.s32 $0x2C00  }
0x310: {  	(v2sf) =	vpush v16, $0xE;
	[tilespmem:s30], [sflag:$0x1] =	stream.linear.gather [hbm4b:s29+s1], $0x400, $0x38;
	[tilespmem:$0x10E00] =	vst v63  }
0x311: {  	s29 =	spop (v2sf);
	s30 =	simm.s32 $0xAC00  }
0x312: {  	(v2sf) =	vpush v17, $0xE;
	[tilespmem:s30], [sflag:$0x3] =	stream.linear.gather [hbm4b:s29+s1], $0x400, $0x38;
	[tilespmem:$0x10E00] =	vst v63  }
0x313: {  	s29 =	spop (v2sf);
	s30 =	simm.s32 $0x3000  }
0x314: {  	[tilespmem:s30], [sflag:$0x1] =	stream.linear.gather [hbm4b:s29+s1], $0x400, $0x38;
	[tilespmem:$0x10E00] =	vst v63  }
0x315: {  	(v2sf) =	vpush v16, $0xF;
	s29 =	spop (v2sf);
	s30 =	simm.s32 $0xB000  }
0x316: {  	[tilespmem:s30], [sflag:$0x3] =	stream.linear.gather [hbm4b:s29+s1], $0x400, $0x38;
	[tilespmem:$0x10E00] =	vst v63  }
0x317: {  	(v2sf) =	vpush v17, $0xF;
	s29 =	spop (v2sf);
	s30 =	simm.s32 $0x3400  }
0x318: {  	[tilespmem:s30], [sflag:$0x1] =	stream.linear.gather [hbm4b:s29+s1], $0x400, $0x38;
	[tilespmem:$0x10E00] =	vst v63  }
0x319: {  	s29 =	spop (v2sf);
	s30 =	simm.s32 $0xB400  }
0x31a: {  	[tilespmem:s30], [sflag:$0x3] =	stream.linear.gather [hbm4b:s29+s1], $0x400, $0x38;
	[tilespmem:$0x10E00] =	vst v63  }
0x31b: {  	s29 =	spop (v2sf);
	s30 =	simm.s32 $0x3800  }
0x31c: {  	[tilespmem:s30], [sflag:$0x1] =	stream.linear.gather [hbm4b:s29+s1], $0x400, $0x38;
	[tilespmem:$0x10E00] =	vst v63  }
0x31d: {  	s29 =	spop (v2sf);
	s30 =	simm.s32 $0xB800  }
0x31e: {  	[tilespmem:s30], [sflag:$0x3] =	stream.linear.gather [hbm4b:s29+s1], $0x400, $0x38;
	[tilespmem:$0x10E00] =	vst v63  }
0x31f: {  	s29 =	spop (v2sf);
	s30 =	simm.s32 $0x3C00  }
0x320: {  	[tilespmem:s30], [sflag:$0x1] =	stream.linear.gather [hbm4b:s29+s1], $0x400, $0x38;
	[tilespmem:$0x10E00] =	vst v63  }
0x321: {  	s29 =	spop (v2sf);
	s30 =	simm.s32 $0xBC00  }
0x322: {  	[tilespmem:s30], [sflag:$0x3] =	stream.linear.gather [hbm4b:s29+s1], $0x400, $0x38;
	[tilespmem:$0x10E00] =	vst v63  }
.Ltmp5:
0x323: {  	_ = 	snop;
	(pc) =	sbr.rel .LBB2_4-.Ltmp5, $4  }
0x324: {  	s29 =	spop (v2sf);
	s30 =	simm.s32 $0x4000  }
0x325: {  	[tilespmem:s30], [sflag:$0x1] =	stream.linear.gather [hbm4b:s29+s1], $0x400, $0x38;
	[tilespmem:$0x10E00] =	vst v63  }
0x326: {  	s29 =	spop (v2sf);
	s30 =	simm.s32 $0xC000  }
0x327: {  	[tilespmem:s30], [sflag:$0x3] =	stream.linear.gather [hbm4b:s29+s1], $0x400, $0x38;
	[tilespmem:$0x10E00] =	vst v63  }
.LBB2_6:
0x328: {  	_ =	sfence.sel $0x180000  }
0x329: {  	[bflag:$0x0] =	sbarrier.arrive $0xFFFF  }
0x32a: {  	_ =	strace $0x90000047  }
0x32b: {  	s0 =	stileid.u32;
	[bflag:$0x2] =	sbarrier.arrive $0xFFFF  }
0x32c: {  	p0 =	sne.s32 s0, $0x0;
	s0 =	rddreg [dreg:$0x4]  }
0x32d: {  	s0 =	sadd.s32 @!p0 $0x100000, s0  }
0x32e: {  	[sflag:s0] =	ssyncadd.tile.s32 @!p0 $0x1;
	_ =	shalt  }
.Lfunc_end2:
_tile_overlayer_lowered:
.L_overlay_start_2:
0x32f: {  	(tag) =	ssettag $0x2  }
0x330: {  	s0 =	rddreg [dreg:$0x0];
	s2 =	stileid.u32  }
0x331: {  	s1 =	rddreg [dreg:$0x1];
	p0 =	sne.s32 s2, $0x0  }
0x332: {  	s3 =	rddreg [dreg:$0x2];
	[bflag:$0x3] =	sbarrier.arrive $0xFFFF;
	s2 =	simm.s32 @!p0 $0x1C05  }
0x333: {  	[timem:s3], [sflag:s2] =	dma.local @!p0 [hbm:s0], s1  }
0x334: {  	s0 =	simm.s32 @!p0 $0x5  }
0x335: {  	_ =	swait.ge @!p0 [sflag:s0], s1  }
0x336: {  	s1 =	ssub.s32 @!p0 $0x0, s1;
	[sflag:s0] =	ssyncset.done @!p0 $0x0  }
0x337: {  	[sflag:s0] =	ssyncadd.s32 @!p0 s1  }
0x338: {  	[bflag:$0x3] =	sbarrier.arrive $0xFFFF  }
0x339: {  	_ =	shalt  }

</sc_bundles>
